<compile_context>
chip_gen: v7x
topology: tpu7x:2x2x1
jax: 0.10.2.dev20260603
libtpu: 0.0.44.dev20260713+nightly
codegen_flags: <defaults>
</compile_context>

<pallas_src>
import jax
import jax.numpy as jnp
from jax import lax
from jax.experimental import pallas as pl
from jax.experimental.pallas import tpu as pltpu
from jax.experimental.pallas import tpu_sc as plsc

N = 10000
PAD = 240
P = N + PAD
D = 16
WIN = 256
NC = 2
NS = 16
NW = NC * NS
RPT = P // NS


def _ceil_to(x, m):
    return (x + m - 1) // m * m


_MESH = plsc.VectorSubcoreMesh(
    core_axis_name="c", subcore_axis_name="s", num_cores=NC, num_subcores=NS
)
_PARAMS = pltpu.CompilerParams(
    use_tc_tiling_on_sc=False, needs_layout_passes=False
)
_ACC = jax.ShapeDtypeStruct((NC, P, D), jnp.float32)


def _window_pipeline(my_w, table_sp, acc_sp, gidx_v, sidx_v, rows0_v, rows1_v,
                     sem0, sem1, extra_scatter=None):

    def gather(j, buf, sem):
        return pltpu.make_async_copy(table_sp.at[gidx_v.at[j]], buf, sem)

    def scatter(j, buf):
        pltpu.sync_copy(buf, acc_sp.at[sidx_v.at[j]], add=True)
        if extra_scatter is not None:
            extra_scatter(j)

    gather(0, rows0_v, sem0).start()

    def window2(k, _):
        a = 2 * k
        b = a + 1
        gather(b, rows1_v, sem1).start()
        gather(a, rows0_v, sem0).wait()
        scatter(a, rows0_v)

        @pl.when(a + 2 < my_w)
        def _():
            gather(a + 2, rows0_v, sem0).start()

        gather(b, rows1_v, sem1).wait()
        scatter(b, rows1_v)
        return 0
    lax.fori_loop(0, my_w // 2, window2, 0)


def _zero_slab(slab_v, nrows):
    def zrow(i, _):
        slab_v[i, :] = jnp.zeros((D,), jnp.float32)
        return 0
    lax.fori_loop(0, nrows, zrow, 0)


def _copy_out(src_sp, out_hbm, cid, row0, slab_v):
    pltpu.sync_copy(src_sp.at[pl.ds(row0, RPT)], slab_v)
    pltpu.sync_copy(slab_v, out_hbm.at[cid, pl.ds(row0, RPT)])


def _stage_indices(hw_hbm, goff, soff, gidx_v, sidx_v, wid, wpw, tw):
    fw = tw // wpw
    tailw = tw - fw * wpw
    base = wid * wpw
    if tailw == 0:
        pltpu.sync_copy(hw_hbm.at[pl.ds(goff + base, wpw)], gidx_v)
        pltpu.sync_copy(hw_hbm.at[pl.ds(soff + base, wpw)], sidx_v)
        return wpw

    @pl.when(wid < fw)
    def _():
        pltpu.sync_copy(hw_hbm.at[pl.ds(goff + base, wpw)], gidx_v)
        pltpu.sync_copy(hw_hbm.at[pl.ds(soff + base, wpw)], sidx_v)

    @pl.when(wid >= fw)
    def _():
        pltpu.sync_copy(
            hw_hbm.at[pl.ds(goff + fw * wpw, tailw)],
            gidx_v.at[pl.ds(0, tailw)],
        )
        pltpu.sync_copy(
            hw_hbm.at[pl.ds(soff + fw * wpw, tailw)],
            sidx_v.at[pl.ds(0, tailw)],
        )

    return jnp.where(wid < fw, wpw, tailw)


def _make_sc_first(wpw, tw, grow, srow):
    scratch = [
        pltpu.VMEM_SHARED((P, D), jnp.float32),
        pltpu.VMEM_SHARED((P, D), jnp.float32),
        pltpu.VMEM_SHARED((P,), jnp.float32),
        pltpu.VMEM_SHARED((P,), jnp.float32),
        pltpu.VMEM((wpw, WIN), jnp.int32),
        pltpu.VMEM((wpw, WIN), jnp.int32),
        pltpu.VMEM((WIN, D), jnp.float32),
        pltpu.VMEM((WIN, D), jnp.float32),
        pltpu.VMEM((RPT, D), jnp.float32),
        pltpu.VMEM((WIN,), jnp.float32),
        pltpu.VMEM((RPT,), jnp.float32),
        pltpu.SemaphoreType.DMA,
        pltpu.SemaphoreType.DMA,
    ]
    cnt_out = jax.ShapeDtypeStruct((NC, P), jnp.float32)

    def body(xp_hbm, h3_hbm, acc_out, de_out, dv_out,
             table_sp, acc_sp, de_sp, dv_sp, gidx_v, sidx_v,
             rows0_v, rows1_v, slab_v, ones_v, cbuf_v, sem0, sem1):
        cid = lax.axis_index("c")
        sid = lax.axis_index("s")
        wid = cid * NS + sid
        row0 = sid * RPT

        _zero_slab(slab_v, RPT)
        pltpu.sync_copy(slab_v, acc_sp.at[pl.ds(row0, RPT)])

        def zc(i, _):
            cbuf_v[pl.ds(i * D, D)] = jnp.zeros((D,), jnp.float32)
            return 0
        lax.fori_loop(0, RPT // D, zc, 0)
        pltpu.sync_copy(cbuf_v, de_sp.at[pl.ds(row0, RPT)])
        pltpu.sync_copy(cbuf_v, dv_sp.at[pl.ds(row0, RPT)])

        def orow(i, _):
            ones_v[pl.ds(i * D, D)] = jnp.ones((D,), jnp.float32)
            return 0
        lax.fori_loop(0, WIN // D, orow, 0)

        pltpu.sync_copy(xp_hbm.at[pl.ds(row0, RPT)], slab_v)
        pltpu.sync_copy(slab_v, table_sp.at[pl.ds(row0, RPT)])

        my_w = _stage_indices(h3_hbm, grow, srow, gidx_v, sidx_v, wid, wpw, tw)

        plsc.subcore_barrier()

        def counts(j):
            pltpu.sync_copy(ones_v, de_sp.at[sidx_v.at[j]], add=True)
            pltpu.sync_copy(ones_v, dv_sp.at[gidx_v.at[j]], add=True)

        _window_pipeline(my_w, table_sp, acc_sp, gidx_v, sidx_v,
                         rows0_v, rows1_v, sem0, sem1, extra_scatter=counts)

        plsc.subcore_barrier()

        _copy_out(acc_sp, acc_out, cid, row0, slab_v)
        pltpu.sync_copy(de_sp.at[pl.ds(row0, RPT)], cbuf_v)
        pltpu.sync_copy(cbuf_v, de_out.at[cid, pl.ds(row0, RPT)])
        pltpu.sync_copy(dv_sp.at[pl.ds(row0, RPT)], cbuf_v)
        pltpu.sync_copy(cbuf_v, dv_out.at[cid, pl.ds(row0, RPT)])

    return pl.kernel(body, out_type=[_ACC, cnt_out, cnt_out], mesh=_MESH,
                     scratch_types=scratch, compiler_params=_PARAMS)


def _make_sc_mid(wpw, tw, grow, srow, leaky):
    scratch = [
        pltpu.VMEM_SHARED((P, D), jnp.float32),
        pltpu.VMEM_SHARED((P, D), jnp.float32),
        pltpu.VMEM((wpw, WIN), jnp.int32),
        pltpu.VMEM((wpw, WIN), jnp.int32),
        pltpu.VMEM((WIN, D), jnp.float32),
        pltpu.VMEM((WIN, D), jnp.float32),
        pltpu.VMEM((RPT, D), jnp.float32),
        pltpu.VMEM((2, RPT, D), jnp.float32),
        pltpu.VMEM((2, RPT), jnp.float32),
        pltpu.VMEM((RPT, D), jnp.float32),
        pltpu.SemaphoreType.DMA,
        pltpu.SemaphoreType.DMA,
    ]

    def body(accin_hbm, cnt_hbm, h3_hbm, acc_out,
             table_sp, acc_sp, gidx_v, sidx_v, rows0_v, rows1_v,
             slab_v, a_v, d_v, t_v, sem0, sem1):
        cid = lax.axis_index("c")
        sid = lax.axis_index("s")
        wid = cid * NS + sid
        row0 = sid * RPT

        _zero_slab(slab_v, RPT)
        pltpu.sync_copy(slab_v, acc_sp.at[pl.ds(row0, RPT)])

        pltpu.sync_copy(accin_hbm.at[0, pl.ds(row0, RPT)], a_v.at[0])
        pltpu.sync_copy(accin_hbm.at[1, pl.ds(row0, RPT)], a_v.at[1])
        pltpu.sync_copy(cnt_hbm.at[0, pl.ds(row0, RPT)], d_v.at[0])
        pltpu.sync_copy(cnt_hbm.at[1, pl.ds(row0, RPT)], d_v.at[1])

        lanes = lax.iota(jnp.int32, D)

        def cgroup(g, _):
            c16 = d_v[0, pl.ds(g * D, D)] + d_v[1, pl.ds(g * D, D)]
            r16 = 1.0 / jnp.maximum(c16, 1.0)
            for j in range(D):
                i = g * D + j
                r = jnp.sum(jnp.where(lanes == j, r16, 0.0))
                t = (a_v[0, i, :] + a_v[1, i, :]) * r
                if leaky:
                    t = jnp.maximum(t, 0.01 * t)
                t_v[i, :] = t
            return 0
        lax.fori_loop(0, RPT // D, cgroup, 0)
        pltpu.sync_copy(t_v, table_sp.at[pl.ds(row0, RPT)])

        my_w = _stage_indices(h3_hbm, grow, srow, gidx_v, sidx_v, wid, wpw, tw)

        plsc.subcore_barrier()

        _window_pipeline(my_w, table_sp, acc_sp, gidx_v, sidx_v,
                         rows0_v, rows1_v, sem0, sem1)

        plsc.subcore_barrier()

        _copy_out(acc_sp, acc_out, cid, row0, slab_v)

    return pl.kernel(body, out_type=[_ACC], mesh=_MESH,
                     scratch_types=scratch, compiler_params=_PARAMS)


def _proj_body(x_ref, w_ref, b_ref, o_ref):
    o_ref[0:N, :] = (
        jnp.dot(x_ref[...], w_ref[...], preferred_element_type=jnp.float32)
        + b_ref[...]
    )
    o_ref[N:P, :] = jnp.zeros((P - N, D), jnp.float32)


def _final_body(acc_ref, dv_ref, w_ref, g_ref, o_ref):
    dv = dv_ref[0] + dv_ref[1]
    n2 = (acc_ref[0] + acc_ref[1]) * (1.0 / jnp.maximum(dv, 1.0))
    mask = (dv > 0.0).astype(jnp.float32)
    xa = jnp.concatenate([n2, mask], axis=1)
    logits = jnp.dot(xa, w_ref[...], preferred_element_type=jnp.float32)
    z = logits - jnp.max(logits, axis=1, keepdims=True)
    s = jnp.dot(jnp.exp(z), g_ref[...], preferred_element_type=jnp.float32)
    o_ref[...] = z - jnp.log(s)


def kernel(x, H, W1, b1, W2, b2):
    n_class = W2.shape[1]
    ni = H.shape[1]
    Hi = H.astype(jnp.int32)
    if ni % WIN:
        padn = WIN - ni % WIN
        Hi = jnp.concatenate(
            [Hi, jnp.full((2, padn), N, jnp.int32)], axis=1
        )
        ni += padn
    tw = ni // WIN
    wpw = _ceil_to(_ceil_to(ni, NW * WIN) // (NW * WIN), 8)
    hw = Hi.reshape(2 * tw, WIN)

    xp = pl.pallas_call(
        _proj_body, out_shape=jax.ShapeDtypeStruct((P, D), jnp.float32)
    )(x, W1, b1.reshape(1, D))

    sc_first = _make_sc_first(wpw, tw, grow=0, srow=tw)
    sc_mid = _make_sc_mid(wpw, tw, grow=tw, srow=0, leaky=False)
    sc_mid_leaky = _make_sc_mid(wpw, tw, grow=0, srow=tw, leaky=True)

    accA, deP, dvP = sc_first(xp, hw)
    (accB,) = sc_mid(accA, deP, hw)
    (accC,) = sc_mid_leaky(accB, dvP, hw)
    (accD,) = sc_mid(accC, deP, hw)

    p8 = P // 8
    eye8 = jnp.eye(8, dtype=jnp.float32)
    w_aug = jnp.concatenate(
        [
            jnp.kron(eye8, W2),
            jnp.kron(
                eye8,
                jnp.concatenate(
                    [b2.reshape(1, n_class),
                     jnp.zeros((D - 1, n_class), jnp.float32)]
                ),
            ),
        ],
        axis=0,
    )
    g_sum = jnp.kron(eye8, jnp.ones((n_class, n_class), jnp.float32))
    dv16 = jnp.repeat(dvP, D, axis=-1).reshape(NC, p8, 8 * D)
    out8 = pl.pallas_call(
        _final_body,
        out_shape=jax.ShapeDtypeStruct((p8, 8 * n_class), jnp.float32),
    )(accD.reshape(NC, p8, 8 * D), dv16, w_aug, g_sum)
    return out8.reshape(P, n_class)[:N]

# --- scband reference (transcript-rebuilt; emitter-appended) ---
"""Pipeline reference for scband-hgen-trans-19963007992567 (READ-ONLY COPY).

The authoritative reference and input builder live on the scoring server;
editing this copy changes nothing except your own understanding.
"""

import jax, jax.numpy as jnp
import numpy as np

N_NODES = 10000
N_HYPEREDGES = 10000
N_INCIDENCE = 320000
IN_CH = 128
HIDDEN = 16
N_CLASS = 40


def _hyconv(x, node_idx, edge_idx, W, b):
    # x: [N, d_in] -> linear projection
    x = x @ W + b
    d = x.shape[1]
    # hyperedge degree and node degree (counts of incidences)
    De = jnp.zeros((N_HYPEREDGES,), x.dtype).at[edge_idx].add(1.0)
    De = jnp.where(De < 1.0, 1.0, De)
    Dv = jnp.zeros((N_NODES,), x.dtype).at[node_idx].add(1.0)
    Dv = jnp.where(Dv < 1.0, 1.0, Dv)
    # nodes -> hyperedges: gather node features, scatter-add to hyperedges, mean
    e_feat = jnp.zeros((N_HYPEREDGES, d), x.dtype).at[edge_idx].add(x[node_idx])
    e_feat = e_feat / De[:, None]
    # hyperedges -> nodes: gather hyperedge features, scatter-add to nodes, mean
    out = jnp.zeros((N_NODES, d), x.dtype).at[node_idx].add(e_feat[edge_idx])
    out = out / Dv[:, None]
    return out


def setup_inputs(seed: int = 0) -> dict:
    key = jax.random.key(seed)
    ks = jax.random.split(key, 6)
    x = jax.random.normal(ks[0], (N_NODES, IN_CH), dtype=jnp.float32)
    H = jax.random.randint(ks[1], (2, N_INCIDENCE), 0, N_HYPEREDGES, dtype=jnp.int32)
    W1 = jax.random.normal(ks[2], (IN_CH, HIDDEN), dtype=jnp.float32) * (1.0 / np.sqrt(IN_CH))
    b1 = jnp.zeros((HIDDEN,), dtype=jnp.float32)
    W2 = jax.random.normal(ks[3], (HIDDEN, N_CLASS), dtype=jnp.float32) * (1.0 / np.sqrt(HIDDEN))
    b2 = jnp.zeros((N_CLASS,), dtype=jnp.float32)
    return {"x": x, "H": H, "W1": W1, "b1": b1, "W2": W2, "b2": b2}


def reference(x, H, W1, b1, W2, b2):
    node_idx = H[0]
    edge_idx = H[1]
    # hidden HyConv layer
    h = _hyconv(x, node_idx, edge_idx, W1, b1)
    h = jax.nn.leaky_relu(h, negative_slope=0.01)
    # dropout p=0.0 -> identity
    # last HyConv layer
    out = _hyconv(h, node_idx, edge_idx, W2, b2)
    return jax.nn.log_softmax(out, axis=1)

if __name__ == "__main__":
    import jax
    _d = setup_inputs()
    print(jax.jit(kernel)(*tuple(_d.values())))

</pallas_src>

<mosaic_0001>
#map = affine_map<(d0, d1) -> (0, 0, 0)>
#map1 = affine_map<(d0, d1) -> (0, 0)>
module attributes {stable_mosaic.version = 14 : i64} {
  func.func @body(%arg0: i32, %arg1: i32, %arg2: memref<2x10240x16xf32, #tpu.memory_space<hbm>>, %arg3: memref<2x10240xf32, #tpu.memory_space<hbm>>, %arg4: memref<2500x256xi32, #tpu.memory_space<hbm>>, %arg5: memref<2x10240x16xf32, #tpu.memory_space<hbm>>, %arg6: memref<10240x16xf32, #tpu.memory_space<vmem_shared>>, %arg7: memref<10240x16xf32, #tpu.memory_space<vmem_shared>>, %arg8: memref<40x256xi32, #tpu.memory_space<vmem>>, %arg9: memref<40x256xi32, #tpu.memory_space<vmem>>, %arg10: memref<256x16xf32, #tpu.memory_space<vmem>>, %arg11: memref<256x16xf32, #tpu.memory_space<vmem>>, %arg12: memref<640x16xf32, #tpu.memory_space<vmem>>, %arg13: memref<2x640x16xf32, #tpu.memory_space<vmem>>, %arg14: memref<2x640xf32, #tpu.memory_space<vmem>>, %arg15: memref<640x16xf32, #tpu.memory_space<vmem>>, %arg16: memref<!tpu.dma_semaphore, #tpu.memory_space<semaphore_mem>>, %arg17: memref<!tpu.dma_semaphore, #tpu.memory_space<semaphore_mem>>) attributes {dimension_semantics = [#tpu.dimension_semantics<core_parallel>, #tpu.dimension_semantics<subcore_parallel>], iteration_bounds = array<i64: 2, 16>, scalar_prefetch = 0 : i64, scratch_operands = 12 : i64, tpu.core_type = #tpu.core_type<sc_vector_subcore>, window_params = [{transform_indices = #map}, {transform_indices = #map1}, {transform_indices = #map1}, {transform_indices = #map}]} {
    %mul3A = arith.constant 16 : i32
    %mul3A_0 = arith.muli %arg0, %mul3A : i32
    %add3A = arith.addi %mul3A_0, %arg1 : i32
    %mul3A_1 = arith.constant 640 : i32
    %mul3A_2 = arith.muli %arg1, %mul3A_1 : i32
    %scan3A = arith.constant 0 : i32
    %scan3A_3 = arith.constant 0 : i32
    %scan3A_4 = arith.constant 640 : i32
    %scan3A_5 = arith.addi %scan3A_3, %scan3A_4 : i32
    %scan3A_6 = arith.constant 1 : i32
    %scan3A_7 = scf.for %scan3A_70 = %scan3A_3 to %scan3A_5 step %scan3A_6 iter_args(%scan3A_71 = %scan3A) -> (i32)  : i32 {
      %broadcast_in_dim3A = arith.constant 0.000000e+00 : f32
      %broadcast_in_dim3A_72 = vector.broadcast %broadcast_in_dim3A : f32 to vector<16xf32>
      %swap3A = arith.index_cast %scan3A_70 : i32 to index
      %swap3A_73 = arith.constant 0 : index
      %swap3A_74 = tpu.vector_load %arg12[%swap3A, %swap3A_73] {strides = array<i32>} : memref<640x16xf32, #tpu.memory_space<vmem>>, vector<16xf32>,
      tpu.vector_store %arg12[%swap3A, %swap3A_73], %broadcast_in_dim3A_72 {strides = array<i32>} : memref<640x16xf32, #tpu.memory_space<vmem>>, vector<16xf32>,
      %scan3A_75 = arith.constant 0 : i32
      scf.yield %scan3A_75 : i32
    }
    %scan3A_8 = arith.constant 640 : i32
    "tpu.region"() ({
      %run_scoped3A_70 = tpu.sem_alloc : memref<!tpu.dma_semaphore, #tpu.memory_space<semaphore_mem>>
      %dma_start3A_71 = arith.constant 0 : i32
      %dma_start3A_72 = tpu.memref_slice %arg7[%mul3A_2, %dma_start3A_71] : memref<10240x16xf32, #tpu.memory_space<vmem_shared>> -> memref<640x16xf32, #tpu.memory_space<vmem_shared>>
      %dma_start3A_73 = arith.constant 0 : i32
      %dma_start3A_74 = tpu.memref_slice %arg7[%mul3A_2, %dma_start3A_73] : memref<10240x16xf32, #tpu.memory_space<vmem_shared>> -> memref<640x16xf32, #tpu.memory_space<vmem_shared>>
      tpu.enqueue_dma source(%arg12 : memref<640x16xf32, #tpu.memory_space<vmem>>) target(%dma_start3A_74 : memref<640x16xf32, #tpu.memory_space<vmem_shared>>) target_semaphore(%run_scoped3A_70 : memref<!tpu.dma_semaphore, #tpu.memory_space<semaphore_mem>>)
      %dma_wait3A = arith.constant 0 : i32
      %dma_wait3A_75 = tpu.memref_slice %arg7[%mul3A_2, %dma_wait3A] : memref<10240x16xf32, #tpu.memory_space<vmem_shared>> -> memref<640x16xf32, #tpu.memory_space<vmem_shared>>
      %dma_wait3A_76 = arith.constant 0 : i32
      %dma_wait3A_77 = tpu.memref_slice %arg7[%mul3A_2, %dma_wait3A_76] : memref<10240x16xf32, #tpu.memory_space<vmem_shared>> -> memref<640x16xf32, #tpu.memory_space<vmem_shared>>
      tpu.wait_dma2 semaphore(%run_scoped3A_70 : memref<!tpu.dma_semaphore, #tpu.memory_space<semaphore_mem>>) src(%arg12 : memref<640x16xf32, #tpu.memory_space<vmem>>) dst(%dma_wait3A_77 : memref<640x16xf32, #tpu.memory_space<vmem_shared>>)
      tpu.yield
    }) : () -> ()
    %run_scoped3A = arith.constant 0 : i32
    %run_scoped3A_9 = arith.constant 0 : i32
    "tpu.region"() ({
      %run_scoped3A_70 = tpu.sem_alloc : memref<!tpu.dma_semaphore, #tpu.memory_space<semaphore_mem>>
      %dma_start3A_71 = arith.constant 0 : i32
      %dma_start3A_72 = arith.constant 0 : i32
      %dma_start3A_73 = tpu.memref_slice %arg13[%run_scoped3A_9, %dma_start3A_71, %dma_start3A_72] : memref<2x640x16xf32, #tpu.memory_space<vmem>> -> memref<1x640x16xf32, #tpu.memory_space<vmem>>
      %dma_start3A_74 = tpu.memref_squeeze %dma_start3A_73 : memref<1x640x16xf32, #tpu.memory_space<vmem>> -> memref<640x16xf32, #tpu.memory_space<vmem>>
      %dma_start3A_75 = arith.constant 0 : i32
      %dma_start3A_76 = tpu.memref_slice %arg2[%run_scoped3A, %mul3A_2, %dma_start3A_75] : memref<2x10240x16xf32, #tpu.memory_space<hbm>> -> memref<1x640x16xf32, #tpu.memory_space<hbm>>
      %dma_start3A_77 = tpu.memref_squeeze %dma_start3A_76 : memref<1x640x16xf32, #tpu.memory_space<hbm>> -> memref<640x16xf32, #tpu.memory_space<hbm>>
      %dma_start3A_78 = arith.constant 0 : i32
      %dma_start3A_79 = arith.constant 0 : i32
      %dma_start3A_80 = tpu.memref_slice %arg13[%run_scoped3A_9, %dma_start3A_78, %dma_start3A_79] : memref<2x640x16xf32, #tpu.memory_space<vmem>> -> memref<1x640x16xf32, #tpu.memory_space<vmem>>
      %dma_start3A_81 = tpu.memref_squeeze %dma_start3A_80 : memref<1x640x16xf32, #tpu.memory_space<vmem>> -> memref<640x16xf32, #tpu.memory_space<vmem>>
      %dma_start3A_82 = arith.constant 0 : i32
      %dma_start3A_83 = tpu.memref_slice %arg2[%run_scoped3A, %mul3A_2, %dma_start3A_82] : memref<2x10240x16xf32, #tpu.memory_space<hbm>> -> memref<1x640x16xf32, #tpu.memory_space<hbm>>
      %dma_start3A_84 = tpu.memref_squeeze %dma_start3A_83 : memref<1x640x16xf32, #tpu.memory_space<hbm>> -> memref<640x16xf32, #tpu.memory_space<hbm>>
      tpu.enqueue_dma source(%dma_start3A_84 : memref<640x16xf32, #tpu.memory_space<hbm>>) target(%dma_start3A_81 : memref<640x16xf32, #tpu.memory_space<vmem>>) target_semaphore(%run_scoped3A_70 : memref<!tpu.dma_semaphore, #tpu.memory_space<semaphore_mem>>)
      %dma_wait3A = arith.constant 0 : i32
      %dma_wait3A_85 = arith.constant 0 : i32
      %dma_wait3A_86 = tpu.memref_slice %arg13[%run_scoped3A_9, %dma_wait3A, %dma_wait3A_85] : memref<2x640x16xf32, #tpu.memory_space<vmem>> -> memref<1x640x16xf32, #tpu.memory_space<vmem>>
      %dma_wait3A_87 = tpu.memref_squeeze %dma_wait3A_86 : memref<1x640x16xf32, #tpu.memory_space<vmem>> -> memref<640x16xf32, #tpu.memory_space<vmem>>
      %dma_wait3A_88 = arith.constant 0 : i32
      %dma_wait3A_89 = tpu.memref_slice %arg2[%run_scoped3A, %mul3A_2, %dma_wait3A_88] : memref<2x10240x16xf32, #tpu.memory_space<hbm>> -> memref<1x640x16xf32, #tpu.memory_space<hbm>>
      %dma_wait3A_90 = tpu.memref_squeeze %dma_wait3A_89 : memref<1x640x16xf32, #tpu.memory_space<hbm>> -> memref<640x16xf32, #tpu.memory_space<hbm>>
      %dma_wait3A_91 = arith.constant 0 : i32
      %dma_wait3A_92 = arith.constant 0 : i32
      %dma_wait3A_93 = tpu.memref_slice %arg13[%run_scoped3A_9, %dma_wait3A_91, %dma_wait3A_92] : memref<2x640x16xf32, #tpu.memory_space<vmem>> -> memref<1x640x16xf32, #tpu.memory_space<vmem>>
      %dma_wait3A_94 = tpu.memref_squeeze %dma_wait3A_93 : memref<1x640x16xf32, #tpu.memory_space<vmem>> -> memref<640x16xf32, #tpu.memory_space<vmem>>
      %dma_wait3A_95 = arith.constant 0 : i32
      %dma_wait3A_96 = tpu.memref_slice %arg2[%run_scoped3A, %mul3A_2, %dma_wait3A_95] : memref<2x10240x16xf32, #tpu.memory_space<hbm>> -> memref<1x640x16xf32, #tpu.memory_space<hbm>>
      %dma_wait3A_97 = tpu.memref_squeeze %dma_wait3A_96 : memref<1x640x16xf32, #tpu.memory_space<hbm>> -> memref<640x16xf32, #tpu.memory_space<hbm>>
      tpu.wait_dma2 semaphore(%run_scoped3A_70 : memref<!tpu.dma_semaphore, #tpu.memory_space<semaphore_mem>>) src(%dma_wait3A_97 : memref<640x16xf32, #tpu.memory_space<hbm>>) dst(%dma_wait3A_94 : memref<640x16xf32, #tpu.memory_space<vmem>>)
      tpu.yield
    }) : () -> ()
    %run_scoped3A_10 = arith.constant 1 : i32
    %run_scoped3A_11 = arith.constant 1 : i32
    "tpu.region"() ({
      %run_scoped3A_70 = tpu.sem_alloc : memref<!tpu.dma_semaphore, #tpu.memory_space<semaphore_mem>>
      %dma_start3A_71 = arith.constant 0 : i32
      %dma_start3A_72 = arith.constant 0 : i32
      %dma_start3A_73 = tpu.memref_slice %arg13[%run_scoped3A_11, %dma_start3A_71, %dma_start3A_72] : memref<2x640x16xf32, #tpu.memory_space<vmem>> -> memref<1x640x16xf32, #tpu.memory_space<vmem>>
      %dma_start3A_74 = tpu.memref_squeeze %dma_start3A_73 : memref<1x640x16xf32, #tpu.memory_space<vmem>> -> memref<640x16xf32, #tpu.memory_space<vmem>>
      %dma_start3A_75 = arith.constant 0 : i32
      %dma_start3A_76 = tpu.memref_slice %arg2[%run_scoped3A_10, %mul3A_2, %dma_start3A_75] : memref<2x10240x16xf32, #tpu.memory_space<hbm>> -> memref<1x640x16xf32, #tpu.memory_space<hbm>>
      %dma_start3A_77 = tpu.memref_squeeze %dma_start3A_76 : memref<1x640x16xf32, #tpu.memory_space<hbm>> -> memref<640x16xf32, #tpu.memory_space<hbm>>
      %dma_start3A_78 = arith.constant 0 : i32
      %dma_start3A_79 = arith.constant 0 : i32
      %dma_start3A_80 = tpu.memref_slice %arg13[%run_scoped3A_11, %dma_start3A_78, %dma_start3A_79] : memref<2x640x16xf32, #tpu.memory_space<vmem>> -> memref<1x640x16xf32, #tpu.memory_space<vmem>>
      %dma_start3A_81 = tpu.memref_squeeze %dma_start3A_80 : memref<1x640x16xf32, #tpu.memory_space<vmem>> -> memref<640x16xf32, #tpu.memory_space<vmem>>
      %dma_start3A_82 = arith.constant 0 : i32
      %dma_start3A_83 = tpu.memref_slice %arg2[%run_scoped3A_10, %mul3A_2, %dma_start3A_82] : memref<2x10240x16xf32, #tpu.memory_space<hbm>> -> memref<1x640x16xf32, #tpu.memory_space<hbm>>
      %dma_start3A_84 = tpu.memref_squeeze %dma_start3A_83 : memref<1x640x16xf32, #tpu.memory_space<hbm>> -> memref<640x16xf32, #tpu.memory_space<hbm>>
      tpu.enqueue_dma source(%dma_start3A_84 : memref<640x16xf32, #tpu.memory_space<hbm>>) target(%dma_start3A_81 : memref<640x16xf32, #tpu.memory_space<vmem>>) target_semaphore(%run_scoped3A_70 : memref<!tpu.dma_semaphore, #tpu.memory_space<semaphore_mem>>)
      %dma_wait3A = arith.constant 0 : i32
      %dma_wait3A_85 = arith.constant 0 : i32
      %dma_wait3A_86 = tpu.memref_slice %arg13[%run_scoped3A_11, %dma_wait3A, %dma_wait3A_85] : memref<2x640x16xf32, #tpu.memory_space<vmem>> -> memref<1x640x16xf32, #tpu.memory_space<vmem>>
      %dma_wait3A_87 = tpu.memref_squeeze %dma_wait3A_86 : memref<1x640x16xf32, #tpu.memory_space<vmem>> -> memref<640x16xf32, #tpu.memory_space<vmem>>
      %dma_wait3A_88 = arith.constant 0 : i32
      %dma_wait3A_89 = tpu.memref_slice %arg2[%run_scoped3A_10, %mul3A_2, %dma_wait3A_88] : memref<2x10240x16xf32, #tpu.memory_space<hbm>> -> memref<1x640x16xf32, #tpu.memory_space<hbm>>
      %dma_wait3A_90 = tpu.memref_squeeze %dma_wait3A_89 : memref<1x640x16xf32, #tpu.memory_space<hbm>> -> memref<640x16xf32, #tpu.memory_space<hbm>>
      %dma_wait3A_91 = arith.constant 0 : i32
      %dma_wait3A_92 = arith.constant 0 : i32
      %dma_wait3A_93 = tpu.memref_slice %arg13[%run_scoped3A_11, %dma_wait3A_91, %dma_wait3A_92] : memref<2x640x16xf32, #tpu.memory_space<vmem>> -> memref<1x640x16xf32, #tpu.memory_space<vmem>>
      %dma_wait3A_94 = tpu.memref_squeeze %dma_wait3A_93 : memref<1x640x16xf32, #tpu.memory_space<vmem>> -> memref<640x16xf32, #tpu.memory_space<vmem>>
      %dma_wait3A_95 = arith.constant 0 : i32
      %dma_wait3A_96 = tpu.memref_slice %arg2[%run_scoped3A_10, %mul3A_2, %dma_wait3A_95] : memref<2x10240x16xf32, #tpu.memory_space<hbm>> -> memref<1x640x16xf32, #tpu.memory_space<hbm>>
      %dma_wait3A_97 = tpu.memref_squeeze %dma_wait3A_96 : memref<1x640x16xf32, #tpu.memory_space<hbm>> -> memref<640x16xf32, #tpu.memory_space<hbm>>
      tpu.wait_dma2 semaphore(%run_scoped3A_70 : memref<!tpu.dma_semaphore, #tpu.memory_space<semaphore_mem>>) src(%dma_wait3A_97 : memref<640x16xf32, #tpu.memory_space<hbm>>) dst(%dma_wait3A_94 : memref<640x16xf32, #tpu.memory_space<vmem>>)
      tpu.yield
    }) : () -> ()
    %run_scoped3A_12 = arith.constant 0 : i32
    %run_scoped3A_13 = arith.constant 0 : i32
    "tpu.region"() ({
      %run_scoped3A_70 = tpu.sem_alloc : memref<!tpu.dma_semaphore, #tpu.memory_space<semaphore_mem>>
      %dma_start3A_71 = arith.constant 0 : i32
      %dma_start3A_72 = tpu.memref_slice %arg14[%run_scoped3A_13, %dma_start3A_71] : memref<2x640xf32, #tpu.memory_space<vmem>> -> memref<1x640xf32, #tpu.memory_space<vmem>>
      %dma_start3A_73 = tpu.memref_squeeze %dma_start3A_72 : memref<1x640xf32, #tpu.memory_space<vmem>> -> memref<640xf32, #tpu.memory_space<vmem>>
      %dma_start3A_74 = tpu.memref_slice %arg3[%run_scoped3A_12, %mul3A_2] : memref<2x10240xf32, #tpu.memory_space<hbm>> -> memref<1x640xf32, #tpu.memory_space<hbm>>
      %dma_start3A_75 = tpu.memref_squeeze %dma_start3A_74 : memref<1x640xf32, #tpu.memory_space<hbm>> -> memref<640xf32, #tpu.memory_space<hbm>>
      %dma_start3A_76 = arith.constant 0 : i32
      %dma_start3A_77 = tpu.memref_slice %arg14[%run_scoped3A_13, %dma_start3A_76] : memref<2x640xf32, #tpu.memory_space<vmem>> -> memref<1x640xf32, #tpu.memory_space<vmem>>
      %dma_start3A_78 = tpu.memref_squeeze %dma_start3A_77 : memref<1x640xf32, #tpu.memory_space<vmem>> -> memref<640xf32, #tpu.memory_space<vmem>>
      %dma_start3A_79 = tpu.memref_slice %arg3[%run_scoped3A_12, %mul3A_2] : memref<2x10240xf32, #tpu.memory_space<hbm>> -> memref<1x640xf32, #tpu.memory_space<hbm>>
      %dma_start3A_80 = tpu.memref_squeeze %dma_start3A_79 : memref<1x640xf32, #tpu.memory_space<hbm>> -> memref<640xf32, #tpu.memory_space<hbm>>
      tpu.enqueue_dma source(%dma_start3A_80 : memref<640xf32, #tpu.memory_space<hbm>>) target(%dma_start3A_78 : memref<640xf32, #tpu.memory_space<vmem>>) target_semaphore(%run_scoped3A_70 : memref<!tpu.dma_semaphore, #tpu.memory_space<semaphore_mem>>)
      %dma_wait3A = arith.constant 0 : i32
      %dma_wait3A_81 = tpu.memref_slice %arg14[%run_scoped3A_13, %dma_wait3A] : memref<2x640xf32, #tpu.memory_space<vmem>> -> memref<1x640xf32, #tpu.memory_space<vmem>>
      %dma_wait3A_82 = tpu.memref_squeeze %dma_wait3A_81 : memref<1x640xf32, #tpu.memory_space<vmem>> -> memref<640xf32, #tpu.memory_space<vmem>>
      %dma_wait3A_83 = tpu.memref_slice %arg3[%run_scoped3A_12, %mul3A_2] : memref<2x10240xf32, #tpu.memory_space<hbm>> -> memref<1x640xf32, #tpu.memory_space<hbm>>
      %dma_wait3A_84 = tpu.memref_squeeze %dma_wait3A_83 : memref<1x640xf32, #tpu.memory_space<hbm>> -> memref<640xf32, #tpu.memory_space<hbm>>
      %dma_wait3A_85 = arith.constant 0 : i32
      %dma_wait3A_86 = tpu.memref_slice %arg14[%run_scoped3A_13, %dma_wait3A_85] : memref<2x640xf32, #tpu.memory_space<vmem>> -> memref<1x640xf32, #tpu.memory_space<vmem>>
      %dma_wait3A_87 = tpu.memref_squeeze %dma_wait3A_86 : memref<1x640xf32, #tpu.memory_space<vmem>> -> memref<640xf32, #tpu.memory_space<vmem>>
      %dma_wait3A_88 = tpu.memref_slice %arg3[%run_scoped3A_12, %mul3A_2] : memref<2x10240xf32, #tpu.memory_space<hbm>> -> memref<1x640xf32, #tpu.memory_space<hbm>>
      %dma_wait3A_89 = tpu.memref_squeeze %dma_wait3A_88 : memref<1x640xf32, #tpu.memory_space<hbm>> -> memref<640xf32, #tpu.memory_space<hbm>>
      tpu.wait_dma2 semaphore(%run_scoped3A_70 : memref<!tpu.dma_semaphore, #tpu.memory_space<semaphore_mem>>) src(%dma_wait3A_89 : memref<640xf32, #tpu.memory_space<hbm>>) dst(%dma_wait3A_87 : memref<640xf32, #tpu.memory_space<vmem>>)
      tpu.yield
    }) : () -> ()
    %run_scoped3A_14 = arith.constant 1 : i32
    %run_scoped3A_15 = arith.constant 1 : i32
    "tpu.region"() ({
      %run_scoped3A_70 = tpu.sem_alloc : memref<!tpu.dma_semaphore, #tpu.memory_space<semaphore_mem>>
      %dma_start3A_71 = arith.constant 0 : i32
      %dma_start3A_72 = tpu.memref_slice %arg14[%run_scoped3A_15, %dma_start3A_71] : memref<2x640xf32, #tpu.memory_space<vmem>> -> memref<1x640xf32, #tpu.memory_space<vmem>>
      %dma_start3A_73 = tpu.memref_squeeze %dma_start3A_72 : memref<1x640xf32, #tpu.memory_space<vmem>> -> memref<640xf32, #tpu.memory_space<vmem>>
      %dma_start3A_74 = tpu.memref_slice %arg3[%run_scoped3A_14, %mul3A_2] : memref<2x10240xf32, #tpu.memory_space<hbm>> -> memref<1x640xf32, #tpu.memory_space<hbm>>
      %dma_start3A_75 = tpu.memref_squeeze %dma_start3A_74 : memref<1x640xf32, #tpu.memory_space<hbm>> -> memref<640xf32, #tpu.memory_space<hbm>>
      %dma_start3A_76 = arith.constant 0 : i32
      %dma_start3A_77 = tpu.memref_slice %arg14[%run_scoped3A_15, %dma_start3A_76] : memref<2x640xf32, #tpu.memory_space<vmem>> -> memref<1x640xf32, #tpu.memory_space<vmem>>
      %dma_start3A_78 = tpu.memref_squeeze %dma_start3A_77 : memref<1x640xf32, #tpu.memory_space<vmem>> -> memref<640xf32, #tpu.memory_space<vmem>>
      %dma_start3A_79 = tpu.memref_slice %arg3[%run_scoped3A_14, %mul3A_2] : memref<2x10240xf32, #tpu.memory_space<hbm>> -> memref<1x640xf32, #tpu.memory_space<hbm>>
      %dma_start3A_80 = tpu.memref_squeeze %dma_start3A_79 : memref<1x640xf32, #tpu.memory_space<hbm>> -> memref<640xf32, #tpu.memory_space<hbm>>
      tpu.enqueue_dma source(%dma_start3A_80 : memref<640xf32, #tpu.memory_space<hbm>>) target(%dma_start3A_78 : memref<640xf32, #tpu.memory_space<vmem>>) target_semaphore(%run_scoped3A_70 : memref<!tpu.dma_semaphore, #tpu.memory_space<semaphore_mem>>)
      %dma_wait3A = arith.constant 0 : i32
      %dma_wait3A_81 = tpu.memref_slice %arg14[%run_scoped3A_15, %dma_wait3A] : memref<2x640xf32, #tpu.memory_space<vmem>> -> memref<1x640xf32, #tpu.memory_space<vmem>>
      %dma_wait3A_82 = tpu.memref_squeeze %dma_wait3A_81 : memref<1x640xf32, #tpu.memory_space<vmem>> -> memref<640xf32, #tpu.memory_space<vmem>>
      %dma_wait3A_83 = tpu.memref_slice %arg3[%run_scoped3A_14, %mul3A_2] : memref<2x10240xf32, #tpu.memory_space<hbm>> -> memref<1x640xf32, #tpu.memory_space<hbm>>
      %dma_wait3A_84 = tpu.memref_squeeze %dma_wait3A_83 : memref<1x640xf32, #tpu.memory_space<hbm>> -> memref<640xf32, #tpu.memory_space<hbm>>
      %dma_wait3A_85 = arith.constant 0 : i32
      %dma_wait3A_86 = tpu.memref_slice %arg14[%run_scoped3A_15, %dma_wait3A_85] : memref<2x640xf32, #tpu.memory_space<vmem>> -> memref<1x640xf32, #tpu.memory_space<vmem>>
      %dma_wait3A_87 = tpu.memref_squeeze %dma_wait3A_86 : memref<1x640xf32, #tpu.memory_space<vmem>> -> memref<640xf32, #tpu.memory_space<vmem>>
      %dma_wait3A_88 = tpu.memref_slice %arg3[%run_scoped3A_14, %mul3A_2] : memref<2x10240xf32, #tpu.memory_space<hbm>> -> memref<1x640xf32, #tpu.memory_space<hbm>>
      %dma_wait3A_89 = tpu.memref_squeeze %dma_wait3A_88 : memref<1x640xf32, #tpu.memory_space<hbm>> -> memref<640xf32, #tpu.memory_space<hbm>>
      tpu.wait_dma2 semaphore(%run_scoped3A_70 : memref<!tpu.dma_semaphore, #tpu.memory_space<semaphore_mem>>) src(%dma_wait3A_89 : memref<640xf32, #tpu.memory_space<hbm>>) dst(%dma_wait3A_87 : memref<640xf32, #tpu.memory_space<vmem>>)
      tpu.yield
    }) : () -> ()
    %iota3A = tpu.iota {dimensions = array<i32: 0>} : vector<16xi32>
    %scan3A_16 = arith.constant 0 : i32
    %scan3A_17 = arith.constant 0 : i32
    %scan3A_18 = arith.constant 40 : i32
    %scan3A_19 = arith.addi %scan3A_17, %scan3A_18 : i32
    %scan3A_20 = arith.constant 1 : i32
    %scan3A_21 = scf.for %scan3A_70 = %scan3A_17 to %scan3A_19 step %scan3A_20 iter_args(%scan3A_71 = %scan3A_16) -> (i32)  : i32 {
      %mul3A_72 = arith.constant 16 : i32
      %mul3A_73 = arith.muli %scan3A_70, %mul3A_72 : i32
      %get3A = arith.constant 0 : i32
      %get3A_74 = arith.index_cast %get3A : i32 to index
      %get3A_75 = arith.index_cast %mul3A_73 : i32 to index
      %get3A_76 = tpu.vector_load %arg14[%get3A_74, %get3A_75] {strides = array<i32>} : memref<2x640xf32, #tpu.memory_space<vmem>>, vector<16xf32>,
      %mul3A_77 = arith.constant 16 : i32
      %mul3A_78 = arith.muli %scan3A_70, %mul3A_77 : i32
      %get3A_79 = arith.constant 1 : i32
      %get3A_80 = arith.index_cast %get3A_79 : i32 to index
      %get3A_81 = arith.index_cast %mul3A_78 : i32 to index
      %get3A_82 = tpu.vector_load %arg14[%get3A_80, %get3A_81] {strides = array<i32>} : memref<2x640xf32, #tpu.memory_space<vmem>>, vector<16xf32>,
      %add3A_83 = arith.addf %get3A_76, %get3A_82 : vector<16xf32>
      %max3A = arith.constant 1.000000e+00 : f32
      %max3A_84 = vector.broadcast %max3A : f32 to vector<16xf32>
      %max3A_85 = arith.maximumf %add3A_83, %max3A_84 : vector<16xf32>
      %div3A_86 = arith.constant 1.000000e+00 : f32
      %div3A_87 = vector.broadcast %div3A_86 : f32 to vector<16xf32>
      %div3A_88 = arith.divf %div3A_87, %max3A_85 : vector<16xf32>
      %mul3A_89 = arith.constant 16 : i32
      %mul3A_90 = arith.muli %scan3A_70, %mul3A_89 : i32
      %add3A_91 = arith.constant 0 : i32
      %add3A_92 = arith.addi %mul3A_90, %add3A_91 : i32
      %eq3A = arith.constant 0 : i32
      %eq3A_93 = vector.broadcast %eq3A : i32 to vector<16xi32>
      %eq3A_94 = arith.cmpi eq, %iota3A, %eq3A_93 : vector<16xi32>
      %jit3A_95 = arith.constant 0.000000e+00 : f32
      %broadcast_in_dim3A = vector.broadcast %jit3A_95 : f32 to vector<16xf32>
      %select_n3A_96 = arith.select %eq3A_94, %div3A_88, %broadcast_in_dim3A : vector<16xi1>, vector<16xf32>
      %reduce_sum3A = arith.constant true
      %reduce_sum3A_97 = vector.broadcast %reduce_sum3A : i1 to vector<16xi1>
      %reduce_sum3A_98 = tpu.scan <sum>, %select_n3A_96 masked %reduce_sum3A_97 : vector<16xf32>, vector<16xi1> -> vector<16xf32>
      %reduce_sum3A_99 = vector.extract %reduce_sum3A_98[15] : f32 from vector<16xf32>
      %get3A_100 = arith.constant 0 : i32
      %get3A_101 = arith.index_cast %get3A_100 : i32 to index
      %get3A_102 = arith.index_cast %add3A_92 : i32 to index
      %get3A_103 = arith.constant 0 : index
      %get3A_104 = tpu.vector_load %arg13[%get3A_101, %get3A_102, %get3A_103] {strides = array<i32>} : memref<2x640x16xf32, #tpu.memory_space<vmem>>, vector<16xf32>,
      %get3A_105 = arith.constant 1 : i32
      %get3A_106 = arith.index_cast %get3A_105 : i32 to index
      %get3A_107 = arith.index_cast %add3A_92 : i32 to index
      %get3A_108 = arith.constant 0 : index
      %get3A_109 = tpu.vector_load %arg13[%get3A_106, %get3A_107, %get3A_108] {strides = array<i32>} : memref<2x640x16xf32, #tpu.memory_space<vmem>>, vector<16xf32>,
      %add3A_110 = arith.addf %get3A_104, %get3A_109 : vector<16xf32>
      %mul3A_111 = vector.broadcast %reduce_sum3A_99 : f32 to vector<16xf32>
      %mul3A_112 = arith.mulf %add3A_110, %mul3A_111 : vector<16xf32>
      %mul3A_113 = arith.constant 0.00999999977 : f32
      %mul3A_114 = vector.broadcast %mul3A_113 : f32 to vector<16xf32>
      %mul3A_115 = arith.mulf %mul3A_114, %mul3A_112 : vector<16xf32>
      %max3A_116 = arith.maximumf %mul3A_112, %mul3A_115 : vector<16xf32>
      %swap3A = arith.index_cast %add3A_92 : i32 to index
      %swap3A_117 = arith.constant 0 : index
      %swap3A_118 = tpu.vector_load %arg15[%swap3A, %swap3A_117] {strides = array<i32>} : memref<640x16xf32, #tpu.memory_space<vmem>>, vector<16xf32>,
      tpu.vector_store %arg15[%swap3A, %swap3A_117], %max3A_116 {strides = array<i32>} : memref<640x16xf32, #tpu.memory_space<vmem>>, vector<16xf32>,
      %mul3A_119 = arith.constant 16 : i32
      %mul3A_120 = arith.muli %scan3A_70, %mul3A_119 : i32
      %add3A_121 = arith.constant 1 : i32
      %add3A_122 = arith.addi %mul3A_120, %add3A_121 : i32
      %eq3A_123 = arith.constant 1 : i32
      %eq3A_124 = vector.broadcast %eq3A_123 : i32 to vector<16xi32>
      %eq3A_125 = arith.cmpi eq, %iota3A, %eq3A_124 : vector<16xi32>
      %jit3A_126 = arith.constant 0.000000e+00 : f32
      %broadcast_in_dim3A_127 = vector.broadcast %jit3A_126 : f32 to vector<16xf32>
      %select_n3A_128 = arith.select %eq3A_125, %div3A_88, %broadcast_in_dim3A_127 : vector<16xi1>, vector<16xf32>
      %reduce_sum3A_129 = arith.constant true
      %reduce_sum3A_130 = vector.broadcast %reduce_sum3A_129 : i1 to vector<16xi1>
      %reduce_sum3A_131 = tpu.scan <sum>, %select_n3A_128 masked %reduce_sum3A_130 : vector<16xf32>, vector<16xi1> -> vector<16xf32>
      %reduce_sum3A_132 = vector.extract %reduce_sum3A_131[15] : f32 from vector<16xf32>
      %get3A_133 = arith.constant 0 : i32
      %get3A_134 = arith.index_cast %get3A_133 : i32 to index
      %get3A_135 = arith.index_cast %add3A_122 : i32 to index
      %get3A_136 = arith.constant 0 : index
      %get3A_137 = tpu.vector_load %arg13[%get3A_134, %get3A_135, %get3A_136] {strides = array<i32>} : memref<2x640x16xf32, #tpu.memory_space<vmem>>, vector<16xf32>,
      %get3A_138 = arith.constant 1 : i32
      %get3A_139 = arith.index_cast %get3A_138 : i32 to index
      %get3A_140 = arith.index_cast %add3A_122 : i32 to index
      %get3A_141 = arith.constant 0 : index
      %get3A_142 = tpu.vector_load %arg13[%get3A_139, %get3A_140, %get3A_141] {strides = array<i32>} : memref<2x640x16xf32, #tpu.memory_space<vmem>>, vector<16xf32>,
      %add3A_143 = arith.addf %get3A_137, %get3A_142 : vector<16xf32>
      %mul3A_144 = vector.broadcast %reduce_sum3A_132 : f32 to vector<16xf32>
      %mul3A_145 = arith.mulf %add3A_143, %mul3A_144 : vector<16xf32>
      %mul3A_146 = arith.constant 0.00999999977 : f32
      %mul3A_147 = vector.broadcast %mul3A_146 : f32 to vector<16xf32>
      %mul3A_148 = arith.mulf %mul3A_147, %mul3A_145 : vector<16xf32>
      %max3A_149 = arith.maximumf %mul3A_145, %mul3A_148 : vector<16xf32>
      %swap3A_150 = arith.index_cast %add3A_122 : i32 to index
      %swap3A_151 = arith.constant 0 : index
      %swap3A_152 = tpu.vector_load %arg15[%swap3A_150, %swap3A_151] {strides = array<i32>} : memref<640x16xf32, #tpu.memory_space<vmem>>, vector<16xf32>,
      tpu.vector_store %arg15[%swap3A_150, %swap3A_151], %max3A_149 {strides = array<i32>} : memref<640x16xf32, #tpu.memory_space<vmem>>, vector<16xf32>,
      %mul3A_153 = arith.constant 16 : i32
      %mul3A_154 = arith.muli %scan3A_70, %mul3A_153 : i32
      %add3A_155 = arith.constant 2 : i32
      %add3A_156 = arith.addi %mul3A_154, %add3A_155 : i32
      %eq3A_157 = arith.constant 2 : i32
      %eq3A_158 = vector.broadcast %eq3A_157 : i32 to vector<16xi32>
      %eq3A_159 = arith.cmpi eq, %iota3A, %eq3A_158 : vector<16xi32>
      %jit3A_160 = arith.constant 0.000000e+00 : f32
      %broadcast_in_dim3A_161 = vector.broadcast %jit3A_160 : f32 to vector<16xf32>
      %select_n3A_162 = arith.select %eq3A_159, %div3A_88, %broadcast_in_dim3A_161 : vector<16xi1>, vector<16xf32>
      %reduce_sum3A_163 = arith.constant true
      %reduce_sum3A_164 = vector.broadcast %reduce_sum3A_163 : i1 to vector<16xi1>
      %reduce_sum3A_165 = tpu.scan <sum>, %select_n3A_162 masked %reduce_sum3A_164 : vector<16xf32>, vector<16xi1> -> vector<16xf32>
      %reduce_sum3A_166 = vector.extract %reduce_sum3A_165[15] : f32 from vector<16xf32>
      %get3A_167 = arith.constant 0 : i32
      %get3A_168 = arith.index_cast %get3A_167 : i32 to index
      %get3A_169 = arith.index_cast %add3A_156 : i32 to index
      %get3A_170 = arith.constant 0 : index
      %get3A_171 = tpu.vector_load %arg13[%get3A_168, %get3A_169, %get3A_170] {strides = array<i32>} : memref<2x640x16xf32, #tpu.memory_space<vmem>>, vector<16xf32>,
      %get3A_172 = arith.constant 1 : i32
      %get3A_173 = arith.index_cast %get3A_172 : i32 to index
      %get3A_174 = arith.index_cast %add3A_156 : i32 to index
      %get3A_175 = arith.constant 0 : index
      %get3A_176 = tpu.vector_load %arg13[%get3A_173, %get3A_174, %get3A_175] {strides = array<i32>} : memref<2x640x16xf32, #tpu.memory_space<vmem>>, vector<16xf32>,
      %add3A_177 = arith.addf %get3A_171, %get3A_176 : vector<16xf32>
      %mul3A_178 = vector.broadcast %reduce_sum3A_166 : f32 to vector<16xf32>
      %mul3A_179 = arith.mulf %add3A_177, %mul3A_178 : vector<16xf32>
      %mul3A_180 = arith.constant 0.00999999977 : f32
      %mul3A_181 = vector.broadcast %mul3A_180 : f32 to vector<16xf32>
      %mul3A_182 = arith.mulf %mul3A_181, %mul3A_179 : vector<16xf32>
      %max3A_183 = arith.maximumf %mul3A_179, %mul3A_182 : vector<16xf32>
      %swap3A_184 = arith.index_cast %add3A_156 : i32 to index
      %swap3A_185 = arith.constant 0 : index
      %swap3A_186 = tpu.vector_load %arg15[%swap3A_184, %swap3A_185] {strides = array<i32>} : memref<640x16xf32, #tpu.memory_space<vmem>>, vector<16xf32>,
      tpu.vector_store %arg15[%swap3A_184, %swap3A_185], %max3A_183 {strides = array<i32>} : memref<640x16xf32, #tpu.memory_space<vmem>>, vector<16xf32>,
      %mul3A_187 = arith.constant 16 : i32
      %mul3A_188 = arith.muli %scan3A_70, %mul3A_187 : i32
      %add3A_189 = arith.constant 3 : i32
      %add3A_190 = arith.addi %mul3A_188, %add3A_189 : i32
      %eq3A_191 = arith.constant 3 : i32
      %eq3A_192 = vector.broadcast %eq3A_191 : i32 to vector<16xi32>
      %eq3A_193 = arith.cmpi eq, %iota3A, %eq3A_192 : vector<16xi32>
      %jit3A_194 = arith.constant 0.000000e+00 : f32
      %broadcast_in_dim3A_195 = vector.broadcast %jit3A_194 : f32 to vector<16xf32>
      %select_n3A_196 = arith.select %eq3A_193, %div3A_88, %broadcast_in_dim3A_195 : vector<16xi1>, vector<16xf32>
      %reduce_sum3A_197 = arith.constant true
      %reduce_sum3A_198 = vector.broadcast %reduce_sum3A_197 : i1 to vector<16xi1>
      %reduce_sum3A_199 = tpu.scan <sum>, %select_n3A_196 masked %reduce_sum3A_198 : vector<16xf32>, vector<16xi1> -> vector<16xf32>
      %reduce_sum3A_200 = vector.extract %reduce_sum3A_199[15] : f32 from vector<16xf32>
      %get3A_201 = arith.constant 0 : i32
      %get3A_202 = arith.index_cast %get3A_201 : i32 to index
      %get3A_203 = arith.index_cast %add3A_190 : i32 to index
      %get3A_204 = arith.constant 0 : index
      %get3A_205 = tpu.vector_load %arg13[%get3A_202, %get3A_203, %get3A_204] {strides = array<i32>} : memref<2x640x16xf32, #tpu.memory_space<vmem>>, vector<16xf32>,
      %get3A_206 = arith.constant 1 : i32
      %get3A_207 = arith.index_cast %get3A_206 : i32 to index
      %get3A_208 = arith.index_cast %add3A_190 : i32 to index
      %get3A_209 = arith.constant 0 : index
      %get3A_210 = tpu.vector_load %arg13[%get3A_207, %get3A_208, %get3A_209] {strides = array<i32>} : memref<2x640x16xf32, #tpu.memory_space<vmem>>, vector<16xf32>,
      %add3A_211 = arith.addf %get3A_205, %get3A_210 : vector<16xf32>
      %mul3A_212 = vector.broadcast %reduce_sum3A_200 : f32 to vector<16xf32>
      %mul3A_213 = arith.mulf %add3A_211, %mul3A_212 : vector<16xf32>
      %mul3A_214 = arith.constant 0.00999999977 : f32
      %mul3A_215 = vector.broadcast %mul3A_214 : f32 to vector<16xf32>
      %mul3A_216 = arith.mulf %mul3A_215, %mul3A_213 : vector<16xf32>
      %max3A_217 = arith.maximumf %mul3A_213, %mul3A_216 : vector<16xf32>
      %swap3A_218 = arith.index_cast %add3A_190 : i32 to index
      %swap3A_219 = arith.constant 0 : index
      %swap3A_220 = tpu.vector_load %arg15[%swap3A_218, %swap3A_219] {strides = array<i32>} : memref<640x16xf32, #tpu.memory_space<vmem>>, vector<16xf32>,
      tpu.vector_store %arg15[%swap3A_218, %swap3A_219], %max3A_217 {strides = array<i32>} : memref<640x16xf32, #tpu.memory_space<vmem>>, vector<16xf32>,
      %mul3A_221 = arith.constant 16 : i32
      %mul3A_222 = arith.muli %scan3A_70, %mul3A_221 : i32
      %add3A_223 = arith.constant 4 : i32
      %add3A_224 = arith.addi %mul3A_222, %add3A_223 : i32
      %eq3A_225 = arith.constant 4 : i32
      %eq3A_226 = vector.broadcast %eq3A_225 : i32 to vector<16xi32>
      %eq3A_227 = arith.cmpi eq, %iota3A, %eq3A_226 : vector<16xi32>
      %jit3A_228 = arith.constant 0.000000e+00 : f32
      %broadcast_in_dim3A_229 = vector.broadcast %jit3A_228 : f32 to vector<16xf32>
      %select_n3A_230 = arith.select %eq3A_227, %div3A_88, %broadcast_in_dim3A_229 : vector<16xi1>, vector<16xf32>
      %reduce_sum3A_231 = arith.constant true
      %reduce_sum3A_232 = vector.broadcast %reduce_sum3A_231 : i1 to vector<16xi1>
      %reduce_sum3A_233 = tpu.scan <sum>, %select_n3A_230 masked %reduce_sum3A_232 : vector<16xf32>, vector<16xi1> -> vector<16xf32>
      %reduce_sum3A_234 = vector.extract %reduce_sum3A_233[15] : f32 from vector<16xf32>
      %get3A_235 = arith.constant 0 : i32
      %get3A_236 = arith.index_cast %get3A_235 : i32 to index
      %get3A_237 = arith.index_cast %add3A_224 : i32 to index
      %get3A_238 = arith.constant 0 : index
      %get3A_239 = tpu.vector_load %arg13[%get3A_236, %get3A_237, %get3A_238] {strides = array<i32>} : memref<2x640x16xf32, #tpu.memory_space<vmem>>, vector<16xf32>,
      %get3A_240 = arith.constant 1 : i32
      %get3A_241 = arith.index_cast %get3A_240 : i32 to index
      %get3A_242 = arith.index_cast %add3A_224 : i32 to index
      %get3A_243 = arith.constant 0 : index
      %get3A_244 = tpu.vector_load %arg13[%get3A_241, %get3A_242, %get3A_243] {strides = array<i32>} : memref<2x640x16xf32, #tpu.memory_space<vmem>>, vector<16xf32>,
      %add3A_245 = arith.addf %get3A_239, %get3A_244 : vector<16xf32>
      %mul3A_246 = vector.broadcast %reduce_sum3A_234 : f32 to vector<16xf32>
      %mul3A_247 = arith.mulf %add3A_245, %mul3A_246 : vector<16xf32>
      %mul3A_248 = arith.constant 0.00999999977 : f32
      %mul3A_249 = vector.broadcast %mul3A_248 : f32 to vector<16xf32>
      %mul3A_250 = arith.mulf %mul3A_249, %mul3A_247 : vector<16xf32>
      %max3A_251 = arith.maximumf %mul3A_247, %mul3A_250 : vector<16xf32>
      %swap3A_252 = arith.index_cast %add3A_224 : i32 to index
      %swap3A_253 = arith.constant 0 : index
      %swap3A_254 = tpu.vector_load %arg15[%swap3A_252, %swap3A_253] {strides = array<i32>} : memref<640x16xf32, #tpu.memory_space<vmem>>, vector<16xf32>,
      tpu.vector_store %arg15[%swap3A_252, %swap3A_253], %max3A_251 {strides = array<i32>} : memref<640x16xf32, #tpu.memory_space<vmem>>, vector<16xf32>,
      %mul3A_255 = arith.constant 16 : i32
      %mul3A_256 = arith.muli %scan3A_70, %mul3A_255 : i32
      %add3A_257 = arith.constant 5 : i32
      %add3A_258 = arith.addi %mul3A_256, %add3A_257 : i32
      %eq3A_259 = arith.constant 5 : i32
      %eq3A_260 = vector.broadcast %eq3A_259 : i32 to vector<16xi32>
      %eq3A_261 = arith.cmpi eq, %iota3A, %eq3A_260 : vector<16xi32>
      %jit3A_262 = arith.constant 0.000000e+00 : f32
      %broadcast_in_dim3A_263 = vector.broadcast %jit3A_262 : f32 to vector<16xf32>
      %select_n3A_264 = arith.select %eq3A_261, %div3A_88, %broadcast_in_dim3A_263 : vector<16xi1>, vector<16xf32>
      %reduce_sum3A_265 = arith.constant true
      %reduce_sum3A_266 = vector.broadcast %reduce_sum3A_265 : i1 to vector<16xi1>
      %reduce_sum3A_267 = tpu.scan <sum>, %select_n3A_264 masked %reduce_sum3A_266 : vector<16xf32>, vector<16xi1> -> vector<16xf32>
      %reduce_sum3A_268 = vector.extract %reduce_sum3A_267[15] : f32 from vector<16xf32>
      %get3A_269 = arith.constant 0 : i32
      %get3A_270 = arith.index_cast %get3A_269 : i32 to index
      %get3A_271 = arith.index_cast %add3A_258 : i32 to index
      %get3A_272 = arith.constant 0 : index
      %get3A_273 = tpu.vector_load %arg13[%get3A_270, %get3A_271, %get3A_272] {strides = array<i32>} : memref<2x640x16xf32, #tpu.memory_space<vmem>>, vector<16xf32>,
      %get3A_274 = arith.constant 1 : i32
      %get3A_275 = arith.index_cast %get3A_274 : i32 to index
      %get3A_276 = arith.index_cast %add3A_258 : i32 to index
      %get3A_277 = arith.constant 0 : index
      %get3A_278 = tpu.vector_load %arg13[%get3A_275, %get3A_276, %get3A_277] {strides = array<i32>} : memref<2x640x16xf32, #tpu.memory_space<vmem>>, vector<16xf32>,
      %add3A_279 = arith.addf %get3A_273, %get3A_278 : vector<16xf32>
      %mul3A_280 = vector.broadcast %reduce_sum3A_268 : f32 to vector<16xf32>
      %mul3A_281 = arith.mulf %add3A_279, %mul3A_280 : vector<16xf32>
      %mul3A_282 = arith.constant 0.00999999977 : f32
      %mul3A_283 = vector.broadcast %mul3A_282 : f32 to vector<16xf32>
      %mul3A_284 = arith.mulf %mul3A_283, %mul3A_281 : vector<16xf32>
      %max3A_285 = arith.maximumf %mul3A_281, %mul3A_284 : vector<16xf32>
      %swap3A_286 = arith.index_cast %add3A_258 : i32 to index
      %swap3A_287 = arith.constant 0 : index
      %swap3A_288 = tpu.vector_load %arg15[%swap3A_286, %swap3A_287] {strides = array<i32>} : memref<640x16xf32, #tpu.memory_space<vmem>>, vector<16xf32>,
      tpu.vector_store %arg15[%swap3A_286, %swap3A_287], %max3A_285 {strides = array<i32>} : memref<640x16xf32, #tpu.memory_space<vmem>>, vector<16xf32>,
      %mul3A_289 = arith.constant 16 : i32
      %mul3A_290 = arith.muli %scan3A_70, %mul3A_289 : i32
      %add3A_291 = arith.constant 6 : i32
      %add3A_292 = arith.addi %mul3A_290, %add3A_291 : i32
      %eq3A_293 = arith.constant 6 : i32
      %eq3A_294 = vector.broadcast %eq3A_293 : i32 to vector<16xi32>
      %eq3A_295 = arith.cmpi eq, %iota3A, %eq3A_294 : vector<16xi32>
      %jit3A_296 = arith.constant 0.000000e+00 : f32
      %broadcast_in_dim3A_297 = vector.broadcast %jit3A_296 : f32 to vector<16xf32>
      %select_n3A_298 = arith.select %eq3A_295, %div3A_88, %broadcast_in_dim3A_297 : vector<16xi1>, vector<16xf32>
      %reduce_sum3A_299 = arith.constant true
      %reduce_sum3A_300 = vector.broadcast %reduce_sum3A_299 : i1 to vector<16xi1>
      %reduce_sum3A_301 = tpu.scan <sum>, %select_n3A_298 masked %reduce_sum3A_300 : vector<16xf32>, vector<16xi1> -> vector<16xf32>
      %reduce_sum3A_302 = vector.extract %reduce_sum3A_301[15] : f32 from vector<16xf32>
      %get3A_303 = arith.constant 0 : i32
      %get3A_304 = arith.index_cast %get3A_303 : i32 to index
      %get3A_305 = arith.index_cast %add3A_292 : i32 to index
      %get3A_306 = arith.constant 0 : index
      %get3A_307 = tpu.vector_load %arg13[%get3A_304, %get3A_305, %get3A_306] {strides = array<i32>} : memref<2x640x16xf32, #tpu.memory_space<vmem>>, vector<16xf32>,
      %get3A_308 = arith.constant 1 : i32
      %get3A_309 = arith.index_cast %get3A_308 : i32 to index
      %get3A_310 = arith.index_cast %add3A_292 : i32 to index
      %get3A_311 = arith.constant 0 : index
      %get3A_312 = tpu.vector_load %arg13[%get3A_309, %get3A_310, %get3A_311] {strides = array<i32>} : memref<2x640x16xf32, #tpu.memory_space<vmem>>, vector<16xf32>,
      %add3A_313 = arith.addf %get3A_307, %get3A_312 : vector<16xf32>
      %mul3A_314 = vector.broadcast %reduce_sum3A_302 : f32 to vector<16xf32>
      %mul3A_315 = arith.mulf %add3A_313, %mul3A_314 : vector<16xf32>
      %mul3A_316 = arith.constant 0.00999999977 : f32
      %mul3A_317 = vector.broadcast %mul3A_316 : f32 to vector<16xf32>
      %mul3A_318 = arith.mulf %mul3A_317, %mul3A_315 : vector<16xf32>
      %max3A_319 = arith.maximumf %mul3A_315, %mul3A_318 : vector<16xf32>
      %swap3A_320 = arith.index_cast %add3A_292 : i32 to index
      %swap3A_321 = arith.constant 0 : index
      %swap3A_322 = tpu.vector_load %arg15[%swap3A_320, %swap3A_321] {strides = array<i32>} : memref<640x16xf32, #tpu.memory_space<vmem>>, vector<16xf32>,
      tpu.vector_store %arg15[%swap3A_320, %swap3A_321], %max3A_319 {strides = array<i32>} : memref<640x16xf32, #tpu.memory_space<vmem>>, vector<16xf32>,
      %mul3A_323 = arith.constant 16 : i32
      %mul3A_324 = arith.muli %scan3A_70, %mul3A_323 : i32
      %add3A_325 = arith.constant 7 : i32
      %add3A_326 = arith.addi %mul3A_324, %add3A_325 : i32
      %eq3A_327 = arith.constant 7 : i32
      %eq3A_328 = vector.broadcast %eq3A_327 : i32 to vector<16xi32>
      %eq3A_329 = arith.cmpi eq, %iota3A, %eq3A_328 : vector<16xi32>
      %jit3A_330 = arith.constant 0.000000e+00 : f32
      %broadcast_in_dim3A_331 = vector.broadcast %jit3A_330 : f32 to vector<16xf32>
      %select_n3A_332 = arith.select %eq3A_329, %div3A_88, %broadcast_in_dim3A_331 : vector<16xi1>, vector<16xf32>
      %reduce_sum3A_333 = arith.constant true
      %reduce_sum3A_334 = vector.broadcast %reduce_sum3A_333 : i1 to vector<16xi1>
      %reduce_sum3A_335 = tpu.scan <sum>, %select_n3A_332 masked %reduce_sum3A_334 : vector<16xf32>, vector<16xi1> -> vector<16xf32>
      %reduce_sum3A_336 = vector.extract %reduce_sum3A_335[15] : f32 from vector<16xf32>
      %get3A_337 = arith.constant 0 : i32
      %get3A_338 = arith.index_cast %get3A_337 : i32 to index
      %get3A_339 = arith.index_cast %add3A_326 : i32 to index
      %get3A_340 = arith.constant 0 : index
      %get3A_341 = tpu.vector_load %arg13[%get3A_338, %get3A_339, %get3A_340] {strides = array<i32>} : memref<2x640x16xf32, #tpu.memory_space<vmem>>, vector<16xf32>,
      %get3A_342 = arith.constant 1 : i32
      %get3A_343 = arith.index_cast %get3A_342 : i32 to index
      %get3A_344 = arith.index_cast %add3A_326 : i32 to index
      %get3A_345 = arith.constant 0 : index
      %get3A_346 = tpu.vector_load %arg13[%get3A_343, %get3A_344, %get3A_345] {strides = array<i32>} : memref<2x640x16xf32, #tpu.memory_space<vmem>>, vector<16xf32>,
      %add3A_347 = arith.addf %get3A_341, %get3A_346 : vector<16xf32>
      %mul3A_348 = vector.broadcast %reduce_sum3A_336 : f32 to vector<16xf32>
      %mul3A_349 = arith.mulf %add3A_347, %mul3A_348 : vector<16xf32>
      %mul3A_350 = arith.constant 0.00999999977 : f32
      %mul3A_351 = vector.broadcast %mul3A_350 : f32 to vector<16xf32>
      %mul3A_352 = arith.mulf %mul3A_351, %mul3A_349 : vector<16xf32>
      %max3A_353 = arith.maximumf %mul3A_349, %mul3A_352 : vector<16xf32>
      %swap3A_354 = arith.index_cast %add3A_326 : i32 to index
      %swap3A_355 = arith.constant 0 : index
      %swap3A_356 = tpu.vector_load %arg15[%swap3A_354, %swap3A_355] {strides = array<i32>} : memref<640x16xf32, #tpu.memory_space<vmem>>, vector<16xf32>,
      tpu.vector_store %arg15[%swap3A_354, %swap3A_355], %max3A_353 {strides = array<i32>} : memref<640x16xf32, #tpu.memory_space<vmem>>, vector<16xf32>,
      %mul3A_357 = arith.constant 16 : i32
      %mul3A_358 = arith.muli %scan3A_70, %mul3A_357 : i32
      %add3A_359 = arith.constant 8 : i32
      %add3A_360 = arith.addi %mul3A_358, %add3A_359 : i32
      %eq3A_361 = arith.constant 8 : i32
      %eq3A_362 = vector.broadcast %eq3A_361 : i32 to vector<16xi32>
      %eq3A_363 = arith.cmpi eq, %iota3A, %eq3A_362 : vector<16xi32>
      %jit3A_364 = arith.constant 0.000000e+00 : f32
      %broadcast_in_dim3A_365 = vector.broadcast %jit3A_364 : f32 to vector<16xf32>
      %select_n3A_366 = arith.select %eq3A_363, %div3A_88, %broadcast_in_dim3A_365 : vector<16xi1>, vector<16xf32>
      %reduce_sum3A_367 = arith.constant true
      %reduce_sum3A_368 = vector.broadcast %reduce_sum3A_367 : i1 to vector<16xi1>
      %reduce_sum3A_369 = tpu.scan <sum>, %select_n3A_366 masked %reduce_sum3A_368 : vector<16xf32>, vector<16xi1> -> vector<16xf32>
      %reduce_sum3A_370 = vector.extract %reduce_sum3A_369[15] : f32 from vector<16xf32>
      %get3A_371 = arith.constant 0 : i32
      %get3A_372 = arith.index_cast %get3A_371 : i32 to index
      %get3A_373 = arith.index_cast %add3A_360 : i32 to index
      %get3A_374 = arith.constant 0 : index
      %get3A_375 = tpu.vector_load %arg13[%get3A_372, %get3A_373, %get3A_374] {strides = array<i32>} : memref<2x640x16xf32, #tpu.memory_space<vmem>>, vector<16xf32>,
      %get3A_376 = arith.constant 1 : i32
      %get3A_377 = arith.index_cast %get3A_376 : i32 to index
      %get3A_378 = arith.index_cast %add3A_360 : i32 to index
      %get3A_379 = arith.constant 0 : index
      %get3A_380 = tpu.vector_load %arg13[%get3A_377, %get3A_378, %get3A_379] {strides = array<i32>} : memref<2x640x16xf32, #tpu.memory_space<vmem>>, vector<16xf32>,
      %add3A_381 = arith.addf %get3A_375, %get3A_380 : vector<16xf32>
      %mul3A_382 = vector.broadcast %reduce_sum3A_370 : f32 to vector<16xf32>
      %mul3A_383 = arith.mulf %add3A_381, %mul3A_382 : vector<16xf32>
      %mul3A_384 = arith.constant 0.00999999977 : f32
      %mul3A_385 = vector.broadcast %mul3A_384 : f32 to vector<16xf32>
      %mul3A_386 = arith.mulf %mul3A_385, %mul3A_383 : vector<16xf32>
      %max3A_387 = arith.maximumf %mul3A_383, %mul3A_386 : vector<16xf32>
      %swap3A_388 = arith.index_cast %add3A_360 : i32 to index
      %swap3A_389 = arith.constant 0 : index
      %swap3A_390 = tpu.vector_load %arg15[%swap3A_388, %swap3A_389] {strides = array<i32>} : memref<640x16xf32, #tpu.memory_space<vmem>>, vector<16xf32>,
      tpu.vector_store %arg15[%swap3A_388, %swap3A_389], %max3A_387 {strides = array<i32>} : memref<640x16xf32, #tpu.memory_space<vmem>>, vector<16xf32>,
      %mul3A_391 = arith.constant 16 : i32
      %mul3A_392 = arith.muli %scan3A_70, %mul3A_391 : i32
      %add3A_393 = arith.constant 9 : i32
      %add3A_394 = arith.addi %mul3A_392, %add3A_393 : i32
      %eq3A_395 = arith.constant 9 : i32
      %eq3A_396 = vector.broadcast %eq3A_395 : i32 to vector<16xi32>
      %eq3A_397 = arith.cmpi eq, %iota3A, %eq3A_396 : vector<16xi32>
      %jit3A_398 = arith.constant 0.000000e+00 : f32
      %broadcast_in_dim3A_399 = vector.broadcast %jit3A_398 : f32 to vector<16xf32>
      %select_n3A_400 = arith.select %eq3A_397, %div3A_88, %broadcast_in_dim3A_399 : vector<16xi1>, vector<16xf32>
      %reduce_sum3A_401 = arith.constant true
      %reduce_sum3A_402 = vector.broadcast %reduce_sum3A_401 : i1 to vector<16xi1>
      %reduce_sum3A_403 = tpu.scan <sum>, %select_n3A_400 masked %reduce_sum3A_402 : vector<16xf32>, vector<16xi1> -> vector<16xf32>
      %reduce_sum3A_404 = vector.extract %reduce_sum3A_403[15] : f32 from vector<16xf32>
      %get3A_405 = arith.constant 0 : i32
      %get3A_406 = arith.index_cast %get3A_405 : i32 to index
      %get3A_407 = arith.index_cast %add3A_394 : i32 to index
      %get3A_408 = arith.constant 0 : index
      %get3A_409 = tpu.vector_load %arg13[%get3A_406, %get3A_407, %get3A_408] {strides = array<i32>} : memref<2x640x16xf32, #tpu.memory_space<vmem>>, vector<16xf32>,
      %get3A_410 = arith.constant 1 : i32
      %get3A_411 = arith.index_cast %get3A_410 : i32 to index
      %get3A_412 = arith.index_cast %add3A_394 : i32 to index
      %get3A_413 = arith.constant 0 : index
      %get3A_414 = tpu.vector_load %arg13[%get3A_411, %get3A_412, %get3A_413] {strides = array<i32>} : memref<2x640x16xf32, #tpu.memory_space<vmem>>, vector<16xf32>,
      %add3A_415 = arith.addf %get3A_409, %get3A_414 : vector<16xf32>
      %mul3A_416 = vector.broadcast %reduce_sum3A_404 : f32 to vector<16xf32>
      %mul3A_417 = arith.mulf %add3A_415, %mul3A_416 : vector<16xf32>
      %mul3A_418 = arith.constant 0.00999999977 : f32
      %mul3A_419 = vector.broadcast %mul3A_418 : f32 to vector<16xf32>
      %mul3A_420 = arith.mulf %mul3A_419, %mul3A_417 : vector<16xf32>
      %max3A_421 = arith.maximumf %mul3A_417, %mul3A_420 : vector<16xf32>
      %swap3A_422 = arith.index_cast %add3A_394 : i32 to index
      %swap3A_423 = arith.constant 0 : index
      %swap3A_424 = tpu.vector_load %arg15[%swap3A_422, %swap3A_423] {strides = array<i32>} : memref<640x16xf32, #tpu.memory_space<vmem>>, vector<16xf32>,
      tpu.vector_store %arg15[%swap3A_422, %swap3A_423], %max3A_421 {strides = array<i32>} : memref<640x16xf32, #tpu.memory_space<vmem>>, vector<16xf32>,
      %mul3A_425 = arith.constant 16 : i32
      %mul3A_426 = arith.muli %scan3A_70, %mul3A_425 : i32
      %add3A_427 = arith.constant 10 : i32
      %add3A_428 = arith.addi %mul3A_426, %add3A_427 : i32
      %eq3A_429 = arith.constant 10 : i32
      %eq3A_430 = vector.broadcast %eq3A_429 : i32 to vector<16xi32>
      %eq3A_431 = arith.cmpi eq, %iota3A, %eq3A_430 : vector<16xi32>
      %jit3A_432 = arith.constant 0.000000e+00 : f32
      %broadcast_in_dim3A_433 = vector.broadcast %jit3A_432 : f32 to vector<16xf32>
      %select_n3A_434 = arith.select %eq3A_431, %div3A_88, %broadcast_in_dim3A_433 : vector<16xi1>, vector<16xf32>
      %reduce_sum3A_435 = arith.constant true
      %reduce_sum3A_436 = vector.broadcast %reduce_sum3A_435 : i1 to vector<16xi1>
      %reduce_sum3A_437 = tpu.scan <sum>, %select_n3A_434 masked %reduce_sum3A_436 : vector<16xf32>, vector<16xi1> -> vector<16xf32>
      %reduce_sum3A_438 = vector.extract %reduce_sum3A_437[15] : f32 from vector<16xf32>
      %get3A_439 = arith.constant 0 : i32
      %get3A_440 = arith.index_cast %get3A_439 : i32 to index
      %get3A_441 = arith.index_cast %add3A_428 : i32 to index
      %get3A_442 = arith.constant 0 : index
      %get3A_443 = tpu.vector_load %arg13[%get3A_440, %get3A_441, %get3A_442] {strides = array<i32>} : memref<2x640x16xf32, #tpu.memory_space<vmem>>, vector<16xf32>,
      %get3A_444 = arith.constant 1 : i32
      %get3A_445 = arith.index_cast %get3A_444 : i32 to index
      %get3A_446 = arith.index_cast %add3A_428 : i32 to index
      %get3A_447 = arith.constant 0 : index
      %get3A_448 = tpu.vector_load %arg13[%get3A_445, %get3A_446, %get3A_447] {strides = array<i32>} : memref<2x640x16xf32, #tpu.memory_space<vmem>>, vector<16xf32>,
      %add3A_449 = arith.addf %get3A_443, %get3A_448 : vector<16xf32>
      %mul3A_450 = vector.broadcast %reduce_sum3A_438 : f32 to vector<16xf32>
      %mul3A_451 = arith.mulf %add3A_449, %mul3A_450 : vector<16xf32>
      %mul3A_452 = arith.constant 0.00999999977 : f32
      %mul3A_453 = vector.broadcast %mul3A_452 : f32 to vector<16xf32>
      %mul3A_454 = arith.mulf %mul3A_453, %mul3A_451 : vector<16xf32>
      %max3A_455 = arith.maximumf %mul3A_451, %mul3A_454 : vector<16xf32>
      %swap3A_456 = arith.index_cast %add3A_428 : i32 to index
      %swap3A_457 = arith.constant 0 : index
      %swap3A_458 = tpu.vector_load %arg15[%swap3A_456, %swap3A_457] {strides = array<i32>} : memref<640x16xf32, #tpu.memory_space<vmem>>, vector<16xf32>,
      tpu.vector_store %arg15[%swap3A_456, %swap3A_457], %max3A_455 {strides = array<i32>} : memref<640x16xf32, #tpu.memory_space<vmem>>, vector<16xf32>,
      %mul3A_459 = arith.constant 16 : i32
      %mul3A_460 = arith.muli %scan3A_70, %mul3A_459 : i32
      %add3A_461 = arith.constant 11 : i32
      %add3A_462 = arith.addi %mul3A_460, %add3A_461 : i32
      %eq3A_463 = arith.constant 11 : i32
      %eq3A_464 = vector.broadcast %eq3A_463 : i32 to vector<16xi32>
      %eq3A_465 = arith.cmpi eq, %iota3A, %eq3A_464 : vector<16xi32>
      %jit3A_466 = arith.constant 0.000000e+00 : f32
      %broadcast_in_dim3A_467 = vector.broadcast %jit3A_466 : f32 to vector<16xf32>
      %select_n3A_468 = arith.select %eq3A_465, %div3A_88, %broadcast_in_dim3A_467 : vector<16xi1>, vector<16xf32>
      %reduce_sum3A_469 = arith.constant true
      %reduce_sum3A_470 = vector.broadcast %reduce_sum3A_469 : i1 to vector<16xi1>
      %reduce_sum3A_471 = tpu.scan <sum>, %select_n3A_468 masked %reduce_sum3A_470 : vector<16xf32>, vector<16xi1> -> vector<16xf32>
      %reduce_sum3A_472 = vector.extract %reduce_sum3A_471[15] : f32 from vector<16xf32>
      %get3A_473 = arith.constant 0 : i32
      %get3A_474 = arith.index_cast %get3A_473 : i32 to index
      %get3A_475 = arith.index_cast %add3A_462 : i32 to index
      %get3A_476 = arith.constant 0 : index
      %get3A_477 = tpu.vector_load %arg13[%get3A_474, %get3A_475, %get3A_476] {strides = array<i32>} : memref<2x640x16xf32, #tpu.memory_space<vmem>>, vector<16xf32>,
      %get3A_478 = arith.constant 1 : i32
      %get3A_479 = arith.index_cast %get3A_478 : i32 to index
      %get3A_480 = arith.index_cast %add3A_462 : i32 to index
      %get3A_481 = arith.constant 0 : index
      %get3A_482 = tpu.vector_load %arg13[%get3A_479, %get3A_480, %get3A_481] {strides = array<i32>} : memref<2x640x16xf32, #tpu.memory_space<vmem>>, vector<16xf32>,
      %add3A_483 = arith.addf %get3A_477, %get3A_482 : vector<16xf32>
      %mul3A_484 = vector.broadcast %reduce_sum3A_472 : f32 to vector<16xf32>
      %mul3A_485 = arith.mulf %add3A_483, %mul3A_484 : vector<16xf32>
      %mul3A_486 = arith.constant 0.00999999977 : f32
      %mul3A_487 = vector.broadcast %mul3A_486 : f32 to vector<16xf32>
      %mul3A_488 = arith.mulf %mul3A_487, %mul3A_485 : vector<16xf32>
      %max3A_489 = arith.maximumf %mul3A_485, %mul3A_488 : vector<16xf32>
      %swap3A_490 = arith.index_cast %add3A_462 : i32 to index
      %swap3A_491 = arith.constant 0 : index
      %swap3A_492 = tpu.vector_load %arg15[%swap3A_490, %swap3A_491] {strides = array<i32>} : memref<640x16xf32, #tpu.memory_space<vmem>>, vector<16xf32>,
      tpu.vector_store %arg15[%swap3A_490, %swap3A_491], %max3A_489 {strides = array<i32>} : memref<640x16xf32, #tpu.memory_space<vmem>>, vector<16xf32>,
      %mul3A_493 = arith.constant 16 : i32
      %mul3A_494 = arith.muli %scan3A_70, %mul3A_493 : i32
      %add3A_495 = arith.constant 12 : i32
      %add3A_496 = arith.addi %mul3A_494, %add3A_495 : i32
      %eq3A_497 = arith.constant 12 : i32
      %eq3A_498 = vector.broadcast %eq3A_497 : i32 to vector<16xi32>
      %eq3A_499 = arith.cmpi eq, %iota3A, %eq3A_498 : vector<16xi32>
      %jit3A_500 = arith.constant 0.000000e+00 : f32
      %broadcast_in_dim3A_501 = vector.broadcast %jit3A_500 : f32 to vector<16xf32>
      %select_n3A_502 = arith.select %eq3A_499, %div3A_88, %broadcast_in_dim3A_501 : vector<16xi1>, vector<16xf32>
      %reduce_sum3A_503 = arith.constant true
      %reduce_sum3A_504 = vector.broadcast %reduce_sum3A_503 : i1 to vector<16xi1>
      %reduce_sum3A_505 = tpu.scan <sum>, %select_n3A_502 masked %reduce_sum3A_504 : vector<16xf32>, vector<16xi1> -> vector<16xf32>
      %reduce_sum3A_506 = vector.extract %reduce_sum3A_505[15] : f32 from vector<16xf32>
      %get3A_507 = arith.constant 0 : i32
      %get3A_508 = arith.index_cast %get3A_507 : i32 to index
      %get3A_509 = arith.index_cast %add3A_496 : i32 to index
      %get3A_510 = arith.constant 0 : index
      %get3A_511 = tpu.vector_load %arg13[%get3A_508, %get3A_509, %get3A_510] {strides = array<i32>} : memref<2x640x16xf32, #tpu.memory_space<vmem>>, vector<16xf32>,
      %get3A_512 = arith.constant 1 : i32
      %get3A_513 = arith.index_cast %get3A_512 : i32 to index
      %get3A_514 = arith.index_cast %add3A_496 : i32 to index
      %get3A_515 = arith.constant 0 : index
      %get3A_516 = tpu.vector_load %arg13[%get3A_513, %get3A_514, %get3A_515] {strides = array<i32>} : memref<2x640x16xf32, #tpu.memory_space<vmem>>, vector<16xf32>,
      %add3A_517 = arith.addf %get3A_511, %get3A_516 : vector<16xf32>
      %mul3A_518 = vector.broadcast %reduce_sum3A_506 : f32 to vector<16xf32>
      %mul3A_519 = arith.mulf %add3A_517, %mul3A_518 : vector<16xf32>
      %mul3A_520 = arith.constant 0.00999999977 : f32
      %mul3A_521 = vector.broadcast %mul3A_520 : f32 to vector<16xf32>
      %mul3A_522 = arith.mulf %mul3A_521, %mul3A_519 : vector<16xf32>
      %max3A_523 = arith.maximumf %mul3A_519, %mul3A_522 : vector<16xf32>
      %swap3A_524 = arith.index_cast %add3A_496 : i32 to index
      %swap3A_525 = arith.constant 0 : index
      %swap3A_526 = tpu.vector_load %arg15[%swap3A_524, %swap3A_525] {strides = array<i32>} : memref<640x16xf32, #tpu.memory_space<vmem>>, vector<16xf32>,
      tpu.vector_store %arg15[%swap3A_524, %swap3A_525], %max3A_523 {strides = array<i32>} : memref<640x16xf32, #tpu.memory_space<vmem>>, vector<16xf32>,
      %mul3A_527 = arith.constant 16 : i32
      %mul3A_528 = arith.muli %scan3A_70, %mul3A_527 : i32
      %add3A_529 = arith.constant 13 : i32
      %add3A_530 = arith.addi %mul3A_528, %add3A_529 : i32
      %eq3A_531 = arith.constant 13 : i32
      %eq3A_532 = vector.broadcast %eq3A_531 : i32 to vector<16xi32>
      %eq3A_533 = arith.cmpi eq, %iota3A, %eq3A_532 : vector<16xi32>
      %jit3A_534 = arith.constant 0.000000e+00 : f32
      %broadcast_in_dim3A_535 = vector.broadcast %jit3A_534 : f32 to vector<16xf32>
      %select_n3A_536 = arith.select %eq3A_533, %div3A_88, %broadcast_in_dim3A_535 : vector<16xi1>, vector<16xf32>
      %reduce_sum3A_537 = arith.constant true
      %reduce_sum3A_538 = vector.broadcast %reduce_sum3A_537 : i1 to vector<16xi1>
      %reduce_sum3A_539 = tpu.scan <sum>, %select_n3A_536 masked %reduce_sum3A_538 : vector<16xf32>, vector<16xi1> -> vector<16xf32>
      %reduce_sum3A_540 = vector.extract %reduce_sum3A_539[15] : f32 from vector<16xf32>
      %get3A_541 = arith.constant 0 : i32
      %get3A_542 = arith.index_cast %get3A_541 : i32 to index
      %get3A_543 = arith.index_cast %add3A_530 : i32 to index
      %get3A_544 = arith.constant 0 : index
      %get3A_545 = tpu.vector_load %arg13[%get3A_542, %get3A_543, %get3A_544] {strides = array<i32>} : memref<2x640x16xf32, #tpu.memory_space<vmem>>, vector<16xf32>,
      %get3A_546 = arith.constant 1 : i32
      %get3A_547 = arith.index_cast %get3A_546 : i32 to index
      %get3A_548 = arith.index_cast %add3A_530 : i32 to index
      %get3A_549 = arith.constant 0 : index
      %get3A_550 = tpu.vector_load %arg13[%get3A_547, %get3A_548, %get3A_549] {strides = array<i32>} : memref<2x640x16xf32, #tpu.memory_space<vmem>>, vector<16xf32>,
      %add3A_551 = arith.addf %get3A_545, %get3A_550 : vector<16xf32>
      %mul3A_552 = vector.broadcast %reduce_sum3A_540 : f32 to vector<16xf32>
      %mul3A_553 = arith.mulf %add3A_551, %mul3A_552 : vector<16xf32>
      %mul3A_554 = arith.constant 0.00999999977 : f32
      %mul3A_555 = vector.broadcast %mul3A_554 : f32 to vector<16xf32>
      %mul3A_556 = arith.mulf %mul3A_555, %mul3A_553 : vector<16xf32>
      %max3A_557 = arith.maximumf %mul3A_553, %mul3A_556 : vector<16xf32>
      %swap3A_558 = arith.index_cast %add3A_530 : i32 to index
      %swap3A_559 = arith.constant 0 : index
      %swap3A_560 = tpu.vector_load %arg15[%swap3A_558, %swap3A_559] {strides = array<i32>} : memref<640x16xf32, #tpu.memory_space<vmem>>, vector<16xf32>,
      tpu.vector_store %arg15[%swap3A_558, %swap3A_559], %max3A_557 {strides = array<i32>} : memref<640x16xf32, #tpu.memory_space<vmem>>, vector<16xf32>,
      %mul3A_561 = arith.constant 16 : i32
      %mul3A_562 = arith.muli %scan3A_70, %mul3A_561 : i32
      %add3A_563 = arith.constant 14 : i32
      %add3A_564 = arith.addi %mul3A_562, %add3A_563 : i32
      %eq3A_565 = arith.constant 14 : i32
      %eq3A_566 = vector.broadcast %eq3A_565 : i32 to vector<16xi32>
      %eq3A_567 = arith.cmpi eq, %iota3A, %eq3A_566 : vector<16xi32>
      %jit3A_568 = arith.constant 0.000000e+00 : f32
      %broadcast_in_dim3A_569 = vector.broadcast %jit3A_568 : f32 to vector<16xf32>
      %select_n3A_570 = arith.select %eq3A_567, %div3A_88, %broadcast_in_dim3A_569 : vector<16xi1>, vector<16xf32>
      %reduce_sum3A_571 = arith.constant true
      %reduce_sum3A_572 = vector.broadcast %reduce_sum3A_571 : i1 to vector<16xi1>
      %reduce_sum3A_573 = tpu.scan <sum>, %select_n3A_570 masked %reduce_sum3A_572 : vector<16xf32>, vector<16xi1> -> vector<16xf32>
      %reduce_sum3A_574 = vector.extract %reduce_sum3A_573[15] : f32 from vector<16xf32>
      %get3A_575 = arith.constant 0 : i32
      %get3A_576 = arith.index_cast %get3A_575 : i32 to index
      %get3A_577 = arith.index_cast %add3A_564 : i32 to index
      %get3A_578 = arith.constant 0 : index
      %get3A_579 = tpu.vector_load %arg13[%get3A_576, %get3A_577, %get3A_578] {strides = array<i32>} : memref<2x640x16xf32, #tpu.memory_space<vmem>>, vector<16xf32>,
      %get3A_580 = arith.constant 1 : i32
      %get3A_581 = arith.index_cast %get3A_580 : i32 to index
      %get3A_582 = arith.index_cast %add3A_564 : i32 to index
      %get3A_583 = arith.constant 0 : index
      %get3A_584 = tpu.vector_load %arg13[%get3A_581, %get3A_582, %get3A_583] {strides = array<i32>} : memref<2x640x16xf32, #tpu.memory_space<vmem>>, vector<16xf32>,
      %add3A_585 = arith.addf %get3A_579, %get3A_584 : vector<16xf32>
      %mul3A_586 = vector.broadcast %reduce_sum3A_574 : f32 to vector<16xf32>
      %mul3A_587 = arith.mulf %add3A_585, %mul3A_586 : vector<16xf32>
      %mul3A_588 = arith.constant 0.00999999977 : f32
      %mul3A_589 = vector.broadcast %mul3A_588 : f32 to vector<16xf32>
      %mul3A_590 = arith.mulf %mul3A_589, %mul3A_587 : vector<16xf32>
      %max3A_591 = arith.maximumf %mul3A_587, %mul3A_590 : vector<16xf32>
      %swap3A_592 = arith.index_cast %add3A_564 : i32 to index
      %swap3A_593 = arith.constant 0 : index
      %swap3A_594 = tpu.vector_load %arg15[%swap3A_592, %swap3A_593] {strides = array<i32>} : memref<640x16xf32, #tpu.memory_space<vmem>>, vector<16xf32>,
      tpu.vector_store %arg15[%swap3A_592, %swap3A_593], %max3A_591 {strides = array<i32>} : memref<640x16xf32, #tpu.memory_space<vmem>>, vector<16xf32>,
      %mul3A_595 = arith.constant 16 : i32
      %mul3A_596 = arith.muli %scan3A_70, %mul3A_595 : i32
      %add3A_597 = arith.constant 15 : i32
      %add3A_598 = arith.addi %mul3A_596, %add3A_597 : i32
      %eq3A_599 = arith.constant 15 : i32
      %eq3A_600 = vector.broadcast %eq3A_599 : i32 to vector<16xi32>
      %eq3A_601 = arith.cmpi eq, %iota3A, %eq3A_600 : vector<16xi32>
      %jit3A_602 = arith.constant 0.000000e+00 : f32
      %broadcast_in_dim3A_603 = vector.broadcast %jit3A_602 : f32 to vector<16xf32>
      %select_n3A_604 = arith.select %eq3A_601, %div3A_88, %broadcast_in_dim3A_603 : vector<16xi1>, vector<16xf32>
      %reduce_sum3A_605 = arith.constant true
      %reduce_sum3A_606 = vector.broadcast %reduce_sum3A_605 : i1 to vector<16xi1>
      %reduce_sum3A_607 = tpu.scan <sum>, %select_n3A_604 masked %reduce_sum3A_606 : vector<16xf32>, vector<16xi1> -> vector<16xf32>
      %reduce_sum3A_608 = vector.extract %reduce_sum3A_607[15] : f32 from vector<16xf32>
      %get3A_609 = arith.constant 0 : i32
      %get3A_610 = arith.index_cast %get3A_609 : i32 to index
      %get3A_611 = arith.index_cast %add3A_598 : i32 to index
      %get3A_612 = arith.constant 0 : index
      %get3A_613 = tpu.vector_load %arg13[%get3A_610, %get3A_611, %get3A_612] {strides = array<i32>} : memref<2x640x16xf32, #tpu.memory_space<vmem>>, vector<16xf32>,
      %get3A_614 = arith.constant 1 : i32
      %get3A_615 = arith.index_cast %get3A_614 : i32 to index
      %get3A_616 = arith.index_cast %add3A_598 : i32 to index
      %get3A_617 = arith.constant 0 : index
      %get3A_618 = tpu.vector_load %arg13[%get3A_615, %get3A_616, %get3A_617] {strides = array<i32>} : memref<2x640x16xf32, #tpu.memory_space<vmem>>, vector<16xf32>,
      %add3A_619 = arith.addf %get3A_613, %get3A_618 : vector<16xf32>
      %mul3A_620 = vector.broadcast %reduce_sum3A_608 : f32 to vector<16xf32>
      %mul3A_621 = arith.mulf %add3A_619, %mul3A_620 : vector<16xf32>
      %mul3A_622 = arith.constant 0.00999999977 : f32
      %mul3A_623 = vector.broadcast %mul3A_622 : f32 to vector<16xf32>
      %mul3A_624 = arith.mulf %mul3A_623, %mul3A_621 : vector<16xf32>
      %max3A_625 = arith.maximumf %mul3A_621, %mul3A_624 : vector<16xf32>
      %swap3A_626 = arith.index_cast %add3A_598 : i32 to index
      %swap3A_627 = arith.constant 0 : index
      %swap3A_628 = tpu.vector_load %arg15[%swap3A_626, %swap3A_627] {strides = array<i32>} : memref<640x16xf32, #tpu.memory_space<vmem>>, vector<16xf32>,
      tpu.vector_store %arg15[%swap3A_626, %swap3A_627], %max3A_625 {strides = array<i32>} : memref<640x16xf32, #tpu.memory_space<vmem>>, vector<16xf32>,
      %scan3A_629 = arith.constant 0 : i32
      scf.yield %scan3A_629 : i32
    }
    %scan3A_22 = arith.constant 40 : i32
    "tpu.region"() ({
      %run_scoped3A_70 = tpu.sem_alloc : memref<!tpu.dma_semaphore, #tpu.memory_space<semaphore_mem>>
      %dma_start3A_71 = arith.constant 0 : i32
      %dma_start3A_72 = tpu.memref_slice %arg6[%mul3A_2, %dma_start3A_71] : memref<10240x16xf32, #tpu.memory_space<vmem_shared>> -> memref<640x16xf32, #tpu.memory_space<vmem_shared>>
      %dma_start3A_73 = arith.constant 0 : i32
      %dma_start3A_74 = tpu.memref_slice %arg6[%mul3A_2, %dma_start3A_73] : memref<10240x16xf32, #tpu.memory_space<vmem_shared>> -> memref<640x16xf32, #tpu.memory_space<vmem_shared>>
      tpu.enqueue_dma source(%arg15 : memref<640x16xf32, #tpu.memory_space<vmem>>) target(%dma_start3A_74 : memref<640x16xf32, #tpu.memory_space<vmem_shared>>) target_semaphore(%run_scoped3A_70 : memref<!tpu.dma_semaphore, #tpu.memory_space<semaphore_mem>>)
      %dma_wait3A = arith.constant 0 : i32
      %dma_wait3A_75 = tpu.memref_slice %arg6[%mul3A_2, %dma_wait3A] : memref<10240x16xf32, #tpu.memory_space<vmem_shared>> -> memref<640x16xf32, #tpu.memory_space<vmem_shared>>
      %dma_wait3A_76 = arith.constant 0 : i32
      %dma_wait3A_77 = tpu.memref_slice %arg6[%mul3A_2, %dma_wait3A_76] : memref<10240x16xf32, #tpu.memory_space<vmem_shared>> -> memref<640x16xf32, #tpu.memory_space<vmem_shared>>
      tpu.wait_dma2 semaphore(%run_scoped3A_70 : memref<!tpu.dma_semaphore, #tpu.memory_space<semaphore_mem>>) src(%arg15 : memref<640x16xf32, #tpu.memory_space<vmem>>) dst(%dma_wait3A_77 : memref<640x16xf32, #tpu.memory_space<vmem_shared>>)
      tpu.yield
    }) : () -> ()
    %mul3A_23 = arith.constant 40 : i32
    %mul3A_24 = arith.muli %add3A, %mul3A_23 : i32
    %lt3A = arith.constant 31 : i32
    %lt3A_25 = arith.cmpi slt, %add3A, %lt3A : i32
    %convert_element_type3A = arith.extui %lt3A_25 : i1 to i32
    %cond3A = arith.constant 0 : i32
    %cond3A_26 = arith.cmpi ne, %convert_element_type3A, %cond3A : i32
    scf.if %cond3A_26 {
      %add3A_70 = arith.constant 0 : i32
      %add3A_71 = arith.addi %add3A_70, %mul3A_24 : i32
      "tpu.region"() ({
        %run_scoped3A_74 = tpu.sem_alloc : memref<!tpu.dma_semaphore, #tpu.memory_space<semaphore_mem>>
        %dma_start3A_75 = arith.constant 0 : i32
        %dma_start3A_76 = tpu.memref_slice %arg4[%add3A_71, %dma_start3A_75] : memref<2500x256xi32, #tpu.memory_space<hbm>> -> memref<40x256xi32, #tpu.memory_space<hbm>>
        %dma_start3A_77 = arith.constant 0 : i32
        %dma_start3A_78 = tpu.memref_slice %arg4[%add3A_71, %dma_start3A_77] : memref<2500x256xi32, #tpu.memory_space<hbm>> -> memref<40x256xi32, #tpu.memory_space<hbm>>
        tpu.enqueue_dma source(%dma_start3A_78 : memref<40x256xi32, #tpu.memory_space<hbm>>) target(%arg8 : memref<40x256xi32, #tpu.memory_space<vmem>>) target_semaphore(%run_scoped3A_74 : memref<!tpu.dma_semaphore, #tpu.memory_space<semaphore_mem>>)
        %dma_wait3A = arith.constant 0 : i32
        %dma_wait3A_79 = tpu.memref_slice %arg4[%add3A_71, %dma_wait3A] : memref<2500x256xi32, #tpu.memory_space<hbm>> -> memref<40x256xi32, #tpu.memory_space<hbm>>
        %dma_wait3A_80 = arith.constant 0 : i32
        %dma_wait3A_81 = tpu.memref_slice %arg4[%add3A_71, %dma_wait3A_80] : memref<2500x256xi32, #tpu.memory_space<hbm>> -> memref<40x256xi32, #tpu.memory_space<hbm>>
        tpu.wait_dma2 semaphore(%run_scoped3A_74 : memref<!tpu.dma_semaphore, #tpu.memory_space<semaphore_mem>>) src(%dma_wait3A_81 : memref<40x256xi32, #tpu.memory_space<hbm>>) dst(%arg8 : memref<40x256xi32, #tpu.memory_space<vmem>>)
        tpu.yield
      }) : () -> ()
      %add3A_72 = arith.constant 1250 : i32
      %add3A_73 = arith.addi %add3A_72, %mul3A_24 : i32
      "tpu.region"() ({
        %run_scoped3A_74 = tpu.sem_alloc : memref<!tpu.dma_semaphore, #tpu.memory_space<semaphore_mem>>
        %dma_start3A_75 = arith.constant 0 : i32
        %dma_start3A_76 = tpu.memref_slice %arg4[%add3A_73, %dma_start3A_75] : memref<2500x256xi32, #tpu.memory_space<hbm>> -> memref<40x256xi32, #tpu.memory_space<hbm>>
        %dma_start3A_77 = arith.constant 0 : i32
        %dma_start3A_78 = tpu.memref_slice %arg4[%add3A_73, %dma_start3A_77] : memref<2500x256xi32, #tpu.memory_space<hbm>> -> memref<40x256xi32, #tpu.memory_space<hbm>>
        tpu.enqueue_dma source(%dma_start3A_78 : memref<40x256xi32, #tpu.memory_space<hbm>>) target(%arg9 : memref<40x256xi32, #tpu.memory_space<vmem>>) target_semaphore(%run_scoped3A_74 : memref<!tpu.dma_semaphore, #tpu.memory_space<semaphore_mem>>)
        %dma_wait3A = arith.constant 0 : i32
        %dma_wait3A_79 = tpu.memref_slice %arg4[%add3A_73, %dma_wait3A] : memref<2500x256xi32, #tpu.memory_space<hbm>> -> memref<40x256xi32, #tpu.memory_space<hbm>>
        %dma_wait3A_80 = arith.constant 0 : i32
        %dma_wait3A_81 = tpu.memref_slice %arg4[%add3A_73, %dma_wait3A_80] : memref<2500x256xi32, #tpu.memory_space<hbm>> -> memref<40x256xi32, #tpu.memory_space<hbm>>
        tpu.wait_dma2 semaphore(%run_scoped3A_74 : memref<!tpu.dma_semaphore, #tpu.memory_space<semaphore_mem>>) src(%dma_wait3A_81 : memref<40x256xi32, #tpu.memory_space<hbm>>) dst(%arg9 : memref<40x256xi32, #tpu.memory_space<vmem>>)
        tpu.yield
      }) : () -> ()
    } else {
    }
    %ge3A = arith.constant 31 : i32
    %ge3A_27 = arith.cmpi sge, %add3A, %ge3A : i32
    %convert_element_type3A_28 = arith.extui %ge3A_27 : i1 to i32
    %cond3A_29 = arith.constant 0 : i32
    %cond3A_30 = arith.cmpi ne, %convert_element_type3A_28, %cond3A_29 : i32
    scf.if %cond3A_30 {
      "tpu.region"() ({
        %run_scoped3A_70 = tpu.sem_alloc : memref<!tpu.dma_semaphore, #tpu.memory_space<semaphore_mem>>
        %dma_start3A_71 = arith.constant 0 : i32
        %dma_start3A_72 = arith.constant 0 : i32
        %dma_start3A_73 = tpu.memref_slice %arg8[%dma_start3A_71, %dma_start3A_72] : memref<40x256xi32, #tpu.memory_space<vmem>> -> memref<10x256xi32, #tpu.memory_space<vmem>>
        %dma_start3A_74 = arith.constant 1240 : i32
        %dma_start3A_75 = arith.constant 0 : i32
        %dma_start3A_76 = tpu.memref_slice %arg4[%dma_start3A_74, %dma_start3A_75] : memref<2500x256xi32, #tpu.memory_space<hbm>> -> memref<10x256xi32, #tpu.memory_space<hbm>>
        %dma_start3A_77 = arith.constant 0 : i32
        %dma_start3A_78 = arith.constant 0 : i32
        %dma_start3A_79 = tpu.memref_slice %arg8[%dma_start3A_77, %dma_start3A_78] : memref<40x256xi32, #tpu.memory_space<vmem>> -> memref<10x256xi32, #tpu.memory_space<vmem>>
        %dma_start3A_80 = arith.constant 1240 : i32
        %dma_start3A_81 = arith.constant 0 : i32
        %dma_start3A_82 = tpu.memref_slice %arg4[%dma_start3A_80, %dma_start3A_81] : memref<2500x256xi32, #tpu.memory_space<hbm>> -> memref<10x256xi32, #tpu.memory_space<hbm>>
        tpu.enqueue_dma source(%dma_start3A_82 : memref<10x256xi32, #tpu.memory_space<hbm>>) target(%dma_start3A_79 : memref<10x256xi32, #tpu.memory_space<vmem>>) target_semaphore(%run_scoped3A_70 : memref<!tpu.dma_semaphore, #tpu.memory_space<semaphore_mem>>)
        %dma_wait3A = arith.constant 0 : i32
        %dma_wait3A_83 = arith.constant 0 : i32
        %dma_wait3A_84 = tpu.memref_slice %arg8[%dma_wait3A, %dma_wait3A_83] : memref<40x256xi32, #tpu.memory_space<vmem>> -> memref<10x256xi32, #tpu.memory_space<vmem>>
        %dma_wait3A_85 = arith.constant 1240 : i32
        %dma_wait3A_86 = arith.constant 0 : i32
        %dma_wait3A_87 = tpu.memref_slice %arg4[%dma_wait3A_85, %dma_wait3A_86] : memref<2500x256xi32, #tpu.memory_space<hbm>> -> memref<10x256xi32, #tpu.memory_space<hbm>>
        %dma_wait3A_88 = arith.constant 0 : i32
        %dma_wait3A_89 = arith.constant 0 : i32
        %dma_wait3A_90 = tpu.memref_slice %arg8[%dma_wait3A_88, %dma_wait3A_89] : memref<40x256xi32, #tpu.memory_space<vmem>> -> memref<10x256xi32, #tpu.memory_space<vmem>>
        %dma_wait3A_91 = arith.constant 1240 : i32
        %dma_wait3A_92 = arith.constant 0 : i32
        %dma_wait3A_93 = tpu.memref_slice %arg4[%dma_wait3A_91, %dma_wait3A_92] : memref<2500x256xi32, #tpu.memory_space<hbm>> -> memref<10x256xi32, #tpu.memory_space<hbm>>
        tpu.wait_dma2 semaphore(%run_scoped3A_70 : memref<!tpu.dma_semaphore, #tpu.memory_space<semaphore_mem>>) src(%dma_wait3A_93 : memref<10x256xi32, #tpu.memory_space<hbm>>) dst(%dma_wait3A_90 : memref<10x256xi32, #tpu.memory_space<vmem>>)
        tpu.yield
      }) : () -> ()
      "tpu.region"() ({
        %run_scoped3A_70 = tpu.sem_alloc : memref<!tpu.dma_semaphore, #tpu.memory_space<semaphore_mem>>
        %dma_start3A_71 = arith.constant 0 : i32
        %dma_start3A_72 = arith.constant 0 : i32
        %dma_start3A_73 = tpu.memref_slice %arg9[%dma_start3A_71, %dma_start3A_72] : memref<40x256xi32, #tpu.memory_space<vmem>> -> memref<10x256xi32, #tpu.memory_space<vmem>>
        %dma_start3A_74 = arith.constant 2490 : i32
        %dma_start3A_75 = arith.constant 0 : i32
        %dma_start3A_76 = tpu.memref_slice %arg4[%dma_start3A_74, %dma_start3A_75] : memref<2500x256xi32, #tpu.memory_space<hbm>> -> memref<10x256xi32, #tpu.memory_space<hbm>>
        %dma_start3A_77 = arith.constant 0 : i32
        %dma_start3A_78 = arith.constant 0 : i32
        %dma_start3A_79 = tpu.memref_slice %arg9[%dma_start3A_77, %dma_start3A_78] : memref<40x256xi32, #tpu.memory_space<vmem>> -> memref<10x256xi32, #tpu.memory_space<vmem>>
        %dma_start3A_80 = arith.constant 2490 : i32
        %dma_start3A_81 = arith.constant 0 : i32
        %dma_start3A_82 = tpu.memref_slice %arg4[%dma_start3A_80, %dma_start3A_81] : memref<2500x256xi32, #tpu.memory_space<hbm>> -> memref<10x256xi32, #tpu.memory_space<hbm>>
        tpu.enqueue_dma source(%dma_start3A_82 : memref<10x256xi32, #tpu.memory_space<hbm>>) target(%dma_start3A_79 : memref<10x256xi32, #tpu.memory_space<vmem>>) target_semaphore(%run_scoped3A_70 : memref<!tpu.dma_semaphore, #tpu.memory_space<semaphore_mem>>)
        %dma_wait3A = arith.constant 0 : i32
        %dma_wait3A_83 = arith.constant 0 : i32
        %dma_wait3A_84 = tpu.memref_slice %arg9[%dma_wait3A, %dma_wait3A_83] : memref<40x256xi32, #tpu.memory_space<vmem>> -> memref<10x256xi32, #tpu.memory_space<vmem>>
        %dma_wait3A_85 = arith.constant 2490 : i32
        %dma_wait3A_86 = arith.constant 0 : i32
        %dma_wait3A_87 = tpu.memref_slice %arg4[%dma_wait3A_85, %dma_wait3A_86] : memref<2500x256xi32, #tpu.memory_space<hbm>> -> memref<10x256xi32, #tpu.memory_space<hbm>>
        %dma_wait3A_88 = arith.constant 0 : i32
        %dma_wait3A_89 = arith.constant 0 : i32
        %dma_wait3A_90 = tpu.memref_slice %arg9[%dma_wait3A_88, %dma_wait3A_89] : memref<40x256xi32, #tpu.memory_space<vmem>> -> memref<10x256xi32, #tpu.memory_space<vmem>>
        %dma_wait3A_91 = arith.constant 2490 : i32
        %dma_wait3A_92 = arith.constant 0 : i32
        %dma_wait3A_93 = tpu.memref_slice %arg4[%dma_wait3A_91, %dma_wait3A_92] : memref<2500x256xi32, #tpu.memory_space<hbm>> -> memref<10x256xi32, #tpu.memory_space<hbm>>
        tpu.wait_dma2 semaphore(%run_scoped3A_70 : memref<!tpu.dma_semaphore, #tpu.memory_space<semaphore_mem>>) src(%dma_wait3A_93 : memref<10x256xi32, #tpu.memory_space<hbm>>) dst(%dma_wait3A_90 : memref<10x256xi32, #tpu.memory_space<vmem>>)
        tpu.yield
      }) : () -> ()
    } else {
    }
    %lt3A_31 = arith.constant 31 : i32
    %lt3A_32 = arith.cmpi slt, %add3A, %lt3A_31 : i32
    %jit3A = arith.constant 40 : i32
    %jit3A_33 = arith.constant 10 : i32
    %select_n3A = arith.select %lt3A_32, %jit3A, %jit3A_33 : i32
    %barrier3A = arith.constant 0 : index
    tpu.barrier barrier_id(%barrier3A)
    %dma_start3A = arith.constant 0 : i32
    %dma_start3A_34 = arith.constant 0 : i32
    %dma_start3A_35 = tpu.memref_slice %arg8[%dma_start3A, %dma_start3A_34] : memref<40x256xi32, #tpu.memory_space<vmem>> -> memref<1x256xi32, #tpu.memory_space<vmem>>
    %dma_start3A_36 = tpu.memref_squeeze %dma_start3A_35 : memref<1x256xi32, #tpu.memory_space<vmem>> -> memref<256xi32, #tpu.memory_space<vmem>>
    %dma_start3A_37 = arith.constant 0 : i32
    %dma_start3A_38 = arith.constant 0 : i32
    %dma_start3A_39 = tpu.memref_slice %arg6[%dma_start3A_37, %dma_start3A_38] : memref<10240x16xf32, #tpu.memory_space<vmem_shared>> -> memref<10240x16xf32, #tpu.memory_space<vmem_shared>>
    tpu.enqueue_indirect_dma source(%dma_start3A_39 : memref<10240x16xf32, #tpu.memory_space<vmem_shared>>) target(%arg10 : memref<256x16xf32, #tpu.memory_space<vmem>>) offsets(%dma_start3A_36 : memref<256xi32, #tpu.memory_space<vmem>>) semaphore(%arg16 : memref<!tpu.dma_semaphore, #tpu.memory_space<semaphore_mem>>)
    %jit3A_40 = arith.constant 2 : i32
    %div3A = arith.divsi %select_n3A, %jit3A_40 : i32
    %sign3A = arith.constant 0 : i32
    %sign3A_41 = arith.cmpi sgt, %select_n3A, %sign3A : i32
    %sign3A_42 = arith.extui %sign3A_41 : i1 to i32
    %sign3A_43 = arith.constant 0 : i32
    %sign3A_44 = arith.cmpi slt, %select_n3A, %sign3A_43 : i32
    %sign3A_45 = arith.extui %sign3A_44 : i1 to i32
    %sign3A_46 = arith.subi %sign3A_42, %sign3A_45 : i32
    %sign3A_47 = arith.constant 0 : i32
    %sign3A_48 = arith.cmpi sgt, %jit3A_40, %sign3A_47 : i32
    %sign3A_49 = arith.extui %sign3A_48 : i1 to i32
    %sign3A_50 = arith.constant 0 : i32
    %sign3A_51 = arith.cmpi slt, %jit3A_40, %sign3A_50 : i32
    %sign3A_52 = arith.extui %sign3A_51 : i1 to i32
    %sign3A_53 = arith.subi %sign3A_49, %sign3A_52 : i32
    %ne3A = arith.cmpi ne, %sign3A_46, %sign3A_53 : i32
    %rem3A = arith.remsi %select_n3A, %jit3A_40 : i32
    %ne3A_54 = arith.constant 0 : i32
    %ne3A_55 = arith.cmpi ne, %rem3A, %ne3A_54 : i32
    %and3A = arith.andi %ne3A, %ne3A_55 : i1
    %sub3A = arith.constant 1 : i32
    %sub3A_56 = arith.subi %div3A, %sub3A : i32
    %select_n3A_57 = arith.select %and3A, %sub3A_56, %div3A : i32
    %while3A = arith.constant 0 : i32
    %while3A_58 = arith.constant 0 : i32
    %while3A_59 = arith.subi %select_n3A_57, %while3A : i32
    %while3A_60 = arith.addi %while3A, %while3A_59 : i32
    %while3A_61 = arith.constant 1 : i32
    %while3A_62 = arith.divsi %while3A_59, %while3A_61 : i32
    %while3A_63 = arith.muli %while3A_62, %while3A_61 : i32
    %while3A_64 = arith.addi %while3A, %while3A_63 : i32
    %while3A_65 = arith.constant 1 : i32
    %while3A_66 = scf.for %while3A_70 = %while3A to %while3A_64 step %while3A_65 iter_args(%while3A_71 = %while3A_58) -> (i32)  : i32 {
      %mul3A_72 = arith.constant 2 : i32
      %mul3A_73 = arith.muli %mul3A_72, %while3A_70 : i32
      %add3A_74 = arith.constant 1 : i32
      %add3A_75 = arith.addi %mul3A_73, %add3A_74 : i32
      %dma_start3A_76 = arith.constant 0 : i32
      %dma_start3A_77 = tpu.memref_slice %arg8[%add3A_75, %dma_start3A_76] : memref<40x256xi32, #tpu.memory_space<vmem>> -> memref<1x256xi32, #tpu.memory_space<vmem>>
      %dma_start3A_78 = tpu.memref_squeeze %dma_start3A_77 : memref<1x256xi32, #tpu.memory_space<vmem>> -> memref<256xi32, #tpu.memory_space<vmem>>
      %dma_start3A_79 = arith.constant 0 : i32
      %dma_start3A_80 = arith.constant 0 : i32
      %dma_start3A_81 = tpu.memref_slice %arg6[%dma_start3A_79, %dma_start3A_80] : memref<10240x16xf32, #tpu.memory_space<vmem_shared>> -> memref<10240x16xf32, #tpu.memory_space<vmem_shared>>
      tpu.enqueue_indirect_dma source(%dma_start3A_81 : memref<10240x16xf32, #tpu.memory_space<vmem_shared>>) target(%arg11 : memref<256x16xf32, #tpu.memory_space<vmem>>) offsets(%dma_start3A_78 : memref<256xi32, #tpu.memory_space<vmem>>) semaphore(%arg17 : memref<!tpu.dma_semaphore, #tpu.memory_space<semaphore_mem>>)
      %dma_wait3A = arith.constant 0 : i32
      %dma_wait3A_82 = tpu.memref_slice %arg8[%mul3A_73, %dma_wait3A] : memref<40x256xi32, #tpu.memory_space<vmem>> -> memref<1x256xi32, #tpu.memory_space<vmem>>
      %dma_wait3A_83 = tpu.memref_squeeze %dma_wait3A_82 : memref<1x256xi32, #tpu.memory_space<vmem>> -> memref<256xi32, #tpu.memory_space<vmem>>
      %dma_wait3A_84 = arith.constant 0 : i32
      %dma_wait3A_85 = arith.constant 0 : i32
      %dma_wait3A_86 = tpu.memref_slice %arg6[%dma_wait3A_84, %dma_wait3A_85] : memref<10240x16xf32, #tpu.memory_space<vmem_shared>> -> memref<10240x16xf32, #tpu.memory_space<vmem_shared>>
      tpu.wait_indirect_dma semaphore(%arg16 : memref<!tpu.dma_semaphore, #tpu.memory_space<semaphore_mem>>) src(%dma_wait3A_86 : memref<10240x16xf32, #tpu.memory_space<vmem_shared>>) dst(%arg10 : memref<256x16xf32, #tpu.memory_space<vmem>>)
      "tpu.region"() ({
        %run_scoped3A_100 = tpu.sem_alloc : memref<!tpu.dma_semaphore, #tpu.memory_space<semaphore_mem>>
        %dma_start3A_101 = arith.constant 0 : i32
        %dma_start3A_102 = tpu.memref_slice %arg9[%mul3A_73, %dma_start3A_101] : memref<40x256xi32, #tpu.memory_space<vmem>> -> memref<1x256xi32, #tpu.memory_space<vmem>>
        %dma_start3A_103 = tpu.memref_squeeze %dma_start3A_102 : memref<1x256xi32, #tpu.memory_space<vmem>> -> memref<256xi32, #tpu.memory_space<vmem>>
        %dma_start3A_104 = arith.constant 0 : i32
        %dma_start3A_105 = arith.constant 0 : i32
        %dma_start3A_106 = tpu.memref_slice %arg7[%dma_start3A_104, %dma_start3A_105] : memref<10240x16xf32, #tpu.memory_space<vmem_shared>> -> memref<10240x16xf32, #tpu.memory_space<vmem_shared>>
        tpu.enqueue_indirect_dma source(%arg10 : memref<256x16xf32, #tpu.memory_space<vmem>>) target(%dma_start3A_106 : memref<10240x16xf32, #tpu.memory_space<vmem_shared>>) offsets(%dma_start3A_103 : memref<256xi32, #tpu.memory_space<vmem>>) semaphore(%run_scoped3A_100 : memref<!tpu.dma_semaphore, #tpu.memory_space<semaphore_mem>>) {add = true}
        %dma_wait3A_107 = arith.constant 0 : i32
        %dma_wait3A_108 = tpu.memref_slice %arg9[%mul3A_73, %dma_wait3A_107] : memref<40x256xi32, #tpu.memory_space<vmem>> -> memref<1x256xi32, #tpu.memory_space<vmem>>
        %dma_wait3A_109 = tpu.memref_squeeze %dma_wait3A_108 : memref<1x256xi32, #tpu.memory_space<vmem>> -> memref<256xi32, #tpu.memory_space<vmem>>
        %dma_wait3A_110 = arith.constant 0 : i32
        %dma_wait3A_111 = arith.constant 0 : i32
        %dma_wait3A_112 = tpu.memref_slice %arg7[%dma_wait3A_110, %dma_wait3A_111] : memref<10240x16xf32, #tpu.memory_space<vmem_shared>> -> memref<10240x16xf32, #tpu.memory_space<vmem_shared>>
        tpu.wait_indirect_dma semaphore(%run_scoped3A_100 : memref<!tpu.dma_semaphore, #tpu.memory_space<semaphore_mem>>) src(%arg10 : memref<256x16xf32, #tpu.memory_space<vmem>>) dst(%dma_wait3A_112 : memref<10240x16xf32, #tpu.memory_space<vmem_shared>>)
        tpu.yield
      }) : () -> ()
      %add3A_87 = arith.constant 2 : i32
      %add3A_88 = arith.addi %mul3A_73, %add3A_87 : i32
      %lt3A_89 = arith.cmpi slt, %add3A_88, %select_n3A : i32
      %convert_element_type3A_90 = arith.extui %lt3A_89 : i1 to i32
      %cond3A_91 = arith.constant 0 : i32
      %cond3A_92 = arith.cmpi ne, %convert_element_type3A_90, %cond3A_91 : i32
      scf.if %cond3A_92 {
        %add3A_100 = arith.constant 2 : i32
        %add3A_101 = arith.addi %mul3A_73, %add3A_100 : i32
        %dma_start3A_102 = arith.constant 0 : i32
        %dma_start3A_103 = tpu.memref_slice %arg8[%add3A_101, %dma_start3A_102] : memref<40x256xi32, #tpu.memory_space<vmem>> -> memref<1x256xi32, #tpu.memory_space<vmem>>
        %dma_start3A_104 = tpu.memref_squeeze %dma_start3A_103 : memref<1x256xi32, #tpu.memory_space<vmem>> -> memref<256xi32, #tpu.memory_space<vmem>>
        %dma_start3A_105 = arith.constant 0 : i32
        %dma_start3A_106 = arith.constant 0 : i32
        %dma_start3A_107 = tpu.memref_slice %arg6[%dma_start3A_105, %dma_start3A_106] : memref<10240x16xf32, #tpu.memory_space<vmem_shared>> -> memref<10240x16xf32, #tpu.memory_space<vmem_shared>>
        tpu.enqueue_indirect_dma source(%dma_start3A_107 : memref<10240x16xf32, #tpu.memory_space<vmem_shared>>) target(%arg10 : memref<256x16xf32, #tpu.memory_space<vmem>>) offsets(%dma_start3A_104 : memref<256xi32, #tpu.memory_space<vmem>>) semaphore(%arg16 : memref<!tpu.dma_semaphore, #tpu.memory_space<semaphore_mem>>)
      } else {
      }
      %dma_wait3A_93 = arith.constant 0 : i32
      %dma_wait3A_94 = tpu.memref_slice %arg8[%add3A_75, %dma_wait3A_93] : memref<40x256xi32, #tpu.memory_space<vmem>> -> memref<1x256xi32, #tpu.memory_space<vmem>>
      %dma_wait3A_95 = tpu.memref_squeeze %dma_wait3A_94 : memref<1x256xi32, #tpu.memory_space<vmem>> -> memref<256xi32, #tpu.memory_space<vmem>>
      %dma_wait3A_96 = arith.constant 0 : i32
      %dma_wait3A_97 = arith.constant 0 : i32
      %dma_wait3A_98 = tpu.memref_slice %arg6[%dma_wait3A_96, %dma_wait3A_97] : memref<10240x16xf32, #tpu.memory_space<vmem_shared>> -> memref<10240x16xf32, #tpu.memory_space<vmem_shared>>
      tpu.wait_indirect_dma semaphore(%arg17 : memref<!tpu.dma_semaphore, #tpu.memory_space<semaphore_mem>>) src(%dma_wait3A_98 : memref<10240x16xf32, #tpu.memory_space<vmem_shared>>) dst(%arg11 : memref<256x16xf32, #tpu.memory_space<vmem>>)
      "tpu.region"() ({
        %run_scoped3A_100 = tpu.sem_alloc : memref<!tpu.dma_semaphore, #tpu.memory_space<semaphore_mem>>
        %dma_start3A_101 = arith.constant 0 : i32
        %dma_start3A_102 = tpu.memref_slice %arg9[%add3A_75, %dma_start3A_101] : memref<40x256xi32, #tpu.memory_space<vmem>> -> memref<1x256xi32, #tpu.memory_space<vmem>>
        %dma_start3A_103 = tpu.memref_squeeze %dma_start3A_102 : memref<1x256xi32, #tpu.memory_space<vmem>> -> memref<256xi32, #tpu.memory_space<vmem>>
        %dma_start3A_104 = arith.constant 0 : i32
        %dma_start3A_105 = arith.constant 0 : i32
        %dma_start3A_106 = tpu.memref_slice %arg7[%dma_start3A_104, %dma_start3A_105] : memref<10240x16xf32, #tpu.memory_space<vmem_shared>> -> memref<10240x16xf32, #tpu.memory_space<vmem_shared>>
        tpu.enqueue_indirect_dma source(%arg11 : memref<256x16xf32, #tpu.memory_space<vmem>>) target(%dma_start3A_106 : memref<10240x16xf32, #tpu.memory_space<vmem_shared>>) offsets(%dma_start3A_103 : memref<256xi32, #tpu.memory_space<vmem>>) semaphore(%run_scoped3A_100 : memref<!tpu.dma_semaphore, #tpu.memory_space<semaphore_mem>>) {add = true}
        %dma_wait3A_107 = arith.constant 0 : i32
        %dma_wait3A_108 = tpu.memref_slice %arg9[%add3A_75, %dma_wait3A_107] : memref<40x256xi32, #tpu.memory_space<vmem>> -> memref<1x256xi32, #tpu.memory_space<vmem>>
        %dma_wait3A_109 = tpu.memref_squeeze %dma_wait3A_108 : memref<1x256xi32, #tpu.memory_space<vmem>> -> memref<256xi32, #tpu.memory_space<vmem>>
        %dma_wait3A_110 = arith.constant 0 : i32
        %dma_wait3A_111 = arith.constant 0 : i32
        %dma_wait3A_112 = tpu.memref_slice %arg7[%dma_wait3A_110, %dma_wait3A_111] : memref<10240x16xf32, #tpu.memory_space<vmem_shared>> -> memref<10240x16xf32, #tpu.memory_space<vmem_shared>>
        tpu.wait_indirect_dma semaphore(%run_scoped3A_100 : memref<!tpu.dma_semaphore, #tpu.memory_space<semaphore_mem>>) src(%arg11 : memref<256x16xf32, #tpu.memory_space<vmem>>) dst(%dma_wait3A_112 : memref<10240x16xf32, #tpu.memory_space<vmem_shared>>)
        tpu.yield
      }) : () -> ()
      %while3A_99 = arith.constant 0 : i32
      scf.yield %while3A_99 : i32
    }
    %while3A_67 = arith.constant 1 : i32
    %while3A_68 = scf.for %while3A_70 = %while3A_64 to %while3A_60 step %while3A_67 iter_args(%while3A_71 = %while3A_66) -> (i32)  : i32 {
      %mul3A_72 = arith.constant 2 : i32
      %mul3A_73 = arith.muli %mul3A_72, %while3A_70 : i32
      %add3A_74 = arith.constant 1 : i32
      %add3A_75 = arith.addi %mul3A_73, %add3A_74 : i32
      %dma_start3A_76 = arith.constant 0 : i32
      %dma_start3A_77 = tpu.memref_slice %arg8[%add3A_75, %dma_start3A_76] : memref<40x256xi32, #tpu.memory_space<vmem>> -> memref<1x256xi32, #tpu.memory_space<vmem>>
      %dma_start3A_78 = tpu.memref_squeeze %dma_start3A_77 : memref<1x256xi32, #tpu.memory_space<vmem>> -> memref<256xi32, #tpu.memory_space<vmem>>
      %dma_start3A_79 = arith.constant 0 : i32
      %dma_start3A_80 = arith.constant 0 : i32
      %dma_start3A_81 = tpu.memref_slice %arg6[%dma_start3A_79, %dma_start3A_80] : memref<10240x16xf32, #tpu.memory_space<vmem_shared>> -> memref<10240x16xf32, #tpu.memory_space<vmem_shared>>
      tpu.enqueue_indirect_dma source(%dma_start3A_81 : memref<10240x16xf32, #tpu.memory_space<vmem_shared>>) target(%arg11 : memref<256x16xf32, #tpu.memory_space<vmem>>) offsets(%dma_start3A_78 : memref<256xi32, #tpu.memory_space<vmem>>) semaphore(%arg17 : memref<!tpu.dma_semaphore, #tpu.memory_space<semaphore_mem>>)
      %dma_wait3A = arith.constant 0 : i32
      %dma_wait3A_82 = tpu.memref_slice %arg8[%mul3A_73, %dma_wait3A] : memref<40x256xi32, #tpu.memory_space<vmem>> -> memref<1x256xi32, #tpu.memory_space<vmem>>
      %dma_wait3A_83 = tpu.memref_squeeze %dma_wait3A_82 : memref<1x256xi32, #tpu.memory_space<vmem>> -> memref<256xi32, #tpu.memory_space<vmem>>
      %dma_wait3A_84 = arith.constant 0 : i32
      %dma_wait3A_85 = arith.constant 0 : i32
      %dma_wait3A_86 = tpu.memref_slice %arg6[%dma_wait3A_84, %dma_wait3A_85] : memref<10240x16xf32, #tpu.memory_space<vmem_shared>> -> memref<10240x16xf32, #tpu.memory_space<vmem_shared>>
      tpu.wait_indirect_dma semaphore(%arg16 : memref<!tpu.dma_semaphore, #tpu.memory_space<semaphore_mem>>) src(%dma_wait3A_86 : memref<10240x16xf32, #tpu.memory_space<vmem_shared>>) dst(%arg10 : memref<256x16xf32, #tpu.memory_space<vmem>>)
      "tpu.region"() ({
        %run_scoped3A_100 = tpu.sem_alloc : memref<!tpu.dma_semaphore, #tpu.memory_space<semaphore_mem>>
        %dma_start3A_101 = arith.constant 0 : i32
        %dma_start3A_102 = tpu.memref_slice %arg9[%mul3A_73, %dma_start3A_101] : memref<40x256xi32, #tpu.memory_space<vmem>> -> memref<1x256xi32, #tpu.memory_space<vmem>>
        %dma_start3A_103 = tpu.memref_squeeze %dma_start3A_102 : memref<1x256xi32, #tpu.memory_space<vmem>> -> memref<256xi32, #tpu.memory_space<vmem>>
        %dma_start3A_104 = arith.constant 0 : i32
        %dma_start3A_105 = arith.constant 0 : i32
        %dma_start3A_106 = tpu.memref_slice %arg7[%dma_start3A_104, %dma_start3A_105] : memref<10240x16xf32, #tpu.memory_space<vmem_shared>> -> memref<10240x16xf32, #tpu.memory_space<vmem_shared>>
        tpu.enqueue_indirect_dma source(%arg10 : memref<256x16xf32, #tpu.memory_space<vmem>>) target(%dma_start3A_106 : memref<10240x16xf32, #tpu.memory_space<vmem_shared>>) offsets(%dma_start3A_103 : memref<256xi32, #tpu.memory_space<vmem>>) semaphore(%run_scoped3A_100 : memref<!tpu.dma_semaphore, #tpu.memory_space<semaphore_mem>>) {add = true}
        %dma_wait3A_107 = arith.constant 0 : i32
        %dma_wait3A_108 = tpu.memref_slice %arg9[%mul3A_73, %dma_wait3A_107] : memref<40x256xi32, #tpu.memory_space<vmem>> -> memref<1x256xi32, #tpu.memory_space<vmem>>
        %dma_wait3A_109 = tpu.memref_squeeze %dma_wait3A_108 : memref<1x256xi32, #tpu.memory_space<vmem>> -> memref<256xi32, #tpu.memory_space<vmem>>
        %dma_wait3A_110 = arith.constant 0 : i32
        %dma_wait3A_111 = arith.constant 0 : i32
        %dma_wait3A_112 = tpu.memref_slice %arg7[%dma_wait3A_110, %dma_wait3A_111] : memref<10240x16xf32, #tpu.memory_space<vmem_shared>> -> memref<10240x16xf32, #tpu.memory_space<vmem_shared>>
        tpu.wait_indirect_dma semaphore(%run_scoped3A_100 : memref<!tpu.dma_semaphore, #tpu.memory_space<semaphore_mem>>) src(%arg10 : memref<256x16xf32, #tpu.memory_space<vmem>>) dst(%dma_wait3A_112 : memref<10240x16xf32, #tpu.memory_space<vmem_shared>>)
        tpu.yield
      }) : () -> ()
      %add3A_87 = arith.constant 2 : i32
      %add3A_88 = arith.addi %mul3A_73, %add3A_87 : i32
      %lt3A_89 = arith.cmpi slt, %add3A_88, %select_n3A : i32
      %convert_element_type3A_90 = arith.extui %lt3A_89 : i1 to i32
      %cond3A_91 = arith.constant 0 : i32
      %cond3A_92 = arith.cmpi ne, %convert_element_type3A_90, %cond3A_91 : i32
      scf.if %cond3A_92 {
        %add3A_100 = arith.constant 2 : i32
        %add3A_101 = arith.addi %mul3A_73, %add3A_100 : i32
        %dma_start3A_102 = arith.constant 0 : i32
        %dma_start3A_103 = tpu.memref_slice %arg8[%add3A_101, %dma_start3A_102] : memref<40x256xi32, #tpu.memory_space<vmem>> -> memref<1x256xi32, #tpu.memory_space<vmem>>
        %dma_start3A_104 = tpu.memref_squeeze %dma_start3A_103 : memref<1x256xi32, #tpu.memory_space<vmem>> -> memref<256xi32, #tpu.memory_space<vmem>>
        %dma_start3A_105 = arith.constant 0 : i32
        %dma_start3A_106 = arith.constant 0 : i32
        %dma_start3A_107 = tpu.memref_slice %arg6[%dma_start3A_105, %dma_start3A_106] : memref<10240x16xf32, #tpu.memory_space<vmem_shared>> -> memref<10240x16xf32, #tpu.memory_space<vmem_shared>>
        tpu.enqueue_indirect_dma source(%dma_start3A_107 : memref<10240x16xf32, #tpu.memory_space<vmem_shared>>) target(%arg10 : memref<256x16xf32, #tpu.memory_space<vmem>>) offsets(%dma_start3A_104 : memref<256xi32, #tpu.memory_space<vmem>>) semaphore(%arg16 : memref<!tpu.dma_semaphore, #tpu.memory_space<semaphore_mem>>)
      } else {
      }
      %dma_wait3A_93 = arith.constant 0 : i32
      %dma_wait3A_94 = tpu.memref_slice %arg8[%add3A_75, %dma_wait3A_93] : memref<40x256xi32, #tpu.memory_space<vmem>> -> memref<1x256xi32, #tpu.memory_space<vmem>>
      %dma_wait3A_95 = tpu.memref_squeeze %dma_wait3A_94 : memref<1x256xi32, #tpu.memory_space<vmem>> -> memref<256xi32, #tpu.memory_space<vmem>>
      %dma_wait3A_96 = arith.constant 0 : i32
      %dma_wait3A_97 = arith.constant 0 : i32
      %dma_wait3A_98 = tpu.memref_slice %arg6[%dma_wait3A_96, %dma_wait3A_97] : memref<10240x16xf32, #tpu.memory_space<vmem_shared>> -> memref<10240x16xf32, #tpu.memory_space<vmem_shared>>
      tpu.wait_indirect_dma semaphore(%arg17 : memref<!tpu.dma_semaphore, #tpu.memory_space<semaphore_mem>>) src(%dma_wait3A_98 : memref<10240x16xf32, #tpu.memory_space<vmem_shared>>) dst(%arg11 : memref<256x16xf32, #tpu.memory_space<vmem>>)
      "tpu.region"() ({
        %run_scoped3A_100 = tpu.sem_alloc : memref<!tpu.dma_semaphore, #tpu.memory_space<semaphore_mem>>
        %dma_start3A_101 = arith.constant 0 : i32
        %dma_start3A_102 = tpu.memref_slice %arg9[%add3A_75, %dma_start3A_101] : memref<40x256xi32, #tpu.memory_space<vmem>> -> memref<1x256xi32, #tpu.memory_space<vmem>>
        %dma_start3A_103 = tpu.memref_squeeze %dma_start3A_102 : memref<1x256xi32, #tpu.memory_space<vmem>> -> memref<256xi32, #tpu.memory_space<vmem>>
        %dma_start3A_104 = arith.constant 0 : i32
        %dma_start3A_105 = arith.constant 0 : i32
        %dma_start3A_106 = tpu.memref_slice %arg7[%dma_start3A_104, %dma_start3A_105] : memref<10240x16xf32, #tpu.memory_space<vmem_shared>> -> memref<10240x16xf32, #tpu.memory_space<vmem_shared>>
        tpu.enqueue_indirect_dma source(%arg11 : memref<256x16xf32, #tpu.memory_space<vmem>>) target(%dma_start3A_106 : memref<10240x16xf32, #tpu.memory_space<vmem_shared>>) offsets(%dma_start3A_103 : memref<256xi32, #tpu.memory_space<vmem>>) semaphore(%run_scoped3A_100 : memref<!tpu.dma_semaphore, #tpu.memory_space<semaphore_mem>>) {add = true}
        %dma_wait3A_107 = arith.constant 0 : i32
        %dma_wait3A_108 = tpu.memref_slice %arg9[%add3A_75, %dma_wait3A_107] : memref<40x256xi32, #tpu.memory_space<vmem>> -> memref<1x256xi32, #tpu.memory_space<vmem>>
        %dma_wait3A_109 = tpu.memref_squeeze %dma_wait3A_108 : memref<1x256xi32, #tpu.memory_space<vmem>> -> memref<256xi32, #tpu.memory_space<vmem>>
        %dma_wait3A_110 = arith.constant 0 : i32
        %dma_wait3A_111 = arith.constant 0 : i32
        %dma_wait3A_112 = tpu.memref_slice %arg7[%dma_wait3A_110, %dma_wait3A_111] : memref<10240x16xf32, #tpu.memory_space<vmem_shared>> -> memref<10240x16xf32, #tpu.memory_space<vmem_shared>>
        tpu.wait_indirect_dma semaphore(%run_scoped3A_100 : memref<!tpu.dma_semaphore, #tpu.memory_space<semaphore_mem>>) src(%arg11 : memref<256x16xf32, #tpu.memory_space<vmem>>) dst(%dma_wait3A_112 : memref<10240x16xf32, #tpu.memory_space<vmem_shared>>)
        tpu.yield
      }) : () -> ()
      %while3A_99 = arith.constant 0 : i32
      scf.yield %while3A_99 : i32
    }
    %barrier3A_69 = arith.constant 0 : index
    tpu.barrier barrier_id(%barrier3A_69)
    "tpu.region"() ({
      %run_scoped3A_70 = tpu.sem_alloc : memref<!tpu.dma_semaphore, #tpu.memory_space<semaphore_mem>>
      %dma_start3A_71 = arith.constant 0 : i32
      %dma_start3A_72 = tpu.memref_slice %arg7[%mul3A_2, %dma_start3A_71] : memref<10240x16xf32, #tpu.memory_space<vmem_shared>> -> memref<640x16xf32, #tpu.memory_space<vmem_shared>>
      %dma_start3A_73 = arith.constant 0 : i32
      %dma_start3A_74 = tpu.memref_slice %arg7[%mul3A_2, %dma_start3A_73] : memref<10240x16xf32, #tpu.memory_space<vmem_shared>> -> memref<640x16xf32, #tpu.memory_space<vmem_shared>>
      tpu.enqueue_dma source(%dma_start3A_74 : memref<640x16xf32, #tpu.memory_space<vmem_shared>>) target(%arg12 : memref<640x16xf32, #tpu.memory_space<vmem>>) target_semaphore(%run_scoped3A_70 : memref<!tpu.dma_semaphore, #tpu.memory_space<semaphore_mem>>)
      %dma_wait3A = arith.constant 0 : i32
      %dma_wait3A_75 = tpu.memref_slice %arg7[%mul3A_2, %dma_wait3A] : memref<10240x16xf32, #tpu.memory_space<vmem_shared>> -> memref<640x16xf32, #tpu.memory_space<vmem_shared>>
      %dma_wait3A_76 = arith.constant 0 : i32
      %dma_wait3A_77 = tpu.memref_slice %arg7[%mul3A_2, %dma_wait3A_76] : memref<10240x16xf32, #tpu.memory_space<vmem_shared>> -> memref<640x16xf32, #tpu.memory_space<vmem_shared>>
      tpu.wait_dma2 semaphore(%run_scoped3A_70 : memref<!tpu.dma_semaphore, #tpu.memory_space<semaphore_mem>>) src(%dma_wait3A_77 : memref<640x16xf32, #tpu.memory_space<vmem_shared>>) dst(%arg12 : memref<640x16xf32, #tpu.memory_space<vmem>>)
      tpu.yield
    }) : () -> ()
    "tpu.region"() ({
      %run_scoped3A_70 = tpu.sem_alloc : memref<!tpu.dma_semaphore, #tpu.memory_space<semaphore_mem>>
      %dma_start3A_71 = arith.constant 0 : i32
      %dma_start3A_72 = tpu.memref_slice %arg5[%arg0, %mul3A_2, %dma_start3A_71] : memref<2x10240x16xf32, #tpu.memory_space<hbm>> -> memref<1x640x16xf32, #tpu.memory_space<hbm>>
      %dma_start3A_73 = tpu.memref_squeeze %dma_start3A_72 : memref<1x640x16xf32, #tpu.memory_space<hbm>> -> memref<640x16xf32, #tpu.memory_space<hbm>>
      %dma_start3A_74 = arith.constant 0 : i32
      %dma_start3A_75 = tpu.memref_slice %arg5[%arg0, %mul3A_2, %dma_start3A_74] : memref<2x10240x16xf32, #tpu.memory_space<hbm>> -> memref<1x640x16xf32, #tpu.memory_space<hbm>>
      %dma_start3A_76 = tpu.memref_squeeze %dma_start3A_75 : memref<1x640x16xf32, #tpu.memory_space<hbm>> -> memref<640x16xf32, #tpu.memory_space<hbm>>
      tpu.enqueue_dma source(%arg12 : memref<640x16xf32, #tpu.memory_space<vmem>>) target(%dma_start3A_76 : memref<640x16xf32, #tpu.memory_space<hbm>>) target_semaphore(%run_scoped3A_70 : memref<!tpu.dma_semaphore, #tpu.memory_space<semaphore_mem>>)
      %dma_wait3A = arith.constant 0 : i32
      %dma_wait3A_77 = tpu.memref_slice %arg5[%arg0, %mul3A_2, %dma_wait3A] : memref<2x10240x16xf32, #tpu.memory_space<hbm>> -> memref<1x640x16xf32, #tpu.memory_space<hbm>>
      %dma_wait3A_78 = tpu.memref_squeeze %dma_wait3A_77 : memref<1x640x16xf32, #tpu.memory_space<hbm>> -> memref<640x16xf32, #tpu.memory_space<hbm>>
      %dma_wait3A_79 = arith.constant 0 : i32
      %dma_wait3A_80 = tpu.memref_slice %arg5[%arg0, %mul3A_2, %dma_wait3A_79] : memref<2x10240x16xf32, #tpu.memory_space<hbm>> -> memref<1x640x16xf32, #tpu.memory_space<hbm>>
      %dma_wait3A_81 = tpu.memref_squeeze %dma_wait3A_80 : memref<1x640x16xf32, #tpu.memory_space<hbm>> -> memref<640x16xf32, #tpu.memory_space<hbm>>
      tpu.wait_dma2 semaphore(%run_scoped3A_70 : memref<!tpu.dma_semaphore, #tpu.memory_space<semaphore_mem>>) src(%arg12 : memref<640x16xf32, #tpu.memory_space<vmem>>) dst(%dma_wait3A_81 : memref<640x16xf32, #tpu.memory_space<hbm>>)
      tpu.yield
    }) : () -> ()
    return
  }
}

#map = affine_map<(d0, d1) -> (0, 0)>
#map1 = affine_map<(d0, d1) -> (0, 0, 0)>
module attributes {stable_mosaic.version = 14 : i64} {
  func.func @body(%arg0: i32, %arg1: i32, %arg2: memref<10240x16xf32, #tpu.memory_space<hbm>>, %arg3: memref<2500x256xi32, #tpu.memory_space<hbm>>, %arg4: memref<2x10240x16xf32, #tpu.memory_space<hbm>>, %arg5: memref<2x10240xf32, #tpu.memory_space<hbm>>, %arg6: memref<2x10240xf32, #tpu.memory_space<hbm>>, %arg7: memref<10240x16xf32, #tpu.memory_space<vmem_shared>>, %arg8: memref<10240x16xf32, #tpu.memory_space<vmem_shared>>, %arg9: memref<10240xf32, #tpu.memory_space<vmem_shared>>, %arg10: memref<10240xf32, #tpu.memory_space<vmem_shared>>, %arg11: memref<40x256xi32, #tpu.memory_space<vmem>>, %arg12: memref<40x256xi32, #tpu.memory_space<vmem>>, %arg13: memref<256x16xf32, #tpu.memory_space<vmem>>, %arg14: memref<256x16xf32, #tpu.memory_space<vmem>>, %arg15: memref<640x16xf32, #tpu.memory_space<vmem>>, %arg16: memref<256xf32, #tpu.memory_space<vmem>>, %arg17: memref<640xf32, #tpu.memory_space<vmem>>, %arg18: memref<!tpu.dma_semaphore, #tpu.memory_space<semaphore_mem>>, %arg19: memref<!tpu.dma_semaphore, #tpu.memory_space<semaphore_mem>>) attributes {dimension_semantics = [#tpu.dimension_semantics<core_parallel>, #tpu.dimension_semantics<subcore_parallel>], iteration_bounds = array<i64: 2, 16>, scalar_prefetch = 0 : i64, scratch_operands = 13 : i64, tpu.core_type = #tpu.core_type<sc_vector_subcore>, window_params = [{transform_indices = #map}, {transform_indices = #map}, {transform_indices = #map1}, {transform_indices = #map}, {transform_indices = #map}]} {
    %mul3A = arith.constant 16 : i32
    %mul3A_0 = arith.muli %arg0, %mul3A : i32
    %add3A = arith.addi %mul3A_0, %arg1 : i32
    %mul3A_1 = arith.constant 640 : i32
    %mul3A_2 = arith.muli %arg1, %mul3A_1 : i32
    %scan3A = arith.constant 0 : i32
    %scan3A_3 = arith.constant 0 : i32
    %scan3A_4 = arith.constant 640 : i32
    %scan3A_5 = arith.addi %scan3A_3, %scan3A_4 : i32
    %scan3A_6 = arith.constant 1 : i32
    %scan3A_7 = scf.for %scan3A_70 = %scan3A_3 to %scan3A_5 step %scan3A_6 iter_args(%scan3A_71 = %scan3A) -> (i32)  : i32 {
      %broadcast_in_dim3A = arith.constant 0.000000e+00 : f32
      %broadcast_in_dim3A_72 = vector.broadcast %broadcast_in_dim3A : f32 to vector<16xf32>
      %swap3A = arith.index_cast %scan3A_70 : i32 to index
      %swap3A_73 = arith.constant 0 : index
      %swap3A_74 = tpu.vector_load %arg15[%swap3A, %swap3A_73] {strides = array<i32>} : memref<640x16xf32, #tpu.memory_space<vmem>>, vector<16xf32>,
      tpu.vector_store %arg15[%swap3A, %swap3A_73], %broadcast_in_dim3A_72 {strides = array<i32>} : memref<640x16xf32, #tpu.memory_space<vmem>>, vector<16xf32>,
      %scan3A_75 = arith.constant 0 : i32
      scf.yield %scan3A_75 : i32
    }
    %scan3A_8 = arith.constant 640 : i32
    "tpu.region"() ({
      %run_scoped3A = tpu.sem_alloc : memref<!tpu.dma_semaphore, #tpu.memory_space<semaphore_mem>>
      %dma_start3A_70 = arith.constant 0 : i32
      %dma_start3A_71 = tpu.memref_slice %arg8[%mul3A_2, %dma_start3A_70] : memref<10240x16xf32, #tpu.memory_space<vmem_shared>> -> memref<640x16xf32, #tpu.memory_space<vmem_shared>>
      %dma_start3A_72 = arith.constant 0 : i32
      %dma_start3A_73 = tpu.memref_slice %arg8[%mul3A_2, %dma_start3A_72] : memref<10240x16xf32, #tpu.memory_space<vmem_shared>> -> memref<640x16xf32, #tpu.memory_space<vmem_shared>>
      tpu.enqueue_dma source(%arg15 : memref<640x16xf32, #tpu.memory_space<vmem>>) target(%dma_start3A_73 : memref<640x16xf32, #tpu.memory_space<vmem_shared>>) target_semaphore(%run_scoped3A : memref<!tpu.dma_semaphore, #tpu.memory_space<semaphore_mem>>)
      %dma_wait3A = arith.constant 0 : i32
      %dma_wait3A_74 = tpu.memref_slice %arg8[%mul3A_2, %dma_wait3A] : memref<10240x16xf32, #tpu.memory_space<vmem_shared>> -> memref<640x16xf32, #tpu.memory_space<vmem_shared>>
      %dma_wait3A_75 = arith.constant 0 : i32
      %dma_wait3A_76 = tpu.memref_slice %arg8[%mul3A_2, %dma_wait3A_75] : memref<10240x16xf32, #tpu.memory_space<vmem_shared>> -> memref<640x16xf32, #tpu.memory_space<vmem_shared>>
      tpu.wait_dma2 semaphore(%run_scoped3A : memref<!tpu.dma_semaphore, #tpu.memory_space<semaphore_mem>>) src(%arg15 : memref<640x16xf32, #tpu.memory_space<vmem>>) dst(%dma_wait3A_76 : memref<640x16xf32, #tpu.memory_space<vmem_shared>>)
      tpu.yield
    }) : () -> ()
    %scan3A_9 = arith.constant 0 : i32
    %scan3A_10 = arith.constant 0 : i32
    %scan3A_11 = arith.constant 40 : i32
    %scan3A_12 = arith.addi %scan3A_10, %scan3A_11 : i32
    %scan3A_13 = arith.constant 1 : i32
    %scan3A_14 = scf.for %scan3A_70 = %scan3A_10 to %scan3A_12 step %scan3A_13 iter_args(%scan3A_71 = %scan3A_9) -> (i32)  : i32 {
      %broadcast_in_dim3A = arith.constant 0.000000e+00 : f32
      %broadcast_in_dim3A_72 = vector.broadcast %broadcast_in_dim3A : f32 to vector<16xf32>
      %mul3A_73 = arith.constant 16 : i32
      %mul3A_74 = arith.muli %scan3A_70, %mul3A_73 : i32
      %swap3A = arith.index_cast %mul3A_74 : i32 to index
      %swap3A_75 = tpu.vector_load %arg17[%swap3A] {strides = array<i32>} : memref<640xf32, #tpu.memory_space<vmem>>, vector<16xf32>,
      tpu.vector_store %arg17[%swap3A], %broadcast_in_dim3A_72 {strides = array<i32>} : memref<640xf32, #tpu.memory_space<vmem>>, vector<16xf32>,
      %scan3A_76 = arith.constant 0 : i32
      scf.yield %scan3A_76 : i32
    }
    %scan3A_15 = arith.constant 40 : i32
    "tpu.region"() ({
      %run_scoped3A = tpu.sem_alloc : memref<!tpu.dma_semaphore, #tpu.memory_space<semaphore_mem>>
      %dma_start3A_70 = tpu.memref_slice %arg9[%mul3A_2] : memref<10240xf32, #tpu.memory_space<vmem_shared>> -> memref<640xf32, #tpu.memory_space<vmem_shared>>
      %dma_start3A_71 = tpu.memref_slice %arg9[%mul3A_2] : memref<10240xf32, #tpu.memory_space<vmem_shared>> -> memref<640xf32, #tpu.memory_space<vmem_shared>>
      tpu.enqueue_dma source(%arg17 : memref<640xf32, #tpu.memory_space<vmem>>) target(%dma_start3A_71 : memref<640xf32, #tpu.memory_space<vmem_shared>>) target_semaphore(%run_scoped3A : memref<!tpu.dma_semaphore, #tpu.memory_space<semaphore_mem>>)
      %dma_wait3A = tpu.memref_slice %arg9[%mul3A_2] : memref<10240xf32, #tpu.memory_space<vmem_shared>> -> memref<640xf32, #tpu.memory_space<vmem_shared>>
      %dma_wait3A_72 = tpu.memref_slice %arg9[%mul3A_2] : memref<10240xf32, #tpu.memory_space<vmem_shared>> -> memref<640xf32, #tpu.memory_space<vmem_shared>>
      tpu.wait_dma2 semaphore(%run_scoped3A : memref<!tpu.dma_semaphore, #tpu.memory_space<semaphore_mem>>) src(%arg17 : memref<640xf32, #tpu.memory_space<vmem>>) dst(%dma_wait3A_72 : memref<640xf32, #tpu.memory_space<vmem_shared>>)
      tpu.yield
    }) : () -> ()
    "tpu.region"() ({
      %run_scoped3A = tpu.sem_alloc : memref<!tpu.dma_semaphore, #tpu.memory_space<semaphore_mem>>
      %dma_start3A_70 = tpu.memref_slice %arg10[%mul3A_2] : memref<10240xf32, #tpu.memory_space<vmem_shared>> -> memref<640xf32, #tpu.memory_space<vmem_shared>>
      %dma_start3A_71 = tpu.memref_slice %arg10[%mul3A_2] : memref<10240xf32, #tpu.memory_space<vmem_shared>> -> memref<640xf32, #tpu.memory_space<vmem_shared>>
      tpu.enqueue_dma source(%arg17 : memref<640xf32, #tpu.memory_space<vmem>>) target(%dma_start3A_71 : memref<640xf32, #tpu.memory_space<vmem_shared>>) target_semaphore(%run_scoped3A : memref<!tpu.dma_semaphore, #tpu.memory_space<semaphore_mem>>)
      %dma_wait3A = tpu.memref_slice %arg10[%mul3A_2] : memref<10240xf32, #tpu.memory_space<vmem_shared>> -> memref<640xf32, #tpu.memory_space<vmem_shared>>
      %dma_wait3A_72 = tpu.memref_slice %arg10[%mul3A_2] : memref<10240xf32, #tpu.memory_space<vmem_shared>> -> memref<640xf32, #tpu.memory_space<vmem_shared>>
      tpu.wait_dma2 semaphore(%run_scoped3A : memref<!tpu.dma_semaphore, #tpu.memory_space<semaphore_mem>>) src(%arg17 : memref<640xf32, #tpu.memory_space<vmem>>) dst(%dma_wait3A_72 : memref<640xf32, #tpu.memory_space<vmem_shared>>)
      tpu.yield
    }) : () -> ()
    %scan3A_16 = arith.constant 0 : i32
    %scan3A_17 = arith.constant 0 : i32
    %scan3A_18 = arith.constant 16 : i32
    %scan3A_19 = arith.addi %scan3A_17, %scan3A_18 : i32
    %scan3A_20 = arith.constant 1 : i32
    %scan3A_21 = scf.for %scan3A_70 = %scan3A_17 to %scan3A_19 step %scan3A_20 iter_args(%scan3A_71 = %scan3A_16) -> (i32)  : i32 {
      %broadcast_in_dim3A = arith.constant 1.000000e+00 : f32
      %broadcast_in_dim3A_72 = vector.broadcast %broadcast_in_dim3A : f32 to vector<16xf32>
      %mul3A_73 = arith.constant 16 : i32
      %mul3A_74 = arith.muli %scan3A_70, %mul3A_73 : i32
      %swap3A = arith.index_cast %mul3A_74 : i32 to index
      %swap3A_75 = tpu.vector_load %arg16[%swap3A] {strides = array<i32>} : memref<256xf32, #tpu.memory_space<vmem>>, vector<16xf32>,
      tpu.vector_store %arg16[%swap3A], %broadcast_in_dim3A_72 {strides = array<i32>} : memref<256xf32, #tpu.memory_space<vmem>>, vector<16xf32>,
      %scan3A_76 = arith.constant 0 : i32
      scf.yield %scan3A_76 : i32
    }
    %scan3A_22 = arith.constant 16 : i32
    "tpu.region"() ({
      %run_scoped3A = tpu.sem_alloc : memref<!tpu.dma_semaphore, #tpu.memory_space<semaphore_mem>>
      %dma_start3A_70 = arith.constant 0 : i32
      %dma_start3A_71 = tpu.memref_slice %arg2[%mul3A_2, %dma_start3A_70] : memref<10240x16xf32, #tpu.memory_space<hbm>> -> memref<640x16xf32, #tpu.memory_space<hbm>>
      %dma_start3A_72 = arith.constant 0 : i32
      %dma_start3A_73 = tpu.memref_slice %arg2[%mul3A_2, %dma_start3A_72] : memref<10240x16xf32, #tpu.memory_space<hbm>> -> memref<640x16xf32, #tpu.memory_space<hbm>>
      tpu.enqueue_dma source(%dma_start3A_73 : memref<640x16xf32, #tpu.memory_space<hbm>>) target(%arg15 : memref<640x16xf32, #tpu.memory_space<vmem>>) target_semaphore(%run_scoped3A : memref<!tpu.dma_semaphore, #tpu.memory_space<semaphore_mem>>)
      %dma_wait3A = arith.constant 0 : i32
      %dma_wait3A_74 = tpu.memref_slice %arg2[%mul3A_2, %dma_wait3A] : memref<10240x16xf32, #tpu.memory_space<hbm>> -> memref<640x16xf32, #tpu.memory_space<hbm>>
      %dma_wait3A_75 = arith.constant 0 : i32
      %dma_wait3A_76 = tpu.memref_slice %arg2[%mul3A_2, %dma_wait3A_75] : memref<10240x16xf32, #tpu.memory_space<hbm>> -> memref<640x16xf32, #tpu.memory_space<hbm>>
      tpu.wait_dma2 semaphore(%run_scoped3A : memref<!tpu.dma_semaphore, #tpu.memory_space<semaphore_mem>>) src(%dma_wait3A_76 : memref<640x16xf32, #tpu.memory_space<hbm>>) dst(%arg15 : memref<640x16xf32, #tpu.memory_space<vmem>>)
      tpu.yield
    }) : () -> ()
    "tpu.region"() ({
      %run_scoped3A = tpu.sem_alloc : memref<!tpu.dma_semaphore, #tpu.memory_space<semaphore_mem>>
      %dma_start3A_70 = arith.constant 0 : i32
      %dma_start3A_71 = tpu.memref_slice %arg7[%mul3A_2, %dma_start3A_70] : memref<10240x16xf32, #tpu.memory_space<vmem_shared>> -> memref<640x16xf32, #tpu.memory_space<vmem_shared>>
      %dma_start3A_72 = arith.constant 0 : i32
      %dma_start3A_73 = tpu.memref_slice %arg7[%mul3A_2, %dma_start3A_72] : memref<10240x16xf32, #tpu.memory_space<vmem_shared>> -> memref<640x16xf32, #tpu.memory_space<vmem_shared>>
      tpu.enqueue_dma source(%arg15 : memref<640x16xf32, #tpu.memory_space<vmem>>) target(%dma_start3A_73 : memref<640x16xf32, #tpu.memory_space<vmem_shared>>) target_semaphore(%run_scoped3A : memref<!tpu.dma_semaphore, #tpu.memory_space<semaphore_mem>>)
      %dma_wait3A = arith.constant 0 : i32
      %dma_wait3A_74 = tpu.memref_slice %arg7[%mul3A_2, %dma_wait3A] : memref<10240x16xf32, #tpu.memory_space<vmem_shared>> -> memref<640x16xf32, #tpu.memory_space<vmem_shared>>
      %dma_wait3A_75 = arith.constant 0 : i32
      %dma_wait3A_76 = tpu.memref_slice %arg7[%mul3A_2, %dma_wait3A_75] : memref<10240x16xf32, #tpu.memory_space<vmem_shared>> -> memref<640x16xf32, #tpu.memory_space<vmem_shared>>
      tpu.wait_dma2 semaphore(%run_scoped3A : memref<!tpu.dma_semaphore, #tpu.memory_space<semaphore_mem>>) src(%arg15 : memref<640x16xf32, #tpu.memory_space<vmem>>) dst(%dma_wait3A_76 : memref<640x16xf32, #tpu.memory_space<vmem_shared>>)
      tpu.yield
    }) : () -> ()
    %mul3A_23 = arith.constant 40 : i32
    %mul3A_24 = arith.muli %add3A, %mul3A_23 : i32
    %lt3A = arith.constant 31 : i32
    %lt3A_25 = arith.cmpi slt, %add3A, %lt3A : i32
    %convert_element_type3A = arith.extui %lt3A_25 : i1 to i32
    %cond3A = arith.constant 0 : i32
    %cond3A_26 = arith.cmpi ne, %convert_element_type3A, %cond3A : i32
    scf.if %cond3A_26 {
      %add3A_70 = arith.constant 0 : i32
      %add3A_71 = arith.addi %add3A_70, %mul3A_24 : i32
      "tpu.region"() ({
        %run_scoped3A = tpu.sem_alloc : memref<!tpu.dma_semaphore, #tpu.memory_space<semaphore_mem>>
        %dma_start3A_74 = arith.constant 0 : i32
        %dma_start3A_75 = tpu.memref_slice %arg3[%add3A_71, %dma_start3A_74] : memref<2500x256xi32, #tpu.memory_space<hbm>> -> memref<40x256xi32, #tpu.memory_space<hbm>>
        %dma_start3A_76 = arith.constant 0 : i32
        %dma_start3A_77 = tpu.memref_slice %arg3[%add3A_71, %dma_start3A_76] : memref<2500x256xi32, #tpu.memory_space<hbm>> -> memref<40x256xi32, #tpu.memory_space<hbm>>
        tpu.enqueue_dma source(%dma_start3A_77 : memref<40x256xi32, #tpu.memory_space<hbm>>) target(%arg11 : memref<40x256xi32, #tpu.memory_space<vmem>>) target_semaphore(%run_scoped3A : memref<!tpu.dma_semaphore, #tpu.memory_space<semaphore_mem>>)
        %dma_wait3A = arith.constant 0 : i32
        %dma_wait3A_78 = tpu.memref_slice %arg3[%add3A_71, %dma_wait3A] : memref<2500x256xi32, #tpu.memory_space<hbm>> -> memref<40x256xi32, #tpu.memory_space<hbm>>
        %dma_wait3A_79 = arith.constant 0 : i32
        %dma_wait3A_80 = tpu.memref_slice %arg3[%add3A_71, %dma_wait3A_79] : memref<2500x256xi32, #tpu.memory_space<hbm>> -> memref<40x256xi32, #tpu.memory_space<hbm>>
        tpu.wait_dma2 semaphore(%run_scoped3A : memref<!tpu.dma_semaphore, #tpu.memory_space<semaphore_mem>>) src(%dma_wait3A_80 : memref<40x256xi32, #tpu.memory_space<hbm>>) dst(%arg11 : memref<40x256xi32, #tpu.memory_space<vmem>>)
        tpu.yield
      }) : () -> ()
      %add3A_72 = arith.constant 1250 : i32
      %add3A_73 = arith.addi %add3A_72, %mul3A_24 : i32
      "tpu.region"() ({
        %run_scoped3A = tpu.sem_alloc : memref<!tpu.dma_semaphore, #tpu.memory_space<semaphore_mem>>
        %dma_start3A_74 = arith.constant 0 : i32
        %dma_start3A_75 = tpu.memref_slice %arg3[%add3A_73, %dma_start3A_74] : memref<2500x256xi32, #tpu.memory_space<hbm>> -> memref<40x256xi32, #tpu.memory_space<hbm>>
        %dma_start3A_76 = arith.constant 0 : i32
        %dma_start3A_77 = tpu.memref_slice %arg3[%add3A_73, %dma_start3A_76] : memref<2500x256xi32, #tpu.memory_space<hbm>> -> memref<40x256xi32, #tpu.memory_space<hbm>>
        tpu.enqueue_dma source(%dma_start3A_77 : memref<40x256xi32, #tpu.memory_space<hbm>>) target(%arg12 : memref<40x256xi32, #tpu.memory_space<vmem>>) target_semaphore(%run_scoped3A : memref<!tpu.dma_semaphore, #tpu.memory_space<semaphore_mem>>)
        %dma_wait3A = arith.constant 0 : i32
        %dma_wait3A_78 = tpu.memref_slice %arg3[%add3A_73, %dma_wait3A] : memref<2500x256xi32, #tpu.memory_space<hbm>> -> memref<40x256xi32, #tpu.memory_space<hbm>>
        %dma_wait3A_79 = arith.constant 0 : i32
        %dma_wait3A_80 = tpu.memref_slice %arg3[%add3A_73, %dma_wait3A_79] : memref<2500x256xi32, #tpu.memory_space<hbm>> -> memref<40x256xi32, #tpu.memory_space<hbm>>
        tpu.wait_dma2 semaphore(%run_scoped3A : memref<!tpu.dma_semaphore, #tpu.memory_space<semaphore_mem>>) src(%dma_wait3A_80 : memref<40x256xi32, #tpu.memory_space<hbm>>) dst(%arg12 : memref<40x256xi32, #tpu.memory_space<vmem>>)
        tpu.yield
      }) : () -> ()
    } else {
    }
    %ge3A = arith.constant 31 : i32
    %ge3A_27 = arith.cmpi sge, %add3A, %ge3A : i32
    %convert_element_type3A_28 = arith.extui %ge3A_27 : i1 to i32
    %cond3A_29 = arith.constant 0 : i32
    %cond3A_30 = arith.cmpi ne, %convert_element_type3A_28, %cond3A_29 : i32
    scf.if %cond3A_30 {
      "tpu.region"() ({
        %run_scoped3A = tpu.sem_alloc : memref<!tpu.dma_semaphore, #tpu.memory_space<semaphore_mem>>
        %dma_start3A_70 = arith.constant 0 : i32
        %dma_start3A_71 = arith.constant 0 : i32
        %dma_start3A_72 = tpu.memref_slice %arg11[%dma_start3A_70, %dma_start3A_71] : memref<40x256xi32, #tpu.memory_space<vmem>> -> memref<10x256xi32, #tpu.memory_space<vmem>>
        %dma_start3A_73 = arith.constant 1240 : i32
        %dma_start3A_74 = arith.constant 0 : i32
        %dma_start3A_75 = tpu.memref_slice %arg3[%dma_start3A_73, %dma_start3A_74] : memref<2500x256xi32, #tpu.memory_space<hbm>> -> memref<10x256xi32, #tpu.memory_space<hbm>>
        %dma_start3A_76 = arith.constant 0 : i32
        %dma_start3A_77 = arith.constant 0 : i32
        %dma_start3A_78 = tpu.memref_slice %arg11[%dma_start3A_76, %dma_start3A_77] : memref<40x256xi32, #tpu.memory_space<vmem>> -> memref<10x256xi32, #tpu.memory_space<vmem>>
        %dma_start3A_79 = arith.constant 1240 : i32
        %dma_start3A_80 = arith.constant 0 : i32
        %dma_start3A_81 = tpu.memref_slice %arg3[%dma_start3A_79, %dma_start3A_80] : memref<2500x256xi32, #tpu.memory_space<hbm>> -> memref<10x256xi32, #tpu.memory_space<hbm>>
        tpu.enqueue_dma source(%dma_start3A_81 : memref<10x256xi32, #tpu.memory_space<hbm>>) target(%dma_start3A_78 : memref<10x256xi32, #tpu.memory_space<vmem>>) target_semaphore(%run_scoped3A : memref<!tpu.dma_semaphore, #tpu.memory_space<semaphore_mem>>)
        %dma_wait3A = arith.constant 0 : i32
        %dma_wait3A_82 = arith.constant 0 : i32
        %dma_wait3A_83 = tpu.memref_slice %arg11[%dma_wait3A, %dma_wait3A_82] : memref<40x256xi32, #tpu.memory_space<vmem>> -> memref<10x256xi32, #tpu.memory_space<vmem>>
        %dma_wait3A_84 = arith.constant 1240 : i32
        %dma_wait3A_85 = arith.constant 0 : i32
        %dma_wait3A_86 = tpu.memref_slice %arg3[%dma_wait3A_84, %dma_wait3A_85] : memref<2500x256xi32, #tpu.memory_space<hbm>> -> memref<10x256xi32, #tpu.memory_space<hbm>>
        %dma_wait3A_87 = arith.constant 0 : i32
        %dma_wait3A_88 = arith.constant 0 : i32
        %dma_wait3A_89 = tpu.memref_slice %arg11[%dma_wait3A_87, %dma_wait3A_88] : memref<40x256xi32, #tpu.memory_space<vmem>> -> memref<10x256xi32, #tpu.memory_space<vmem>>
        %dma_wait3A_90 = arith.constant 1240 : i32
        %dma_wait3A_91 = arith.constant 0 : i32
        %dma_wait3A_92 = tpu.memref_slice %arg3[%dma_wait3A_90, %dma_wait3A_91] : memref<2500x256xi32, #tpu.memory_space<hbm>> -> memref<10x256xi32, #tpu.memory_space<hbm>>
        tpu.wait_dma2 semaphore(%run_scoped3A : memref<!tpu.dma_semaphore, #tpu.memory_space<semaphore_mem>>) src(%dma_wait3A_92 : memref<10x256xi32, #tpu.memory_space<hbm>>) dst(%dma_wait3A_89 : memref<10x256xi32, #tpu.memory_space<vmem>>)
        tpu.yield
      }) : () -> ()
      "tpu.region"() ({
        %run_scoped3A = tpu.sem_alloc : memref<!tpu.dma_semaphore, #tpu.memory_space<semaphore_mem>>
        %dma_start3A_70 = arith.constant 0 : i32
        %dma_start3A_71 = arith.constant 0 : i32
        %dma_start3A_72 = tpu.memref_slice %arg12[%dma_start3A_70, %dma_start3A_71] : memref<40x256xi32, #tpu.memory_space<vmem>> -> memref<10x256xi32, #tpu.memory_space<vmem>>
        %dma_start3A_73 = arith.constant 2490 : i32
        %dma_start3A_74 = arith.constant 0 : i32
        %dma_start3A_75 = tpu.memref_slice %arg3[%dma_start3A_73, %dma_start3A_74] : memref<2500x256xi32, #tpu.memory_space<hbm>> -> memref<10x256xi32, #tpu.memory_space<hbm>>
        %dma_start3A_76 = arith.constant 0 : i32
        %dma_start3A_77 = arith.constant 0 : i32
        %dma_start3A_78 = tpu.memref_slice %arg12[%dma_start3A_76, %dma_start3A_77] : memref<40x256xi32, #tpu.memory_space<vmem>> -> memref<10x256xi32, #tpu.memory_space<vmem>>
        %dma_start3A_79 = arith.constant 2490 : i32
        %dma_start3A_80 = arith.constant 0 : i32
        %dma_start3A_81 = tpu.memref_slice %arg3[%dma_start3A_79, %dma_start3A_80] : memref<2500x256xi32, #tpu.memory_space<hbm>> -> memref<10x256xi32, #tpu.memory_space<hbm>>
        tpu.enqueue_dma source(%dma_start3A_81 : memref<10x256xi32, #tpu.memory_space<hbm>>) target(%dma_start3A_78 : memref<10x256xi32, #tpu.memory_space<vmem>>) target_semaphore(%run_scoped3A : memref<!tpu.dma_semaphore, #tpu.memory_space<semaphore_mem>>)
        %dma_wait3A = arith.constant 0 : i32
        %dma_wait3A_82 = arith.constant 0 : i32
        %dma_wait3A_83 = tpu.memref_slice %arg12[%dma_wait3A, %dma_wait3A_82] : memref<40x256xi32, #tpu.memory_space<vmem>> -> memref<10x256xi32, #tpu.memory_space<vmem>>
        %dma_wait3A_84 = arith.constant 2490 : i32
        %dma_wait3A_85 = arith.constant 0 : i32
        %dma_wait3A_86 = tpu.memref_slice %arg3[%dma_wait3A_84, %dma_wait3A_85] : memref<2500x256xi32, #tpu.memory_space<hbm>> -> memref<10x256xi32, #tpu.memory_space<hbm>>
        %dma_wait3A_87 = arith.constant 0 : i32
        %dma_wait3A_88 = arith.constant 0 : i32
        %dma_wait3A_89 = tpu.memref_slice %arg12[%dma_wait3A_87, %dma_wait3A_88] : memref<40x256xi32, #tpu.memory_space<vmem>> -> memref<10x256xi32, #tpu.memory_space<vmem>>
        %dma_wait3A_90 = arith.constant 2490 : i32
        %dma_wait3A_91 = arith.constant 0 : i32
        %dma_wait3A_92 = tpu.memref_slice %arg3[%dma_wait3A_90, %dma_wait3A_91] : memref<2500x256xi32, #tpu.memory_space<hbm>> -> memref<10x256xi32, #tpu.memory_space<hbm>>
        tpu.wait_dma2 semaphore(%run_scoped3A : memref<!tpu.dma_semaphore, #tpu.memory_space<semaphore_mem>>) src(%dma_wait3A_92 : memref<10x256xi32, #tpu.memory_space<hbm>>) dst(%dma_wait3A_89 : memref<10x256xi32, #tpu.memory_space<vmem>>)
        tpu.yield
      }) : () -> ()
    } else {
    }
    %lt3A_31 = arith.constant 31 : i32
    %lt3A_32 = arith.cmpi slt, %add3A, %lt3A_31 : i32
    %jit3A = arith.constant 40 : i32
    %jit3A_33 = arith.constant 10 : i32
    %select_n3A = arith.select %lt3A_32, %jit3A, %jit3A_33 : i32
    %barrier3A = arith.constant 0 : index
    tpu.barrier barrier_id(%barrier3A)
    %dma_start3A = arith.constant 0 : i32
    %dma_start3A_34 = arith.constant 0 : i32
    %dma_start3A_35 = tpu.memref_slice %arg11[%dma_start3A, %dma_start3A_34] : memref<40x256xi32, #tpu.memory_space<vmem>> -> memref<1x256xi32, #tpu.memory_space<vmem>>
    %dma_start3A_36 = tpu.memref_squeeze %dma_start3A_35 : memref<1x256xi32, #tpu.memory_space<vmem>> -> memref<256xi32, #tpu.memory_space<vmem>>
    %dma_start3A_37 = arith.constant 0 : i32
    %dma_start3A_38 = arith.constant 0 : i32
    %dma_start3A_39 = tpu.memref_slice %arg7[%dma_start3A_37, %dma_start3A_38] : memref<10240x16xf32, #tpu.memory_space<vmem_shared>> -> memref<10240x16xf32, #tpu.memory_space<vmem_shared>>
    tpu.enqueue_indirect_dma source(%dma_start3A_39 : memref<10240x16xf32, #tpu.memory_space<vmem_shared>>) target(%arg13 : memref<256x16xf32, #tpu.memory_space<vmem>>) offsets(%dma_start3A_36 : memref<256xi32, #tpu.memory_space<vmem>>) semaphore(%arg18 : memref<!tpu.dma_semaphore, #tpu.memory_space<semaphore_mem>>)
    %jit3A_40 = arith.constant 2 : i32
    %div3A = arith.divsi %select_n3A, %jit3A_40 : i32
    %sign3A = arith.constant 0 : i32
    %sign3A_41 = arith.cmpi sgt, %select_n3A, %sign3A : i32
    %sign3A_42 = arith.extui %sign3A_41 : i1 to i32
    %sign3A_43 = arith.constant 0 : i32
    %sign3A_44 = arith.cmpi slt, %select_n3A, %sign3A_43 : i32
    %sign3A_45 = arith.extui %sign3A_44 : i1 to i32
    %sign3A_46 = arith.subi %sign3A_42, %sign3A_45 : i32
    %sign3A_47 = arith.constant 0 : i32
    %sign3A_48 = arith.cmpi sgt, %jit3A_40, %sign3A_47 : i32
    %sign3A_49 = arith.extui %sign3A_48 : i1 to i32
    %sign3A_50 = arith.constant 0 : i32
    %sign3A_51 = arith.cmpi slt, %jit3A_40, %sign3A_50 : i32
    %sign3A_52 = arith.extui %sign3A_51 : i1 to i32
    %sign3A_53 = arith.subi %sign3A_49, %sign3A_52 : i32
    %ne3A = arith.cmpi ne, %sign3A_46, %sign3A_53 : i32
    %rem3A = arith.remsi %select_n3A, %jit3A_40 : i32
    %ne3A_54 = arith.constant 0 : i32
    %ne3A_55 = arith.cmpi ne, %rem3A, %ne3A_54 : i32
    %and3A = arith.andi %ne3A, %ne3A_55 : i1
    %sub3A = arith.constant 1 : i32
    %sub3A_56 = arith.subi %div3A, %sub3A : i32
    %select_n3A_57 = arith.select %and3A, %sub3A_56, %div3A : i32
    %while3A = arith.constant 0 : i32
    %while3A_58 = arith.constant 0 : i32
    %while3A_59 = arith.subi %select_n3A_57, %while3A : i32
    %while3A_60 = arith.addi %while3A, %while3A_59 : i32
    %while3A_61 = arith.constant 1 : i32
    %while3A_62 = arith.divsi %while3A_59, %while3A_61 : i32
    %while3A_63 = arith.muli %while3A_62, %while3A_61 : i32
    %while3A_64 = arith.addi %while3A, %while3A_63 : i32
    %while3A_65 = arith.constant 1 : i32
    %while3A_66 = scf.for %while3A_70 = %while3A to %while3A_64 step %while3A_65 iter_args(%while3A_71 = %while3A_58) -> (i32)  : i32 {
      %mul3A_72 = arith.constant 2 : i32
      %mul3A_73 = arith.muli %mul3A_72, %while3A_70 : i32
      %add3A_74 = arith.constant 1 : i32
      %add3A_75 = arith.addi %mul3A_73, %add3A_74 : i32
      %dma_start3A_76 = arith.constant 0 : i32
      %dma_start3A_77 = tpu.memref_slice %arg11[%add3A_75, %dma_start3A_76] : memref<40x256xi32, #tpu.memory_space<vmem>> -> memref<1x256xi32, #tpu.memory_space<vmem>>
      %dma_start3A_78 = tpu.memref_squeeze %dma_start3A_77 : memref<1x256xi32, #tpu.memory_space<vmem>> -> memref<256xi32, #tpu.memory_space<vmem>>
      %dma_start3A_79 = arith.constant 0 : i32
      %dma_start3A_80 = arith.constant 0 : i32
      %dma_start3A_81 = tpu.memref_slice %arg7[%dma_start3A_79, %dma_start3A_80] : memref<10240x16xf32, #tpu.memory_space<vmem_shared>> -> memref<10240x16xf32, #tpu.memory_space<vmem_shared>>
      tpu.enqueue_indirect_dma source(%dma_start3A_81 : memref<10240x16xf32, #tpu.memory_space<vmem_shared>>) target(%arg14 : memref<256x16xf32, #tpu.memory_space<vmem>>) offsets(%dma_start3A_78 : memref<256xi32, #tpu.memory_space<vmem>>) semaphore(%arg19 : memref<!tpu.dma_semaphore, #tpu.memory_space<semaphore_mem>>)
      %dma_wait3A = arith.constant 0 : i32
      %dma_wait3A_82 = tpu.memref_slice %arg11[%mul3A_73, %dma_wait3A] : memref<40x256xi32, #tpu.memory_space<vmem>> -> memref<1x256xi32, #tpu.memory_space<vmem>>
      %dma_wait3A_83 = tpu.memref_squeeze %dma_wait3A_82 : memref<1x256xi32, #tpu.memory_space<vmem>> -> memref<256xi32, #tpu.memory_space<vmem>>
      %dma_wait3A_84 = arith.constant 0 : i32
      %dma_wait3A_85 = arith.constant 0 : i32
      %dma_wait3A_86 = tpu.memref_slice %arg7[%dma_wait3A_84, %dma_wait3A_85] : memref<10240x16xf32, #tpu.memory_space<vmem_shared>> -> memref<10240x16xf32, #tpu.memory_space<vmem_shared>>
      tpu.wait_indirect_dma semaphore(%arg18 : memref<!tpu.dma_semaphore, #tpu.memory_space<semaphore_mem>>) src(%dma_wait3A_86 : memref<10240x16xf32, #tpu.memory_space<vmem_shared>>) dst(%arg13 : memref<256x16xf32, #tpu.memory_space<vmem>>)
      "tpu.region"() ({
        %run_scoped3A = tpu.sem_alloc : memref<!tpu.dma_semaphore, #tpu.memory_space<semaphore_mem>>
        %dma_start3A_100 = arith.constant 0 : i32
        %dma_start3A_101 = tpu.memref_slice %arg12[%mul3A_73, %dma_start3A_100] : memref<40x256xi32, #tpu.memory_space<vmem>> -> memref<1x256xi32, #tpu.memory_space<vmem>>
        %dma_start3A_102 = tpu.memref_squeeze %dma_start3A_101 : memref<1x256xi32, #tpu.memory_space<vmem>> -> memref<256xi32, #tpu.memory_space<vmem>>
        %dma_start3A_103 = arith.constant 0 : i32
        %dma_start3A_104 = arith.constant 0 : i32
        %dma_start3A_105 = tpu.memref_slice %arg8[%dma_start3A_103, %dma_start3A_104] : memref<10240x16xf32, #tpu.memory_space<vmem_shared>> -> memref<10240x16xf32, #tpu.memory_space<vmem_shared>>
        tpu.enqueue_indirect_dma source(%arg13 : memref<256x16xf32, #tpu.memory_space<vmem>>) target(%dma_start3A_105 : memref<10240x16xf32, #tpu.memory_space<vmem_shared>>) offsets(%dma_start3A_102 : memref<256xi32, #tpu.memory_space<vmem>>) semaphore(%run_scoped3A : memref<!tpu.dma_semaphore, #tpu.memory_space<semaphore_mem>>) {add = true}
        %dma_wait3A_106 = arith.constant 0 : i32
        %dma_wait3A_107 = tpu.memref_slice %arg12[%mul3A_73, %dma_wait3A_106] : memref<40x256xi32, #tpu.memory_space<vmem>> -> memref<1x256xi32, #tpu.memory_space<vmem>>
        %dma_wait3A_108 = tpu.memref_squeeze %dma_wait3A_107 : memref<1x256xi32, #tpu.memory_space<vmem>> -> memref<256xi32, #tpu.memory_space<vmem>>
        %dma_wait3A_109 = arith.constant 0 : i32
        %dma_wait3A_110 = arith.constant 0 : i32
        %dma_wait3A_111 = tpu.memref_slice %arg8[%dma_wait3A_109, %dma_wait3A_110] : memref<10240x16xf32, #tpu.memory_space<vmem_shared>> -> memref<10240x16xf32, #tpu.memory_space<vmem_shared>>
        tpu.wait_indirect_dma semaphore(%run_scoped3A : memref<!tpu.dma_semaphore, #tpu.memory_space<semaphore_mem>>) src(%arg13 : memref<256x16xf32, #tpu.memory_space<vmem>>) dst(%dma_wait3A_111 : memref<10240x16xf32, #tpu.memory_space<vmem_shared>>)
        tpu.yield
      }) : () -> ()
      "tpu.region"() ({
        %run_scoped3A = tpu.sem_alloc : memref<!tpu.dma_semaphore, #tpu.memory_space<semaphore_mem>>
        %dma_start3A_100 = arith.constant 0 : i32
        %dma_start3A_101 = tpu.memref_slice %arg12[%mul3A_73, %dma_start3A_100] : memref<40x256xi32, #tpu.memory_space<vmem>> -> memref<1x256xi32, #tpu.memory_space<vmem>>
        %dma_start3A_102 = tpu.memref_squeeze %dma_start3A_101 : memref<1x256xi32, #tpu.memory_space<vmem>> -> memref<256xi32, #tpu.memory_space<vmem>>
        %dma_start3A_103 = arith.constant 0 : i32
        %dma_start3A_104 = tpu.memref_slice %arg9[%dma_start3A_103] : memref<10240xf32, #tpu.memory_space<vmem_shared>> -> memref<10240xf32, #tpu.memory_space<vmem_shared>>
        tpu.enqueue_indirect_dma source(%arg16 : memref<256xf32, #tpu.memory_space<vmem>>) target(%dma_start3A_104 : memref<10240xf32, #tpu.memory_space<vmem_shared>>) offsets(%dma_start3A_102 : memref<256xi32, #tpu.memory_space<vmem>>) semaphore(%run_scoped3A : memref<!tpu.dma_semaphore, #tpu.memory_space<semaphore_mem>>) {add = true}
        %dma_wait3A_105 = arith.constant 0 : i32
        %dma_wait3A_106 = tpu.memref_slice %arg12[%mul3A_73, %dma_wait3A_105] : memref<40x256xi32, #tpu.memory_space<vmem>> -> memref<1x256xi32, #tpu.memory_space<vmem>>
        %dma_wait3A_107 = tpu.memref_squeeze %dma_wait3A_106 : memref<1x256xi32, #tpu.memory_space<vmem>> -> memref<256xi32, #tpu.memory_space<vmem>>
        %dma_wait3A_108 = arith.constant 0 : i32
        %dma_wait3A_109 = tpu.memref_slice %arg9[%dma_wait3A_108] : memref<10240xf32, #tpu.memory_space<vmem_shared>> -> memref<10240xf32, #tpu.memory_space<vmem_shared>>
        tpu.wait_indirect_dma semaphore(%run_scoped3A : memref<!tpu.dma_semaphore, #tpu.memory_space<semaphore_mem>>) src(%arg16 : memref<256xf32, #tpu.memory_space<vmem>>) dst(%dma_wait3A_109 : memref<10240xf32, #tpu.memory_space<vmem_shared>>)
        tpu.yield
      }) : () -> ()
      "tpu.region"() ({
        %run_scoped3A = tpu.sem_alloc : memref<!tpu.dma_semaphore, #tpu.memory_space<semaphore_mem>>
        %dma_start3A_100 = arith.constant 0 : i32
        %dma_start3A_101 = tpu.memref_slice %arg11[%mul3A_73, %dma_start3A_100] : memref<40x256xi32, #tpu.memory_space<vmem>> -> memref<1x256xi32, #tpu.memory_space<vmem>>
        %dma_start3A_102 = tpu.memref_squeeze %dma_start3A_101 : memref<1x256xi32, #tpu.memory_space<vmem>> -> memref<256xi32, #tpu.memory_space<vmem>>
        %dma_start3A_103 = arith.constant 0 : i32
        %dma_start3A_104 = tpu.memref_slice %arg10[%dma_start3A_103] : memref<10240xf32, #tpu.memory_space<vmem_shared>> -> memref<10240xf32, #tpu.memory_space<vmem_shared>>
        tpu.enqueue_indirect_dma source(%arg16 : memref<256xf32, #tpu.memory_space<vmem>>) target(%dma_start3A_104 : memref<10240xf32, #tpu.memory_space<vmem_shared>>) offsets(%dma_start3A_102 : memref<256xi32, #tpu.memory_space<vmem>>) semaphore(%run_scoped3A : memref<!tpu.dma_semaphore, #tpu.memory_space<semaphore_mem>>) {add = true}
        %dma_wait3A_105 = arith.constant 0 : i32
        %dma_wait3A_106 = tpu.memref_slice %arg11[%mul3A_73, %dma_wait3A_105] : memref<40x256xi32, #tpu.memory_space<vmem>> -> memref<1x256xi32, #tpu.memory_space<vmem>>
        %dma_wait3A_107 = tpu.memref_squeeze %dma_wait3A_106 : memref<1x256xi32, #tpu.memory_space<vmem>> -> memref<256xi32, #tpu.memory_space<vmem>>
        %dma_wait3A_108 = arith.constant 0 : i32
        %dma_wait3A_109 = tpu.memref_slice %arg10[%dma_wait3A_108] : memref<10240xf32, #tpu.memory_space<vmem_shared>> -> memref<10240xf32, #tpu.memory_space<vmem_shared>>
        tpu.wait_indirect_dma semaphore(%run_scoped3A : memref<!tpu.dma_semaphore, #tpu.memory_space<semaphore_mem>>) src(%arg16 : memref<256xf32, #tpu.memory_space<vmem>>) dst(%dma_wait3A_109 : memref<10240xf32, #tpu.memory_space<vmem_shared>>)
        tpu.yield
      }) : () -> ()
      %add3A_87 = arith.constant 2 : i32
      %add3A_88 = arith.addi %mul3A_73, %add3A_87 : i32
      %lt3A_89 = arith.cmpi slt, %add3A_88, %select_n3A : i32
      %convert_element_type3A_90 = arith.extui %lt3A_89 : i1 to i32
      %cond3A_91 = arith.constant 0 : i32
      %cond3A_92 = arith.cmpi ne, %convert_element_type3A_90, %cond3A_91 : i32
      scf.if %cond3A_92 {
        %add3A_100 = arith.constant 2 : i32
        %add3A_101 = arith.addi %mul3A_73, %add3A_100 : i32
        %dma_start3A_102 = arith.constant 0 : i32
        %dma_start3A_103 = tpu.memref_slice %arg11[%add3A_101, %dma_start3A_102] : memref<40x256xi32, #tpu.memory_space<vmem>> -> memref<1x256xi32, #tpu.memory_space<vmem>>
        %dma_start3A_104 = tpu.memref_squeeze %dma_start3A_103 : memref<1x256xi32, #tpu.memory_space<vmem>> -> memref<256xi32, #tpu.memory_space<vmem>>
        %dma_start3A_105 = arith.constant 0 : i32
        %dma_start3A_106 = arith.constant 0 : i32
        %dma_start3A_107 = tpu.memref_slice %arg7[%dma_start3A_105, %dma_start3A_106] : memref<10240x16xf32, #tpu.memory_space<vmem_shared>> -> memref<10240x16xf32, #tpu.memory_space<vmem_shared>>
        tpu.enqueue_indirect_dma source(%dma_start3A_107 : memref<10240x16xf32, #tpu.memory_space<vmem_shared>>) target(%arg13 : memref<256x16xf32, #tpu.memory_space<vmem>>) offsets(%dma_start3A_104 : memref<256xi32, #tpu.memory_space<vmem>>) semaphore(%arg18 : memref<!tpu.dma_semaphore, #tpu.memory_space<semaphore_mem>>)
      } else {
      }
      %dma_wait3A_93 = arith.constant 0 : i32
      %dma_wait3A_94 = tpu.memref_slice %arg11[%add3A_75, %dma_wait3A_93] : memref<40x256xi32, #tpu.memory_space<vmem>> -> memref<1x256xi32, #tpu.memory_space<vmem>>
      %dma_wait3A_95 = tpu.memref_squeeze %dma_wait3A_94 : memref<1x256xi32, #tpu.memory_space<vmem>> -> memref<256xi32, #tpu.memory_space<vmem>>
      %dma_wait3A_96 = arith.constant 0 : i32
      %dma_wait3A_97 = arith.constant 0 : i32
      %dma_wait3A_98 = tpu.memref_slice %arg7[%dma_wait3A_96, %dma_wait3A_97] : memref<10240x16xf32, #tpu.memory_space<vmem_shared>> -> memref<10240x16xf32, #tpu.memory_space<vmem_shared>>
      tpu.wait_indirect_dma semaphore(%arg19 : memref<!tpu.dma_semaphore, #tpu.memory_space<semaphore_mem>>) src(%dma_wait3A_98 : memref<10240x16xf32, #tpu.memory_space<vmem_shared>>) dst(%arg14 : memref<256x16xf32, #tpu.memory_space<vmem>>)
      "tpu.region"() ({
        %run_scoped3A = tpu.sem_alloc : memref<!tpu.dma_semaphore, #tpu.memory_space<semaphore_mem>>
        %dma_start3A_100 = arith.constant 0 : i32
        %dma_start3A_101 = tpu.memref_slice %arg12[%add3A_75, %dma_start3A_100] : memref<40x256xi32, #tpu.memory_space<vmem>> -> memref<1x256xi32, #tpu.memory_space<vmem>>
        %dma_start3A_102 = tpu.memref_squeeze %dma_start3A_101 : memref<1x256xi32, #tpu.memory_space<vmem>> -> memref<256xi32, #tpu.memory_space<vmem>>
        %dma_start3A_103 = arith.constant 0 : i32
        %dma_start3A_104 = arith.constant 0 : i32
        %dma_start3A_105 = tpu.memref_slice %arg8[%dma_start3A_103, %dma_start3A_104] : memref<10240x16xf32, #tpu.memory_space<vmem_shared>> -> memref<10240x16xf32, #tpu.memory_space<vmem_shared>>
        tpu.enqueue_indirect_dma source(%arg14 : memref<256x16xf32, #tpu.memory_space<vmem>>) target(%dma_start3A_105 : memref<10240x16xf32, #tpu.memory_space<vmem_shared>>) offsets(%dma_start3A_102 : memref<256xi32, #tpu.memory_space<vmem>>) semaphore(%run_scoped3A : memref<!tpu.dma_semaphore, #tpu.memory_space<semaphore_mem>>) {add = true}
        %dma_wait3A_106 = arith.constant 0 : i32
        %dma_wait3A_107 = tpu.memref_slice %arg12[%add3A_75, %dma_wait3A_106] : memref<40x256xi32, #tpu.memory_space<vmem>> -> memref<1x256xi32, #tpu.memory_space<vmem>>
        %dma_wait3A_108 = tpu.memref_squeeze %dma_wait3A_107 : memref<1x256xi32, #tpu.memory_space<vmem>> -> memref<256xi32, #tpu.memory_space<vmem>>
        %dma_wait3A_109 = arith.constant 0 : i32
        %dma_wait3A_110 = arith.constant 0 : i32
        %dma_wait3A_111 = tpu.memref_slice %arg8[%dma_wait3A_109, %dma_wait3A_110] : memref<10240x16xf32, #tpu.memory_space<vmem_shared>> -> memref<10240x16xf32, #tpu.memory_space<vmem_shared>>
        tpu.wait_indirect_dma semaphore(%run_scoped3A : memref<!tpu.dma_semaphore, #tpu.memory_space<semaphore_mem>>) src(%arg14 : memref<256x16xf32, #tpu.memory_space<vmem>>) dst(%dma_wait3A_111 : memref<10240x16xf32, #tpu.memory_space<vmem_shared>>)
        tpu.yield
      }) : () -> ()
      "tpu.region"() ({
        %run_scoped3A = tpu.sem_alloc : memref<!tpu.dma_semaphore, #tpu.memory_space<semaphore_mem>>
        %dma_start3A_100 = arith.constant 0 : i32
        %dma_start3A_101 = tpu.memref_slice %arg12[%add3A_75, %dma_start3A_100] : memref<40x256xi32, #tpu.memory_space<vmem>> -> memref<1x256xi32, #tpu.memory_space<vmem>>
        %dma_start3A_102 = tpu.memref_squeeze %dma_start3A_101 : memref<1x256xi32, #tpu.memory_space<vmem>> -> memref<256xi32, #tpu.memory_space<vmem>>
        %dma_start3A_103 = arith.constant 0 : i32
        %dma_start3A_104 = tpu.memref_slice %arg9[%dma_start3A_103] : memref<10240xf32, #tpu.memory_space<vmem_shared>> -> memref<10240xf32, #tpu.memory_space<vmem_shared>>
        tpu.enqueue_indirect_dma source(%arg16 : memref<256xf32, #tpu.memory_space<vmem>>) target(%dma_start3A_104 : memref<10240xf32, #tpu.memory_space<vmem_shared>>) offsets(%dma_start3A_102 : memref<256xi32, #tpu.memory_space<vmem>>) semaphore(%run_scoped3A : memref<!tpu.dma_semaphore, #tpu.memory_space<semaphore_mem>>) {add = true}
        %dma_wait3A_105 = arith.constant 0 : i32
        %dma_wait3A_106 = tpu.memref_slice %arg12[%add3A_75, %dma_wait3A_105] : memref<40x256xi32, #tpu.memory_space<vmem>> -> memref<1x256xi32, #tpu.memory_space<vmem>>
        %dma_wait3A_107 = tpu.memref_squeeze %dma_wait3A_106 : memref<1x256xi32, #tpu.memory_space<vmem>> -> memref<256xi32, #tpu.memory_space<vmem>>
        %dma_wait3A_108 = arith.constant 0 : i32
        %dma_wait3A_109 = tpu.memref_slice %arg9[%dma_wait3A_108] : memref<10240xf32, #tpu.memory_space<vmem_shared>> -> memref<10240xf32, #tpu.memory_space<vmem_shared>>
        tpu.wait_indirect_dma semaphore(%run_scoped3A : memref<!tpu.dma_semaphore, #tpu.memory_space<semaphore_mem>>) src(%arg16 : memref<256xf32, #tpu.memory_space<vmem>>) dst(%dma_wait3A_109 : memref<10240xf32, #tpu.memory_space<vmem_shared>>)
        tpu.yield
      }) : () -> ()
      "tpu.region"() ({
        %run_scoped3A = tpu.sem_alloc : memref<!tpu.dma_semaphore, #tpu.memory_space<semaphore_mem>>
        %dma_start3A_100 = arith.constant 0 : i32
        %dma_start3A_101 = tpu.memref_slice %arg11[%add3A_75, %dma_start3A_100] : memref<40x256xi32, #tpu.memory_space<vmem>> -> memref<1x256xi32, #tpu.memory_space<vmem>>
        %dma_start3A_102 = tpu.memref_squeeze %dma_start3A_101 : memref<1x256xi32, #tpu.memory_space<vmem>> -> memref<256xi32, #tpu.memory_space<vmem>>
        %dma_start3A_103 = arith.constant 0 : i32
        %dma_start3A_104 = tpu.memref_slice %arg10[%dma_start3A_103] : memref<10240xf32, #tpu.memory_space<vmem_shared>> -> memref<10240xf32, #tpu.memory_space<vmem_shared>>
        tpu.enqueue_indirect_dma source(%arg16 : memref<256xf32, #tpu.memory_space<vmem>>) target(%dma_start3A_104 : memref<10240xf32, #tpu.memory_space<vmem_shared>>) offsets(%dma_start3A_102 : memref<256xi32, #tpu.memory_space<vmem>>) semaphore(%run_scoped3A : memref<!tpu.dma_semaphore, #tpu.memory_space<semaphore_mem>>) {add = true}
        %dma_wait3A_105 = arith.constant 0 : i32
        %dma_wait3A_106 = tpu.memref_slice %arg11[%add3A_75, %dma_wait3A_105] : memref<40x256xi32, #tpu.memory_space<vmem>> -> memref<1x256xi32, #tpu.memory_space<vmem>>
        %dma_wait3A_107 = tpu.memref_squeeze %dma_wait3A_106 : memref<1x256xi32, #tpu.memory_space<vmem>> -> memref<256xi32, #tpu.memory_space<vmem>>
        %dma_wait3A_108 = arith.constant 0 : i32
        %dma_wait3A_109 = tpu.memref_slice %arg10[%dma_wait3A_108] : memref<10240xf32, #tpu.memory_space<vmem_shared>> -> memref<10240xf32, #tpu.memory_space<vmem_shared>>
        tpu.wait_indirect_dma semaphore(%run_scoped3A : memref<!tpu.dma_semaphore, #tpu.memory_space<semaphore_mem>>) src(%arg16 : memref<256xf32, #tpu.memory_space<vmem>>) dst(%dma_wait3A_109 : memref<10240xf32, #tpu.memory_space<vmem_shared>>)
        tpu.yield
      }) : () -> ()
      %while3A_99 = arith.constant 0 : i32
      scf.yield %while3A_99 : i32
    }
    %while3A_67 = arith.constant 1 : i32
    %while3A_68 = scf.for %while3A_70 = %while3A_64 to %while3A_60 step %while3A_67 iter_args(%while3A_71 = %while3A_66) -> (i32)  : i32 {
      %mul3A_72 = arith.constant 2 : i32
      %mul3A_73 = arith.muli %mul3A_72, %while3A_70 : i32
      %add3A_74 = arith.constant 1 : i32
      %add3A_75 = arith.addi %mul3A_73, %add3A_74 : i32
      %dma_start3A_76 = arith.constant 0 : i32
      %dma_start3A_77 = tpu.memref_slice %arg11[%add3A_75, %dma_start3A_76] : memref<40x256xi32, #tpu.memory_space<vmem>> -> memref<1x256xi32, #tpu.memory_space<vmem>>
      %dma_start3A_78 = tpu.memref_squeeze %dma_start3A_77 : memref<1x256xi32, #tpu.memory_space<vmem>> -> memref<256xi32, #tpu.memory_space<vmem>>
      %dma_start3A_79 = arith.constant 0 : i32
      %dma_start3A_80 = arith.constant 0 : i32
      %dma_start3A_81 = tpu.memref_slice %arg7[%dma_start3A_79, %dma_start3A_80] : memref<10240x16xf32, #tpu.memory_space<vmem_shared>> -> memref<10240x16xf32, #tpu.memory_space<vmem_shared>>
      tpu.enqueue_indirect_dma source(%dma_start3A_81 : memref<10240x16xf32, #tpu.memory_space<vmem_shared>>) target(%arg14 : memref<256x16xf32, #tpu.memory_space<vmem>>) offsets(%dma_start3A_78 : memref<256xi32, #tpu.memory_space<vmem>>) semaphore(%arg19 : memref<!tpu.dma_semaphore, #tpu.memory_space<semaphore_mem>>)
      %dma_wait3A = arith.constant 0 : i32
      %dma_wait3A_82 = tpu.memref_slice %arg11[%mul3A_73, %dma_wait3A] : memref<40x256xi32, #tpu.memory_space<vmem>> -> memref<1x256xi32, #tpu.memory_space<vmem>>
      %dma_wait3A_83 = tpu.memref_squeeze %dma_wait3A_82 : memref<1x256xi32, #tpu.memory_space<vmem>> -> memref<256xi32, #tpu.memory_space<vmem>>
      %dma_wait3A_84 = arith.constant 0 : i32
      %dma_wait3A_85 = arith.constant 0 : i32
      %dma_wait3A_86 = tpu.memref_slice %arg7[%dma_wait3A_84, %dma_wait3A_85] : memref<10240x16xf32, #tpu.memory_space<vmem_shared>> -> memref<10240x16xf32, #tpu.memory_space<vmem_shared>>
      tpu.wait_indirect_dma semaphore(%arg18 : memref<!tpu.dma_semaphore, #tpu.memory_space<semaphore_mem>>) src(%dma_wait3A_86 : memref<10240x16xf32, #tpu.memory_space<vmem_shared>>) dst(%arg13 : memref<256x16xf32, #tpu.memory_space<vmem>>)
      "tpu.region"() ({
        %run_scoped3A = tpu.sem_alloc : memref<!tpu.dma_semaphore, #tpu.memory_space<semaphore_mem>>
        %dma_start3A_100 = arith.constant 0 : i32
        %dma_start3A_101 = tpu.memref_slice %arg12[%mul3A_73, %dma_start3A_100] : memref<40x256xi32, #tpu.memory_space<vmem>> -> memref<1x256xi32, #tpu.memory_space<vmem>>
        %dma_start3A_102 = tpu.memref_squeeze %dma_start3A_101 : memref<1x256xi32, #tpu.memory_space<vmem>> -> memref<256xi32, #tpu.memory_space<vmem>>
        %dma_start3A_103 = arith.constant 0 : i32
        %dma_start3A_104 = arith.constant 0 : i32
        %dma_start3A_105 = tpu.memref_slice %arg8[%dma_start3A_103, %dma_start3A_104] : memref<10240x16xf32, #tpu.memory_space<vmem_shared>> -> memref<10240x16xf32, #tpu.memory_space<vmem_shared>>
        tpu.enqueue_indirect_dma source(%arg13 : memref<256x16xf32, #tpu.memory_space<vmem>>) target(%dma_start3A_105 : memref<10240x16xf32, #tpu.memory_space<vmem_shared>>) offsets(%dma_start3A_102 : memref<256xi32, #tpu.memory_space<vmem>>) semaphore(%run_scoped3A : memref<!tpu.dma_semaphore, #tpu.memory_space<semaphore_mem>>) {add = true}
        %dma_wait3A_106 = arith.constant 0 : i32
        %dma_wait3A_107 = tpu.memref_slice %arg12[%mul3A_73, %dma_wait3A_106] : memref<40x256xi32, #tpu.memory_space<vmem>> -> memref<1x256xi32, #tpu.memory_space<vmem>>
        %dma_wait3A_108 = tpu.memref_squeeze %dma_wait3A_107 : memref<1x256xi32, #tpu.memory_space<vmem>> -> memref<256xi32, #tpu.memory_space<vmem>>
        %dma_wait3A_109 = arith.constant 0 : i32
        %dma_wait3A_110 = arith.constant 0 : i32
        %dma_wait3A_111 = tpu.memref_slice %arg8[%dma_wait3A_109, %dma_wait3A_110] : memref<10240x16xf32, #tpu.memory_space<vmem_shared>> -> memref<10240x16xf32, #tpu.memory_space<vmem_shared>>
        tpu.wait_indirect_dma semaphore(%run_scoped3A : memref<!tpu.dma_semaphore, #tpu.memory_space<semaphore_mem>>) src(%arg13 : memref<256x16xf32, #tpu.memory_space<vmem>>) dst(%dma_wait3A_111 : memref<10240x16xf32, #tpu.memory_space<vmem_shared>>)
        tpu.yield
      }) : () -> ()
      "tpu.region"() ({
        %run_scoped3A = tpu.sem_alloc : memref<!tpu.dma_semaphore, #tpu.memory_space<semaphore_mem>>
        %dma_start3A_100 = arith.constant 0 : i32
        %dma_start3A_101 = tpu.memref_slice %arg12[%mul3A_73, %dma_start3A_100] : memref<40x256xi32, #tpu.memory_space<vmem>> -> memref<1x256xi32, #tpu.memory_space<vmem>>
        %dma_start3A_102 = tpu.memref_squeeze %dma_start3A_101 : memref<1x256xi32, #tpu.memory_space<vmem>> -> memref<256xi32, #tpu.memory_space<vmem>>
        %dma_start3A_103 = arith.constant 0 : i32
        %dma_start3A_104 = tpu.memref_slice %arg9[%dma_start3A_103] : memref<10240xf32, #tpu.memory_space<vmem_shared>> -> memref<10240xf32, #tpu.memory_space<vmem_shared>>
        tpu.enqueue_indirect_dma source(%arg16 : memref<256xf32, #tpu.memory_space<vmem>>) target(%dma_start3A_104 : memref<10240xf32, #tpu.memory_space<vmem_shared>>) offsets(%dma_start3A_102 : memref<256xi32, #tpu.memory_space<vmem>>) semaphore(%run_scoped3A : memref<!tpu.dma_semaphore, #tpu.memory_space<semaphore_mem>>) {add = true}
        %dma_wait3A_105 = arith.constant 0 : i32
        %dma_wait3A_106 = tpu.memref_slice %arg12[%mul3A_73, %dma_wait3A_105] : memref<40x256xi32, #tpu.memory_space<vmem>> -> memref<1x256xi32, #tpu.memory_space<vmem>>
        %dma_wait3A_107 = tpu.memref_squeeze %dma_wait3A_106 : memref<1x256xi32, #tpu.memory_space<vmem>> -> memref<256xi32, #tpu.memory_space<vmem>>
        %dma_wait3A_108 = arith.constant 0 : i32
        %dma_wait3A_109 = tpu.memref_slice %arg9[%dma_wait3A_108] : memref<10240xf32, #tpu.memory_space<vmem_shared>> -> memref<10240xf32, #tpu.memory_space<vmem_shared>>
        tpu.wait_indirect_dma semaphore(%run_scoped3A : memref<!tpu.dma_semaphore, #tpu.memory_space<semaphore_mem>>) src(%arg16 : memref<256xf32, #tpu.memory_space<vmem>>) dst(%dma_wait3A_109 : memref<10240xf32, #tpu.memory_space<vmem_shared>>)
        tpu.yield
      }) : () -> ()
      "tpu.region"() ({
        %run_scoped3A = tpu.sem_alloc : memref<!tpu.dma_semaphore, #tpu.memory_space<semaphore_mem>>
        %dma_start3A_100 = arith.constant 0 : i32
        %dma_start3A_101 = tpu.memref_slice %arg11[%mul3A_73, %dma_start3A_100] : memref<40x256xi32, #tpu.memory_space<vmem>> -> memref<1x256xi32, #tpu.memory_space<vmem>>
        %dma_start3A_102 = tpu.memref_squeeze %dma_start3A_101 : memref<1x256xi32, #tpu.memory_space<vmem>> -> memref<256xi32, #tpu.memory_space<vmem>>
        %dma_start3A_103 = arith.constant 0 : i32
        %dma_start3A_104 = tpu.memref_slice %arg10[%dma_start3A_103] : memref<10240xf32, #tpu.memory_space<vmem_shared>> -> memref<10240xf32, #tpu.memory_space<vmem_shared>>
        tpu.enqueue_indirect_dma source(%arg16 : memref<256xf32, #tpu.memory_space<vmem>>) target(%dma_start3A_104 : memref<10240xf32, #tpu.memory_space<vmem_shared>>) offsets(%dma_start3A_102 : memref<256xi32, #tpu.memory_space<vmem>>) semaphore(%run_scoped3A : memref<!tpu.dma_semaphore, #tpu.memory_space<semaphore_mem>>) {add = true}
        %dma_wait3A_105 = arith.constant 0 : i32
        %dma_wait3A_106 = tpu.memref_slice %arg11[%mul3A_73, %dma_wait3A_105] : memref<40x256xi32, #tpu.memory_space<vmem>> -> memref<1x256xi32, #tpu.memory_space<vmem>>
        %dma_wait3A_107 = tpu.memref_squeeze %dma_wait3A_106 : memref<1x256xi32, #tpu.memory_space<vmem>> -> memref<256xi32, #tpu.memory_space<vmem>>
        %dma_wait3A_108 = arith.constant 0 : i32
        %dma_wait3A_109 = tpu.memref_slice %arg10[%dma_wait3A_108] : memref<10240xf32, #tpu.memory_space<vmem_shared>> -> memref<10240xf32, #tpu.memory_space<vmem_shared>>
        tpu.wait_indirect_dma semaphore(%run_scoped3A : memref<!tpu.dma_semaphore, #tpu.memory_space<semaphore_mem>>) src(%arg16 : memref<256xf32, #tpu.memory_space<vmem>>) dst(%dma_wait3A_109 : memref<10240xf32, #tpu.memory_space<vmem_shared>>)
        tpu.yield
      }) : () -> ()
      %add3A_87 = arith.constant 2 : i32
      %add3A_88 = arith.addi %mul3A_73, %add3A_87 : i32
      %lt3A_89 = arith.cmpi slt, %add3A_88, %select_n3A : i32
      %convert_element_type3A_90 = arith.extui %lt3A_89 : i1 to i32
      %cond3A_91 = arith.constant 0 : i32
      %cond3A_92 = arith.cmpi ne, %convert_element_type3A_90, %cond3A_91 : i32
      scf.if %cond3A_92 {
        %add3A_100 = arith.constant 2 : i32
        %add3A_101 = arith.addi %mul3A_73, %add3A_100 : i32
        %dma_start3A_102 = arith.constant 0 : i32
        %dma_start3A_103 = tpu.memref_slice %arg11[%add3A_101, %dma_start3A_102] : memref<40x256xi32, #tpu.memory_space<vmem>> -> memref<1x256xi32, #tpu.memory_space<vmem>>
        %dma_start3A_104 = tpu.memref_squeeze %dma_start3A_103 : memref<1x256xi32, #tpu.memory_space<vmem>> -> memref<256xi32, #tpu.memory_space<vmem>>
        %dma_start3A_105 = arith.constant 0 : i32
        %dma_start3A_106 = arith.constant 0 : i32
        %dma_start3A_107 = tpu.memref_slice %arg7[%dma_start3A_105, %dma_start3A_106] : memref<10240x16xf32, #tpu.memory_space<vmem_shared>> -> memref<10240x16xf32, #tpu.memory_space<vmem_shared>>
        tpu.enqueue_indirect_dma source(%dma_start3A_107 : memref<10240x16xf32, #tpu.memory_space<vmem_shared>>) target(%arg13 : memref<256x16xf32, #tpu.memory_space<vmem>>) offsets(%dma_start3A_104 : memref<256xi32, #tpu.memory_space<vmem>>) semaphore(%arg18 : memref<!tpu.dma_semaphore, #tpu.memory_space<semaphore_mem>>)
      } else {
      }
      %dma_wait3A_93 = arith.constant 0 : i32
      %dma_wait3A_94 = tpu.memref_slice %arg11[%add3A_75, %dma_wait3A_93] : memref<40x256xi32, #tpu.memory_space<vmem>> -> memref<1x256xi32, #tpu.memory_space<vmem>>
      %dma_wait3A_95 = tpu.memref_squeeze %dma_wait3A_94 : memref<1x256xi32, #tpu.memory_space<vmem>> -> memref<256xi32, #tpu.memory_space<vmem>>
      %dma_wait3A_96 = arith.constant 0 : i32
      %dma_wait3A_97 = arith.constant 0 : i32
      %dma_wait3A_98 = tpu.memref_slice %arg7[%dma_wait3A_96, %dma_wait3A_97] : memref<10240x16xf32, #tpu.memory_space<vmem_shared>> -> memref<10240x16xf32, #tpu.memory_space<vmem_shared>>
      tpu.wait_indirect_dma semaphore(%arg19 : memref<!tpu.dma_semaphore, #tpu.memory_space<semaphore_mem>>) src(%dma_wait3A_98 : memref<10240x16xf32, #tpu.memory_space<vmem_shared>>) dst(%arg14 : memref<256x16xf32, #tpu.memory_space<vmem>>)
      "tpu.region"() ({
        %run_scoped3A = tpu.sem_alloc : memref<!tpu.dma_semaphore, #tpu.memory_space<semaphore_mem>>
        %dma_start3A_100 = arith.constant 0 : i32
        %dma_start3A_101 = tpu.memref_slice %arg12[%add3A_75, %dma_start3A_100] : memref<40x256xi32, #tpu.memory_space<vmem>> -> memref<1x256xi32, #tpu.memory_space<vmem>>
        %dma_start3A_102 = tpu.memref_squeeze %dma_start3A_101 : memref<1x256xi32, #tpu.memory_space<vmem>> -> memref<256xi32, #tpu.memory_space<vmem>>
        %dma_start3A_103 = arith.constant 0 : i32
        %dma_start3A_104 = arith.constant 0 : i32
        %dma_start3A_105 = tpu.memref_slice %arg8[%dma_start3A_103, %dma_start3A_104] : memref<10240x16xf32, #tpu.memory_space<vmem_shared>> -> memref<10240x16xf32, #tpu.memory_space<vmem_shared>>
        tpu.enqueue_indirect_dma source(%arg14 : memref<256x16xf32, #tpu.memory_space<vmem>>) target(%dma_start3A_105 : memref<10240x16xf32, #tpu.memory_space<vmem_shared>>) offsets(%dma_start3A_102 : memref<256xi32, #tpu.memory_space<vmem>>) semaphore(%run_scoped3A : memref<!tpu.dma_semaphore, #tpu.memory_space<semaphore_mem>>) {add = true}
        %dma_wait3A_106 = arith.constant 0 : i32
        %dma_wait3A_107 = tpu.memref_slice %arg12[%add3A_75, %dma_wait3A_106] : memref<40x256xi32, #tpu.memory_space<vmem>> -> memref<1x256xi32, #tpu.memory_space<vmem>>
        %dma_wait3A_108 = tpu.memref_squeeze %dma_wait3A_107 : memref<1x256xi32, #tpu.memory_space<vmem>> -> memref<256xi32, #tpu.memory_space<vmem>>
        %dma_wait3A_109 = arith.constant 0 : i32
        %dma_wait3A_110 = arith.constant 0 : i32
        %dma_wait3A_111 = tpu.memref_slice %arg8[%dma_wait3A_109, %dma_wait3A_110] : memref<10240x16xf32, #tpu.memory_space<vmem_shared>> -> memref<10240x16xf32, #tpu.memory_space<vmem_shared>>
        tpu.wait_indirect_dma semaphore(%run_scoped3A : memref<!tpu.dma_semaphore, #tpu.memory_space<semaphore_mem>>) src(%arg14 : memref<256x16xf32, #tpu.memory_space<vmem>>) dst(%dma_wait3A_111 : memref<10240x16xf32, #tpu.memory_space<vmem_shared>>)
        tpu.yield
      }) : () -> ()
      "tpu.region"() ({
        %run_scoped3A = tpu.sem_alloc : memref<!tpu.dma_semaphore, #tpu.memory_space<semaphore_mem>>
        %dma_start3A_100 = arith.constant 0 : i32
        %dma_start3A_101 = tpu.memref_slice %arg12[%add3A_75, %dma_start3A_100] : memref<40x256xi32, #tpu.memory_space<vmem>> -> memref<1x256xi32, #tpu.memory_space<vmem>>
        %dma_start3A_102 = tpu.memref_squeeze %dma_start3A_101 : memref<1x256xi32, #tpu.memory_space<vmem>> -> memref<256xi32, #tpu.memory_space<vmem>>
        %dma_start3A_103 = arith.constant 0 : i32
        %dma_start3A_104 = tpu.memref_slice %arg9[%dma_start3A_103] : memref<10240xf32, #tpu.memory_space<vmem_shared>> -> memref<10240xf32, #tpu.memory_space<vmem_shared>>
        tpu.enqueue_indirect_dma source(%arg16 : memref<256xf32, #tpu.memory_space<vmem>>) target(%dma_start3A_104 : memref<10240xf32, #tpu.memory_space<vmem_shared>>) offsets(%dma_start3A_102 : memref<256xi32, #tpu.memory_space<vmem>>) semaphore(%run_scoped3A : memref<!tpu.dma_semaphore, #tpu.memory_space<semaphore_mem>>) {add = true}
        %dma_wait3A_105 = arith.constant 0 : i32
        %dma_wait3A_106 = tpu.memref_slice %arg12[%add3A_75, %dma_wait3A_105] : memref<40x256xi32, #tpu.memory_space<vmem>> -> memref<1x256xi32, #tpu.memory_space<vmem>>
        %dma_wait3A_107 = tpu.memref_squeeze %dma_wait3A_106 : memref<1x256xi32, #tpu.memory_space<vmem>> -> memref<256xi32, #tpu.memory_space<vmem>>
        %dma_wait3A_108 = arith.constant 0 : i32
        %dma_wait3A_109 = tpu.memref_slice %arg9[%dma_wait3A_108] : memref<10240xf32, #tpu.memory_space<vmem_shared>> -> memref<10240xf32, #tpu.memory_space<vmem_shared>>
        tpu.wait_indirect_dma semaphore(%run_scoped3A : memref<!tpu.dma_semaphore, #tpu.memory_space<semaphore_mem>>) src(%arg16 : memref<256xf32, #tpu.memory_space<vmem>>) dst(%dma_wait3A_109 : memref<10240xf32, #tpu.memory_space<vmem_shared>>)
        tpu.yield
      }) : () -> ()
      "tpu.region"() ({
        %run_scoped3A = tpu.sem_alloc : memref<!tpu.dma_semaphore, #tpu.memory_space<semaphore_mem>>
        %dma_start3A_100 = arith.constant 0 : i32
        %dma_start3A_101 = tpu.memref_slice %arg11[%add3A_75, %dma_start3A_100] : memref<40x256xi32, #tpu.memory_space<vmem>> -> memref<1x256xi32, #tpu.memory_space<vmem>>
        %dma_start3A_102 = tpu.memref_squeeze %dma_start3A_101 : memref<1x256xi32, #tpu.memory_space<vmem>> -> memref<256xi32, #tpu.memory_space<vmem>>
        %dma_start3A_103 = arith.constant 0 : i32
        %dma_start3A_104 = tpu.memref_slice %arg10[%dma_start3A_103] : memref<10240xf32, #tpu.memory_space<vmem_shared>> -> memref<10240xf32, #tpu.memory_space<vmem_shared>>
        tpu.enqueue_indirect_dma source(%arg16 : memref<256xf32, #tpu.memory_space<vmem>>) target(%dma_start3A_104 : memref<10240xf32, #tpu.memory_space<vmem_shared>>) offsets(%dma_start3A_102 : memref<256xi32, #tpu.memory_space<vmem>>) semaphore(%run_scoped3A : memref<!tpu.dma_semaphore, #tpu.memory_space<semaphore_mem>>) {add = true}
        %dma_wait3A_105 = arith.constant 0 : i32
        %dma_wait3A_106 = tpu.memref_slice %arg11[%add3A_75, %dma_wait3A_105] : memref<40x256xi32, #tpu.memory_space<vmem>> -> memref<1x256xi32, #tpu.memory_space<vmem>>
        %dma_wait3A_107 = tpu.memref_squeeze %dma_wait3A_106 : memref<1x256xi32, #tpu.memory_space<vmem>> -> memref<256xi32, #tpu.memory_space<vmem>>
        %dma_wait3A_108 = arith.constant 0 : i32
        %dma_wait3A_109 = tpu.memref_slice %arg10[%dma_wait3A_108] : memref<10240xf32, #tpu.memory_space<vmem_shared>> -> memref<10240xf32, #tpu.memory_space<vmem_shared>>
        tpu.wait_indirect_dma semaphore(%run_scoped3A : memref<!tpu.dma_semaphore, #tpu.memory_space<semaphore_mem>>) src(%arg16 : memref<256xf32, #tpu.memory_space<vmem>>) dst(%dma_wait3A_109 : memref<10240xf32, #tpu.memory_space<vmem_shared>>)
        tpu.yield
      }) : () -> ()
      %while3A_99 = arith.constant 0 : i32
      scf.yield %while3A_99 : i32
    }
    %barrier3A_69 = arith.constant 0 : index
    tpu.barrier barrier_id(%barrier3A_69)
    "tpu.region"() ({
      %run_scoped3A = tpu.sem_alloc : memref<!tpu.dma_semaphore, #tpu.memory_space<semaphore_mem>>
      %dma_start3A_70 = arith.constant 0 : i32
      %dma_start3A_71 = tpu.memref_slice %arg8[%mul3A_2, %dma_start3A_70] : memref<10240x16xf32, #tpu.memory_space<vmem_shared>> -> memref<640x16xf32, #tpu.memory_space<vmem_shared>>
      %dma_start3A_72 = arith.constant 0 : i32
      %dma_start3A_73 = tpu.memref_slice %arg8[%mul3A_2, %dma_start3A_72] : memref<10240x16xf32, #tpu.memory_space<vmem_shared>> -> memref<640x16xf32, #tpu.memory_space<vmem_shared>>
      tpu.enqueue_dma source(%dma_start3A_73 : memref<640x16xf32, #tpu.memory_space<vmem_shared>>) target(%arg15 : memref<640x16xf32, #tpu.memory_space<vmem>>) target_semaphore(%run_scoped3A : memref<!tpu.dma_semaphore, #tpu.memory_space<semaphore_mem>>)
      %dma_wait3A = arith.constant 0 : i32
      %dma_wait3A_74 = tpu.memref_slice %arg8[%mul3A_2, %dma_wait3A] : memref<10240x16xf32, #tpu.memory_space<vmem_shared>> -> memref<640x16xf32, #tpu.memory_space<vmem_shared>>
      %dma_wait3A_75 = arith.constant 0 : i32
      %dma_wait3A_76 = tpu.memref_slice %arg8[%mul3A_2, %dma_wait3A_75] : memref<10240x16xf32, #tpu.memory_space<vmem_shared>> -> memref<640x16xf32, #tpu.memory_space<vmem_shared>>
      tpu.wait_dma2 semaphore(%run_scoped3A : memref<!tpu.dma_semaphore, #tpu.memory_space<semaphore_mem>>) src(%dma_wait3A_76 : memref<640x16xf32, #tpu.memory_space<vmem_shared>>) dst(%arg15 : memref<640x16xf32, #tpu.memory_space<vmem>>)
      tpu.yield
    }) : () -> ()
    "tpu.region"() ({
      %run_scoped3A = tpu.sem_alloc : memref<!tpu.dma_semaphore, #tpu.memory_space<semaphore_mem>>
      %dma_start3A_70 = arith.constant 0 : i32
      %dma_start3A_71 = tpu.memref_slice %arg4[%arg0, %mul3A_2, %dma_start3A_70] : memref<2x10240x16xf32, #tpu.memory_space<hbm>> -> memref<1x640x16xf32, #tpu.memory_space<hbm>>
      %dma_start3A_72 = tpu.memref_squeeze %dma_start3A_71 : memref<1x640x16xf32, #tpu.memory_space<hbm>> -> memref<640x16xf32, #tpu.memory_space<hbm>>
      %dma_start3A_73 = arith.constant 0 : i32
      %dma_start3A_74 = tpu.memref_slice %arg4[%arg0, %mul3A_2, %dma_start3A_73] : memref<2x10240x16xf32, #tpu.memory_space<hbm>> -> memref<1x640x16xf32, #tpu.memory_space<hbm>>
      %dma_start3A_75 = tpu.memref_squeeze %dma_start3A_74 : memref<1x640x16xf32, #tpu.memory_space<hbm>> -> memref<640x16xf32, #tpu.memory_space<hbm>>
      tpu.enqueue_dma source(%arg15 : memref<640x16xf32, #tpu.memory_space<vmem>>) target(%dma_start3A_75 : memref<640x16xf32, #tpu.memory_space<hbm>>) target_semaphore(%run_scoped3A : memref<!tpu.dma_semaphore, #tpu.memory_space<semaphore_mem>>)
      %dma_wait3A = arith.constant 0 : i32
      %dma_wait3A_76 = tpu.memref_slice %arg4[%arg0, %mul3A_2, %dma_wait3A] : memref<2x10240x16xf32, #tpu.memory_space<hbm>> -> memref<1x640x16xf32, #tpu.memory_space<hbm>>
      %dma_wait3A_77 = tpu.memref_squeeze %dma_wait3A_76 : memref<1x640x16xf32, #tpu.memory_space<hbm>> -> memref<640x16xf32, #tpu.memory_space<hbm>>
      %dma_wait3A_78 = arith.constant 0 : i32
      %dma_wait3A_79 = tpu.memref_slice %arg4[%arg0, %mul3A_2, %dma_wait3A_78] : memref<2x10240x16xf32, #tpu.memory_space<hbm>> -> memref<1x640x16xf32, #tpu.memory_space<hbm>>
      %dma_wait3A_80 = tpu.memref_squeeze %dma_wait3A_79 : memref<1x640x16xf32, #tpu.memory_space<hbm>> -> memref<640x16xf32, #tpu.memory_space<hbm>>
      tpu.wait_dma2 semaphore(%run_scoped3A : memref<!tpu.dma_semaphore, #tpu.memory_space<semaphore_mem>>) src(%arg15 : memref<640x16xf32, #tpu.memory_space<vmem>>) dst(%dma_wait3A_80 : memref<640x16xf32, #tpu.memory_space<hbm>>)
      tpu.yield
    }) : () -> ()
    "tpu.region"() ({
      %run_scoped3A = tpu.sem_alloc : memref<!tpu.dma_semaphore, #tpu.memory_space<semaphore_mem>>
      %dma_start3A_70 = tpu.memref_slice %arg9[%mul3A_2] : memref<10240xf32, #tpu.memory_space<vmem_shared>> -> memref<640xf32, #tpu.memory_space<vmem_shared>>
      %dma_start3A_71 = tpu.memref_slice %arg9[%mul3A_2] : memref<10240xf32, #tpu.memory_space<vmem_shared>> -> memref<640xf32, #tpu.memory_space<vmem_shared>>
      tpu.enqueue_dma source(%dma_start3A_71 : memref<640xf32, #tpu.memory_space<vmem_shared>>) target(%arg17 : memref<640xf32, #tpu.memory_space<vmem>>) target_semaphore(%run_scoped3A : memref<!tpu.dma_semaphore, #tpu.memory_space<semaphore_mem>>)
      %dma_wait3A = tpu.memref_slice %arg9[%mul3A_2] : memref<10240xf32, #tpu.memory_space<vmem_shared>> -> memref<640xf32, #tpu.memory_space<vmem_shared>>
      %dma_wait3A_72 = tpu.memref_slice %arg9[%mul3A_2] : memref<10240xf32, #tpu.memory_space<vmem_shared>> -> memref<640xf32, #tpu.memory_space<vmem_shared>>
      tpu.wait_dma2 semaphore(%run_scoped3A : memref<!tpu.dma_semaphore, #tpu.memory_space<semaphore_mem>>) src(%dma_wait3A_72 : memref<640xf32, #tpu.memory_space<vmem_shared>>) dst(%arg17 : memref<640xf32, #tpu.memory_space<vmem>>)
      tpu.yield
    }) : () -> ()
    "tpu.region"() ({
      %run_scoped3A = tpu.sem_alloc : memref<!tpu.dma_semaphore, #tpu.memory_space<semaphore_mem>>
      %dma_start3A_70 = tpu.memref_slice %arg5[%arg0, %mul3A_2] : memref<2x10240xf32, #tpu.memory_space<hbm>> -> memref<1x640xf32, #tpu.memory_space<hbm>>
      %dma_start3A_71 = tpu.memref_squeeze %dma_start3A_70 : memref<1x640xf32, #tpu.memory_space<hbm>> -> memref<640xf32, #tpu.memory_space<hbm>>
      %dma_start3A_72 = tpu.memref_slice %arg5[%arg0, %mul3A_2] : memref<2x10240xf32, #tpu.memory_space<hbm>> -> memref<1x640xf32, #tpu.memory_space<hbm>>
      %dma_start3A_73 = tpu.memref_squeeze %dma_start3A_72 : memref<1x640xf32, #tpu.memory_space<hbm>> -> memref<640xf32, #tpu.memory_space<hbm>>
      tpu.enqueue_dma source(%arg17 : memref<640xf32, #tpu.memory_space<vmem>>) target(%dma_start3A_73 : memref<640xf32, #tpu.memory_space<hbm>>) target_semaphore(%run_scoped3A : memref<!tpu.dma_semaphore, #tpu.memory_space<semaphore_mem>>)
      %dma_wait3A = tpu.memref_slice %arg5[%arg0, %mul3A_2] : memref<2x10240xf32, #tpu.memory_space<hbm>> -> memref<1x640xf32, #tpu.memory_space<hbm>>
      %dma_wait3A_74 = tpu.memref_squeeze %dma_wait3A : memref<1x640xf32, #tpu.memory_space<hbm>> -> memref<640xf32, #tpu.memory_space<hbm>>
      %dma_wait3A_75 = tpu.memref_slice %arg5[%arg0, %mul3A_2] : memref<2x10240xf32, #tpu.memory_space<hbm>> -> memref<1x640xf32, #tpu.memory_space<hbm>>
      %dma_wait3A_76 = tpu.memref_squeeze %dma_wait3A_75 : memref<1x640xf32, #tpu.memory_space<hbm>> -> memref<640xf32, #tpu.memory_space<hbm>>
      tpu.wait_dma2 semaphore(%run_scoped3A : memref<!tpu.dma_semaphore, #tpu.memory_space<semaphore_mem>>) src(%arg17 : memref<640xf32, #tpu.memory_space<vmem>>) dst(%dma_wait3A_76 : memref<640xf32, #tpu.memory_space<hbm>>)
      tpu.yield
    }) : () -> ()
    "tpu.region"() ({
      %run_scoped3A = tpu.sem_alloc : memref<!tpu.dma_semaphore, #tpu.memory_space<semaphore_mem>>
      %dma_start3A_70 = tpu.memref_slice %arg10[%mul3A_2] : memref<10240xf32, #tpu.memory_space<vmem_shared>> -> memref<640xf32, #tpu.memory_space<vmem_shared>>
      %dma_start3A_71 = tpu.memref_slice %arg10[%mul3A_2] : memref<10240xf32, #tpu.memory_space<vmem_shared>> -> memref<640xf32, #tpu.memory_space<vmem_shared>>
      tpu.enqueue_dma source(%dma_start3A_71 : memref<640xf32, #tpu.memory_space<vmem_shared>>) target(%arg17 : memref<640xf32, #tpu.memory_space<vmem>>) target_semaphore(%run_scoped3A : memref<!tpu.dma_semaphore, #tpu.memory_space<semaphore_mem>>)
      %dma_wait3A = tpu.memref_slice %arg10[%mul3A_2] : memref<10240xf32, #tpu.memory_space<vmem_shared>> -> memref<640xf32, #tpu.memory_space<vmem_shared>>
      %dma_wait3A_72 = tpu.memref_slice %arg10[%mul3A_2] : memref<10240xf32, #tpu.memory_space<vmem_shared>> -> memref<640xf32, #tpu.memory_space<vmem_shared>>
      tpu.wait_dma2 semaphore(%run_scoped3A : memref<!tpu.dma_semaphore, #tpu.memory_space<semaphore_mem>>) src(%dma_wait3A_72 : memref<640xf32, #tpu.memory_space<vmem_shared>>) dst(%arg17 : memref<640xf32, #tpu.memory_space<vmem>>)
      tpu.yield
    }) : () -> ()
    "tpu.region"() ({
      %run_scoped3A = tpu.sem_alloc : memref<!tpu.dma_semaphore, #tpu.memory_space<semaphore_mem>>
      %dma_start3A_70 = tpu.memref_slice %arg6[%arg0, %mul3A_2] : memref<2x10240xf32, #tpu.memory_space<hbm>> -> memref<1x640xf32, #tpu.memory_space<hbm>>
      %dma_start3A_71 = tpu.memref_squeeze %dma_start3A_70 : memref<1x640xf32, #tpu.memory_space<hbm>> -> memref<640xf32, #tpu.memory_space<hbm>>
      %dma_start3A_72 = tpu.memref_slice %arg6[%arg0, %mul3A_2] : memref<2x10240xf32, #tpu.memory_space<hbm>> -> memref<1x640xf32, #tpu.memory_space<hbm>>
      %dma_start3A_73 = tpu.memref_squeeze %dma_start3A_72 : memref<1x640xf32, #tpu.memory_space<hbm>> -> memref<640xf32, #tpu.memory_space<hbm>>
      tpu.enqueue_dma source(%arg17 : memref<640xf32, #tpu.memory_space<vmem>>) target(%dma_start3A_73 : memref<640xf32, #tpu.memory_space<hbm>>) target_semaphore(%run_scoped3A : memref<!tpu.dma_semaphore, #tpu.memory_space<semaphore_mem>>)
      %dma_wait3A = tpu.memref_slice %arg6[%arg0, %mul3A_2] : memref<2x10240xf32, #tpu.memory_space<hbm>> -> memref<1x640xf32, #tpu.memory_space<hbm>>
      %dma_wait3A_74 = tpu.memref_squeeze %dma_wait3A : memref<1x640xf32, #tpu.memory_space<hbm>> -> memref<640xf32, #tpu.memory_space<hbm>>
      %dma_wait3A_75 = tpu.memref_slice %arg6[%arg0, %mul3A_2] : memref<2x10240xf32, #tpu.memory_space<hbm>> -> memref<1x640xf32, #tpu.memory_space<hbm>>
      %dma_wait3A_76 = tpu.memref_squeeze %dma_wait3A_75 : memref<1x640xf32, #tpu.memory_space<hbm>> -> memref<640xf32, #tpu.memory_space<hbm>>
      tpu.wait_dma2 semaphore(%run_scoped3A : memref<!tpu.dma_semaphore, #tpu.memory_space<semaphore_mem>>) src(%arg17 : memref<640xf32, #tpu.memory_space<vmem>>) dst(%dma_wait3A_76 : memref<640xf32, #tpu.memory_space<hbm>>)
      tpu.yield
    }) : () -> ()
    return
  }
}

#map = affine_map<(d0, d1) -> (0, 0, 0)>
#map1 = affine_map<(d0, d1) -> (0, 0)>
module attributes {stable_mosaic.version = 14 : i64} {
  func.func @body(%arg0: i32, %arg1: i32, %arg2: memref<2x10240x16xf32, #tpu.memory_space<hbm>>, %arg3: memref<2x10240xf32, #tpu.memory_space<hbm>>, %arg4: memref<2500x256xi32, #tpu.memory_space<hbm>>, %arg5: memref<2x10240x16xf32, #tpu.memory_space<hbm>>, %arg6: memref<10240x16xf32, #tpu.memory_space<vmem_shared>>, %arg7: memref<10240x16xf32, #tpu.memory_space<vmem_shared>>, %arg8: memref<40x256xi32, #tpu.memory_space<vmem>>, %arg9: memref<40x256xi32, #tpu.memory_space<vmem>>, %arg10: memref<256x16xf32, #tpu.memory_space<vmem>>, %arg11: memref<256x16xf32, #tpu.memory_space<vmem>>, %arg12: memref<640x16xf32, #tpu.memory_space<vmem>>, %arg13: memref<2x640x16xf32, #tpu.memory_space<vmem>>, %arg14: memref<2x640xf32, #tpu.memory_space<vmem>>, %arg15: memref<640x16xf32, #tpu.memory_space<vmem>>, %arg16: memref<!tpu.dma_semaphore, #tpu.memory_space<semaphore_mem>>, %arg17: memref<!tpu.dma_semaphore, #tpu.memory_space<semaphore_mem>>) attributes {dimension_semantics = [#tpu.dimension_semantics<core_parallel>, #tpu.dimension_semantics<subcore_parallel>], iteration_bounds = array<i64: 2, 16>, scalar_prefetch = 0 : i64, scratch_operands = 12 : i64, tpu.core_type = #tpu.core_type<sc_vector_subcore>, window_params = [{transform_indices = #map}, {transform_indices = #map1}, {transform_indices = #map1}, {transform_indices = #map}]} {
    %mul3A = arith.constant 16 : i32
    %mul3A_0 = arith.muli %arg0, %mul3A : i32
    %add3A = arith.addi %mul3A_0, %arg1 : i32
    %mul3A_1 = arith.constant 640 : i32
    %mul3A_2 = arith.muli %arg1, %mul3A_1 : i32
    %scan3A = arith.constant 0 : i32
    %scan3A_3 = arith.constant 0 : i32
    %scan3A_4 = arith.constant 640 : i32
    %scan3A_5 = arith.addi %scan3A_3, %scan3A_4 : i32
    %scan3A_6 = arith.constant 1 : i32
    %scan3A_7 = scf.for %scan3A_70 = %scan3A_3 to %scan3A_5 step %scan3A_6 iter_args(%scan3A_71 = %scan3A) -> (i32)  : i32 {
      %broadcast_in_dim3A = arith.constant 0.000000e+00 : f32
      %broadcast_in_dim3A_72 = vector.broadcast %broadcast_in_dim3A : f32 to vector<16xf32>
      %swap3A = arith.index_cast %scan3A_70 : i32 to index
      %swap3A_73 = arith.constant 0 : index
      %swap3A_74 = tpu.vector_load %arg12[%swap3A, %swap3A_73] {strides = array<i32>} : memref<640x16xf32, #tpu.memory_space<vmem>>, vector<16xf32>,
      tpu.vector_store %arg12[%swap3A, %swap3A_73], %broadcast_in_dim3A_72 {strides = array<i32>} : memref<640x16xf32, #tpu.memory_space<vmem>>, vector<16xf32>,
      %scan3A_75 = arith.constant 0 : i32
      scf.yield %scan3A_75 : i32
    }
    %scan3A_8 = arith.constant 640 : i32
    "tpu.region"() ({
      %run_scoped3A_70 = tpu.sem_alloc : memref<!tpu.dma_semaphore, #tpu.memory_space<semaphore_mem>>
      %dma_start3A_71 = arith.constant 0 : i32
      %dma_start3A_72 = tpu.memref_slice %arg7[%mul3A_2, %dma_start3A_71] : memref<10240x16xf32, #tpu.memory_space<vmem_shared>> -> memref<640x16xf32, #tpu.memory_space<vmem_shared>>
      %dma_start3A_73 = arith.constant 0 : i32
      %dma_start3A_74 = tpu.memref_slice %arg7[%mul3A_2, %dma_start3A_73] : memref<10240x16xf32, #tpu.memory_space<vmem_shared>> -> memref<640x16xf32, #tpu.memory_space<vmem_shared>>
      tpu.enqueue_dma source(%arg12 : memref<640x16xf32, #tpu.memory_space<vmem>>) target(%dma_start3A_74 : memref<640x16xf32, #tpu.memory_space<vmem_shared>>) target_semaphore(%run_scoped3A_70 : memref<!tpu.dma_semaphore, #tpu.memory_space<semaphore_mem>>)
      %dma_wait3A = arith.constant 0 : i32
      %dma_wait3A_75 = tpu.memref_slice %arg7[%mul3A_2, %dma_wait3A] : memref<10240x16xf32, #tpu.memory_space<vmem_shared>> -> memref<640x16xf32, #tpu.memory_space<vmem_shared>>
      %dma_wait3A_76 = arith.constant 0 : i32
      %dma_wait3A_77 = tpu.memref_slice %arg7[%mul3A_2, %dma_wait3A_76] : memref<10240x16xf32, #tpu.memory_space<vmem_shared>> -> memref<640x16xf32, #tpu.memory_space<vmem_shared>>
      tpu.wait_dma2 semaphore(%run_scoped3A_70 : memref<!tpu.dma_semaphore, #tpu.memory_space<semaphore_mem>>) src(%arg12 : memref<640x16xf32, #tpu.memory_space<vmem>>) dst(%dma_wait3A_77 : memref<640x16xf32, #tpu.memory_space<vmem_shared>>)
      tpu.yield
    }) : () -> ()
    %run_scoped3A = arith.constant 0 : i32
    %run_scoped3A_9 = arith.constant 0 : i32
    "tpu.region"() ({
      %run_scoped3A_70 = tpu.sem_alloc : memref<!tpu.dma_semaphore, #tpu.memory_space<semaphore_mem>>
      %dma_start3A_71 = arith.constant 0 : i32
      %dma_start3A_72 = arith.constant 0 : i32
      %dma_start3A_73 = tpu.memref_slice %arg13[%run_scoped3A_9, %dma_start3A_71, %dma_start3A_72] : memref<2x640x16xf32, #tpu.memory_space<vmem>> -> memref<1x640x16xf32, #tpu.memory_space<vmem>>
      %dma_start3A_74 = tpu.memref_squeeze %dma_start3A_73 : memref<1x640x16xf32, #tpu.memory_space<vmem>> -> memref<640x16xf32, #tpu.memory_space<vmem>>
      %dma_start3A_75 = arith.constant 0 : i32
      %dma_start3A_76 = tpu.memref_slice %arg2[%run_scoped3A, %mul3A_2, %dma_start3A_75] : memref<2x10240x16xf32, #tpu.memory_space<hbm>> -> memref<1x640x16xf32, #tpu.memory_space<hbm>>
      %dma_start3A_77 = tpu.memref_squeeze %dma_start3A_76 : memref<1x640x16xf32, #tpu.memory_space<hbm>> -> memref<640x16xf32, #tpu.memory_space<hbm>>
      %dma_start3A_78 = arith.constant 0 : i32
      %dma_start3A_79 = arith.constant 0 : i32
      %dma_start3A_80 = tpu.memref_slice %arg13[%run_scoped3A_9, %dma_start3A_78, %dma_start3A_79] : memref<2x640x16xf32, #tpu.memory_space<vmem>> -> memref<1x640x16xf32, #tpu.memory_space<vmem>>
      %dma_start3A_81 = tpu.memref_squeeze %dma_start3A_80 : memref<1x640x16xf32, #tpu.memory_space<vmem>> -> memref<640x16xf32, #tpu.memory_space<vmem>>
      %dma_start3A_82 = arith.constant 0 : i32
      %dma_start3A_83 = tpu.memref_slice %arg2[%run_scoped3A, %mul3A_2, %dma_start3A_82] : memref<2x10240x16xf32, #tpu.memory_space<hbm>> -> memref<1x640x16xf32, #tpu.memory_space<hbm>>
      %dma_start3A_84 = tpu.memref_squeeze %dma_start3A_83 : memref<1x640x16xf32, #tpu.memory_space<hbm>> -> memref<640x16xf32, #tpu.memory_space<hbm>>
      tpu.enqueue_dma source(%dma_start3A_84 : memref<640x16xf32, #tpu.memory_space<hbm>>) target(%dma_start3A_81 : memref<640x16xf32, #tpu.memory_space<vmem>>) target_semaphore(%run_scoped3A_70 : memref<!tpu.dma_semaphore, #tpu.memory_space<semaphore_mem>>)
      %dma_wait3A = arith.constant 0 : i32
      %dma_wait3A_85 = arith.constant 0 : i32
      %dma_wait3A_86 = tpu.memref_slice %arg13[%run_scoped3A_9, %dma_wait3A, %dma_wait3A_85] : memref<2x640x16xf32, #tpu.memory_space<vmem>> -> memref<1x640x16xf32, #tpu.memory_space<vmem>>
      %dma_wait3A_87 = tpu.memref_squeeze %dma_wait3A_86 : memref<1x640x16xf32, #tpu.memory_space<vmem>> -> memref<640x16xf32, #tpu.memory_space<vmem>>
      %dma_wait3A_88 = arith.constant 0 : i32
      %dma_wait3A_89 = tpu.memref_slice %arg2[%run_scoped3A, %mul3A_2, %dma_wait3A_88] : memref<2x10240x16xf32, #tpu.memory_space<hbm>> -> memref<1x640x16xf32, #tpu.memory_space<hbm>>
      %dma_wait3A_90 = tpu.memref_squeeze %dma_wait3A_89 : memref<1x640x16xf32, #tpu.memory_space<hbm>> -> memref<640x16xf32, #tpu.memory_space<hbm>>
      %dma_wait3A_91 = arith.constant 0 : i32
      %dma_wait3A_92 = arith.constant 0 : i32
      %dma_wait3A_93 = tpu.memref_slice %arg13[%run_scoped3A_9, %dma_wait3A_91, %dma_wait3A_92] : memref<2x640x16xf32, #tpu.memory_space<vmem>> -> memref<1x640x16xf32, #tpu.memory_space<vmem>>
      %dma_wait3A_94 = tpu.memref_squeeze %dma_wait3A_93 : memref<1x640x16xf32, #tpu.memory_space<vmem>> -> memref<640x16xf32, #tpu.memory_space<vmem>>
      %dma_wait3A_95 = arith.constant 0 : i32
      %dma_wait3A_96 = tpu.memref_slice %arg2[%run_scoped3A, %mul3A_2, %dma_wait3A_95] : memref<2x10240x16xf32, #tpu.memory_space<hbm>> -> memref<1x640x16xf32, #tpu.memory_space<hbm>>
      %dma_wait3A_97 = tpu.memref_squeeze %dma_wait3A_96 : memref<1x640x16xf32, #tpu.memory_space<hbm>> -> memref<640x16xf32, #tpu.memory_space<hbm>>
      tpu.wait_dma2 semaphore(%run_scoped3A_70 : memref<!tpu.dma_semaphore, #tpu.memory_space<semaphore_mem>>) src(%dma_wait3A_97 : memref<640x16xf32, #tpu.memory_space<hbm>>) dst(%dma_wait3A_94 : memref<640x16xf32, #tpu.memory_space<vmem>>)
      tpu.yield
    }) : () -> ()
    %run_scoped3A_10 = arith.constant 1 : i32
    %run_scoped3A_11 = arith.constant 1 : i32
    "tpu.region"() ({
      %run_scoped3A_70 = tpu.sem_alloc : memref<!tpu.dma_semaphore, #tpu.memory_space<semaphore_mem>>
      %dma_start3A_71 = arith.constant 0 : i32
      %dma_start3A_72 = arith.constant 0 : i32
      %dma_start3A_73 = tpu.memref_slice %arg13[%run_scoped3A_11, %dma_start3A_71, %dma_start3A_72] : memref<2x640x16xf32, #tpu.memory_space<vmem>> -> memref<1x640x16xf32, #tpu.memory_space<vmem>>
      %dma_start3A_74 = tpu.memref_squeeze %dma_start3A_73 : memref<1x640x16xf32, #tpu.memory_space<vmem>> -> memref<640x16xf32, #tpu.memory_space<vmem>>
      %dma_start3A_75 = arith.constant 0 : i32
      %dma_start3A_76 = tpu.memref_slice %arg2[%run_scoped3A_10, %mul3A_2, %dma_start3A_75] : memref<2x10240x16xf32, #tpu.memory_space<hbm>> -> memref<1x640x16xf32, #tpu.memory_space<hbm>>
      %dma_start3A_77 = tpu.memref_squeeze %dma_start3A_76 : memref<1x640x16xf32, #tpu.memory_space<hbm>> -> memref<640x16xf32, #tpu.memory_space<hbm>>
      %dma_start3A_78 = arith.constant 0 : i32
      %dma_start3A_79 = arith.constant 0 : i32
      %dma_start3A_80 = tpu.memref_slice %arg13[%run_scoped3A_11, %dma_start3A_78, %dma_start3A_79] : memref<2x640x16xf32, #tpu.memory_space<vmem>> -> memref<1x640x16xf32, #tpu.memory_space<vmem>>
      %dma_start3A_81 = tpu.memref_squeeze %dma_start3A_80 : memref<1x640x16xf32, #tpu.memory_space<vmem>> -> memref<640x16xf32, #tpu.memory_space<vmem>>
      %dma_start3A_82 = arith.constant 0 : i32
      %dma_start3A_83 = tpu.memref_slice %arg2[%run_scoped3A_10, %mul3A_2, %dma_start3A_82] : memref<2x10240x16xf32, #tpu.memory_space<hbm>> -> memref<1x640x16xf32, #tpu.memory_space<hbm>>
      %dma_start3A_84 = tpu.memref_squeeze %dma_start3A_83 : memref<1x640x16xf32, #tpu.memory_space<hbm>> -> memref<640x16xf32, #tpu.memory_space<hbm>>
      tpu.enqueue_dma source(%dma_start3A_84 : memref<640x16xf32, #tpu.memory_space<hbm>>) target(%dma_start3A_81 : memref<640x16xf32, #tpu.memory_space<vmem>>) target_semaphore(%run_scoped3A_70 : memref<!tpu.dma_semaphore, #tpu.memory_space<semaphore_mem>>)
      %dma_wait3A = arith.constant 0 : i32
      %dma_wait3A_85 = arith.constant 0 : i32
      %dma_wait3A_86 = tpu.memref_slice %arg13[%run_scoped3A_11, %dma_wait3A, %dma_wait3A_85] : memref<2x640x16xf32, #tpu.memory_space<vmem>> -> memref<1x640x16xf32, #tpu.memory_space<vmem>>
      %dma_wait3A_87 = tpu.memref_squeeze %dma_wait3A_86 : memref<1x640x16xf32, #tpu.memory_space<vmem>> -> memref<640x16xf32, #tpu.memory_space<vmem>>
      %dma_wait3A_88 = arith.constant 0 : i32
      %dma_wait3A_89 = tpu.memref_slice %arg2[%run_scoped3A_10, %mul3A_2, %dma_wait3A_88] : memref<2x10240x16xf32, #tpu.memory_space<hbm>> -> memref<1x640x16xf32, #tpu.memory_space<hbm>>
      %dma_wait3A_90 = tpu.memref_squeeze %dma_wait3A_89 : memref<1x640x16xf32, #tpu.memory_space<hbm>> -> memref<640x16xf32, #tpu.memory_space<hbm>>
      %dma_wait3A_91 = arith.constant 0 : i32
      %dma_wait3A_92 = arith.constant 0 : i32
      %dma_wait3A_93 = tpu.memref_slice %arg13[%run_scoped3A_11, %dma_wait3A_91, %dma_wait3A_92] : memref<2x640x16xf32, #tpu.memory_space<vmem>> -> memref<1x640x16xf32, #tpu.memory_space<vmem>>
      %dma_wait3A_94 = tpu.memref_squeeze %dma_wait3A_93 : memref<1x640x16xf32, #tpu.memory_space<vmem>> -> memref<640x16xf32, #tpu.memory_space<vmem>>
      %dma_wait3A_95 = arith.constant 0 : i32
      %dma_wait3A_96 = tpu.memref_slice %arg2[%run_scoped3A_10, %mul3A_2, %dma_wait3A_95] : memref<2x10240x16xf32, #tpu.memory_space<hbm>> -> memref<1x640x16xf32, #tpu.memory_space<hbm>>
      %dma_wait3A_97 = tpu.memref_squeeze %dma_wait3A_96 : memref<1x640x16xf32, #tpu.memory_space<hbm>> -> memref<640x16xf32, #tpu.memory_space<hbm>>
      tpu.wait_dma2 semaphore(%run_scoped3A_70 : memref<!tpu.dma_semaphore, #tpu.memory_space<semaphore_mem>>) src(%dma_wait3A_97 : memref<640x16xf32, #tpu.memory_space<hbm>>) dst(%dma_wait3A_94 : memref<640x16xf32, #tpu.memory_space<vmem>>)
      tpu.yield
    }) : () -> ()
    %run_scoped3A_12 = arith.constant 0 : i32
    %run_scoped3A_13 = arith.constant 0 : i32
    "tpu.region"() ({
      %run_scoped3A_70 = tpu.sem_alloc : memref<!tpu.dma_semaphore, #tpu.memory_space<semaphore_mem>>
      %dma_start3A_71 = arith.constant 0 : i32
      %dma_start3A_72 = tpu.memref_slice %arg14[%run_scoped3A_13, %dma_start3A_71] : memref<2x640xf32, #tpu.memory_space<vmem>> -> memref<1x640xf32, #tpu.memory_space<vmem>>
      %dma_start3A_73 = tpu.memref_squeeze %dma_start3A_72 : memref<1x640xf32, #tpu.memory_space<vmem>> -> memref<640xf32, #tpu.memory_space<vmem>>
      %dma_start3A_74 = tpu.memref_slice %arg3[%run_scoped3A_12, %mul3A_2] : memref<2x10240xf32, #tpu.memory_space<hbm>> -> memref<1x640xf32, #tpu.memory_space<hbm>>
      %dma_start3A_75 = tpu.memref_squeeze %dma_start3A_74 : memref<1x640xf32, #tpu.memory_space<hbm>> -> memref<640xf32, #tpu.memory_space<hbm>>
      %dma_start3A_76 = arith.constant 0 : i32
      %dma_start3A_77 = tpu.memref_slice %arg14[%run_scoped3A_13, %dma_start3A_76] : memref<2x640xf32, #tpu.memory_space<vmem>> -> memref<1x640xf32, #tpu.memory_space<vmem>>
      %dma_start3A_78 = tpu.memref_squeeze %dma_start3A_77 : memref<1x640xf32, #tpu.memory_space<vmem>> -> memref<640xf32, #tpu.memory_space<vmem>>
      %dma_start3A_79 = tpu.memref_slice %arg3[%run_scoped3A_12, %mul3A_2] : memref<2x10240xf32, #tpu.memory_space<hbm>> -> memref<1x640xf32, #tpu.memory_space<hbm>>
      %dma_start3A_80 = tpu.memref_squeeze %dma_start3A_79 : memref<1x640xf32, #tpu.memory_space<hbm>> -> memref<640xf32, #tpu.memory_space<hbm>>
      tpu.enqueue_dma source(%dma_start3A_80 : memref<640xf32, #tpu.memory_space<hbm>>) target(%dma_start3A_78 : memref<640xf32, #tpu.memory_space<vmem>>) target_semaphore(%run_scoped3A_70 : memref<!tpu.dma_semaphore, #tpu.memory_space<semaphore_mem>>)
      %dma_wait3A = arith.constant 0 : i32
      %dma_wait3A_81 = tpu.memref_slice %arg14[%run_scoped3A_13, %dma_wait3A] : memref<2x640xf32, #tpu.memory_space<vmem>> -> memref<1x640xf32, #tpu.memory_space<vmem>>
      %dma_wait3A_82 = tpu.memref_squeeze %dma_wait3A_81 : memref<1x640xf32, #tpu.memory_space<vmem>> -> memref<640xf32, #tpu.memory_space<vmem>>
      %dma_wait3A_83 = tpu.memref_slice %arg3[%run_scoped3A_12, %mul3A_2] : memref<2x10240xf32, #tpu.memory_space<hbm>> -> memref<1x640xf32, #tpu.memory_space<hbm>>
      %dma_wait3A_84 = tpu.memref_squeeze %dma_wait3A_83 : memref<1x640xf32, #tpu.memory_space<hbm>> -> memref<640xf32, #tpu.memory_space<hbm>>
      %dma_wait3A_85 = arith.constant 0 : i32
      %dma_wait3A_86 = tpu.memref_slice %arg14[%run_scoped3A_13, %dma_wait3A_85] : memref<2x640xf32, #tpu.memory_space<vmem>> -> memref<1x640xf32, #tpu.memory_space<vmem>>
      %dma_wait3A_87 = tpu.memref_squeeze %dma_wait3A_86 : memref<1x640xf32, #tpu.memory_space<vmem>> -> memref<640xf32, #tpu.memory_space<vmem>>
      %dma_wait3A_88 = tpu.memref_slice %arg3[%run_scoped3A_12, %mul3A_2] : memref<2x10240xf32, #tpu.memory_space<hbm>> -> memref<1x640xf32, #tpu.memory_space<hbm>>
      %dma_wait3A_89 = tpu.memref_squeeze %dma_wait3A_88 : memref<1x640xf32, #tpu.memory_space<hbm>> -> memref<640xf32, #tpu.memory_space<hbm>>
      tpu.wait_dma2 semaphore(%run_scoped3A_70 : memref<!tpu.dma_semaphore, #tpu.memory_space<semaphore_mem>>) src(%dma_wait3A_89 : memref<640xf32, #tpu.memory_space<hbm>>) dst(%dma_wait3A_87 : memref<640xf32, #tpu.memory_space<vmem>>)
      tpu.yield
    }) : () -> ()
    %run_scoped3A_14 = arith.constant 1 : i32
    %run_scoped3A_15 = arith.constant 1 : i32
    "tpu.region"() ({
      %run_scoped3A_70 = tpu.sem_alloc : memref<!tpu.dma_semaphore, #tpu.memory_space<semaphore_mem>>
      %dma_start3A_71 = arith.constant 0 : i32
      %dma_start3A_72 = tpu.memref_slice %arg14[%run_scoped3A_15, %dma_start3A_71] : memref<2x640xf32, #tpu.memory_space<vmem>> -> memref<1x640xf32, #tpu.memory_space<vmem>>
      %dma_start3A_73 = tpu.memref_squeeze %dma_start3A_72 : memref<1x640xf32, #tpu.memory_space<vmem>> -> memref<640xf32, #tpu.memory_space<vmem>>
      %dma_start3A_74 = tpu.memref_slice %arg3[%run_scoped3A_14, %mul3A_2] : memref<2x10240xf32, #tpu.memory_space<hbm>> -> memref<1x640xf32, #tpu.memory_space<hbm>>
      %dma_start3A_75 = tpu.memref_squeeze %dma_start3A_74 : memref<1x640xf32, #tpu.memory_space<hbm>> -> memref<640xf32, #tpu.memory_space<hbm>>
      %dma_start3A_76 = arith.constant 0 : i32
      %dma_start3A_77 = tpu.memref_slice %arg14[%run_scoped3A_15, %dma_start3A_76] : memref<2x640xf32, #tpu.memory_space<vmem>> -> memref<1x640xf32, #tpu.memory_space<vmem>>
      %dma_start3A_78 = tpu.memref_squeeze %dma_start3A_77 : memref<1x640xf32, #tpu.memory_space<vmem>> -> memref<640xf32, #tpu.memory_space<vmem>>
      %dma_start3A_79 = tpu.memref_slice %arg3[%run_scoped3A_14, %mul3A_2] : memref<2x10240xf32, #tpu.memory_space<hbm>> -> memref<1x640xf32, #tpu.memory_space<hbm>>
      %dma_start3A_80 = tpu.memref_squeeze %dma_start3A_79 : memref<1x640xf32, #tpu.memory_space<hbm>> -> memref<640xf32, #tpu.memory_space<hbm>>
      tpu.enqueue_dma source(%dma_start3A_80 : memref<640xf32, #tpu.memory_space<hbm>>) target(%dma_start3A_78 : memref<640xf32, #tpu.memory_space<vmem>>) target_semaphore(%run_scoped3A_70 : memref<!tpu.dma_semaphore, #tpu.memory_space<semaphore_mem>>)
      %dma_wait3A = arith.constant 0 : i32
      %dma_wait3A_81 = tpu.memref_slice %arg14[%run_scoped3A_15, %dma_wait3A] : memref<2x640xf32, #tpu.memory_space<vmem>> -> memref<1x640xf32, #tpu.memory_space<vmem>>
      %dma_wait3A_82 = tpu.memref_squeeze %dma_wait3A_81 : memref<1x640xf32, #tpu.memory_space<vmem>> -> memref<640xf32, #tpu.memory_space<vmem>>
      %dma_wait3A_83 = tpu.memref_slice %arg3[%run_scoped3A_14, %mul3A_2] : memref<2x10240xf32, #tpu.memory_space<hbm>> -> memref<1x640xf32, #tpu.memory_space<hbm>>
      %dma_wait3A_84 = tpu.memref_squeeze %dma_wait3A_83 : memref<1x640xf32, #tpu.memory_space<hbm>> -> memref<640xf32, #tpu.memory_space<hbm>>
      %dma_wait3A_85 = arith.constant 0 : i32
      %dma_wait3A_86 = tpu.memref_slice %arg14[%run_scoped3A_15, %dma_wait3A_85] : memref<2x640xf32, #tpu.memory_space<vmem>> -> memref<1x640xf32, #tpu.memory_space<vmem>>
      %dma_wait3A_87 = tpu.memref_squeeze %dma_wait3A_86 : memref<1x640xf32, #tpu.memory_space<vmem>> -> memref<640xf32, #tpu.memory_space<vmem>>
      %dma_wait3A_88 = tpu.memref_slice %arg3[%run_scoped3A_14, %mul3A_2] : memref<2x10240xf32, #tpu.memory_space<hbm>> -> memref<1x640xf32, #tpu.memory_space<hbm>>
      %dma_wait3A_89 = tpu.memref_squeeze %dma_wait3A_88 : memref<1x640xf32, #tpu.memory_space<hbm>> -> memref<640xf32, #tpu.memory_space<hbm>>
      tpu.wait_dma2 semaphore(%run_scoped3A_70 : memref<!tpu.dma_semaphore, #tpu.memory_space<semaphore_mem>>) src(%dma_wait3A_89 : memref<640xf32, #tpu.memory_space<hbm>>) dst(%dma_wait3A_87 : memref<640xf32, #tpu.memory_space<vmem>>)
      tpu.yield
    }) : () -> ()
    %iota3A = tpu.iota {dimensions = array<i32: 0>} : vector<16xi32>
    %scan3A_16 = arith.constant 0 : i32
    %scan3A_17 = arith.constant 0 : i32
    %scan3A_18 = arith.constant 40 : i32
    %scan3A_19 = arith.addi %scan3A_17, %scan3A_18 : i32
    %scan3A_20 = arith.constant 1 : i32
    %scan3A_21 = scf.for %scan3A_70 = %scan3A_17 to %scan3A_19 step %scan3A_20 iter_args(%scan3A_71 = %scan3A_16) -> (i32)  : i32 {
      %mul3A_72 = arith.constant 16 : i32
      %mul3A_73 = arith.muli %scan3A_70, %mul3A_72 : i32
      %get3A = arith.constant 0 : i32
      %get3A_74 = arith.index_cast %get3A : i32 to index
      %get3A_75 = arith.index_cast %mul3A_73 : i32 to index
      %get3A_76 = tpu.vector_load %arg14[%get3A_74, %get3A_75] {strides = array<i32>} : memref<2x640xf32, #tpu.memory_space<vmem>>, vector<16xf32>,
      %mul3A_77 = arith.constant 16 : i32
      %mul3A_78 = arith.muli %scan3A_70, %mul3A_77 : i32
      %get3A_79 = arith.constant 1 : i32
      %get3A_80 = arith.index_cast %get3A_79 : i32 to index
      %get3A_81 = arith.index_cast %mul3A_78 : i32 to index
      %get3A_82 = tpu.vector_load %arg14[%get3A_80, %get3A_81] {strides = array<i32>} : memref<2x640xf32, #tpu.memory_space<vmem>>, vector<16xf32>,
      %add3A_83 = arith.addf %get3A_76, %get3A_82 : vector<16xf32>
      %max3A = arith.constant 1.000000e+00 : f32
      %max3A_84 = vector.broadcast %max3A : f32 to vector<16xf32>
      %max3A_85 = arith.maximumf %add3A_83, %max3A_84 : vector<16xf32>
      %div3A_86 = arith.constant 1.000000e+00 : f32
      %div3A_87 = vector.broadcast %div3A_86 : f32 to vector<16xf32>
      %div3A_88 = arith.divf %div3A_87, %max3A_85 : vector<16xf32>
      %mul3A_89 = arith.constant 16 : i32
      %mul3A_90 = arith.muli %scan3A_70, %mul3A_89 : i32
      %add3A_91 = arith.constant 0 : i32
      %add3A_92 = arith.addi %mul3A_90, %add3A_91 : i32
      %eq3A = arith.constant 0 : i32
      %eq3A_93 = vector.broadcast %eq3A : i32 to vector<16xi32>
      %eq3A_94 = arith.cmpi eq, %iota3A, %eq3A_93 : vector<16xi32>
      %jit3A_95 = arith.constant 0.000000e+00 : f32
      %broadcast_in_dim3A = vector.broadcast %jit3A_95 : f32 to vector<16xf32>
      %select_n3A_96 = arith.select %eq3A_94, %div3A_88, %broadcast_in_dim3A : vector<16xi1>, vector<16xf32>
      %reduce_sum3A = arith.constant true
      %reduce_sum3A_97 = vector.broadcast %reduce_sum3A : i1 to vector<16xi1>
      %reduce_sum3A_98 = tpu.scan <sum>, %select_n3A_96 masked %reduce_sum3A_97 : vector<16xf32>, vector<16xi1> -> vector<16xf32>
      %reduce_sum3A_99 = vector.extract %reduce_sum3A_98[15] : f32 from vector<16xf32>
      %get3A_100 = arith.constant 0 : i32
      %get3A_101 = arith.index_cast %get3A_100 : i32 to index
      %get3A_102 = arith.index_cast %add3A_92 : i32 to index
      %get3A_103 = arith.constant 0 : index
      %get3A_104 = tpu.vector_load %arg13[%get3A_101, %get3A_102, %get3A_103] {strides = array<i32>} : memref<2x640x16xf32, #tpu.memory_space<vmem>>, vector<16xf32>,
      %get3A_105 = arith.constant 1 : i32
      %get3A_106 = arith.index_cast %get3A_105 : i32 to index
      %get3A_107 = arith.index_cast %add3A_92 : i32 to index
      %get3A_108 = arith.constant 0 : index
      %get3A_109 = tpu.vector_load %arg13[%get3A_106, %get3A_107, %get3A_108] {strides = array<i32>} : memref<2x640x16xf32, #tpu.memory_space<vmem>>, vector<16xf32>,
      %add3A_110 = arith.addf %get3A_104, %get3A_109 : vector<16xf32>
      %mul3A_111 = vector.broadcast %reduce_sum3A_99 : f32 to vector<16xf32>
      %mul3A_112 = arith.mulf %add3A_110, %mul3A_111 : vector<16xf32>
      %swap3A = arith.index_cast %add3A_92 : i32 to index
      %swap3A_113 = arith.constant 0 : index
      %swap3A_114 = tpu.vector_load %arg15[%swap3A, %swap3A_113] {strides = array<i32>} : memref<640x16xf32, #tpu.memory_space<vmem>>, vector<16xf32>,
      tpu.vector_store %arg15[%swap3A, %swap3A_113], %mul3A_112 {strides = array<i32>} : memref<640x16xf32, #tpu.memory_space<vmem>>, vector<16xf32>,
      %mul3A_115 = arith.constant 16 : i32
      %mul3A_116 = arith.muli %scan3A_70, %mul3A_115 : i32
      %add3A_117 = arith.constant 1 : i32
      %add3A_118 = arith.addi %mul3A_116, %add3A_117 : i32
      %eq3A_119 = arith.constant 1 : i32
      %eq3A_120 = vector.broadcast %eq3A_119 : i32 to vector<16xi32>
      %eq3A_121 = arith.cmpi eq, %iota3A, %eq3A_120 : vector<16xi32>
      %jit3A_122 = arith.constant 0.000000e+00 : f32
      %broadcast_in_dim3A_123 = vector.broadcast %jit3A_122 : f32 to vector<16xf32>
      %select_n3A_124 = arith.select %eq3A_121, %div3A_88, %broadcast_in_dim3A_123 : vector<16xi1>, vector<16xf32>
      %reduce_sum3A_125 = arith.constant true
      %reduce_sum3A_126 = vector.broadcast %reduce_sum3A_125 : i1 to vector<16xi1>
      %reduce_sum3A_127 = tpu.scan <sum>, %select_n3A_124 masked %reduce_sum3A_126 : vector<16xf32>, vector<16xi1> -> vector<16xf32>
      %reduce_sum3A_128 = vector.extract %reduce_sum3A_127[15] : f32 from vector<16xf32>
      %get3A_129 = arith.constant 0 : i32
      %get3A_130 = arith.index_cast %get3A_129 : i32 to index
      %get3A_131 = arith.index_cast %add3A_118 : i32 to index
      %get3A_132 = arith.constant 0 : index
      %get3A_133 = tpu.vector_load %arg13[%get3A_130, %get3A_131, %get3A_132] {strides = array<i32>} : memref<2x640x16xf32, #tpu.memory_space<vmem>>, vector<16xf32>,
      %get3A_134 = arith.constant 1 : i32
      %get3A_135 = arith.index_cast %get3A_134 : i32 to index
      %get3A_136 = arith.index_cast %add3A_118 : i32 to index
      %get3A_137 = arith.constant 0 : index
      %get3A_138 = tpu.vector_load %arg13[%get3A_135, %get3A_136, %get3A_137] {strides = array<i32>} : memref<2x640x16xf32, #tpu.memory_space<vmem>>, vector<16xf32>,
      %add3A_139 = arith.addf %get3A_133, %get3A_138 : vector<16xf32>
      %mul3A_140 = vector.broadcast %reduce_sum3A_128 : f32 to vector<16xf32>
      %mul3A_141 = arith.mulf %add3A_139, %mul3A_140 : vector<16xf32>
      %swap3A_142 = arith.index_cast %add3A_118 : i32 to index
      %swap3A_143 = arith.constant 0 : index
      %swap3A_144 = tpu.vector_load %arg15[%swap3A_142, %swap3A_143] {strides = array<i32>} : memref<640x16xf32, #tpu.memory_space<vmem>>, vector<16xf32>,
      tpu.vector_store %arg15[%swap3A_142, %swap3A_143], %mul3A_141 {strides = array<i32>} : memref<640x16xf32, #tpu.memory_space<vmem>>, vector<16xf32>,
      %mul3A_145 = arith.constant 16 : i32
      %mul3A_146 = arith.muli %scan3A_70, %mul3A_145 : i32
      %add3A_147 = arith.constant 2 : i32
      %add3A_148 = arith.addi %mul3A_146, %add3A_147 : i32
      %eq3A_149 = arith.constant 2 : i32
      %eq3A_150 = vector.broadcast %eq3A_149 : i32 to vector<16xi32>
      %eq3A_151 = arith.cmpi eq, %iota3A, %eq3A_150 : vector<16xi32>
      %jit3A_152 = arith.constant 0.000000e+00 : f32
      %broadcast_in_dim3A_153 = vector.broadcast %jit3A_152 : f32 to vector<16xf32>
      %select_n3A_154 = arith.select %eq3A_151, %div3A_88, %broadcast_in_dim3A_153 : vector<16xi1>, vector<16xf32>
      %reduce_sum3A_155 = arith.constant true
      %reduce_sum3A_156 = vector.broadcast %reduce_sum3A_155 : i1 to vector<16xi1>
      %reduce_sum3A_157 = tpu.scan <sum>, %select_n3A_154 masked %reduce_sum3A_156 : vector<16xf32>, vector<16xi1> -> vector<16xf32>
      %reduce_sum3A_158 = vector.extract %reduce_sum3A_157[15] : f32 from vector<16xf32>
      %get3A_159 = arith.constant 0 : i32
      %get3A_160 = arith.index_cast %get3A_159 : i32 to index
      %get3A_161 = arith.index_cast %add3A_148 : i32 to index
      %get3A_162 = arith.constant 0 : index
      %get3A_163 = tpu.vector_load %arg13[%get3A_160, %get3A_161, %get3A_162] {strides = array<i32>} : memref<2x640x16xf32, #tpu.memory_space<vmem>>, vector<16xf32>,
      %get3A_164 = arith.constant 1 : i32
      %get3A_165 = arith.index_cast %get3A_164 : i32 to index
      %get3A_166 = arith.index_cast %add3A_148 : i32 to index
      %get3A_167 = arith.constant 0 : index
      %get3A_168 = tpu.vector_load %arg13[%get3A_165, %get3A_166, %get3A_167] {strides = array<i32>} : memref<2x640x16xf32, #tpu.memory_space<vmem>>, vector<16xf32>,
      %add3A_169 = arith.addf %get3A_163, %get3A_168 : vector<16xf32>
      %mul3A_170 = vector.broadcast %reduce_sum3A_158 : f32 to vector<16xf32>
      %mul3A_171 = arith.mulf %add3A_169, %mul3A_170 : vector<16xf32>
      %swap3A_172 = arith.index_cast %add3A_148 : i32 to index
      %swap3A_173 = arith.constant 0 : index
      %swap3A_174 = tpu.vector_load %arg15[%swap3A_172, %swap3A_173] {strides = array<i32>} : memref<640x16xf32, #tpu.memory_space<vmem>>, vector<16xf32>,
      tpu.vector_store %arg15[%swap3A_172, %swap3A_173], %mul3A_171 {strides = array<i32>} : memref<640x16xf32, #tpu.memory_space<vmem>>, vector<16xf32>,
      %mul3A_175 = arith.constant 16 : i32
      %mul3A_176 = arith.muli %scan3A_70, %mul3A_175 : i32
      %add3A_177 = arith.constant 3 : i32
      %add3A_178 = arith.addi %mul3A_176, %add3A_177 : i32
      %eq3A_179 = arith.constant 3 : i32
      %eq3A_180 = vector.broadcast %eq3A_179 : i32 to vector<16xi32>
      %eq3A_181 = arith.cmpi eq, %iota3A, %eq3A_180 : vector<16xi32>
      %jit3A_182 = arith.constant 0.000000e+00 : f32
      %broadcast_in_dim3A_183 = vector.broadcast %jit3A_182 : f32 to vector<16xf32>
      %select_n3A_184 = arith.select %eq3A_181, %div3A_88, %broadcast_in_dim3A_183 : vector<16xi1>, vector<16xf32>
      %reduce_sum3A_185 = arith.constant true
      %reduce_sum3A_186 = vector.broadcast %reduce_sum3A_185 : i1 to vector<16xi1>
      %reduce_sum3A_187 = tpu.scan <sum>, %select_n3A_184 masked %reduce_sum3A_186 : vector<16xf32>, vector<16xi1> -> vector<16xf32>
      %reduce_sum3A_188 = vector.extract %reduce_sum3A_187[15] : f32 from vector<16xf32>
      %get3A_189 = arith.constant 0 : i32
      %get3A_190 = arith.index_cast %get3A_189 : i32 to index
      %get3A_191 = arith.index_cast %add3A_178 : i32 to index
      %get3A_192 = arith.constant 0 : index
      %get3A_193 = tpu.vector_load %arg13[%get3A_190, %get3A_191, %get3A_192] {strides = array<i32>} : memref<2x640x16xf32, #tpu.memory_space<vmem>>, vector<16xf32>,
      %get3A_194 = arith.constant 1 : i32
      %get3A_195 = arith.index_cast %get3A_194 : i32 to index
      %get3A_196 = arith.index_cast %add3A_178 : i32 to index
      %get3A_197 = arith.constant 0 : index
      %get3A_198 = tpu.vector_load %arg13[%get3A_195, %get3A_196, %get3A_197] {strides = array<i32>} : memref<2x640x16xf32, #tpu.memory_space<vmem>>, vector<16xf32>,
      %add3A_199 = arith.addf %get3A_193, %get3A_198 : vector<16xf32>
      %mul3A_200 = vector.broadcast %reduce_sum3A_188 : f32 to vector<16xf32>
      %mul3A_201 = arith.mulf %add3A_199, %mul3A_200 : vector<16xf32>
      %swap3A_202 = arith.index_cast %add3A_178 : i32 to index
      %swap3A_203 = arith.constant 0 : index
      %swap3A_204 = tpu.vector_load %arg15[%swap3A_202, %swap3A_203] {strides = array<i32>} : memref<640x16xf32, #tpu.memory_space<vmem>>, vector<16xf32>,
      tpu.vector_store %arg15[%swap3A_202, %swap3A_203], %mul3A_201 {strides = array<i32>} : memref<640x16xf32, #tpu.memory_space<vmem>>, vector<16xf32>,
      %mul3A_205 = arith.constant 16 : i32
      %mul3A_206 = arith.muli %scan3A_70, %mul3A_205 : i32
      %add3A_207 = arith.constant 4 : i32
      %add3A_208 = arith.addi %mul3A_206, %add3A_207 : i32
      %eq3A_209 = arith.constant 4 : i32
      %eq3A_210 = vector.broadcast %eq3A_209 : i32 to vector<16xi32>
      %eq3A_211 = arith.cmpi eq, %iota3A, %eq3A_210 : vector<16xi32>
      %jit3A_212 = arith.constant 0.000000e+00 : f32
      %broadcast_in_dim3A_213 = vector.broadcast %jit3A_212 : f32 to vector<16xf32>
      %select_n3A_214 = arith.select %eq3A_211, %div3A_88, %broadcast_in_dim3A_213 : vector<16xi1>, vector<16xf32>
      %reduce_sum3A_215 = arith.constant true
      %reduce_sum3A_216 = vector.broadcast %reduce_sum3A_215 : i1 to vector<16xi1>
      %reduce_sum3A_217 = tpu.scan <sum>, %select_n3A_214 masked %reduce_sum3A_216 : vector<16xf32>, vector<16xi1> -> vector<16xf32>
      %reduce_sum3A_218 = vector.extract %reduce_sum3A_217[15] : f32 from vector<16xf32>
      %get3A_219 = arith.constant 0 : i32
      %get3A_220 = arith.index_cast %get3A_219 : i32 to index
      %get3A_221 = arith.index_cast %add3A_208 : i32 to index
      %get3A_222 = arith.constant 0 : index
      %get3A_223 = tpu.vector_load %arg13[%get3A_220, %get3A_221, %get3A_222] {strides = array<i32>} : memref<2x640x16xf32, #tpu.memory_space<vmem>>, vector<16xf32>,
      %get3A_224 = arith.constant 1 : i32
      %get3A_225 = arith.index_cast %get3A_224 : i32 to index
      %get3A_226 = arith.index_cast %add3A_208 : i32 to index
      %get3A_227 = arith.constant 0 : index
      %get3A_228 = tpu.vector_load %arg13[%get3A_225, %get3A_226, %get3A_227] {strides = array<i32>} : memref<2x640x16xf32, #tpu.memory_space<vmem>>, vector<16xf32>,
      %add3A_229 = arith.addf %get3A_223, %get3A_228 : vector<16xf32>
      %mul3A_230 = vector.broadcast %reduce_sum3A_218 : f32 to vector<16xf32>
      %mul3A_231 = arith.mulf %add3A_229, %mul3A_230 : vector<16xf32>
      %swap3A_232 = arith.index_cast %add3A_208 : i32 to index
      %swap3A_233 = arith.constant 0 : index
      %swap3A_234 = tpu.vector_load %arg15[%swap3A_232, %swap3A_233] {strides = array<i32>} : memref<640x16xf32, #tpu.memory_space<vmem>>, vector<16xf32>,
      tpu.vector_store %arg15[%swap3A_232, %swap3A_233], %mul3A_231 {strides = array<i32>} : memref<640x16xf32, #tpu.memory_space<vmem>>, vector<16xf32>,
      %mul3A_235 = arith.constant 16 : i32
      %mul3A_236 = arith.muli %scan3A_70, %mul3A_235 : i32
      %add3A_237 = arith.constant 5 : i32
      %add3A_238 = arith.addi %mul3A_236, %add3A_237 : i32
      %eq3A_239 = arith.constant 5 : i32
      %eq3A_240 = vector.broadcast %eq3A_239 : i32 to vector<16xi32>
      %eq3A_241 = arith.cmpi eq, %iota3A, %eq3A_240 : vector<16xi32>
      %jit3A_242 = arith.constant 0.000000e+00 : f32
      %broadcast_in_dim3A_243 = vector.broadcast %jit3A_242 : f32 to vector<16xf32>
      %select_n3A_244 = arith.select %eq3A_241, %div3A_88, %broadcast_in_dim3A_243 : vector<16xi1>, vector<16xf32>
      %reduce_sum3A_245 = arith.constant true
      %reduce_sum3A_246 = vector.broadcast %reduce_sum3A_245 : i1 to vector<16xi1>
      %reduce_sum3A_247 = tpu.scan <sum>, %select_n3A_244 masked %reduce_sum3A_246 : vector<16xf32>, vector<16xi1> -> vector<16xf32>
      %reduce_sum3A_248 = vector.extract %reduce_sum3A_247[15] : f32 from vector<16xf32>
      %get3A_249 = arith.constant 0 : i32
      %get3A_250 = arith.index_cast %get3A_249 : i32 to index
      %get3A_251 = arith.index_cast %add3A_238 : i32 to index
      %get3A_252 = arith.constant 0 : index
      %get3A_253 = tpu.vector_load %arg13[%get3A_250, %get3A_251, %get3A_252] {strides = array<i32>} : memref<2x640x16xf32, #tpu.memory_space<vmem>>, vector<16xf32>,
      %get3A_254 = arith.constant 1 : i32
      %get3A_255 = arith.index_cast %get3A_254 : i32 to index
      %get3A_256 = arith.index_cast %add3A_238 : i32 to index
      %get3A_257 = arith.constant 0 : index
      %get3A_258 = tpu.vector_load %arg13[%get3A_255, %get3A_256, %get3A_257] {strides = array<i32>} : memref<2x640x16xf32, #tpu.memory_space<vmem>>, vector<16xf32>,
      %add3A_259 = arith.addf %get3A_253, %get3A_258 : vector<16xf32>
      %mul3A_260 = vector.broadcast %reduce_sum3A_248 : f32 to vector<16xf32>
      %mul3A_261 = arith.mulf %add3A_259, %mul3A_260 : vector<16xf32>
      %swap3A_262 = arith.index_cast %add3A_238 : i32 to index
      %swap3A_263 = arith.constant 0 : index
      %swap3A_264 = tpu.vector_load %arg15[%swap3A_262, %swap3A_263] {strides = array<i32>} : memref<640x16xf32, #tpu.memory_space<vmem>>, vector<16xf32>,
      tpu.vector_store %arg15[%swap3A_262, %swap3A_263], %mul3A_261 {strides = array<i32>} : memref<640x16xf32, #tpu.memory_space<vmem>>, vector<16xf32>,
      %mul3A_265 = arith.constant 16 : i32
      %mul3A_266 = arith.muli %scan3A_70, %mul3A_265 : i32
      %add3A_267 = arith.constant 6 : i32
      %add3A_268 = arith.addi %mul3A_266, %add3A_267 : i32
      %eq3A_269 = arith.constant 6 : i32
      %eq3A_270 = vector.broadcast %eq3A_269 : i32 to vector<16xi32>
      %eq3A_271 = arith.cmpi eq, %iota3A, %eq3A_270 : vector<16xi32>
      %jit3A_272 = arith.constant 0.000000e+00 : f32
      %broadcast_in_dim3A_273 = vector.broadcast %jit3A_272 : f32 to vector<16xf32>
      %select_n3A_274 = arith.select %eq3A_271, %div3A_88, %broadcast_in_dim3A_273 : vector<16xi1>, vector<16xf32>
      %reduce_sum3A_275 = arith.constant true
      %reduce_sum3A_276 = vector.broadcast %reduce_sum3A_275 : i1 to vector<16xi1>
      %reduce_sum3A_277 = tpu.scan <sum>, %select_n3A_274 masked %reduce_sum3A_276 : vector<16xf32>, vector<16xi1> -> vector<16xf32>
      %reduce_sum3A_278 = vector.extract %reduce_sum3A_277[15] : f32 from vector<16xf32>
      %get3A_279 = arith.constant 0 : i32
      %get3A_280 = arith.index_cast %get3A_279 : i32 to index
      %get3A_281 = arith.index_cast %add3A_268 : i32 to index
      %get3A_282 = arith.constant 0 : index
      %get3A_283 = tpu.vector_load %arg13[%get3A_280, %get3A_281, %get3A_282] {strides = array<i32>} : memref<2x640x16xf32, #tpu.memory_space<vmem>>, vector<16xf32>,
      %get3A_284 = arith.constant 1 : i32
      %get3A_285 = arith.index_cast %get3A_284 : i32 to index
      %get3A_286 = arith.index_cast %add3A_268 : i32 to index
      %get3A_287 = arith.constant 0 : index
      %get3A_288 = tpu.vector_load %arg13[%get3A_285, %get3A_286, %get3A_287] {strides = array<i32>} : memref<2x640x16xf32, #tpu.memory_space<vmem>>, vector<16xf32>,
      %add3A_289 = arith.addf %get3A_283, %get3A_288 : vector<16xf32>
      %mul3A_290 = vector.broadcast %reduce_sum3A_278 : f32 to vector<16xf32>
      %mul3A_291 = arith.mulf %add3A_289, %mul3A_290 : vector<16xf32>
      %swap3A_292 = arith.index_cast %add3A_268 : i32 to index
      %swap3A_293 = arith.constant 0 : index
      %swap3A_294 = tpu.vector_load %arg15[%swap3A_292, %swap3A_293] {strides = array<i32>} : memref<640x16xf32, #tpu.memory_space<vmem>>, vector<16xf32>,
      tpu.vector_store %arg15[%swap3A_292, %swap3A_293], %mul3A_291 {strides = array<i32>} : memref<640x16xf32, #tpu.memory_space<vmem>>, vector<16xf32>,
      %mul3A_295 = arith.constant 16 : i32
      %mul3A_296 = arith.muli %scan3A_70, %mul3A_295 : i32
      %add3A_297 = arith.constant 7 : i32
      %add3A_298 = arith.addi %mul3A_296, %add3A_297 : i32
      %eq3A_299 = arith.constant 7 : i32
      %eq3A_300 = vector.broadcast %eq3A_299 : i32 to vector<16xi32>
      %eq3A_301 = arith.cmpi eq, %iota3A, %eq3A_300 : vector<16xi32>
      %jit3A_302 = arith.constant 0.000000e+00 : f32
      %broadcast_in_dim3A_303 = vector.broadcast %jit3A_302 : f32 to vector<16xf32>
      %select_n3A_304 = arith.select %eq3A_301, %div3A_88, %broadcast_in_dim3A_303 : vector<16xi1>, vector<16xf32>
      %reduce_sum3A_305 = arith.constant true
      %reduce_sum3A_306 = vector.broadcast %reduce_sum3A_305 : i1 to vector<16xi1>
      %reduce_sum3A_307 = tpu.scan <sum>, %select_n3A_304 masked %reduce_sum3A_306 : vector<16xf32>, vector<16xi1> -> vector<16xf32>
      %reduce_sum3A_308 = vector.extract %reduce_sum3A_307[15] : f32 from vector<16xf32>
      %get3A_309 = arith.constant 0 : i32
      %get3A_310 = arith.index_cast %get3A_309 : i32 to index
      %get3A_311 = arith.index_cast %add3A_298 : i32 to index
      %get3A_312 = arith.constant 0 : index
      %get3A_313 = tpu.vector_load %arg13[%get3A_310, %get3A_311, %get3A_312] {strides = array<i32>} : memref<2x640x16xf32, #tpu.memory_space<vmem>>, vector<16xf32>,
      %get3A_314 = arith.constant 1 : i32
      %get3A_315 = arith.index_cast %get3A_314 : i32 to index
      %get3A_316 = arith.index_cast %add3A_298 : i32 to index
      %get3A_317 = arith.constant 0 : index
      %get3A_318 = tpu.vector_load %arg13[%get3A_315, %get3A_316, %get3A_317] {strides = array<i32>} : memref<2x640x16xf32, #tpu.memory_space<vmem>>, vector<16xf32>,
      %add3A_319 = arith.addf %get3A_313, %get3A_318 : vector<16xf32>
      %mul3A_320 = vector.broadcast %reduce_sum3A_308 : f32 to vector<16xf32>
      %mul3A_321 = arith.mulf %add3A_319, %mul3A_320 : vector<16xf32>
      %swap3A_322 = arith.index_cast %add3A_298 : i32 to index
      %swap3A_323 = arith.constant 0 : index
      %swap3A_324 = tpu.vector_load %arg15[%swap3A_322, %swap3A_323] {strides = array<i32>} : memref<640x16xf32, #tpu.memory_space<vmem>>, vector<16xf32>,
      tpu.vector_store %arg15[%swap3A_322, %swap3A_323], %mul3A_321 {strides = array<i32>} : memref<640x16xf32, #tpu.memory_space<vmem>>, vector<16xf32>,
      %mul3A_325 = arith.constant 16 : i32
      %mul3A_326 = arith.muli %scan3A_70, %mul3A_325 : i32
      %add3A_327 = arith.constant 8 : i32
      %add3A_328 = arith.addi %mul3A_326, %add3A_327 : i32
      %eq3A_329 = arith.constant 8 : i32
      %eq3A_330 = vector.broadcast %eq3A_329 : i32 to vector<16xi32>
      %eq3A_331 = arith.cmpi eq, %iota3A, %eq3A_330 : vector<16xi32>
      %jit3A_332 = arith.constant 0.000000e+00 : f32
      %broadcast_in_dim3A_333 = vector.broadcast %jit3A_332 : f32 to vector<16xf32>
      %select_n3A_334 = arith.select %eq3A_331, %div3A_88, %broadcast_in_dim3A_333 : vector<16xi1>, vector<16xf32>
      %reduce_sum3A_335 = arith.constant true
      %reduce_sum3A_336 = vector.broadcast %reduce_sum3A_335 : i1 to vector<16xi1>
      %reduce_sum3A_337 = tpu.scan <sum>, %select_n3A_334 masked %reduce_sum3A_336 : vector<16xf32>, vector<16xi1> -> vector<16xf32>
      %reduce_sum3A_338 = vector.extract %reduce_sum3A_337[15] : f32 from vector<16xf32>
      %get3A_339 = arith.constant 0 : i32
      %get3A_340 = arith.index_cast %get3A_339 : i32 to index
      %get3A_341 = arith.index_cast %add3A_328 : i32 to index
      %get3A_342 = arith.constant 0 : index
      %get3A_343 = tpu.vector_load %arg13[%get3A_340, %get3A_341, %get3A_342] {strides = array<i32>} : memref<2x640x16xf32, #tpu.memory_space<vmem>>, vector<16xf32>,
      %get3A_344 = arith.constant 1 : i32
      %get3A_345 = arith.index_cast %get3A_344 : i32 to index
      %get3A_346 = arith.index_cast %add3A_328 : i32 to index
      %get3A_347 = arith.constant 0 : index
      %get3A_348 = tpu.vector_load %arg13[%get3A_345, %get3A_346, %get3A_347] {strides = array<i32>} : memref<2x640x16xf32, #tpu.memory_space<vmem>>, vector<16xf32>,
      %add3A_349 = arith.addf %get3A_343, %get3A_348 : vector<16xf32>
      %mul3A_350 = vector.broadcast %reduce_sum3A_338 : f32 to vector<16xf32>
      %mul3A_351 = arith.mulf %add3A_349, %mul3A_350 : vector<16xf32>
      %swap3A_352 = arith.index_cast %add3A_328 : i32 to index
      %swap3A_353 = arith.constant 0 : index
      %swap3A_354 = tpu.vector_load %arg15[%swap3A_352, %swap3A_353] {strides = array<i32>} : memref<640x16xf32, #tpu.memory_space<vmem>>, vector<16xf32>,
      tpu.vector_store %arg15[%swap3A_352, %swap3A_353], %mul3A_351 {strides = array<i32>} : memref<640x16xf32, #tpu.memory_space<vmem>>, vector<16xf32>,
      %mul3A_355 = arith.constant 16 : i32
      %mul3A_356 = arith.muli %scan3A_70, %mul3A_355 : i32
      %add3A_357 = arith.constant 9 : i32
      %add3A_358 = arith.addi %mul3A_356, %add3A_357 : i32
      %eq3A_359 = arith.constant 9 : i32
      %eq3A_360 = vector.broadcast %eq3A_359 : i32 to vector<16xi32>
      %eq3A_361 = arith.cmpi eq, %iota3A, %eq3A_360 : vector<16xi32>
      %jit3A_362 = arith.constant 0.000000e+00 : f32
      %broadcast_in_dim3A_363 = vector.broadcast %jit3A_362 : f32 to vector<16xf32>
      %select_n3A_364 = arith.select %eq3A_361, %div3A_88, %broadcast_in_dim3A_363 : vector<16xi1>, vector<16xf32>
      %reduce_sum3A_365 = arith.constant true
      %reduce_sum3A_366 = vector.broadcast %reduce_sum3A_365 : i1 to vector<16xi1>
      %reduce_sum3A_367 = tpu.scan <sum>, %select_n3A_364 masked %reduce_sum3A_366 : vector<16xf32>, vector<16xi1> -> vector<16xf32>
      %reduce_sum3A_368 = vector.extract %reduce_sum3A_367[15] : f32 from vector<16xf32>
      %get3A_369 = arith.constant 0 : i32
      %get3A_370 = arith.index_cast %get3A_369 : i32 to index
      %get3A_371 = arith.index_cast %add3A_358 : i32 to index
      %get3A_372 = arith.constant 0 : index
      %get3A_373 = tpu.vector_load %arg13[%get3A_370, %get3A_371, %get3A_372] {strides = array<i32>} : memref<2x640x16xf32, #tpu.memory_space<vmem>>, vector<16xf32>,
      %get3A_374 = arith.constant 1 : i32
      %get3A_375 = arith.index_cast %get3A_374 : i32 to index
      %get3A_376 = arith.index_cast %add3A_358 : i32 to index
      %get3A_377 = arith.constant 0 : index
      %get3A_378 = tpu.vector_load %arg13[%get3A_375, %get3A_376, %get3A_377] {strides = array<i32>} : memref<2x640x16xf32, #tpu.memory_space<vmem>>, vector<16xf32>,
      %add3A_379 = arith.addf %get3A_373, %get3A_378 : vector<16xf32>
      %mul3A_380 = vector.broadcast %reduce_sum3A_368 : f32 to vector<16xf32>
      %mul3A_381 = arith.mulf %add3A_379, %mul3A_380 : vector<16xf32>
      %swap3A_382 = arith.index_cast %add3A_358 : i32 to index
      %swap3A_383 = arith.constant 0 : index
      %swap3A_384 = tpu.vector_load %arg15[%swap3A_382, %swap3A_383] {strides = array<i32>} : memref<640x16xf32, #tpu.memory_space<vmem>>, vector<16xf32>,
      tpu.vector_store %arg15[%swap3A_382, %swap3A_383], %mul3A_381 {strides = array<i32>} : memref<640x16xf32, #tpu.memory_space<vmem>>, vector<16xf32>,
      %mul3A_385 = arith.constant 16 : i32
      %mul3A_386 = arith.muli %scan3A_70, %mul3A_385 : i32
      %add3A_387 = arith.constant 10 : i32
      %add3A_388 = arith.addi %mul3A_386, %add3A_387 : i32
      %eq3A_389 = arith.constant 10 : i32
      %eq3A_390 = vector.broadcast %eq3A_389 : i32 to vector<16xi32>
      %eq3A_391 = arith.cmpi eq, %iota3A, %eq3A_390 : vector<16xi32>
      %jit3A_392 = arith.constant 0.000000e+00 : f32
      %broadcast_in_dim3A_393 = vector.broadcast %jit3A_392 : f32 to vector<16xf32>
      %select_n3A_394 = arith.select %eq3A_391, %div3A_88, %broadcast_in_dim3A_393 : vector<16xi1>, vector<16xf32>
      %reduce_sum3A_395 = arith.constant true
      %reduce_sum3A_396 = vector.broadcast %reduce_sum3A_395 : i1 to vector<16xi1>
      %reduce_sum3A_397 = tpu.scan <sum>, %select_n3A_394 masked %reduce_sum3A_396 : vector<16xf32>, vector<16xi1> -> vector<16xf32>
      %reduce_sum3A_398 = vector.extract %reduce_sum3A_397[15] : f32 from vector<16xf32>
      %get3A_399 = arith.constant 0 : i32
      %get3A_400 = arith.index_cast %get3A_399 : i32 to index
      %get3A_401 = arith.index_cast %add3A_388 : i32 to index
      %get3A_402 = arith.constant 0 : index
      %get3A_403 = tpu.vector_load %arg13[%get3A_400, %get3A_401, %get3A_402] {strides = array<i32>} : memref<2x640x16xf32, #tpu.memory_space<vmem>>, vector<16xf32>,
      %get3A_404 = arith.constant 1 : i32
      %get3A_405 = arith.index_cast %get3A_404 : i32 to index
      %get3A_406 = arith.index_cast %add3A_388 : i32 to index
      %get3A_407 = arith.constant 0 : index
      %get3A_408 = tpu.vector_load %arg13[%get3A_405, %get3A_406, %get3A_407] {strides = array<i32>} : memref<2x640x16xf32, #tpu.memory_space<vmem>>, vector<16xf32>,
      %add3A_409 = arith.addf %get3A_403, %get3A_408 : vector<16xf32>
      %mul3A_410 = vector.broadcast %reduce_sum3A_398 : f32 to vector<16xf32>
      %mul3A_411 = arith.mulf %add3A_409, %mul3A_410 : vector<16xf32>
      %swap3A_412 = arith.index_cast %add3A_388 : i32 to index
      %swap3A_413 = arith.constant 0 : index
      %swap3A_414 = tpu.vector_load %arg15[%swap3A_412, %swap3A_413] {strides = array<i32>} : memref<640x16xf32, #tpu.memory_space<vmem>>, vector<16xf32>,
      tpu.vector_store %arg15[%swap3A_412, %swap3A_413], %mul3A_411 {strides = array<i32>} : memref<640x16xf32, #tpu.memory_space<vmem>>, vector<16xf32>,
      %mul3A_415 = arith.constant 16 : i32
      %mul3A_416 = arith.muli %scan3A_70, %mul3A_415 : i32
      %add3A_417 = arith.constant 11 : i32
      %add3A_418 = arith.addi %mul3A_416, %add3A_417 : i32
      %eq3A_419 = arith.constant 11 : i32
      %eq3A_420 = vector.broadcast %eq3A_419 : i32 to vector<16xi32>
      %eq3A_421 = arith.cmpi eq, %iota3A, %eq3A_420 : vector<16xi32>
      %jit3A_422 = arith.constant 0.000000e+00 : f32
      %broadcast_in_dim3A_423 = vector.broadcast %jit3A_422 : f32 to vector<16xf32>
      %select_n3A_424 = arith.select %eq3A_421, %div3A_88, %broadcast_in_dim3A_423 : vector<16xi1>, vector<16xf32>
      %reduce_sum3A_425 = arith.constant true
      %reduce_sum3A_426 = vector.broadcast %reduce_sum3A_425 : i1 to vector<16xi1>
      %reduce_sum3A_427 = tpu.scan <sum>, %select_n3A_424 masked %reduce_sum3A_426 : vector<16xf32>, vector<16xi1> -> vector<16xf32>
      %reduce_sum3A_428 = vector.extract %reduce_sum3A_427[15] : f32 from vector<16xf32>
      %get3A_429 = arith.constant 0 : i32
      %get3A_430 = arith.index_cast %get3A_429 : i32 to index
      %get3A_431 = arith.index_cast %add3A_418 : i32 to index
      %get3A_432 = arith.constant 0 : index
      %get3A_433 = tpu.vector_load %arg13[%get3A_430, %get3A_431, %get3A_432] {strides = array<i32>} : memref<2x640x16xf32, #tpu.memory_space<vmem>>, vector<16xf32>,
      %get3A_434 = arith.constant 1 : i32
      %get3A_435 = arith.index_cast %get3A_434 : i32 to index
      %get3A_436 = arith.index_cast %add3A_418 : i32 to index
      %get3A_437 = arith.constant 0 : index
      %get3A_438 = tpu.vector_load %arg13[%get3A_435, %get3A_436, %get3A_437] {strides = array<i32>} : memref<2x640x16xf32, #tpu.memory_space<vmem>>, vector<16xf32>,
      %add3A_439 = arith.addf %get3A_433, %get3A_438 : vector<16xf32>
      %mul3A_440 = vector.broadcast %reduce_sum3A_428 : f32 to vector<16xf32>
      %mul3A_441 = arith.mulf %add3A_439, %mul3A_440 : vector<16xf32>
      %swap3A_442 = arith.index_cast %add3A_418 : i32 to index
      %swap3A_443 = arith.constant 0 : index
      %swap3A_444 = tpu.vector_load %arg15[%swap3A_442, %swap3A_443] {strides = array<i32>} : memref<640x16xf32, #tpu.memory_space<vmem>>, vector<16xf32>,
      tpu.vector_store %arg15[%swap3A_442, %swap3A_443], %mul3A_441 {strides = array<i32>} : memref<640x16xf32, #tpu.memory_space<vmem>>, vector<16xf32>,
      %mul3A_445 = arith.constant 16 : i32
      %mul3A_446 = arith.muli %scan3A_70, %mul3A_445 : i32
      %add3A_447 = arith.constant 12 : i32
      %add3A_448 = arith.addi %mul3A_446, %add3A_447 : i32
      %eq3A_449 = arith.constant 12 : i32
      %eq3A_450 = vector.broadcast %eq3A_449 : i32 to vector<16xi32>
      %eq3A_451 = arith.cmpi eq, %iota3A, %eq3A_450 : vector<16xi32>
      %jit3A_452 = arith.constant 0.000000e+00 : f32
      %broadcast_in_dim3A_453 = vector.broadcast %jit3A_452 : f32 to vector<16xf32>
      %select_n3A_454 = arith.select %eq3A_451, %div3A_88, %broadcast_in_dim3A_453 : vector<16xi1>, vector<16xf32>
      %reduce_sum3A_455 = arith.constant true
      %reduce_sum3A_456 = vector.broadcast %reduce_sum3A_455 : i1 to vector<16xi1>
      %reduce_sum3A_457 = tpu.scan <sum>, %select_n3A_454 masked %reduce_sum3A_456 : vector<16xf32>, vector<16xi1> -> vector<16xf32>
      %reduce_sum3A_458 = vector.extract %reduce_sum3A_457[15] : f32 from vector<16xf32>
      %get3A_459 = arith.constant 0 : i32
      %get3A_460 = arith.index_cast %get3A_459 : i32 to index
      %get3A_461 = arith.index_cast %add3A_448 : i32 to index
      %get3A_462 = arith.constant 0 : index
      %get3A_463 = tpu.vector_load %arg13[%get3A_460, %get3A_461, %get3A_462] {strides = array<i32>} : memref<2x640x16xf32, #tpu.memory_space<vmem>>, vector<16xf32>,
      %get3A_464 = arith.constant 1 : i32
      %get3A_465 = arith.index_cast %get3A_464 : i32 to index
      %get3A_466 = arith.index_cast %add3A_448 : i32 to index
      %get3A_467 = arith.constant 0 : index
      %get3A_468 = tpu.vector_load %arg13[%get3A_465, %get3A_466, %get3A_467] {strides = array<i32>} : memref<2x640x16xf32, #tpu.memory_space<vmem>>, vector<16xf32>,
      %add3A_469 = arith.addf %get3A_463, %get3A_468 : vector<16xf32>
      %mul3A_470 = vector.broadcast %reduce_sum3A_458 : f32 to vector<16xf32>
      %mul3A_471 = arith.mulf %add3A_469, %mul3A_470 : vector<16xf32>
      %swap3A_472 = arith.index_cast %add3A_448 : i32 to index
      %swap3A_473 = arith.constant 0 : index
      %swap3A_474 = tpu.vector_load %arg15[%swap3A_472, %swap3A_473] {strides = array<i32>} : memref<640x16xf32, #tpu.memory_space<vmem>>, vector<16xf32>,
      tpu.vector_store %arg15[%swap3A_472, %swap3A_473], %mul3A_471 {strides = array<i32>} : memref<640x16xf32, #tpu.memory_space<vmem>>, vector<16xf32>,
      %mul3A_475 = arith.constant 16 : i32
      %mul3A_476 = arith.muli %scan3A_70, %mul3A_475 : i32
      %add3A_477 = arith.constant 13 : i32
      %add3A_478 = arith.addi %mul3A_476, %add3A_477 : i32
      %eq3A_479 = arith.constant 13 : i32
      %eq3A_480 = vector.broadcast %eq3A_479 : i32 to vector<16xi32>
      %eq3A_481 = arith.cmpi eq, %iota3A, %eq3A_480 : vector<16xi32>
      %jit3A_482 = arith.constant 0.000000e+00 : f32
      %broadcast_in_dim3A_483 = vector.broadcast %jit3A_482 : f32 to vector<16xf32>
      %select_n3A_484 = arith.select %eq3A_481, %div3A_88, %broadcast_in_dim3A_483 : vector<16xi1>, vector<16xf32>
      %reduce_sum3A_485 = arith.constant true
      %reduce_sum3A_486 = vector.broadcast %reduce_sum3A_485 : i1 to vector<16xi1>
      %reduce_sum3A_487 = tpu.scan <sum>, %select_n3A_484 masked %reduce_sum3A_486 : vector<16xf32>, vector<16xi1> -> vector<16xf32>
      %reduce_sum3A_488 = vector.extract %reduce_sum3A_487[15] : f32 from vector<16xf32>
      %get3A_489 = arith.constant 0 : i32
      %get3A_490 = arith.index_cast %get3A_489 : i32 to index
      %get3A_491 = arith.index_cast %add3A_478 : i32 to index
      %get3A_492 = arith.constant 0 : index
      %get3A_493 = tpu.vector_load %arg13[%get3A_490, %get3A_491, %get3A_492] {strides = array<i32>} : memref<2x640x16xf32, #tpu.memory_space<vmem>>, vector<16xf32>,
      %get3A_494 = arith.constant 1 : i32
      %get3A_495 = arith.index_cast %get3A_494 : i32 to index
      %get3A_496 = arith.index_cast %add3A_478 : i32 to index
      %get3A_497 = arith.constant 0 : index
      %get3A_498 = tpu.vector_load %arg13[%get3A_495, %get3A_496, %get3A_497] {strides = array<i32>} : memref<2x640x16xf32, #tpu.memory_space<vmem>>, vector<16xf32>,
      %add3A_499 = arith.addf %get3A_493, %get3A_498 : vector<16xf32>
      %mul3A_500 = vector.broadcast %reduce_sum3A_488 : f32 to vector<16xf32>
      %mul3A_501 = arith.mulf %add3A_499, %mul3A_500 : vector<16xf32>
      %swap3A_502 = arith.index_cast %add3A_478 : i32 to index
      %swap3A_503 = arith.constant 0 : index
      %swap3A_504 = tpu.vector_load %arg15[%swap3A_502, %swap3A_503] {strides = array<i32>} : memref<640x16xf32, #tpu.memory_space<vmem>>, vector<16xf32>,
      tpu.vector_store %arg15[%swap3A_502, %swap3A_503], %mul3A_501 {strides = array<i32>} : memref<640x16xf32, #tpu.memory_space<vmem>>, vector<16xf32>,
      %mul3A_505 = arith.constant 16 : i32
      %mul3A_506 = arith.muli %scan3A_70, %mul3A_505 : i32
      %add3A_507 = arith.constant 14 : i32
      %add3A_508 = arith.addi %mul3A_506, %add3A_507 : i32
      %eq3A_509 = arith.constant 14 : i32
      %eq3A_510 = vector.broadcast %eq3A_509 : i32 to vector<16xi32>
      %eq3A_511 = arith.cmpi eq, %iota3A, %eq3A_510 : vector<16xi32>
      %jit3A_512 = arith.constant 0.000000e+00 : f32
      %broadcast_in_dim3A_513 = vector.broadcast %jit3A_512 : f32 to vector<16xf32>
      %select_n3A_514 = arith.select %eq3A_511, %div3A_88, %broadcast_in_dim3A_513 : vector<16xi1>, vector<16xf32>
      %reduce_sum3A_515 = arith.constant true
      %reduce_sum3A_516 = vector.broadcast %reduce_sum3A_515 : i1 to vector<16xi1>
      %reduce_sum3A_517 = tpu.scan <sum>, %select_n3A_514 masked %reduce_sum3A_516 : vector<16xf32>, vector<16xi1> -> vector<16xf32>
      %reduce_sum3A_518 = vector.extract %reduce_sum3A_517[15] : f32 from vector<16xf32>
      %get3A_519 = arith.constant 0 : i32
      %get3A_520 = arith.index_cast %get3A_519 : i32 to index
      %get3A_521 = arith.index_cast %add3A_508 : i32 to index
      %get3A_522 = arith.constant 0 : index
      %get3A_523 = tpu.vector_load %arg13[%get3A_520, %get3A_521, %get3A_522] {strides = array<i32>} : memref<2x640x16xf32, #tpu.memory_space<vmem>>, vector<16xf32>,
      %get3A_524 = arith.constant 1 : i32
      %get3A_525 = arith.index_cast %get3A_524 : i32 to index
      %get3A_526 = arith.index_cast %add3A_508 : i32 to index
      %get3A_527 = arith.constant 0 : index
      %get3A_528 = tpu.vector_load %arg13[%get3A_525, %get3A_526, %get3A_527] {strides = array<i32>} : memref<2x640x16xf32, #tpu.memory_space<vmem>>, vector<16xf32>,
      %add3A_529 = arith.addf %get3A_523, %get3A_528 : vector<16xf32>
      %mul3A_530 = vector.broadcast %reduce_sum3A_518 : f32 to vector<16xf32>
      %mul3A_531 = arith.mulf %add3A_529, %mul3A_530 : vector<16xf32>
      %swap3A_532 = arith.index_cast %add3A_508 : i32 to index
      %swap3A_533 = arith.constant 0 : index
      %swap3A_534 = tpu.vector_load %arg15[%swap3A_532, %swap3A_533] {strides = array<i32>} : memref<640x16xf32, #tpu.memory_space<vmem>>, vector<16xf32>,
      tpu.vector_store %arg15[%swap3A_532, %swap3A_533], %mul3A_531 {strides = array<i32>} : memref<640x16xf32, #tpu.memory_space<vmem>>, vector<16xf32>,
      %mul3A_535 = arith.constant 16 : i32
      %mul3A_536 = arith.muli %scan3A_70, %mul3A_535 : i32
      %add3A_537 = arith.constant 15 : i32
      %add3A_538 = arith.addi %mul3A_536, %add3A_537 : i32
      %eq3A_539 = arith.constant 15 : i32
      %eq3A_540 = vector.broadcast %eq3A_539 : i32 to vector<16xi32>
      %eq3A_541 = arith.cmpi eq, %iota3A, %eq3A_540 : vector<16xi32>
      %jit3A_542 = arith.constant 0.000000e+00 : f32
      %broadcast_in_dim3A_543 = vector.broadcast %jit3A_542 : f32 to vector<16xf32>
      %select_n3A_544 = arith.select %eq3A_541, %div3A_88, %broadcast_in_dim3A_543 : vector<16xi1>, vector<16xf32>
      %reduce_sum3A_545 = arith.constant true
      %reduce_sum3A_546 = vector.broadcast %reduce_sum3A_545 : i1 to vector<16xi1>
      %reduce_sum3A_547 = tpu.scan <sum>, %select_n3A_544 masked %reduce_sum3A_546 : vector<16xf32>, vector<16xi1> -> vector<16xf32>
      %reduce_sum3A_548 = vector.extract %reduce_sum3A_547[15] : f32 from vector<16xf32>
      %get3A_549 = arith.constant 0 : i32
      %get3A_550 = arith.index_cast %get3A_549 : i32 to index
      %get3A_551 = arith.index_cast %add3A_538 : i32 to index
      %get3A_552 = arith.constant 0 : index
      %get3A_553 = tpu.vector_load %arg13[%get3A_550, %get3A_551, %get3A_552] {strides = array<i32>} : memref<2x640x16xf32, #tpu.memory_space<vmem>>, vector<16xf32>,
      %get3A_554 = arith.constant 1 : i32
      %get3A_555 = arith.index_cast %get3A_554 : i32 to index
      %get3A_556 = arith.index_cast %add3A_538 : i32 to index
      %get3A_557 = arith.constant 0 : index
      %get3A_558 = tpu.vector_load %arg13[%get3A_555, %get3A_556, %get3A_557] {strides = array<i32>} : memref<2x640x16xf32, #tpu.memory_space<vmem>>, vector<16xf32>,
      %add3A_559 = arith.addf %get3A_553, %get3A_558 : vector<16xf32>
      %mul3A_560 = vector.broadcast %reduce_sum3A_548 : f32 to vector<16xf32>
      %mul3A_561 = arith.mulf %add3A_559, %mul3A_560 : vector<16xf32>
      %swap3A_562 = arith.index_cast %add3A_538 : i32 to index
      %swap3A_563 = arith.constant 0 : index
      %swap3A_564 = tpu.vector_load %arg15[%swap3A_562, %swap3A_563] {strides = array<i32>} : memref<640x16xf32, #tpu.memory_space<vmem>>, vector<16xf32>,
      tpu.vector_store %arg15[%swap3A_562, %swap3A_563], %mul3A_561 {strides = array<i32>} : memref<640x16xf32, #tpu.memory_space<vmem>>, vector<16xf32>,
      %scan3A_565 = arith.constant 0 : i32
      scf.yield %scan3A_565 : i32
    }
    %scan3A_22 = arith.constant 40 : i32
    "tpu.region"() ({
      %run_scoped3A_70 = tpu.sem_alloc : memref<!tpu.dma_semaphore, #tpu.memory_space<semaphore_mem>>
      %dma_start3A_71 = arith.constant 0 : i32
      %dma_start3A_72 = tpu.memref_slice %arg6[%mul3A_2, %dma_start3A_71] : memref<10240x16xf32, #tpu.memory_space<vmem_shared>> -> memref<640x16xf32, #tpu.memory_space<vmem_shared>>
      %dma_start3A_73 = arith.constant 0 : i32
      %dma_start3A_74 = tpu.memref_slice %arg6[%mul3A_2, %dma_start3A_73] : memref<10240x16xf32, #tpu.memory_space<vmem_shared>> -> memref<640x16xf32, #tpu.memory_space<vmem_shared>>
      tpu.enqueue_dma source(%arg15 : memref<640x16xf32, #tpu.memory_space<vmem>>) target(%dma_start3A_74 : memref<640x16xf32, #tpu.memory_space<vmem_shared>>) target_semaphore(%run_scoped3A_70 : memref<!tpu.dma_semaphore, #tpu.memory_space<semaphore_mem>>)
      %dma_wait3A = arith.constant 0 : i32
      %dma_wait3A_75 = tpu.memref_slice %arg6[%mul3A_2, %dma_wait3A] : memref<10240x16xf32, #tpu.memory_space<vmem_shared>> -> memref<640x16xf32, #tpu.memory_space<vmem_shared>>
      %dma_wait3A_76 = arith.constant 0 : i32
      %dma_wait3A_77 = tpu.memref_slice %arg6[%mul3A_2, %dma_wait3A_76] : memref<10240x16xf32, #tpu.memory_space<vmem_shared>> -> memref<640x16xf32, #tpu.memory_space<vmem_shared>>
      tpu.wait_dma2 semaphore(%run_scoped3A_70 : memref<!tpu.dma_semaphore, #tpu.memory_space<semaphore_mem>>) src(%arg15 : memref<640x16xf32, #tpu.memory_space<vmem>>) dst(%dma_wait3A_77 : memref<640x16xf32, #tpu.memory_space<vmem_shared>>)
      tpu.yield
    }) : () -> ()
    %mul3A_23 = arith.constant 40 : i32
    %mul3A_24 = arith.muli %add3A, %mul3A_23 : i32
    %lt3A = arith.constant 31 : i32
    %lt3A_25 = arith.cmpi slt, %add3A, %lt3A : i32
    %convert_element_type3A = arith.extui %lt3A_25 : i1 to i32
    %cond3A = arith.constant 0 : i32
    %cond3A_26 = arith.cmpi ne, %convert_element_type3A, %cond3A : i32
    scf.if %cond3A_26 {
      %add3A_70 = arith.constant 1250 : i32
      %add3A_71 = arith.addi %add3A_70, %mul3A_24 : i32
      "tpu.region"() ({
        %run_scoped3A_74 = tpu.sem_alloc : memref<!tpu.dma_semaphore, #tpu.memory_space<semaphore_mem>>
        %dma_start3A_75 = arith.constant 0 : i32
        %dma_start3A_76 = tpu.memref_slice %arg4[%add3A_71, %dma_start3A_75] : memref<2500x256xi32, #tpu.memory_space<hbm>> -> memref<40x256xi32, #tpu.memory_space<hbm>>
        %dma_start3A_77 = arith.constant 0 : i32
        %dma_start3A_78 = tpu.memref_slice %arg4[%add3A_71, %dma_start3A_77] : memref<2500x256xi32, #tpu.memory_space<hbm>> -> memref<40x256xi32, #tpu.memory_space<hbm>>
        tpu.enqueue_dma source(%dma_start3A_78 : memref<40x256xi32, #tpu.memory_space<hbm>>) target(%arg8 : memref<40x256xi32, #tpu.memory_space<vmem>>) target_semaphore(%run_scoped3A_74 : memref<!tpu.dma_semaphore, #tpu.memory_space<semaphore_mem>>)
        %dma_wait3A = arith.constant 0 : i32
        %dma_wait3A_79 = tpu.memref_slice %arg4[%add3A_71, %dma_wait3A] : memref<2500x256xi32, #tpu.memory_space<hbm>> -> memref<40x256xi32, #tpu.memory_space<hbm>>
        %dma_wait3A_80 = arith.constant 0 : i32
        %dma_wait3A_81 = tpu.memref_slice %arg4[%add3A_71, %dma_wait3A_80] : memref<2500x256xi32, #tpu.memory_space<hbm>> -> memref<40x256xi32, #tpu.memory_space<hbm>>
        tpu.wait_dma2 semaphore(%run_scoped3A_74 : memref<!tpu.dma_semaphore, #tpu.memory_space<semaphore_mem>>) src(%dma_wait3A_81 : memref<40x256xi32, #tpu.memory_space<hbm>>) dst(%arg8 : memref<40x256xi32, #tpu.memory_space<vmem>>)
        tpu.yield
      }) : () -> ()
      %add3A_72 = arith.constant 0 : i32
      %add3A_73 = arith.addi %add3A_72, %mul3A_24 : i32
      "tpu.region"() ({
        %run_scoped3A_74 = tpu.sem_alloc : memref<!tpu.dma_semaphore, #tpu.memory_space<semaphore_mem>>
        %dma_start3A_75 = arith.constant 0 : i32
        %dma_start3A_76 = tpu.memref_slice %arg4[%add3A_73, %dma_start3A_75] : memref<2500x256xi32, #tpu.memory_space<hbm>> -> memref<40x256xi32, #tpu.memory_space<hbm>>
        %dma_start3A_77 = arith.constant 0 : i32
        %dma_start3A_78 = tpu.memref_slice %arg4[%add3A_73, %dma_start3A_77] : memref<2500x256xi32, #tpu.memory_space<hbm>> -> memref<40x256xi32, #tpu.memory_space<hbm>>
        tpu.enqueue_dma source(%dma_start3A_78 : memref<40x256xi32, #tpu.memory_space<hbm>>) target(%arg9 : memref<40x256xi32, #tpu.memory_space<vmem>>) target_semaphore(%run_scoped3A_74 : memref<!tpu.dma_semaphore, #tpu.memory_space<semaphore_mem>>)
        %dma_wait3A = arith.constant 0 : i32
        %dma_wait3A_79 = tpu.memref_slice %arg4[%add3A_73, %dma_wait3A] : memref<2500x256xi32, #tpu.memory_space<hbm>> -> memref<40x256xi32, #tpu.memory_space<hbm>>
        %dma_wait3A_80 = arith.constant 0 : i32
        %dma_wait3A_81 = tpu.memref_slice %arg4[%add3A_73, %dma_wait3A_80] : memref<2500x256xi32, #tpu.memory_space<hbm>> -> memref<40x256xi32, #tpu.memory_space<hbm>>
        tpu.wait_dma2 semaphore(%run_scoped3A_74 : memref<!tpu.dma_semaphore, #tpu.memory_space<semaphore_mem>>) src(%dma_wait3A_81 : memref<40x256xi32, #tpu.memory_space<hbm>>) dst(%arg9 : memref<40x256xi32, #tpu.memory_space<vmem>>)
        tpu.yield
      }) : () -> ()
    } else {
    }
    %ge3A = arith.constant 31 : i32
    %ge3A_27 = arith.cmpi sge, %add3A, %ge3A : i32
    %convert_element_type3A_28 = arith.extui %ge3A_27 : i1 to i32
    %cond3A_29 = arith.constant 0 : i32
    %cond3A_30 = arith.cmpi ne, %convert_element_type3A_28, %cond3A_29 : i32
    scf.if %cond3A_30 {
      "tpu.region"() ({
        %run_scoped3A_70 = tpu.sem_alloc : memref<!tpu.dma_semaphore, #tpu.memory_space<semaphore_mem>>
        %dma_start3A_71 = arith.constant 0 : i32
        %dma_start3A_72 = arith.constant 0 : i32
        %dma_start3A_73 = tpu.memref_slice %arg8[%dma_start3A_71, %dma_start3A_72] : memref<40x256xi32, #tpu.memory_space<vmem>> -> memref<10x256xi32, #tpu.memory_space<vmem>>
        %dma_start3A_74 = arith.constant 2490 : i32
        %dma_start3A_75 = arith.constant 0 : i32
        %dma_start3A_76 = tpu.memref_slice %arg4[%dma_start3A_74, %dma_start3A_75] : memref<2500x256xi32, #tpu.memory_space<hbm>> -> memref<10x256xi32, #tpu.memory_space<hbm>>
        %dma_start3A_77 = arith.constant 0 : i32
        %dma_start3A_78 = arith.constant 0 : i32
        %dma_start3A_79 = tpu.memref_slice %arg8[%dma_start3A_77, %dma_start3A_78] : memref<40x256xi32, #tpu.memory_space<vmem>> -> memref<10x256xi32, #tpu.memory_space<vmem>>
        %dma_start3A_80 = arith.constant 2490 : i32
        %dma_start3A_81 = arith.constant 0 : i32
        %dma_start3A_82 = tpu.memref_slice %arg4[%dma_start3A_80, %dma_start3A_81] : memref<2500x256xi32, #tpu.memory_space<hbm>> -> memref<10x256xi32, #tpu.memory_space<hbm>>
        tpu.enqueue_dma source(%dma_start3A_82 : memref<10x256xi32, #tpu.memory_space<hbm>>) target(%dma_start3A_79 : memref<10x256xi32, #tpu.memory_space<vmem>>) target_semaphore(%run_scoped3A_70 : memref<!tpu.dma_semaphore, #tpu.memory_space<semaphore_mem>>)
        %dma_wait3A = arith.constant 0 : i32
        %dma_wait3A_83 = arith.constant 0 : i32
        %dma_wait3A_84 = tpu.memref_slice %arg8[%dma_wait3A, %dma_wait3A_83] : memref<40x256xi32, #tpu.memory_space<vmem>> -> memref<10x256xi32, #tpu.memory_space<vmem>>
        %dma_wait3A_85 = arith.constant 2490 : i32
        %dma_wait3A_86 = arith.constant 0 : i32
        %dma_wait3A_87 = tpu.memref_slice %arg4[%dma_wait3A_85, %dma_wait3A_86] : memref<2500x256xi32, #tpu.memory_space<hbm>> -> memref<10x256xi32, #tpu.memory_space<hbm>>
        %dma_wait3A_88 = arith.constant 0 : i32
        %dma_wait3A_89 = arith.constant 0 : i32
        %dma_wait3A_90 = tpu.memref_slice %arg8[%dma_wait3A_88, %dma_wait3A_89] : memref<40x256xi32, #tpu.memory_space<vmem>> -> memref<10x256xi32, #tpu.memory_space<vmem>>
        %dma_wait3A_91 = arith.constant 2490 : i32
        %dma_wait3A_92 = arith.constant 0 : i32
        %dma_wait3A_93 = tpu.memref_slice %arg4[%dma_wait3A_91, %dma_wait3A_92] : memref<2500x256xi32, #tpu.memory_space<hbm>> -> memref<10x256xi32, #tpu.memory_space<hbm>>
        tpu.wait_dma2 semaphore(%run_scoped3A_70 : memref<!tpu.dma_semaphore, #tpu.memory_space<semaphore_mem>>) src(%dma_wait3A_93 : memref<10x256xi32, #tpu.memory_space<hbm>>) dst(%dma_wait3A_90 : memref<10x256xi32, #tpu.memory_space<vmem>>)
        tpu.yield
      }) : () -> ()
      "tpu.region"() ({
        %run_scoped3A_70 = tpu.sem_alloc : memref<!tpu.dma_semaphore, #tpu.memory_space<semaphore_mem>>
        %dma_start3A_71 = arith.constant 0 : i32
        %dma_start3A_72 = arith.constant 0 : i32
        %dma_start3A_73 = tpu.memref_slice %arg9[%dma_start3A_71, %dma_start3A_72] : memref<40x256xi32, #tpu.memory_space<vmem>> -> memref<10x256xi32, #tpu.memory_space<vmem>>
        %dma_start3A_74 = arith.constant 1240 : i32
        %dma_start3A_75 = arith.constant 0 : i32
        %dma_start3A_76 = tpu.memref_slice %arg4[%dma_start3A_74, %dma_start3A_75] : memref<2500x256xi32, #tpu.memory_space<hbm>> -> memref<10x256xi32, #tpu.memory_space<hbm>>
        %dma_start3A_77 = arith.constant 0 : i32
        %dma_start3A_78 = arith.constant 0 : i32
        %dma_start3A_79 = tpu.memref_slice %arg9[%dma_start3A_77, %dma_start3A_78] : memref<40x256xi32, #tpu.memory_space<vmem>> -> memref<10x256xi32, #tpu.memory_space<vmem>>
        %dma_start3A_80 = arith.constant 1240 : i32
        %dma_start3A_81 = arith.constant 0 : i32
        %dma_start3A_82 = tpu.memref_slice %arg4[%dma_start3A_80, %dma_start3A_81] : memref<2500x256xi32, #tpu.memory_space<hbm>> -> memref<10x256xi32, #tpu.memory_space<hbm>>
        tpu.enqueue_dma source(%dma_start3A_82 : memref<10x256xi32, #tpu.memory_space<hbm>>) target(%dma_start3A_79 : memref<10x256xi32, #tpu.memory_space<vmem>>) target_semaphore(%run_scoped3A_70 : memref<!tpu.dma_semaphore, #tpu.memory_space<semaphore_mem>>)
        %dma_wait3A = arith.constant 0 : i32
        %dma_wait3A_83 = arith.constant 0 : i32
        %dma_wait3A_84 = tpu.memref_slice %arg9[%dma_wait3A, %dma_wait3A_83] : memref<40x256xi32, #tpu.memory_space<vmem>> -> memref<10x256xi32, #tpu.memory_space<vmem>>
        %dma_wait3A_85 = arith.constant 1240 : i32
        %dma_wait3A_86 = arith.constant 0 : i32
        %dma_wait3A_87 = tpu.memref_slice %arg4[%dma_wait3A_85, %dma_wait3A_86] : memref<2500x256xi32, #tpu.memory_space<hbm>> -> memref<10x256xi32, #tpu.memory_space<hbm>>
        %dma_wait3A_88 = arith.constant 0 : i32
        %dma_wait3A_89 = arith.constant 0 : i32
        %dma_wait3A_90 = tpu.memref_slice %arg9[%dma_wait3A_88, %dma_wait3A_89] : memref<40x256xi32, #tpu.memory_space<vmem>> -> memref<10x256xi32, #tpu.memory_space<vmem>>
        %dma_wait3A_91 = arith.constant 1240 : i32
        %dma_wait3A_92 = arith.constant 0 : i32
        %dma_wait3A_93 = tpu.memref_slice %arg4[%dma_wait3A_91, %dma_wait3A_92] : memref<2500x256xi32, #tpu.memory_space<hbm>> -> memref<10x256xi32, #tpu.memory_space<hbm>>
        tpu.wait_dma2 semaphore(%run_scoped3A_70 : memref<!tpu.dma_semaphore, #tpu.memory_space<semaphore_mem>>) src(%dma_wait3A_93 : memref<10x256xi32, #tpu.memory_space<hbm>>) dst(%dma_wait3A_90 : memref<10x256xi32, #tpu.memory_space<vmem>>)
        tpu.yield
      }) : () -> ()
    } else {
    }
    %lt3A_31 = arith.constant 31 : i32
    %lt3A_32 = arith.cmpi slt, %add3A, %lt3A_31 : i32
    %jit3A = arith.constant 40 : i32
    %jit3A_33 = arith.constant 10 : i32
    %select_n3A = arith.select %lt3A_32, %jit3A, %jit3A_33 : i32
    %barrier3A = arith.constant 0 : index
    tpu.barrier barrier_id(%barrier3A)
    %dma_start3A = arith.constant 0 : i32
    %dma_start3A_34 = arith.constant 0 : i32
    %dma_start3A_35 = tpu.memref_slice %arg8[%dma_start3A, %dma_start3A_34] : memref<40x256xi32, #tpu.memory_space<vmem>> -> memref<1x256xi32, #tpu.memory_space<vmem>>
    %dma_start3A_36 = tpu.memref_squeeze %dma_start3A_35 : memref<1x256xi32, #tpu.memory_space<vmem>> -> memref<256xi32, #tpu.memory_space<vmem>>
    %dma_start3A_37 = arith.constant 0 : i32
    %dma_start3A_38 = arith.constant 0 : i32
    %dma_start3A_39 = tpu.memref_slice %arg6[%dma_start3A_37, %dma_start3A_38] : memref<10240x16xf32, #tpu.memory_space<vmem_shared>> -> memref<10240x16xf32, #tpu.memory_space<vmem_shared>>
    tpu.enqueue_indirect_dma source(%dma_start3A_39 : memref<10240x16xf32, #tpu.memory_space<vmem_shared>>) target(%arg10 : memref<256x16xf32, #tpu.memory_space<vmem>>) offsets(%dma_start3A_36 : memref<256xi32, #tpu.memory_space<vmem>>) semaphore(%arg16 : memref<!tpu.dma_semaphore, #tpu.memory_space<semaphore_mem>>)
    %jit3A_40 = arith.constant 2 : i32
    %div3A = arith.divsi %select_n3A, %jit3A_40 : i32
    %sign3A = arith.constant 0 : i32
    %sign3A_41 = arith.cmpi sgt, %select_n3A, %sign3A : i32
    %sign3A_42 = arith.extui %sign3A_41 : i1 to i32
    %sign3A_43 = arith.constant 0 : i32
    %sign3A_44 = arith.cmpi slt, %select_n3A, %sign3A_43 : i32
    %sign3A_45 = arith.extui %sign3A_44 : i1 to i32
    %sign3A_46 = arith.subi %sign3A_42, %sign3A_45 : i32
    %sign3A_47 = arith.constant 0 : i32
    %sign3A_48 = arith.cmpi sgt, %jit3A_40, %sign3A_47 : i32
    %sign3A_49 = arith.extui %sign3A_48 : i1 to i32
    %sign3A_50 = arith.constant 0 : i32
    %sign3A_51 = arith.cmpi slt, %jit3A_40, %sign3A_50 : i32
    %sign3A_52 = arith.extui %sign3A_51 : i1 to i32
    %sign3A_53 = arith.subi %sign3A_49, %sign3A_52 : i32
    %ne3A = arith.cmpi ne, %sign3A_46, %sign3A_53 : i32
    %rem3A = arith.remsi %select_n3A, %jit3A_40 : i32
    %ne3A_54 = arith.constant 0 : i32
    %ne3A_55 = arith.cmpi ne, %rem3A, %ne3A_54 : i32
    %and3A = arith.andi %ne3A, %ne3A_55 : i1
    %sub3A = arith.constant 1 : i32
    %sub3A_56 = arith.subi %div3A, %sub3A : i32
    %select_n3A_57 = arith.select %and3A, %sub3A_56, %div3A : i32
    %while3A = arith.constant 0 : i32
    %while3A_58 = arith.constant 0 : i32
    %while3A_59 = arith.subi %select_n3A_57, %while3A : i32
    %while3A_60 = arith.addi %while3A, %while3A_59 : i32
    %while3A_61 = arith.constant 1 : i32
    %while3A_62 = arith.divsi %while3A_59, %while3A_61 : i32
    %while3A_63 = arith.muli %while3A_62, %while3A_61 : i32
    %while3A_64 = arith.addi %while3A, %while3A_63 : i32
    %while3A_65 = arith.constant 1 : i32
    %while3A_66 = scf.for %while3A_70 = %while3A to %while3A_64 step %while3A_65 iter_args(%while3A_71 = %while3A_58) -> (i32)  : i32 {
      %mul3A_72 = arith.constant 2 : i32
      %mul3A_73 = arith.muli %mul3A_72, %while3A_70 : i32
      %add3A_74 = arith.constant 1 : i32
      %add3A_75 = arith.addi %mul3A_73, %add3A_74 : i32
      %dma_start3A_76 = arith.constant 0 : i32
      %dma_start3A_77 = tpu.memref_slice %arg8[%add3A_75, %dma_start3A_76] : memref<40x256xi32, #tpu.memory_space<vmem>> -> memref<1x256xi32, #tpu.memory_space<vmem>>
      %dma_start3A_78 = tpu.memref_squeeze %dma_start3A_77 : memref<1x256xi32, #tpu.memory_space<vmem>> -> memref<256xi32, #tpu.memory_space<vmem>>
      %dma_start3A_79 = arith.constant 0 : i32
      %dma_start3A_80 = arith.constant 0 : i32
      %dma_start3A_81 = tpu.memref_slice %arg6[%dma_start3A_79, %dma_start3A_80] : memref<10240x16xf32, #tpu.memory_space<vmem_shared>> -> memref<10240x16xf32, #tpu.memory_space<vmem_shared>>
      tpu.enqueue_indirect_dma source(%dma_start3A_81 : memref<10240x16xf32, #tpu.memory_space<vmem_shared>>) target(%arg11 : memref<256x16xf32, #tpu.memory_space<vmem>>) offsets(%dma_start3A_78 : memref<256xi32, #tpu.memory_space<vmem>>) semaphore(%arg17 : memref<!tpu.dma_semaphore, #tpu.memory_space<semaphore_mem>>)
      %dma_wait3A = arith.constant 0 : i32
      %dma_wait3A_82 = tpu.memref_slice %arg8[%mul3A_73, %dma_wait3A] : memref<40x256xi32, #tpu.memory_space<vmem>> -> memref<1x256xi32, #tpu.memory_space<vmem>>
      %dma_wait3A_83 = tpu.memref_squeeze %dma_wait3A_82 : memref<1x256xi32, #tpu.memory_space<vmem>> -> memref<256xi32, #tpu.memory_space<vmem>>
      %dma_wait3A_84 = arith.constant 0 : i32
      %dma_wait3A_85 = arith.constant 0 : i32
      %dma_wait3A_86 = tpu.memref_slice %arg6[%dma_wait3A_84, %dma_wait3A_85] : memref<10240x16xf32, #tpu.memory_space<vmem_shared>> -> memref<10240x16xf32, #tpu.memory_space<vmem_shared>>
      tpu.wait_indirect_dma semaphore(%arg16 : memref<!tpu.dma_semaphore, #tpu.memory_space<semaphore_mem>>) src(%dma_wait3A_86 : memref<10240x16xf32, #tpu.memory_space<vmem_shared>>) dst(%arg10 : memref<256x16xf32, #tpu.memory_space<vmem>>)
      "tpu.region"() ({
        %run_scoped3A_100 = tpu.sem_alloc : memref<!tpu.dma_semaphore, #tpu.memory_space<semaphore_mem>>
        %dma_start3A_101 = arith.constant 0 : i32
        %dma_start3A_102 = tpu.memref_slice %arg9[%mul3A_73, %dma_start3A_101] : memref<40x256xi32, #tpu.memory_space<vmem>> -> memref<1x256xi32, #tpu.memory_space<vmem>>
        %dma_start3A_103 = tpu.memref_squeeze %dma_start3A_102 : memref<1x256xi32, #tpu.memory_space<vmem>> -> memref<256xi32, #tpu.memory_space<vmem>>
        %dma_start3A_104 = arith.constant 0 : i32
        %dma_start3A_105 = arith.constant 0 : i32
        %dma_start3A_106 = tpu.memref_slice %arg7[%dma_start3A_104, %dma_start3A_105] : memref<10240x16xf32, #tpu.memory_space<vmem_shared>> -> memref<10240x16xf32, #tpu.memory_space<vmem_shared>>
        tpu.enqueue_indirect_dma source(%arg10 : memref<256x16xf32, #tpu.memory_space<vmem>>) target(%dma_start3A_106 : memref<10240x16xf32, #tpu.memory_space<vmem_shared>>) offsets(%dma_start3A_103 : memref<256xi32, #tpu.memory_space<vmem>>) semaphore(%run_scoped3A_100 : memref<!tpu.dma_semaphore, #tpu.memory_space<semaphore_mem>>) {add = true}
        %dma_wait3A_107 = arith.constant 0 : i32
        %dma_wait3A_108 = tpu.memref_slice %arg9[%mul3A_73, %dma_wait3A_107] : memref<40x256xi32, #tpu.memory_space<vmem>> -> memref<1x256xi32, #tpu.memory_space<vmem>>
        %dma_wait3A_109 = tpu.memref_squeeze %dma_wait3A_108 : memref<1x256xi32, #tpu.memory_space<vmem>> -> memref<256xi32, #tpu.memory_space<vmem>>
        %dma_wait3A_110 = arith.constant 0 : i32
        %dma_wait3A_111 = arith.constant 0 : i32
        %dma_wait3A_112 = tpu.memref_slice %arg7[%dma_wait3A_110, %dma_wait3A_111] : memref<10240x16xf32, #tpu.memory_space<vmem_shared>> -> memref<10240x16xf32, #tpu.memory_space<vmem_shared>>
        tpu.wait_indirect_dma semaphore(%run_scoped3A_100 : memref<!tpu.dma_semaphore, #tpu.memory_space<semaphore_mem>>) src(%arg10 : memref<256x16xf32, #tpu.memory_space<vmem>>) dst(%dma_wait3A_112 : memref<10240x16xf32, #tpu.memory_space<vmem_shared>>)
        tpu.yield
      }) : () -> ()
      %add3A_87 = arith.constant 2 : i32
      %add3A_88 = arith.addi %mul3A_73, %add3A_87 : i32
      %lt3A_89 = arith.cmpi slt, %add3A_88, %select_n3A : i32
      %convert_element_type3A_90 = arith.extui %lt3A_89 : i1 to i32
      %cond3A_91 = arith.constant 0 : i32
      %cond3A_92 = arith.cmpi ne, %convert_element_type3A_90, %cond3A_91 : i32
      scf.if %cond3A_92 {
        %add3A_100 = arith.constant 2 : i32
        %add3A_101 = arith.addi %mul3A_73, %add3A_100 : i32
        %dma_start3A_102 = arith.constant 0 : i32
        %dma_start3A_103 = tpu.memref_slice %arg8[%add3A_101, %dma_start3A_102] : memref<40x256xi32, #tpu.memory_space<vmem>> -> memref<1x256xi32, #tpu.memory_space<vmem>>
        %dma_start3A_104 = tpu.memref_squeeze %dma_start3A_103 : memref<1x256xi32, #tpu.memory_space<vmem>> -> memref<256xi32, #tpu.memory_space<vmem>>
        %dma_start3A_105 = arith.constant 0 : i32
        %dma_start3A_106 = arith.constant 0 : i32
        %dma_start3A_107 = tpu.memref_slice %arg6[%dma_start3A_105, %dma_start3A_106] : memref<10240x16xf32, #tpu.memory_space<vmem_shared>> -> memref<10240x16xf32, #tpu.memory_space<vmem_shared>>
        tpu.enqueue_indirect_dma source(%dma_start3A_107 : memref<10240x16xf32, #tpu.memory_space<vmem_shared>>) target(%arg10 : memref<256x16xf32, #tpu.memory_space<vmem>>) offsets(%dma_start3A_104 : memref<256xi32, #tpu.memory_space<vmem>>) semaphore(%arg16 : memref<!tpu.dma_semaphore, #tpu.memory_space<semaphore_mem>>)
      } else {
      }
      %dma_wait3A_93 = arith.constant 0 : i32
      %dma_wait3A_94 = tpu.memref_slice %arg8[%add3A_75, %dma_wait3A_93] : memref<40x256xi32, #tpu.memory_space<vmem>> -> memref<1x256xi32, #tpu.memory_space<vmem>>
      %dma_wait3A_95 = tpu.memref_squeeze %dma_wait3A_94 : memref<1x256xi32, #tpu.memory_space<vmem>> -> memref<256xi32, #tpu.memory_space<vmem>>
      %dma_wait3A_96 = arith.constant 0 : i32
      %dma_wait3A_97 = arith.constant 0 : i32
      %dma_wait3A_98 = tpu.memref_slice %arg6[%dma_wait3A_96, %dma_wait3A_97] : memref<10240x16xf32, #tpu.memory_space<vmem_shared>> -> memref<10240x16xf32, #tpu.memory_space<vmem_shared>>
      tpu.wait_indirect_dma semaphore(%arg17 : memref<!tpu.dma_semaphore, #tpu.memory_space<semaphore_mem>>) src(%dma_wait3A_98 : memref<10240x16xf32, #tpu.memory_space<vmem_shared>>) dst(%arg11 : memref<256x16xf32, #tpu.memory_space<vmem>>)
      "tpu.region"() ({
        %run_scoped3A_100 = tpu.sem_alloc : memref<!tpu.dma_semaphore, #tpu.memory_space<semaphore_mem>>
        %dma_start3A_101 = arith.constant 0 : i32
        %dma_start3A_102 = tpu.memref_slice %arg9[%add3A_75, %dma_start3A_101] : memref<40x256xi32, #tpu.memory_space<vmem>> -> memref<1x256xi32, #tpu.memory_space<vmem>>
        %dma_start3A_103 = tpu.memref_squeeze %dma_start3A_102 : memref<1x256xi32, #tpu.memory_space<vmem>> -> memref<256xi32, #tpu.memory_space<vmem>>
        %dma_start3A_104 = arith.constant 0 : i32
        %dma_start3A_105 = arith.constant 0 : i32
        %dma_start3A_106 = tpu.memref_slice %arg7[%dma_start3A_104, %dma_start3A_105] : memref<10240x16xf32, #tpu.memory_space<vmem_shared>> -> memref<10240x16xf32, #tpu.memory_space<vmem_shared>>
        tpu.enqueue_indirect_dma source(%arg11 : memref<256x16xf32, #tpu.memory_space<vmem>>) target(%dma_start3A_106 : memref<10240x16xf32, #tpu.memory_space<vmem_shared>>) offsets(%dma_start3A_103 : memref<256xi32, #tpu.memory_space<vmem>>) semaphore(%run_scoped3A_100 : memref<!tpu.dma_semaphore, #tpu.memory_space<semaphore_mem>>) {add = true}
        %dma_wait3A_107 = arith.constant 0 : i32
        %dma_wait3A_108 = tpu.memref_slice %arg9[%add3A_75, %dma_wait3A_107] : memref<40x256xi32, #tpu.memory_space<vmem>> -> memref<1x256xi32, #tpu.memory_space<vmem>>
        %dma_wait3A_109 = tpu.memref_squeeze %dma_wait3A_108 : memref<1x256xi32, #tpu.memory_space<vmem>> -> memref<256xi32, #tpu.memory_space<vmem>>
        %dma_wait3A_110 = arith.constant 0 : i32
        %dma_wait3A_111 = arith.constant 0 : i32
        %dma_wait3A_112 = tpu.memref_slice %arg7[%dma_wait3A_110, %dma_wait3A_111] : memref<10240x16xf32, #tpu.memory_space<vmem_shared>> -> memref<10240x16xf32, #tpu.memory_space<vmem_shared>>
        tpu.wait_indirect_dma semaphore(%run_scoped3A_100 : memref<!tpu.dma_semaphore, #tpu.memory_space<semaphore_mem>>) src(%arg11 : memref<256x16xf32, #tpu.memory_space<vmem>>) dst(%dma_wait3A_112 : memref<10240x16xf32, #tpu.memory_space<vmem_shared>>)
        tpu.yield
      }) : () -> ()
      %while3A_99 = arith.constant 0 : i32
      scf.yield %while3A_99 : i32
    }
    %while3A_67 = arith.constant 1 : i32
    %while3A_68 = scf.for %while3A_70 = %while3A_64 to %while3A_60 step %while3A_67 iter_args(%while3A_71 = %while3A_66) -> (i32)  : i32 {
      %mul3A_72 = arith.constant 2 : i32
      %mul3A_73 = arith.muli %mul3A_72, %while3A_70 : i32
      %add3A_74 = arith.constant 1 : i32
      %add3A_75 = arith.addi %mul3A_73, %add3A_74 : i32
      %dma_start3A_76 = arith.constant 0 : i32
      %dma_start3A_77 = tpu.memref_slice %arg8[%add3A_75, %dma_start3A_76] : memref<40x256xi32, #tpu.memory_space<vmem>> -> memref<1x256xi32, #tpu.memory_space<vmem>>
      %dma_start3A_78 = tpu.memref_squeeze %dma_start3A_77 : memref<1x256xi32, #tpu.memory_space<vmem>> -> memref<256xi32, #tpu.memory_space<vmem>>
      %dma_start3A_79 = arith.constant 0 : i32
      %dma_start3A_80 = arith.constant 0 : i32
      %dma_start3A_81 = tpu.memref_slice %arg6[%dma_start3A_79, %dma_start3A_80] : memref<10240x16xf32, #tpu.memory_space<vmem_shared>> -> memref<10240x16xf32, #tpu.memory_space<vmem_shared>>
      tpu.enqueue_indirect_dma source(%dma_start3A_81 : memref<10240x16xf32, #tpu.memory_space<vmem_shared>>) target(%arg11 : memref<256x16xf32, #tpu.memory_space<vmem>>) offsets(%dma_start3A_78 : memref<256xi32, #tpu.memory_space<vmem>>) semaphore(%arg17 : memref<!tpu.dma_semaphore, #tpu.memory_space<semaphore_mem>>)
      %dma_wait3A = arith.constant 0 : i32
      %dma_wait3A_82 = tpu.memref_slice %arg8[%mul3A_73, %dma_wait3A] : memref<40x256xi32, #tpu.memory_space<vmem>> -> memref<1x256xi32, #tpu.memory_space<vmem>>
      %dma_wait3A_83 = tpu.memref_squeeze %dma_wait3A_82 : memref<1x256xi32, #tpu.memory_space<vmem>> -> memref<256xi32, #tpu.memory_space<vmem>>
      %dma_wait3A_84 = arith.constant 0 : i32
      %dma_wait3A_85 = arith.constant 0 : i32
      %dma_wait3A_86 = tpu.memref_slice %arg6[%dma_wait3A_84, %dma_wait3A_85] : memref<10240x16xf32, #tpu.memory_space<vmem_shared>> -> memref<10240x16xf32, #tpu.memory_space<vmem_shared>>
      tpu.wait_indirect_dma semaphore(%arg16 : memref<!tpu.dma_semaphore, #tpu.memory_space<semaphore_mem>>) src(%dma_wait3A_86 : memref<10240x16xf32, #tpu.memory_space<vmem_shared>>) dst(%arg10 : memref<256x16xf32, #tpu.memory_space<vmem>>)
      "tpu.region"() ({
        %run_scoped3A_100 = tpu.sem_alloc : memref<!tpu.dma_semaphore, #tpu.memory_space<semaphore_mem>>
        %dma_start3A_101 = arith.constant 0 : i32
        %dma_start3A_102 = tpu.memref_slice %arg9[%mul3A_73, %dma_start3A_101] : memref<40x256xi32, #tpu.memory_space<vmem>> -> memref<1x256xi32, #tpu.memory_space<vmem>>
        %dma_start3A_103 = tpu.memref_squeeze %dma_start3A_102 : memref<1x256xi32, #tpu.memory_space<vmem>> -> memref<256xi32, #tpu.memory_space<vmem>>
        %dma_start3A_104 = arith.constant 0 : i32
        %dma_start3A_105 = arith.constant 0 : i32
        %dma_start3A_106 = tpu.memref_slice %arg7[%dma_start3A_104, %dma_start3A_105] : memref<10240x16xf32, #tpu.memory_space<vmem_shared>> -> memref<10240x16xf32, #tpu.memory_space<vmem_shared>>
        tpu.enqueue_indirect_dma source(%arg10 : memref<256x16xf32, #tpu.memory_space<vmem>>) target(%dma_start3A_106 : memref<10240x16xf32, #tpu.memory_space<vmem_shared>>) offsets(%dma_start3A_103 : memref<256xi32, #tpu.memory_space<vmem>>) semaphore(%run_scoped3A_100 : memref<!tpu.dma_semaphore, #tpu.memory_space<semaphore_mem>>) {add = true}
        %dma_wait3A_107 = arith.constant 0 : i32
        %dma_wait3A_108 = tpu.memref_slice %arg9[%mul3A_73, %dma_wait3A_107] : memref<40x256xi32, #tpu.memory_space<vmem>> -> memref<1x256xi32, #tpu.memory_space<vmem>>
        %dma_wait3A_109 = tpu.memref_squeeze %dma_wait3A_108 : memref<1x256xi32, #tpu.memory_space<vmem>> -> memref<256xi32, #tpu.memory_space<vmem>>
        %dma_wait3A_110 = arith.constant 0 : i32
        %dma_wait3A_111 = arith.constant 0 : i32
        %dma_wait3A_112 = tpu.memref_slice %arg7[%dma_wait3A_110, %dma_wait3A_111] : memref<10240x16xf32, #tpu.memory_space<vmem_shared>> -> memref<10240x16xf32, #tpu.memory_space<vmem_shared>>
        tpu.wait_indirect_dma semaphore(%run_scoped3A_100 : memref<!tpu.dma_semaphore, #tpu.memory_space<semaphore_mem>>) src(%arg10 : memref<256x16xf32, #tpu.memory_space<vmem>>) dst(%dma_wait3A_112 : memref<10240x16xf32, #tpu.memory_space<vmem_shared>>)
        tpu.yield
      }) : () -> ()
      %add3A_87 = arith.constant 2 : i32
      %add3A_88 = arith.addi %mul3A_73, %add3A_87 : i32
      %lt3A_89 = arith.cmpi slt, %add3A_88, %select_n3A : i32
      %convert_element_type3A_90 = arith.extui %lt3A_89 : i1 to i32
      %cond3A_91 = arith.constant 0 : i32
      %cond3A_92 = arith.cmpi ne, %convert_element_type3A_90, %cond3A_91 : i32
      scf.if %cond3A_92 {
        %add3A_100 = arith.constant 2 : i32
        %add3A_101 = arith.addi %mul3A_73, %add3A_100 : i32
        %dma_start3A_102 = arith.constant 0 : i32
        %dma_start3A_103 = tpu.memref_slice %arg8[%add3A_101, %dma_start3A_102] : memref<40x256xi32, #tpu.memory_space<vmem>> -> memref<1x256xi32, #tpu.memory_space<vmem>>
        %dma_start3A_104 = tpu.memref_squeeze %dma_start3A_103 : memref<1x256xi32, #tpu.memory_space<vmem>> -> memref<256xi32, #tpu.memory_space<vmem>>
        %dma_start3A_105 = arith.constant 0 : i32
        %dma_start3A_106 = arith.constant 0 : i32
        %dma_start3A_107 = tpu.memref_slice %arg6[%dma_start3A_105, %dma_start3A_106] : memref<10240x16xf32, #tpu.memory_space<vmem_shared>> -> memref<10240x16xf32, #tpu.memory_space<vmem_shared>>
        tpu.enqueue_indirect_dma source(%dma_start3A_107 : memref<10240x16xf32, #tpu.memory_space<vmem_shared>>) target(%arg10 : memref<256x16xf32, #tpu.memory_space<vmem>>) offsets(%dma_start3A_104 : memref<256xi32, #tpu.memory_space<vmem>>) semaphore(%arg16 : memref<!tpu.dma_semaphore, #tpu.memory_space<semaphore_mem>>)
      } else {
      }
      %dma_wait3A_93 = arith.constant 0 : i32
      %dma_wait3A_94 = tpu.memref_slice %arg8[%add3A_75, %dma_wait3A_93] : memref<40x256xi32, #tpu.memory_space<vmem>> -> memref<1x256xi32, #tpu.memory_space<vmem>>
      %dma_wait3A_95 = tpu.memref_squeeze %dma_wait3A_94 : memref<1x256xi32, #tpu.memory_space<vmem>> -> memref<256xi32, #tpu.memory_space<vmem>>
      %dma_wait3A_96 = arith.constant 0 : i32
      %dma_wait3A_97 = arith.constant 0 : i32
      %dma_wait3A_98 = tpu.memref_slice %arg6[%dma_wait3A_96, %dma_wait3A_97] : memref<10240x16xf32, #tpu.memory_space<vmem_shared>> -> memref<10240x16xf32, #tpu.memory_space<vmem_shared>>
      tpu.wait_indirect_dma semaphore(%arg17 : memref<!tpu.dma_semaphore, #tpu.memory_space<semaphore_mem>>) src(%dma_wait3A_98 : memref<10240x16xf32, #tpu.memory_space<vmem_shared>>) dst(%arg11 : memref<256x16xf32, #tpu.memory_space<vmem>>)
      "tpu.region"() ({
        %run_scoped3A_100 = tpu.sem_alloc : memref<!tpu.dma_semaphore, #tpu.memory_space<semaphore_mem>>
        %dma_start3A_101 = arith.constant 0 : i32
        %dma_start3A_102 = tpu.memref_slice %arg9[%add3A_75, %dma_start3A_101] : memref<40x256xi32, #tpu.memory_space<vmem>> -> memref<1x256xi32, #tpu.memory_space<vmem>>
        %dma_start3A_103 = tpu.memref_squeeze %dma_start3A_102 : memref<1x256xi32, #tpu.memory_space<vmem>> -> memref<256xi32, #tpu.memory_space<vmem>>
        %dma_start3A_104 = arith.constant 0 : i32
        %dma_start3A_105 = arith.constant 0 : i32
        %dma_start3A_106 = tpu.memref_slice %arg7[%dma_start3A_104, %dma_start3A_105] : memref<10240x16xf32, #tpu.memory_space<vmem_shared>> -> memref<10240x16xf32, #tpu.memory_space<vmem_shared>>
        tpu.enqueue_indirect_dma source(%arg11 : memref<256x16xf32, #tpu.memory_space<vmem>>) target(%dma_start3A_106 : memref<10240x16xf32, #tpu.memory_space<vmem_shared>>) offsets(%dma_start3A_103 : memref<256xi32, #tpu.memory_space<vmem>>) semaphore(%run_scoped3A_100 : memref<!tpu.dma_semaphore, #tpu.memory_space<semaphore_mem>>) {add = true}
        %dma_wait3A_107 = arith.constant 0 : i32
        %dma_wait3A_108 = tpu.memref_slice %arg9[%add3A_75, %dma_wait3A_107] : memref<40x256xi32, #tpu.memory_space<vmem>> -> memref<1x256xi32, #tpu.memory_space<vmem>>
        %dma_wait3A_109 = tpu.memref_squeeze %dma_wait3A_108 : memref<1x256xi32, #tpu.memory_space<vmem>> -> memref<256xi32, #tpu.memory_space<vmem>>
        %dma_wait3A_110 = arith.constant 0 : i32
        %dma_wait3A_111 = arith.constant 0 : i32
        %dma_wait3A_112 = tpu.memref_slice %arg7[%dma_wait3A_110, %dma_wait3A_111] : memref<10240x16xf32, #tpu.memory_space<vmem_shared>> -> memref<10240x16xf32, #tpu.memory_space<vmem_shared>>
        tpu.wait_indirect_dma semaphore(%run_scoped3A_100 : memref<!tpu.dma_semaphore, #tpu.memory_space<semaphore_mem>>) src(%arg11 : memref<256x16xf32, #tpu.memory_space<vmem>>) dst(%dma_wait3A_112 : memref<10240x16xf32, #tpu.memory_space<vmem_shared>>)
        tpu.yield
      }) : () -> ()
      %while3A_99 = arith.constant 0 : i32
      scf.yield %while3A_99 : i32
    }
    %barrier3A_69 = arith.constant 0 : index
    tpu.barrier barrier_id(%barrier3A_69)
    "tpu.region"() ({
      %run_scoped3A_70 = tpu.sem_alloc : memref<!tpu.dma_semaphore, #tpu.memory_space<semaphore_mem>>
      %dma_start3A_71 = arith.constant 0 : i32
      %dma_start3A_72 = tpu.memref_slice %arg7[%mul3A_2, %dma_start3A_71] : memref<10240x16xf32, #tpu.memory_space<vmem_shared>> -> memref<640x16xf32, #tpu.memory_space<vmem_shared>>
      %dma_start3A_73 = arith.constant 0 : i32
      %dma_start3A_74 = tpu.memref_slice %arg7[%mul3A_2, %dma_start3A_73] : memref<10240x16xf32, #tpu.memory_space<vmem_shared>> -> memref<640x16xf32, #tpu.memory_space<vmem_shared>>
      tpu.enqueue_dma source(%dma_start3A_74 : memref<640x16xf32, #tpu.memory_space<vmem_shared>>) target(%arg12 : memref<640x16xf32, #tpu.memory_space<vmem>>) target_semaphore(%run_scoped3A_70 : memref<!tpu.dma_semaphore, #tpu.memory_space<semaphore_mem>>)
      %dma_wait3A = arith.constant 0 : i32
      %dma_wait3A_75 = tpu.memref_slice %arg7[%mul3A_2, %dma_wait3A] : memref<10240x16xf32, #tpu.memory_space<vmem_shared>> -> memref<640x16xf32, #tpu.memory_space<vmem_shared>>
      %dma_wait3A_76 = arith.constant 0 : i32
      %dma_wait3A_77 = tpu.memref_slice %arg7[%mul3A_2, %dma_wait3A_76] : memref<10240x16xf32, #tpu.memory_space<vmem_shared>> -> memref<640x16xf32, #tpu.memory_space<vmem_shared>>
      tpu.wait_dma2 semaphore(%run_scoped3A_70 : memref<!tpu.dma_semaphore, #tpu.memory_space<semaphore_mem>>) src(%dma_wait3A_77 : memref<640x16xf32, #tpu.memory_space<vmem_shared>>) dst(%arg12 : memref<640x16xf32, #tpu.memory_space<vmem>>)
      tpu.yield
    }) : () -> ()
    "tpu.region"() ({
      %run_scoped3A_70 = tpu.sem_alloc : memref<!tpu.dma_semaphore, #tpu.memory_space<semaphore_mem>>
      %dma_start3A_71 = arith.constant 0 : i32
      %dma_start3A_72 = tpu.memref_slice %arg5[%arg0, %mul3A_2, %dma_start3A_71] : memref<2x10240x16xf32, #tpu.memory_space<hbm>> -> memref<1x640x16xf32, #tpu.memory_space<hbm>>
      %dma_start3A_73 = tpu.memref_squeeze %dma_start3A_72 : memref<1x640x16xf32, #tpu.memory_space<hbm>> -> memref<640x16xf32, #tpu.memory_space<hbm>>
      %dma_start3A_74 = arith.constant 0 : i32
      %dma_start3A_75 = tpu.memref_slice %arg5[%arg0, %mul3A_2, %dma_start3A_74] : memref<2x10240x16xf32, #tpu.memory_space<hbm>> -> memref<1x640x16xf32, #tpu.memory_space<hbm>>
      %dma_start3A_76 = tpu.memref_squeeze %dma_start3A_75 : memref<1x640x16xf32, #tpu.memory_space<hbm>> -> memref<640x16xf32, #tpu.memory_space<hbm>>
      tpu.enqueue_dma source(%arg12 : memref<640x16xf32, #tpu.memory_space<vmem>>) target(%dma_start3A_76 : memref<640x16xf32, #tpu.memory_space<hbm>>) target_semaphore(%run_scoped3A_70 : memref<!tpu.dma_semaphore, #tpu.memory_space<semaphore_mem>>)
      %dma_wait3A = arith.constant 0 : i32
      %dma_wait3A_77 = tpu.memref_slice %arg5[%arg0, %mul3A_2, %dma_wait3A] : memref<2x10240x16xf32, #tpu.memory_space<hbm>> -> memref<1x640x16xf32, #tpu.memory_space<hbm>>
      %dma_wait3A_78 = tpu.memref_squeeze %dma_wait3A_77 : memref<1x640x16xf32, #tpu.memory_space<hbm>> -> memref<640x16xf32, #tpu.memory_space<hbm>>
      %dma_wait3A_79 = arith.constant 0 : i32
      %dma_wait3A_80 = tpu.memref_slice %arg5[%arg0, %mul3A_2, %dma_wait3A_79] : memref<2x10240x16xf32, #tpu.memory_space<hbm>> -> memref<1x640x16xf32, #tpu.memory_space<hbm>>
      %dma_wait3A_81 = tpu.memref_squeeze %dma_wait3A_80 : memref<1x640x16xf32, #tpu.memory_space<hbm>> -> memref<640x16xf32, #tpu.memory_space<hbm>>
      tpu.wait_dma2 semaphore(%run_scoped3A_70 : memref<!tpu.dma_semaphore, #tpu.memory_space<semaphore_mem>>) src(%arg12 : memref<640x16xf32, #tpu.memory_space<vmem>>) dst(%dma_wait3A_81 : memref<640x16xf32, #tpu.memory_space<hbm>>)
      tpu.yield
    }) : () -> ()
    return
  }
}

#map = affine_map<(d0, d1) -> (0, 0, 0)>
#map1 = affine_map<(d0, d1) -> (0, 0)>
module attributes {stable_mosaic.version = 14 : i64} {
  func.func @body(%arg0: i32, %arg1: i32, %arg2: memref<2x10240x16xf32, #tpu.memory_space<hbm>>, %arg3: memref<2x10240xf32, #tpu.memory_space<hbm>>, %arg4: memref<2500x256xi32, #tpu.memory_space<hbm>>, %arg5: memref<2x10240x16xf32, #tpu.memory_space<hbm>>, %arg6: memref<10240x16xf32, #tpu.memory_space<vmem_shared>>, %arg7: memref<10240x16xf32, #tpu.memory_space<vmem_shared>>, %arg8: memref<40x256xi32, #tpu.memory_space<vmem>>, %arg9: memref<40x256xi32, #tpu.memory_space<vmem>>, %arg10: memref<256x16xf32, #tpu.memory_space<vmem>>, %arg11: memref<256x16xf32, #tpu.memory_space<vmem>>, %arg12: memref<640x16xf32, #tpu.memory_space<vmem>>, %arg13: memref<2x640x16xf32, #tpu.memory_space<vmem>>, %arg14: memref<2x640xf32, #tpu.memory_space<vmem>>, %arg15: memref<640x16xf32, #tpu.memory_space<vmem>>, %arg16: memref<!tpu.dma_semaphore, #tpu.memory_space<semaphore_mem>>, %arg17: memref<!tpu.dma_semaphore, #tpu.memory_space<semaphore_mem>>) attributes {dimension_semantics = [#tpu.dimension_semantics<core_parallel>, #tpu.dimension_semantics<subcore_parallel>], iteration_bounds = array<i64: 2, 16>, scalar_prefetch = 0 : i64, scratch_operands = 12 : i64, tpu.core_type = #tpu.core_type<sc_vector_subcore>, window_params = [{transform_indices = #map}, {transform_indices = #map1}, {transform_indices = #map1}, {transform_indices = #map}]} {
    %mul3A = arith.constant 16 : i32
    %mul3A_0 = arith.muli %arg0, %mul3A : i32
    %add3A = arith.addi %mul3A_0, %arg1 : i32
    %mul3A_1 = arith.constant 640 : i32
    %mul3A_2 = arith.muli %arg1, %mul3A_1 : i32
    %scan3A = arith.constant 0 : i32
    %scan3A_3 = arith.constant 0 : i32
    %scan3A_4 = arith.constant 640 : i32
    %scan3A_5 = arith.addi %scan3A_3, %scan3A_4 : i32
    %scan3A_6 = arith.constant 1 : i32
    %scan3A_7 = scf.for %scan3A_70 = %scan3A_3 to %scan3A_5 step %scan3A_6 iter_args(%scan3A_71 = %scan3A) -> (i32)  : i32 {
      %broadcast_in_dim3A = arith.constant 0.000000e+00 : f32
      %broadcast_in_dim3A_72 = vector.broadcast %broadcast_in_dim3A : f32 to vector<16xf32>
      %swap3A = arith.index_cast %scan3A_70 : i32 to index
      %swap3A_73 = arith.constant 0 : index
      %swap3A_74 = tpu.vector_load %arg12[%swap3A, %swap3A_73] {strides = array<i32>} : memref<640x16xf32, #tpu.memory_space<vmem>>, vector<16xf32>,
      tpu.vector_store %arg12[%swap3A, %swap3A_73], %broadcast_in_dim3A_72 {strides = array<i32>} : memref<640x16xf32, #tpu.memory_space<vmem>>, vector<16xf32>,
      %scan3A_75 = arith.constant 0 : i32
      scf.yield %scan3A_75 : i32
    }
    %scan3A_8 = arith.constant 640 : i32
    "tpu.region"() ({
      %run_scoped3A_70 = tpu.sem_alloc : memref<!tpu.dma_semaphore, #tpu.memory_space<semaphore_mem>>
      %dma_start3A_71 = arith.constant 0 : i32
      %dma_start3A_72 = tpu.memref_slice %arg7[%mul3A_2, %dma_start3A_71] : memref<10240x16xf32, #tpu.memory_space<vmem_shared>> -> memref<640x16xf32, #tpu.memory_space<vmem_shared>>
      %dma_start3A_73 = arith.constant 0 : i32
      %dma_start3A_74 = tpu.memref_slice %arg7[%mul3A_2, %dma_start3A_73] : memref<10240x16xf32, #tpu.memory_space<vmem_shared>> -> memref<640x16xf32, #tpu.memory_space<vmem_shared>>
      tpu.enqueue_dma source(%arg12 : memref<640x16xf32, #tpu.memory_space<vmem>>) target(%dma_start3A_74 : memref<640x16xf32, #tpu.memory_space<vmem_shared>>) target_semaphore(%run_scoped3A_70 : memref<!tpu.dma_semaphore, #tpu.memory_space<semaphore_mem>>)
      %dma_wait3A = arith.constant 0 : i32
      %dma_wait3A_75 = tpu.memref_slice %arg7[%mul3A_2, %dma_wait3A] : memref<10240x16xf32, #tpu.memory_space<vmem_shared>> -> memref<640x16xf32, #tpu.memory_space<vmem_shared>>
      %dma_wait3A_76 = arith.constant 0 : i32
      %dma_wait3A_77 = tpu.memref_slice %arg7[%mul3A_2, %dma_wait3A_76] : memref<10240x16xf32, #tpu.memory_space<vmem_shared>> -> memref<640x16xf32, #tpu.memory_space<vmem_shared>>
      tpu.wait_dma2 semaphore(%run_scoped3A_70 : memref<!tpu.dma_semaphore, #tpu.memory_space<semaphore_mem>>) src(%arg12 : memref<640x16xf32, #tpu.memory_space<vmem>>) dst(%dma_wait3A_77 : memref<640x16xf32, #tpu.memory_space<vmem_shared>>)
      tpu.yield
    }) : () -> ()
    %run_scoped3A = arith.constant 0 : i32
    %run_scoped3A_9 = arith.constant 0 : i32
    "tpu.region"() ({
      %run_scoped3A_70 = tpu.sem_alloc : memref<!tpu.dma_semaphore, #tpu.memory_space<semaphore_mem>>
      %dma_start3A_71 = arith.constant 0 : i32
      %dma_start3A_72 = arith.constant 0 : i32
      %dma_start3A_73 = tpu.memref_slice %arg13[%run_scoped3A_9, %dma_start3A_71, %dma_start3A_72] : memref<2x640x16xf32, #tpu.memory_space<vmem>> -> memref<1x640x16xf32, #tpu.memory_space<vmem>>
      %dma_start3A_74 = tpu.memref_squeeze %dma_start3A_73 : memref<1x640x16xf32, #tpu.memory_space<vmem>> -> memref<640x16xf32, #tpu.memory_space<vmem>>
      %dma_start3A_75 = arith.constant 0 : i32
      %dma_start3A_76 = tpu.memref_slice %arg2[%run_scoped3A, %mul3A_2, %dma_start3A_75] : memref<2x10240x16xf32, #tpu.memory_space<hbm>> -> memref<1x640x16xf32, #tpu.memory_space<hbm>>
      %dma_start3A_77 = tpu.memref_squeeze %dma_start3A_76 : memref<1x640x16xf32, #tpu.memory_space<hbm>> -> memref<640x16xf32, #tpu.memory_space<hbm>>
      %dma_start3A_78 = arith.constant 0 : i32
      %dma_start3A_79 = arith.constant 0 : i32
      %dma_start3A_80 = tpu.memref_slice %arg13[%run_scoped3A_9, %dma_start3A_78, %dma_start3A_79] : memref<2x640x16xf32, #tpu.memory_space<vmem>> -> memref<1x640x16xf32, #tpu.memory_space<vmem>>
      %dma_start3A_81 = tpu.memref_squeeze %dma_start3A_80 : memref<1x640x16xf32, #tpu.memory_space<vmem>> -> memref<640x16xf32, #tpu.memory_space<vmem>>
      %dma_start3A_82 = arith.constant 0 : i32
      %dma_start3A_83 = tpu.memref_slice %arg2[%run_scoped3A, %mul3A_2, %dma_start3A_82] : memref<2x10240x16xf32, #tpu.memory_space<hbm>> -> memref<1x640x16xf32, #tpu.memory_space<hbm>>
      %dma_start3A_84 = tpu.memref_squeeze %dma_start3A_83 : memref<1x640x16xf32, #tpu.memory_space<hbm>> -> memref<640x16xf32, #tpu.memory_space<hbm>>
      tpu.enqueue_dma source(%dma_start3A_84 : memref<640x16xf32, #tpu.memory_space<hbm>>) target(%dma_start3A_81 : memref<640x16xf32, #tpu.memory_space<vmem>>) target_semaphore(%run_scoped3A_70 : memref<!tpu.dma_semaphore, #tpu.memory_space<semaphore_mem>>)
      %dma_wait3A = arith.constant 0 : i32
      %dma_wait3A_85 = arith.constant 0 : i32
      %dma_wait3A_86 = tpu.memref_slice %arg13[%run_scoped3A_9, %dma_wait3A, %dma_wait3A_85] : memref<2x640x16xf32, #tpu.memory_space<vmem>> -> memref<1x640x16xf32, #tpu.memory_space<vmem>>
      %dma_wait3A_87 = tpu.memref_squeeze %dma_wait3A_86 : memref<1x640x16xf32, #tpu.memory_space<vmem>> -> memref<640x16xf32, #tpu.memory_space<vmem>>
      %dma_wait3A_88 = arith.constant 0 : i32
      %dma_wait3A_89 = tpu.memref_slice %arg2[%run_scoped3A, %mul3A_2, %dma_wait3A_88] : memref<2x10240x16xf32, #tpu.memory_space<hbm>> -> memref<1x640x16xf32, #tpu.memory_space<hbm>>
      %dma_wait3A_90 = tpu.memref_squeeze %dma_wait3A_89 : memref<1x640x16xf32, #tpu.memory_space<hbm>> -> memref<640x16xf32, #tpu.memory_space<hbm>>
      %dma_wait3A_91 = arith.constant 0 : i32
      %dma_wait3A_92 = arith.constant 0 : i32
      %dma_wait3A_93 = tpu.memref_slice %arg13[%run_scoped3A_9, %dma_wait3A_91, %dma_wait3A_92] : memref<2x640x16xf32, #tpu.memory_space<vmem>> -> memref<1x640x16xf32, #tpu.memory_space<vmem>>
      %dma_wait3A_94 = tpu.memref_squeeze %dma_wait3A_93 : memref<1x640x16xf32, #tpu.memory_space<vmem>> -> memref<640x16xf32, #tpu.memory_space<vmem>>
      %dma_wait3A_95 = arith.constant 0 : i32
      %dma_wait3A_96 = tpu.memref_slice %arg2[%run_scoped3A, %mul3A_2, %dma_wait3A_95] : memref<2x10240x16xf32, #tpu.memory_space<hbm>> -> memref<1x640x16xf32, #tpu.memory_space<hbm>>
      %dma_wait3A_97 = tpu.memref_squeeze %dma_wait3A_96 : memref<1x640x16xf32, #tpu.memory_space<hbm>> -> memref<640x16xf32, #tpu.memory_space<hbm>>
      tpu.wait_dma2 semaphore(%run_scoped3A_70 : memref<!tpu.dma_semaphore, #tpu.memory_space<semaphore_mem>>) src(%dma_wait3A_97 : memref<640x16xf32, #tpu.memory_space<hbm>>) dst(%dma_wait3A_94 : memref<640x16xf32, #tpu.memory_space<vmem>>)
      tpu.yield
    }) : () -> ()
    %run_scoped3A_10 = arith.constant 1 : i32
    %run_scoped3A_11 = arith.constant 1 : i32
    "tpu.region"() ({
      %run_scoped3A_70 = tpu.sem_alloc : memref<!tpu.dma_semaphore, #tpu.memory_space<semaphore_mem>>
      %dma_start3A_71 = arith.constant 0 : i32
      %dma_start3A_72 = arith.constant 0 : i32
      %dma_start3A_73 = tpu.memref_slice %arg13[%run_scoped3A_11, %dma_start3A_71, %dma_start3A_72] : memref<2x640x16xf32, #tpu.memory_space<vmem>> -> memref<1x640x16xf32, #tpu.memory_space<vmem>>
      %dma_start3A_74 = tpu.memref_squeeze %dma_start3A_73 : memref<1x640x16xf32, #tpu.memory_space<vmem>> -> memref<640x16xf32, #tpu.memory_space<vmem>>
      %dma_start3A_75 = arith.constant 0 : i32
      %dma_start3A_76 = tpu.memref_slice %arg2[%run_scoped3A_10, %mul3A_2, %dma_start3A_75] : memref<2x10240x16xf32, #tpu.memory_space<hbm>> -> memref<1x640x16xf32, #tpu.memory_space<hbm>>
      %dma_start3A_77 = tpu.memref_squeeze %dma_start3A_76 : memref<1x640x16xf32, #tpu.memory_space<hbm>> -> memref<640x16xf32, #tpu.memory_space<hbm>>
      %dma_start3A_78 = arith.constant 0 : i32
      %dma_start3A_79 = arith.constant 0 : i32
      %dma_start3A_80 = tpu.memref_slice %arg13[%run_scoped3A_11, %dma_start3A_78, %dma_start3A_79] : memref<2x640x16xf32, #tpu.memory_space<vmem>> -> memref<1x640x16xf32, #tpu.memory_space<vmem>>
      %dma_start3A_81 = tpu.memref_squeeze %dma_start3A_80 : memref<1x640x16xf32, #tpu.memory_space<vmem>> -> memref<640x16xf32, #tpu.memory_space<vmem>>
      %dma_start3A_82 = arith.constant 0 : i32
      %dma_start3A_83 = tpu.memref_slice %arg2[%run_scoped3A_10, %mul3A_2, %dma_start3A_82] : memref<2x10240x16xf32, #tpu.memory_space<hbm>> -> memref<1x640x16xf32, #tpu.memory_space<hbm>>
      %dma_start3A_84 = tpu.memref_squeeze %dma_start3A_83 : memref<1x640x16xf32, #tpu.memory_space<hbm>> -> memref<640x16xf32, #tpu.memory_space<hbm>>
      tpu.enqueue_dma source(%dma_start3A_84 : memref<640x16xf32, #tpu.memory_space<hbm>>) target(%dma_start3A_81 : memref<640x16xf32, #tpu.memory_space<vmem>>) target_semaphore(%run_scoped3A_70 : memref<!tpu.dma_semaphore, #tpu.memory_space<semaphore_mem>>)
      %dma_wait3A = arith.constant 0 : i32
      %dma_wait3A_85 = arith.constant 0 : i32
      %dma_wait3A_86 = tpu.memref_slice %arg13[%run_scoped3A_11, %dma_wait3A, %dma_wait3A_85] : memref<2x640x16xf32, #tpu.memory_space<vmem>> -> memref<1x640x16xf32, #tpu.memory_space<vmem>>
      %dma_wait3A_87 = tpu.memref_squeeze %dma_wait3A_86 : memref<1x640x16xf32, #tpu.memory_space<vmem>> -> memref<640x16xf32, #tpu.memory_space<vmem>>
      %dma_wait3A_88 = arith.constant 0 : i32
      %dma_wait3A_89 = tpu.memref_slice %arg2[%run_scoped3A_10, %mul3A_2, %dma_wait3A_88] : memref<2x10240x16xf32, #tpu.memory_space<hbm>> -> memref<1x640x16xf32, #tpu.memory_space<hbm>>
      %dma_wait3A_90 = tpu.memref_squeeze %dma_wait3A_89 : memref<1x640x16xf32, #tpu.memory_space<hbm>> -> memref<640x16xf32, #tpu.memory_space<hbm>>
      %dma_wait3A_91 = arith.constant 0 : i32
      %dma_wait3A_92 = arith.constant 0 : i32
      %dma_wait3A_93 = tpu.memref_slice %arg13[%run_scoped3A_11, %dma_wait3A_91, %dma_wait3A_92] : memref<2x640x16xf32, #tpu.memory_space<vmem>> -> memref<1x640x16xf32, #tpu.memory_space<vmem>>
      %dma_wait3A_94 = tpu.memref_squeeze %dma_wait3A_93 : memref<1x640x16xf32, #tpu.memory_space<vmem>> -> memref<640x16xf32, #tpu.memory_space<vmem>>
      %dma_wait3A_95 = arith.constant 0 : i32
      %dma_wait3A_96 = tpu.memref_slice %arg2[%run_scoped3A_10, %mul3A_2, %dma_wait3A_95] : memref<2x10240x16xf32, #tpu.memory_space<hbm>> -> memref<1x640x16xf32, #tpu.memory_space<hbm>>
      %dma_wait3A_97 = tpu.memref_squeeze %dma_wait3A_96 : memref<1x640x16xf32, #tpu.memory_space<hbm>> -> memref<640x16xf32, #tpu.memory_space<hbm>>
      tpu.wait_dma2 semaphore(%run_scoped3A_70 : memref<!tpu.dma_semaphore, #tpu.memory_space<semaphore_mem>>) src(%dma_wait3A_97 : memref<640x16xf32, #tpu.memory_space<hbm>>) dst(%dma_wait3A_94 : memref<640x16xf32, #tpu.memory_space<vmem>>)
      tpu.yield
    }) : () -> ()
    %run_scoped3A_12 = arith.constant 0 : i32
    %run_scoped3A_13 = arith.constant 0 : i32
    "tpu.region"() ({
      %run_scoped3A_70 = tpu.sem_alloc : memref<!tpu.dma_semaphore, #tpu.memory_space<semaphore_mem>>
      %dma_start3A_71 = arith.constant 0 : i32
      %dma_start3A_72 = tpu.memref_slice %arg14[%run_scoped3A_13, %dma_start3A_71] : memref<2x640xf32, #tpu.memory_space<vmem>> -> memref<1x640xf32, #tpu.memory_space<vmem>>
      %dma_start3A_73 = tpu.memref_squeeze %dma_start3A_72 : memref<1x640xf32, #tpu.memory_space<vmem>> -> memref<640xf32, #tpu.memory_space<vmem>>
      %dma_start3A_74 = tpu.memref_slice %arg3[%run_scoped3A_12, %mul3A_2] : memref<2x10240xf32, #tpu.memory_space<hbm>> -> memref<1x640xf32, #tpu.memory_space<hbm>>
      %dma_start3A_75 = tpu.memref_squeeze %dma_start3A_74 : memref<1x640xf32, #tpu.memory_space<hbm>> -> memref<640xf32, #tpu.memory_space<hbm>>
      %dma_start3A_76 = arith.constant 0 : i32
      %dma_start3A_77 = tpu.memref_slice %arg14[%run_scoped3A_13, %dma_start3A_76] : memref<2x640xf32, #tpu.memory_space<vmem>> -> memref<1x640xf32, #tpu.memory_space<vmem>>
      %dma_start3A_78 = tpu.memref_squeeze %dma_start3A_77 : memref<1x640xf32, #tpu.memory_space<vmem>> -> memref<640xf32, #tpu.memory_space<vmem>>
      %dma_start3A_79 = tpu.memref_slice %arg3[%run_scoped3A_12, %mul3A_2] : memref<2x10240xf32, #tpu.memory_space<hbm>> -> memref<1x640xf32, #tpu.memory_space<hbm>>
      %dma_start3A_80 = tpu.memref_squeeze %dma_start3A_79 : memref<1x640xf32, #tpu.memory_space<hbm>> -> memref<640xf32, #tpu.memory_space<hbm>>
      tpu.enqueue_dma source(%dma_start3A_80 : memref<640xf32, #tpu.memory_space<hbm>>) target(%dma_start3A_78 : memref<640xf32, #tpu.memory_space<vmem>>) target_semaphore(%run_scoped3A_70 : memref<!tpu.dma_semaphore, #tpu.memory_space<semaphore_mem>>)
      %dma_wait3A = arith.constant 0 : i32
      %dma_wait3A_81 = tpu.memref_slice %arg14[%run_scoped3A_13, %dma_wait3A] : memref<2x640xf32, #tpu.memory_space<vmem>> -> memref<1x640xf32, #tpu.memory_space<vmem>>
      %dma_wait3A_82 = tpu.memref_squeeze %dma_wait3A_81 : memref<1x640xf32, #tpu.memory_space<vmem>> -> memref<640xf32, #tpu.memory_space<vmem>>
      %dma_wait3A_83 = tpu.memref_slice %arg3[%run_scoped3A_12, %mul3A_2] : memref<2x10240xf32, #tpu.memory_space<hbm>> -> memref<1x640xf32, #tpu.memory_space<hbm>>
      %dma_wait3A_84 = tpu.memref_squeeze %dma_wait3A_83 : memref<1x640xf32, #tpu.memory_space<hbm>> -> memref<640xf32, #tpu.memory_space<hbm>>
      %dma_wait3A_85 = arith.constant 0 : i32
      %dma_wait3A_86 = tpu.memref_slice %arg14[%run_scoped3A_13, %dma_wait3A_85] : memref<2x640xf32, #tpu.memory_space<vmem>> -> memref<1x640xf32, #tpu.memory_space<vmem>>
      %dma_wait3A_87 = tpu.memref_squeeze %dma_wait3A_86 : memref<1x640xf32, #tpu.memory_space<vmem>> -> memref<640xf32, #tpu.memory_space<vmem>>
      %dma_wait3A_88 = tpu.memref_slice %arg3[%run_scoped3A_12, %mul3A_2] : memref<2x10240xf32, #tpu.memory_space<hbm>> -> memref<1x640xf32, #tpu.memory_space<hbm>>
      %dma_wait3A_89 = tpu.memref_squeeze %dma_wait3A_88 : memref<1x640xf32, #tpu.memory_space<hbm>> -> memref<640xf32, #tpu.memory_space<hbm>>
      tpu.wait_dma2 semaphore(%run_scoped3A_70 : memref<!tpu.dma_semaphore, #tpu.memory_space<semaphore_mem>>) src(%dma_wait3A_89 : memref<640xf32, #tpu.memory_space<hbm>>) dst(%dma_wait3A_87 : memref<640xf32, #tpu.memory_space<vmem>>)
      tpu.yield
    }) : () -> ()
    %run_scoped3A_14 = arith.constant 1 : i32
    %run_scoped3A_15 = arith.constant 1 : i32
    "tpu.region"() ({
      %run_scoped3A_70 = tpu.sem_alloc : memref<!tpu.dma_semaphore, #tpu.memory_space<semaphore_mem>>
      %dma_start3A_71 = arith.constant 0 : i32
      %dma_start3A_72 = tpu.memref_slice %arg14[%run_scoped3A_15, %dma_start3A_71] : memref<2x640xf32, #tpu.memory_space<vmem>> -> memref<1x640xf32, #tpu.memory_space<vmem>>
      %dma_start3A_73 = tpu.memref_squeeze %dma_start3A_72 : memref<1x640xf32, #tpu.memory_space<vmem>> -> memref<640xf32, #tpu.memory_space<vmem>>
      %dma_start3A_74 = tpu.memref_slice %arg3[%run_scoped3A_14, %mul3A_2] : memref<2x10240xf32, #tpu.memory_space<hbm>> -> memref<1x640xf32, #tpu.memory_space<hbm>>
      %dma_start3A_75 = tpu.memref_squeeze %dma_start3A_74 : memref<1x640xf32, #tpu.memory_space<hbm>> -> memref<640xf32, #tpu.memory_space<hbm>>
      %dma_start3A_76 = arith.constant 0 : i32
      %dma_start3A_77 = tpu.memref_slice %arg14[%run_scoped3A_15, %dma_start3A_76] : memref<2x640xf32, #tpu.memory_space<vmem>> -> memref<1x640xf32, #tpu.memory_space<vmem>>
      %dma_start3A_78 = tpu.memref_squeeze %dma_start3A_77 : memref<1x640xf32, #tpu.memory_space<vmem>> -> memref<640xf32, #tpu.memory_space<vmem>>
      %dma_start3A_79 = tpu.memref_slice %arg3[%run_scoped3A_14, %mul3A_2] : memref<2x10240xf32, #tpu.memory_space<hbm>> -> memref<1x640xf32, #tpu.memory_space<hbm>>
      %dma_start3A_80 = tpu.memref_squeeze %dma_start3A_79 : memref<1x640xf32, #tpu.memory_space<hbm>> -> memref<640xf32, #tpu.memory_space<hbm>>
      tpu.enqueue_dma source(%dma_start3A_80 : memref<640xf32, #tpu.memory_space<hbm>>) target(%dma_start3A_78 : memref<640xf32, #tpu.memory_space<vmem>>) target_semaphore(%run_scoped3A_70 : memref<!tpu.dma_semaphore, #tpu.memory_space<semaphore_mem>>)
      %dma_wait3A = arith.constant 0 : i32
      %dma_wait3A_81 = tpu.memref_slice %arg14[%run_scoped3A_15, %dma_wait3A] : memref<2x640xf32, #tpu.memory_space<vmem>> -> memref<1x640xf32, #tpu.memory_space<vmem>>
      %dma_wait3A_82 = tpu.memref_squeeze %dma_wait3A_81 : memref<1x640xf32, #tpu.memory_space<vmem>> -> memref<640xf32, #tpu.memory_space<vmem>>
      %dma_wait3A_83 = tpu.memref_slice %arg3[%run_scoped3A_14, %mul3A_2] : memref<2x10240xf32, #tpu.memory_space<hbm>> -> memref<1x640xf32, #tpu.memory_space<hbm>>
      %dma_wait3A_84 = tpu.memref_squeeze %dma_wait3A_83 : memref<1x640xf32, #tpu.memory_space<hbm>> -> memref<640xf32, #tpu.memory_space<hbm>>
      %dma_wait3A_85 = arith.constant 0 : i32
      %dma_wait3A_86 = tpu.memref_slice %arg14[%run_scoped3A_15, %dma_wait3A_85] : memref<2x640xf32, #tpu.memory_space<vmem>> -> memref<1x640xf32, #tpu.memory_space<vmem>>
      %dma_wait3A_87 = tpu.memref_squeeze %dma_wait3A_86 : memref<1x640xf32, #tpu.memory_space<vmem>> -> memref<640xf32, #tpu.memory_space<vmem>>
      %dma_wait3A_88 = tpu.memref_slice %arg3[%run_scoped3A_14, %mul3A_2] : memref<2x10240xf32, #tpu.memory_space<hbm>> -> memref<1x640xf32, #tpu.memory_space<hbm>>
      %dma_wait3A_89 = tpu.memref_squeeze %dma_wait3A_88 : memref<1x640xf32, #tpu.memory_space<hbm>> -> memref<640xf32, #tpu.memory_space<hbm>>
      tpu.wait_dma2 semaphore(%run_scoped3A_70 : memref<!tpu.dma_semaphore, #tpu.memory_space<semaphore_mem>>) src(%dma_wait3A_89 : memref<640xf32, #tpu.memory_space<hbm>>) dst(%dma_wait3A_87 : memref<640xf32, #tpu.memory_space<vmem>>)
      tpu.yield
    }) : () -> ()
    %iota3A = tpu.iota {dimensions = array<i32: 0>} : vector<16xi32>
    %scan3A_16 = arith.constant 0 : i32
    %scan3A_17 = arith.constant 0 : i32
    %scan3A_18 = arith.constant 40 : i32
    %scan3A_19 = arith.addi %scan3A_17, %scan3A_18 : i32
    %scan3A_20 = arith.constant 1 : i32
    %scan3A_21 = scf.for %scan3A_70 = %scan3A_17 to %scan3A_19 step %scan3A_20 iter_args(%scan3A_71 = %scan3A_16) -> (i32)  : i32 {
      %mul3A_72 = arith.constant 16 : i32
      %mul3A_73 = arith.muli %scan3A_70, %mul3A_72 : i32
      %get3A = arith.constant 0 : i32
      %get3A_74 = arith.index_cast %get3A : i32 to index
      %get3A_75 = arith.index_cast %mul3A_73 : i32 to index
      %get3A_76 = tpu.vector_load %arg14[%get3A_74, %get3A_75] {strides = array<i32>} : memref<2x640xf32, #tpu.memory_space<vmem>>, vector<16xf32>,
      %mul3A_77 = arith.constant 16 : i32
      %mul3A_78 = arith.muli %scan3A_70, %mul3A_77 : i32
      %get3A_79 = arith.constant 1 : i32
      %get3A_80 = arith.index_cast %get3A_79 : i32 to index
      %get3A_81 = arith.index_cast %mul3A_78 : i32 to index
      %get3A_82 = tpu.vector_load %arg14[%get3A_80, %get3A_81] {strides = array<i32>} : memref<2x640xf32, #tpu.memory_space<vmem>>, vector<16xf32>,
      %add3A_83 = arith.addf %get3A_76, %get3A_82 : vector<16xf32>
      %max3A = arith.constant 1.000000e+00 : f32
      %max3A_84 = vector.broadcast %max3A : f32 to vector<16xf32>
      %max3A_85 = arith.maximumf %add3A_83, %max3A_84 : vector<16xf32>
      %div3A_86 = arith.constant 1.000000e+00 : f32
      %div3A_87 = vector.broadcast %div3A_86 : f32 to vector<16xf32>
      %div3A_88 = arith.divf %div3A_87, %max3A_85 : vector<16xf32>
      %mul3A_89 = arith.constant 16 : i32
      %mul3A_90 = arith.muli %scan3A_70, %mul3A_89 : i32
      %add3A_91 = arith.constant 0 : i32
      %add3A_92 = arith.addi %mul3A_90, %add3A_91 : i32
      %eq3A = arith.constant 0 : i32
      %eq3A_93 = vector.broadcast %eq3A : i32 to vector<16xi32>
      %eq3A_94 = arith.cmpi eq, %iota3A, %eq3A_93 : vector<16xi32>
      %jit3A_95 = arith.constant 0.000000e+00 : f32
      %broadcast_in_dim3A = vector.broadcast %jit3A_95 : f32 to vector<16xf32>
      %select_n3A_96 = arith.select %eq3A_94, %div3A_88, %broadcast_in_dim3A : vector<16xi1>, vector<16xf32>
      %reduce_sum3A = arith.constant true
      %reduce_sum3A_97 = vector.broadcast %reduce_sum3A : i1 to vector<16xi1>
      %reduce_sum3A_98 = tpu.scan <sum>, %select_n3A_96 masked %reduce_sum3A_97 : vector<16xf32>, vector<16xi1> -> vector<16xf32>
      %reduce_sum3A_99 = vector.extract %reduce_sum3A_98[15] : f32 from vector<16xf32>
      %get3A_100 = arith.constant 0 : i32
      %get3A_101 = arith.index_cast %get3A_100 : i32 to index
      %get3A_102 = arith.index_cast %add3A_92 : i32 to index
      %get3A_103 = arith.constant 0 : index
      %get3A_104 = tpu.vector_load %arg13[%get3A_101, %get3A_102, %get3A_103] {strides = array<i32>} : memref<2x640x16xf32, #tpu.memory_space<vmem>>, vector<16xf32>,
      %get3A_105 = arith.constant 1 : i32
      %get3A_106 = arith.index_cast %get3A_105 : i32 to index
      %get3A_107 = arith.index_cast %add3A_92 : i32 to index
      %get3A_108 = arith.constant 0 : index
      %get3A_109 = tpu.vector_load %arg13[%get3A_106, %get3A_107, %get3A_108] {strides = array<i32>} : memref<2x640x16xf32, #tpu.memory_space<vmem>>, vector<16xf32>,
      %add3A_110 = arith.addf %get3A_104, %get3A_109 : vector<16xf32>
      %mul3A_111 = vector.broadcast %reduce_sum3A_99 : f32 to vector<16xf32>
      %mul3A_112 = arith.mulf %add3A_110, %mul3A_111 : vector<16xf32>
      %swap3A = arith.index_cast %add3A_92 : i32 to index
      %swap3A_113 = arith.constant 0 : index
      %swap3A_114 = tpu.vector_load %arg15[%swap3A, %swap3A_113] {strides = array<i32>} : memref<640x16xf32, #tpu.memory_space<vmem>>, vector<16xf32>,
      tpu.vector_store %arg15[%swap3A, %swap3A_113], %mul3A_112 {strides = array<i32>} : memref<640x16xf32, #tpu.memory_space<vmem>>, vector<16xf32>,
      %mul3A_115 = arith.constant 16 : i32
      %mul3A_116 = arith.muli %scan3A_70, %mul3A_115 : i32
      %add3A_117 = arith.constant 1 : i32
      %add3A_118 = arith.addi %mul3A_116, %add3A_117 : i32
      %eq3A_119 = arith.constant 1 : i32
      %eq3A_120 = vector.broadcast %eq3A_119 : i32 to vector<16xi32>
      %eq3A_121 = arith.cmpi eq, %iota3A, %eq3A_120 : vector<16xi32>
      %jit3A_122 = arith.constant 0.000000e+00 : f32
      %broadcast_in_dim3A_123 = vector.broadcast %jit3A_122 : f32 to vector<16xf32>
      %select_n3A_124 = arith.select %eq3A_121, %div3A_88, %broadcast_in_dim3A_123 : vector<16xi1>, vector<16xf32>
      %reduce_sum3A_125 = arith.constant true
      %reduce_sum3A_126 = vector.broadcast %reduce_sum3A_125 : i1 to vector<16xi1>
      %reduce_sum3A_127 = tpu.scan <sum>, %select_n3A_124 masked %reduce_sum3A_126 : vector<16xf32>, vector<16xi1> -> vector<16xf32>
      %reduce_sum3A_128 = vector.extract %reduce_sum3A_127[15] : f32 from vector<16xf32>
      %get3A_129 = arith.constant 0 : i32
      %get3A_130 = arith.index_cast %get3A_129 : i32 to index
      %get3A_131 = arith.index_cast %add3A_118 : i32 to index
      %get3A_132 = arith.constant 0 : index
      %get3A_133 = tpu.vector_load %arg13[%get3A_130, %get3A_131, %get3A_132] {strides = array<i32>} : memref<2x640x16xf32, #tpu.memory_space<vmem>>, vector<16xf32>,
      %get3A_134 = arith.constant 1 : i32
      %get3A_135 = arith.index_cast %get3A_134 : i32 to index
      %get3A_136 = arith.index_cast %add3A_118 : i32 to index
      %get3A_137 = arith.constant 0 : index
      %get3A_138 = tpu.vector_load %arg13[%get3A_135, %get3A_136, %get3A_137] {strides = array<i32>} : memref<2x640x16xf32, #tpu.memory_space<vmem>>, vector<16xf32>,
      %add3A_139 = arith.addf %get3A_133, %get3A_138 : vector<16xf32>
      %mul3A_140 = vector.broadcast %reduce_sum3A_128 : f32 to vector<16xf32>
      %mul3A_141 = arith.mulf %add3A_139, %mul3A_140 : vector<16xf32>
      %swap3A_142 = arith.index_cast %add3A_118 : i32 to index
      %swap3A_143 = arith.constant 0 : index
      %swap3A_144 = tpu.vector_load %arg15[%swap3A_142, %swap3A_143] {strides = array<i32>} : memref<640x16xf32, #tpu.memory_space<vmem>>, vector<16xf32>,
      tpu.vector_store %arg15[%swap3A_142, %swap3A_143], %mul3A_141 {strides = array<i32>} : memref<640x16xf32, #tpu.memory_space<vmem>>, vector<16xf32>,
      %mul3A_145 = arith.constant 16 : i32
      %mul3A_146 = arith.muli %scan3A_70, %mul3A_145 : i32
      %add3A_147 = arith.constant 2 : i32
      %add3A_148 = arith.addi %mul3A_146, %add3A_147 : i32
      %eq3A_149 = arith.constant 2 : i32
      %eq3A_150 = vector.broadcast %eq3A_149 : i32 to vector<16xi32>
      %eq3A_151 = arith.cmpi eq, %iota3A, %eq3A_150 : vector<16xi32>
      %jit3A_152 = arith.constant 0.000000e+00 : f32
      %broadcast_in_dim3A_153 = vector.broadcast %jit3A_152 : f32 to vector<16xf32>
      %select_n3A_154 = arith.select %eq3A_151, %div3A_88, %broadcast_in_dim3A_153 : vector<16xi1>, vector<16xf32>
      %reduce_sum3A_155 = arith.constant true
      %reduce_sum3A_156 = vector.broadcast %reduce_sum3A_155 : i1 to vector<16xi1>
      %reduce_sum3A_157 = tpu.scan <sum>, %select_n3A_154 masked %reduce_sum3A_156 : vector<16xf32>, vector<16xi1> -> vector<16xf32>
      %reduce_sum3A_158 = vector.extract %reduce_sum3A_157[15] : f32 from vector<16xf32>
      %get3A_159 = arith.constant 0 : i32
      %get3A_160 = arith.index_cast %get3A_159 : i32 to index
      %get3A_161 = arith.index_cast %add3A_148 : i32 to index
      %get3A_162 = arith.constant 0 : index
      %get3A_163 = tpu.vector_load %arg13[%get3A_160, %get3A_161, %get3A_162] {strides = array<i32>} : memref<2x640x16xf32, #tpu.memory_space<vmem>>, vector<16xf32>,
      %get3A_164 = arith.constant 1 : i32
      %get3A_165 = arith.index_cast %get3A_164 : i32 to index
      %get3A_166 = arith.index_cast %add3A_148 : i32 to index
      %get3A_167 = arith.constant 0 : index
      %get3A_168 = tpu.vector_load %arg13[%get3A_165, %get3A_166, %get3A_167] {strides = array<i32>} : memref<2x640x16xf32, #tpu.memory_space<vmem>>, vector<16xf32>,
      %add3A_169 = arith.addf %get3A_163, %get3A_168 : vector<16xf32>
      %mul3A_170 = vector.broadcast %reduce_sum3A_158 : f32 to vector<16xf32>
      %mul3A_171 = arith.mulf %add3A_169, %mul3A_170 : vector<16xf32>
      %swap3A_172 = arith.index_cast %add3A_148 : i32 to index
      %swap3A_173 = arith.constant 0 : index
      %swap3A_174 = tpu.vector_load %arg15[%swap3A_172, %swap3A_173] {strides = array<i32>} : memref<640x16xf32, #tpu.memory_space<vmem>>, vector<16xf32>,
      tpu.vector_store %arg15[%swap3A_172, %swap3A_173], %mul3A_171 {strides = array<i32>} : memref<640x16xf32, #tpu.memory_space<vmem>>, vector<16xf32>,
      %mul3A_175 = arith.constant 16 : i32
      %mul3A_176 = arith.muli %scan3A_70, %mul3A_175 : i32
      %add3A_177 = arith.constant 3 : i32
      %add3A_178 = arith.addi %mul3A_176, %add3A_177 : i32
      %eq3A_179 = arith.constant 3 : i32
      %eq3A_180 = vector.broadcast %eq3A_179 : i32 to vector<16xi32>
      %eq3A_181 = arith.cmpi eq, %iota3A, %eq3A_180 : vector<16xi32>
      %jit3A_182 = arith.constant 0.000000e+00 : f32
      %broadcast_in_dim3A_183 = vector.broadcast %jit3A_182 : f32 to vector<16xf32>
      %select_n3A_184 = arith.select %eq3A_181, %div3A_88, %broadcast_in_dim3A_183 : vector<16xi1>, vector<16xf32>
      %reduce_sum3A_185 = arith.constant true
      %reduce_sum3A_186 = vector.broadcast %reduce_sum3A_185 : i1 to vector<16xi1>
      %reduce_sum3A_187 = tpu.scan <sum>, %select_n3A_184 masked %reduce_sum3A_186 : vector<16xf32>, vector<16xi1> -> vector<16xf32>
      %reduce_sum3A_188 = vector.extract %reduce_sum3A_187[15] : f32 from vector<16xf32>
      %get3A_189 = arith.constant 0 : i32
      %get3A_190 = arith.index_cast %get3A_189 : i32 to index
      %get3A_191 = arith.index_cast %add3A_178 : i32 to index
      %get3A_192 = arith.constant 0 : index
      %get3A_193 = tpu.vector_load %arg13[%get3A_190, %get3A_191, %get3A_192] {strides = array<i32>} : memref<2x640x16xf32, #tpu.memory_space<vmem>>, vector<16xf32>,
      %get3A_194 = arith.constant 1 : i32
      %get3A_195 = arith.index_cast %get3A_194 : i32 to index
      %get3A_196 = arith.index_cast %add3A_178 : i32 to index
      %get3A_197 = arith.constant 0 : index
      %get3A_198 = tpu.vector_load %arg13[%get3A_195, %get3A_196, %get3A_197] {strides = array<i32>} : memref<2x640x16xf32, #tpu.memory_space<vmem>>, vector<16xf32>,
      %add3A_199 = arith.addf %get3A_193, %get3A_198 : vector<16xf32>
      %mul3A_200 = vector.broadcast %reduce_sum3A_188 : f32 to vector<16xf32>
      %mul3A_201 = arith.mulf %add3A_199, %mul3A_200 : vector<16xf32>
      %swap3A_202 = arith.index_cast %add3A_178 : i32 to index
      %swap3A_203 = arith.constant 0 : index
      %swap3A_204 = tpu.vector_load %arg15[%swap3A_202, %swap3A_203] {strides = array<i32>} : memref<640x16xf32, #tpu.memory_space<vmem>>, vector<16xf32>,
      tpu.vector_store %arg15[%swap3A_202, %swap3A_203], %mul3A_201 {strides = array<i32>} : memref<640x16xf32, #tpu.memory_space<vmem>>, vector<16xf32>,
      %mul3A_205 = arith.constant 16 : i32
      %mul3A_206 = arith.muli %scan3A_70, %mul3A_205 : i32
      %add3A_207 = arith.constant 4 : i32
      %add3A_208 = arith.addi %mul3A_206, %add3A_207 : i32
      %eq3A_209 = arith.constant 4 : i32
      %eq3A_210 = vector.broadcast %eq3A_209 : i32 to vector<16xi32>
      %eq3A_211 = arith.cmpi eq, %iota3A, %eq3A_210 : vector<16xi32>
      %jit3A_212 = arith.constant 0.000000e+00 : f32
      %broadcast_in_dim3A_213 = vector.broadcast %jit3A_212 : f32 to vector<16xf32>
      %select_n3A_214 = arith.select %eq3A_211, %div3A_88, %broadcast_in_dim3A_213 : vector<16xi1>, vector<16xf32>
      %reduce_sum3A_215 = arith.constant true
      %reduce_sum3A_216 = vector.broadcast %reduce_sum3A_215 : i1 to vector<16xi1>
      %reduce_sum3A_217 = tpu.scan <sum>, %select_n3A_214 masked %reduce_sum3A_216 : vector<16xf32>, vector<16xi1> -> vector<16xf32>
      %reduce_sum3A_218 = vector.extract %reduce_sum3A_217[15] : f32 from vector<16xf32>
      %get3A_219 = arith.constant 0 : i32
      %get3A_220 = arith.index_cast %get3A_219 : i32 to index
      %get3A_221 = arith.index_cast %add3A_208 : i32 to index
      %get3A_222 = arith.constant 0 : index
      %get3A_223 = tpu.vector_load %arg13[%get3A_220, %get3A_221, %get3A_222] {strides = array<i32>} : memref<2x640x16xf32, #tpu.memory_space<vmem>>, vector<16xf32>,
      %get3A_224 = arith.constant 1 : i32
      %get3A_225 = arith.index_cast %get3A_224 : i32 to index
      %get3A_226 = arith.index_cast %add3A_208 : i32 to index
      %get3A_227 = arith.constant 0 : index
      %get3A_228 = tpu.vector_load %arg13[%get3A_225, %get3A_226, %get3A_227] {strides = array<i32>} : memref<2x640x16xf32, #tpu.memory_space<vmem>>, vector<16xf32>,
      %add3A_229 = arith.addf %get3A_223, %get3A_228 : vector<16xf32>
      %mul3A_230 = vector.broadcast %reduce_sum3A_218 : f32 to vector<16xf32>
      %mul3A_231 = arith.mulf %add3A_229, %mul3A_230 : vector<16xf32>
      %swap3A_232 = arith.index_cast %add3A_208 : i32 to index
      %swap3A_233 = arith.constant 0 : index
      %swap3A_234 = tpu.vector_load %arg15[%swap3A_232, %swap3A_233] {strides = array<i32>} : memref<640x16xf32, #tpu.memory_space<vmem>>, vector<16xf32>,
      tpu.vector_store %arg15[%swap3A_232, %swap3A_233], %mul3A_231 {strides = array<i32>} : memref<640x16xf32, #tpu.memory_space<vmem>>, vector<16xf32>,
      %mul3A_235 = arith.constant 16 : i32
      %mul3A_236 = arith.muli %scan3A_70, %mul3A_235 : i32
      %add3A_237 = arith.constant 5 : i32
      %add3A_238 = arith.addi %mul3A_236, %add3A_237 : i32
      %eq3A_239 = arith.constant 5 : i32
      %eq3A_240 = vector.broadcast %eq3A_239 : i32 to vector<16xi32>
      %eq3A_241 = arith.cmpi eq, %iota3A, %eq3A_240 : vector<16xi32>
      %jit3A_242 = arith.constant 0.000000e+00 : f32
      %broadcast_in_dim3A_243 = vector.broadcast %jit3A_242 : f32 to vector<16xf32>
      %select_n3A_244 = arith.select %eq3A_241, %div3A_88, %broadcast_in_dim3A_243 : vector<16xi1>, vector<16xf32>
      %reduce_sum3A_245 = arith.constant true
      %reduce_sum3A_246 = vector.broadcast %reduce_sum3A_245 : i1 to vector<16xi1>
      %reduce_sum3A_247 = tpu.scan <sum>, %select_n3A_244 masked %reduce_sum3A_246 : vector<16xf32>, vector<16xi1> -> vector<16xf32>
      %reduce_sum3A_248 = vector.extract %reduce_sum3A_247[15] : f32 from vector<16xf32>
      %get3A_249 = arith.constant 0 : i32
      %get3A_250 = arith.index_cast %get3A_249 : i32 to index
      %get3A_251 = arith.index_cast %add3A_238 : i32 to index
      %get3A_252 = arith.constant 0 : index
      %get3A_253 = tpu.vector_load %arg13[%get3A_250, %get3A_251, %get3A_252] {strides = array<i32>} : memref<2x640x16xf32, #tpu.memory_space<vmem>>, vector<16xf32>,
      %get3A_254 = arith.constant 1 : i32
      %get3A_255 = arith.index_cast %get3A_254 : i32 to index
      %get3A_256 = arith.index_cast %add3A_238 : i32 to index
      %get3A_257 = arith.constant 0 : index
      %get3A_258 = tpu.vector_load %arg13[%get3A_255, %get3A_256, %get3A_257] {strides = array<i32>} : memref<2x640x16xf32, #tpu.memory_space<vmem>>, vector<16xf32>,
      %add3A_259 = arith.addf %get3A_253, %get3A_258 : vector<16xf32>
      %mul3A_260 = vector.broadcast %reduce_sum3A_248 : f32 to vector<16xf32>
      %mul3A_261 = arith.mulf %add3A_259, %mul3A_260 : vector<16xf32>
      %swap3A_262 = arith.index_cast %add3A_238 : i32 to index
      %swap3A_263 = arith.constant 0 : index
      %swap3A_264 = tpu.vector_load %arg15[%swap3A_262, %swap3A_263] {strides = array<i32>} : memref<640x16xf32, #tpu.memory_space<vmem>>, vector<16xf32>,
      tpu.vector_store %arg15[%swap3A_262, %swap3A_263], %mul3A_261 {strides = array<i32>} : memref<640x16xf32, #tpu.memory_space<vmem>>, vector<16xf32>,
      %mul3A_265 = arith.constant 16 : i32
      %mul3A_266 = arith.muli %scan3A_70, %mul3A_265 : i32
      %add3A_267 = arith.constant 6 : i32
      %add3A_268 = arith.addi %mul3A_266, %add3A_267 : i32
      %eq3A_269 = arith.constant 6 : i32
      %eq3A_270 = vector.broadcast %eq3A_269 : i32 to vector<16xi32>
      %eq3A_271 = arith.cmpi eq, %iota3A, %eq3A_270 : vector<16xi32>
      %jit3A_272 = arith.constant 0.000000e+00 : f32
      %broadcast_in_dim3A_273 = vector.broadcast %jit3A_272 : f32 to vector<16xf32>
      %select_n3A_274 = arith.select %eq3A_271, %div3A_88, %broadcast_in_dim3A_273 : vector<16xi1>, vector<16xf32>
      %reduce_sum3A_275 = arith.constant true
      %reduce_sum3A_276 = vector.broadcast %reduce_sum3A_275 : i1 to vector<16xi1>
      %reduce_sum3A_277 = tpu.scan <sum>, %select_n3A_274 masked %reduce_sum3A_276 : vector<16xf32>, vector<16xi1> -> vector<16xf32>
      %reduce_sum3A_278 = vector.extract %reduce_sum3A_277[15] : f32 from vector<16xf32>
      %get3A_279 = arith.constant 0 : i32
      %get3A_280 = arith.index_cast %get3A_279 : i32 to index
      %get3A_281 = arith.index_cast %add3A_268 : i32 to index
      %get3A_282 = arith.constant 0 : index
      %get3A_283 = tpu.vector_load %arg13[%get3A_280, %get3A_281, %get3A_282] {strides = array<i32>} : memref<2x640x16xf32, #tpu.memory_space<vmem>>, vector<16xf32>,
      %get3A_284 = arith.constant 1 : i32
      %get3A_285 = arith.index_cast %get3A_284 : i32 to index
      %get3A_286 = arith.index_cast %add3A_268 : i32 to index
      %get3A_287 = arith.constant 0 : index
      %get3A_288 = tpu.vector_load %arg13[%get3A_285, %get3A_286, %get3A_287] {strides = array<i32>} : memref<2x640x16xf32, #tpu.memory_space<vmem>>, vector<16xf32>,
      %add3A_289 = arith.addf %get3A_283, %get3A_288 : vector<16xf32>
      %mul3A_290 = vector.broadcast %reduce_sum3A_278 : f32 to vector<16xf32>
      %mul3A_291 = arith.mulf %add3A_289, %mul3A_290 : vector<16xf32>
      %swap3A_292 = arith.index_cast %add3A_268 : i32 to index
      %swap3A_293 = arith.constant 0 : index
      %swap3A_294 = tpu.vector_load %arg15[%swap3A_292, %swap3A_293] {strides = array<i32>} : memref<640x16xf32, #tpu.memory_space<vmem>>, vector<16xf32>,
      tpu.vector_store %arg15[%swap3A_292, %swap3A_293], %mul3A_291 {strides = array<i32>} : memref<640x16xf32, #tpu.memory_space<vmem>>, vector<16xf32>,
      %mul3A_295 = arith.constant 16 : i32
      %mul3A_296 = arith.muli %scan3A_70, %mul3A_295 : i32
      %add3A_297 = arith.constant 7 : i32
      %add3A_298 = arith.addi %mul3A_296, %add3A_297 : i32
      %eq3A_299 = arith.constant 7 : i32
      %eq3A_300 = vector.broadcast %eq3A_299 : i32 to vector<16xi32>
      %eq3A_301 = arith.cmpi eq, %iota3A, %eq3A_300 : vector<16xi32>
      %jit3A_302 = arith.constant 0.000000e+00 : f32
      %broadcast_in_dim3A_303 = vector.broadcast %jit3A_302 : f32 to vector<16xf32>
      %select_n3A_304 = arith.select %eq3A_301, %div3A_88, %broadcast_in_dim3A_303 : vector<16xi1>, vector<16xf32>
      %reduce_sum3A_305 = arith.constant true
      %reduce_sum3A_306 = vector.broadcast %reduce_sum3A_305 : i1 to vector<16xi1>
      %reduce_sum3A_307 = tpu.scan <sum>, %select_n3A_304 masked %reduce_sum3A_306 : vector<16xf32>, vector<16xi1> -> vector<16xf32>
      %reduce_sum3A_308 = vector.extract %reduce_sum3A_307[15] : f32 from vector<16xf32>
      %get3A_309 = arith.constant 0 : i32
      %get3A_310 = arith.index_cast %get3A_309 : i32 to index
      %get3A_311 = arith.index_cast %add3A_298 : i32 to index
      %get3A_312 = arith.constant 0 : index
      %get3A_313 = tpu.vector_load %arg13[%get3A_310, %get3A_311, %get3A_312] {strides = array<i32>} : memref<2x640x16xf32, #tpu.memory_space<vmem>>, vector<16xf32>,
      %get3A_314 = arith.constant 1 : i32
      %get3A_315 = arith.index_cast %get3A_314 : i32 to index
      %get3A_316 = arith.index_cast %add3A_298 : i32 to index
      %get3A_317 = arith.constant 0 : index
      %get3A_318 = tpu.vector_load %arg13[%get3A_315, %get3A_316, %get3A_317] {strides = array<i32>} : memref<2x640x16xf32, #tpu.memory_space<vmem>>, vector<16xf32>,
      %add3A_319 = arith.addf %get3A_313, %get3A_318 : vector<16xf32>
      %mul3A_320 = vector.broadcast %reduce_sum3A_308 : f32 to vector<16xf32>
      %mul3A_321 = arith.mulf %add3A_319, %mul3A_320 : vector<16xf32>
      %swap3A_322 = arith.index_cast %add3A_298 : i32 to index
      %swap3A_323 = arith.constant 0 : index
      %swap3A_324 = tpu.vector_load %arg15[%swap3A_322, %swap3A_323] {strides = array<i32>} : memref<640x16xf32, #tpu.memory_space<vmem>>, vector<16xf32>,
      tpu.vector_store %arg15[%swap3A_322, %swap3A_323], %mul3A_321 {strides = array<i32>} : memref<640x16xf32, #tpu.memory_space<vmem>>, vector<16xf32>,
      %mul3A_325 = arith.constant 16 : i32
      %mul3A_326 = arith.muli %scan3A_70, %mul3A_325 : i32
      %add3A_327 = arith.constant 8 : i32
      %add3A_328 = arith.addi %mul3A_326, %add3A_327 : i32
      %eq3A_329 = arith.constant 8 : i32
      %eq3A_330 = vector.broadcast %eq3A_329 : i32 to vector<16xi32>
      %eq3A_331 = arith.cmpi eq, %iota3A, %eq3A_330 : vector<16xi32>
      %jit3A_332 = arith.constant 0.000000e+00 : f32
      %broadcast_in_dim3A_333 = vector.broadcast %jit3A_332 : f32 to vector<16xf32>
      %select_n3A_334 = arith.select %eq3A_331, %div3A_88, %broadcast_in_dim3A_333 : vector<16xi1>, vector<16xf32>
      %reduce_sum3A_335 = arith.constant true
      %reduce_sum3A_336 = vector.broadcast %reduce_sum3A_335 : i1 to vector<16xi1>
      %reduce_sum3A_337 = tpu.scan <sum>, %select_n3A_334 masked %reduce_sum3A_336 : vector<16xf32>, vector<16xi1> -> vector<16xf32>
      %reduce_sum3A_338 = vector.extract %reduce_sum3A_337[15] : f32 from vector<16xf32>
      %get3A_339 = arith.constant 0 : i32
      %get3A_340 = arith.index_cast %get3A_339 : i32 to index
      %get3A_341 = arith.index_cast %add3A_328 : i32 to index
      %get3A_342 = arith.constant 0 : index
      %get3A_343 = tpu.vector_load %arg13[%get3A_340, %get3A_341, %get3A_342] {strides = array<i32>} : memref<2x640x16xf32, #tpu.memory_space<vmem>>, vector<16xf32>,
      %get3A_344 = arith.constant 1 : i32
      %get3A_345 = arith.index_cast %get3A_344 : i32 to index
      %get3A_346 = arith.index_cast %add3A_328 : i32 to index
      %get3A_347 = arith.constant 0 : index
      %get3A_348 = tpu.vector_load %arg13[%get3A_345, %get3A_346, %get3A_347] {strides = array<i32>} : memref<2x640x16xf32, #tpu.memory_space<vmem>>, vector<16xf32>,
      %add3A_349 = arith.addf %get3A_343, %get3A_348 : vector<16xf32>
      %mul3A_350 = vector.broadcast %reduce_sum3A_338 : f32 to vector<16xf32>
      %mul3A_351 = arith.mulf %add3A_349, %mul3A_350 : vector<16xf32>
      %swap3A_352 = arith.index_cast %add3A_328 : i32 to index
      %swap3A_353 = arith.constant 0 : index
      %swap3A_354 = tpu.vector_load %arg15[%swap3A_352, %swap3A_353] {strides = array<i32>} : memref<640x16xf32, #tpu.memory_space<vmem>>, vector<16xf32>,
      tpu.vector_store %arg15[%swap3A_352, %swap3A_353], %mul3A_351 {strides = array<i32>} : memref<640x16xf32, #tpu.memory_space<vmem>>, vector<16xf32>,
      %mul3A_355 = arith.constant 16 : i32
      %mul3A_356 = arith.muli %scan3A_70, %mul3A_355 : i32
      %add3A_357 = arith.constant 9 : i32
      %add3A_358 = arith.addi %mul3A_356, %add3A_357 : i32
      %eq3A_359 = arith.constant 9 : i32
      %eq3A_360 = vector.broadcast %eq3A_359 : i32 to vector<16xi32>
      %eq3A_361 = arith.cmpi eq, %iota3A, %eq3A_360 : vector<16xi32>
      %jit3A_362 = arith.constant 0.000000e+00 : f32
      %broadcast_in_dim3A_363 = vector.broadcast %jit3A_362 : f32 to vector<16xf32>
      %select_n3A_364 = arith.select %eq3A_361, %div3A_88, %broadcast_in_dim3A_363 : vector<16xi1>, vector<16xf32>
      %reduce_sum3A_365 = arith.constant true
      %reduce_sum3A_366 = vector.broadcast %reduce_sum3A_365 : i1 to vector<16xi1>
      %reduce_sum3A_367 = tpu.scan <sum>, %select_n3A_364 masked %reduce_sum3A_366 : vector<16xf32>, vector<16xi1> -> vector<16xf32>
      %reduce_sum3A_368 = vector.extract %reduce_sum3A_367[15] : f32 from vector<16xf32>
      %get3A_369 = arith.constant 0 : i32
      %get3A_370 = arith.index_cast %get3A_369 : i32 to index
      %get3A_371 = arith.index_cast %add3A_358 : i32 to index
      %get3A_372 = arith.constant 0 : index
      %get3A_373 = tpu.vector_load %arg13[%get3A_370, %get3A_371, %get3A_372] {strides = array<i32>} : memref<2x640x16xf32, #tpu.memory_space<vmem>>, vector<16xf32>,
      %get3A_374 = arith.constant 1 : i32
      %get3A_375 = arith.index_cast %get3A_374 : i32 to index
      %get3A_376 = arith.index_cast %add3A_358 : i32 to index
      %get3A_377 = arith.constant 0 : index
      %get3A_378 = tpu.vector_load %arg13[%get3A_375, %get3A_376, %get3A_377] {strides = array<i32>} : memref<2x640x16xf32, #tpu.memory_space<vmem>>, vector<16xf32>,
      %add3A_379 = arith.addf %get3A_373, %get3A_378 : vector<16xf32>
      %mul3A_380 = vector.broadcast %reduce_sum3A_368 : f32 to vector<16xf32>
      %mul3A_381 = arith.mulf %add3A_379, %mul3A_380 : vector<16xf32>
      %swap3A_382 = arith.index_cast %add3A_358 : i32 to index
      %swap3A_383 = arith.constant 0 : index
      %swap3A_384 = tpu.vector_load %arg15[%swap3A_382, %swap3A_383] {strides = array<i32>} : memref<640x16xf32, #tpu.memory_space<vmem>>, vector<16xf32>,
      tpu.vector_store %arg15[%swap3A_382, %swap3A_383], %mul3A_381 {strides = array<i32>} : memref<640x16xf32, #tpu.memory_space<vmem>>, vector<16xf32>,
      %mul3A_385 = arith.constant 16 : i32
      %mul3A_386 = arith.muli %scan3A_70, %mul3A_385 : i32
      %add3A_387 = arith.constant 10 : i32
      %add3A_388 = arith.addi %mul3A_386, %add3A_387 : i32
      %eq3A_389 = arith.constant 10 : i32
      %eq3A_390 = vector.broadcast %eq3A_389 : i32 to vector<16xi32>
      %eq3A_391 = arith.cmpi eq, %iota3A, %eq3A_390 : vector<16xi32>
      %jit3A_392 = arith.constant 0.000000e+00 : f32
      %broadcast_in_dim3A_393 = vector.broadcast %jit3A_392 : f32 to vector<16xf32>
      %select_n3A_394 = arith.select %eq3A_391, %div3A_88, %broadcast_in_dim3A_393 : vector<16xi1>, vector<16xf32>
      %reduce_sum3A_395 = arith.constant true
      %reduce_sum3A_396 = vector.broadcast %reduce_sum3A_395 : i1 to vector<16xi1>
      %reduce_sum3A_397 = tpu.scan <sum>, %select_n3A_394 masked %reduce_sum3A_396 : vector<16xf32>, vector<16xi1> -> vector<16xf32>
      %reduce_sum3A_398 = vector.extract %reduce_sum3A_397[15] : f32 from vector<16xf32>
      %get3A_399 = arith.constant 0 : i32
      %get3A_400 = arith.index_cast %get3A_399 : i32 to index
      %get3A_401 = arith.index_cast %add3A_388 : i32 to index
      %get3A_402 = arith.constant 0 : index
      %get3A_403 = tpu.vector_load %arg13[%get3A_400, %get3A_401, %get3A_402] {strides = array<i32>} : memref<2x640x16xf32, #tpu.memory_space<vmem>>, vector<16xf32>,
      %get3A_404 = arith.constant 1 : i32
      %get3A_405 = arith.index_cast %get3A_404 : i32 to index
      %get3A_406 = arith.index_cast %add3A_388 : i32 to index
      %get3A_407 = arith.constant 0 : index
      %get3A_408 = tpu.vector_load %arg13[%get3A_405, %get3A_406, %get3A_407] {strides = array<i32>} : memref<2x640x16xf32, #tpu.memory_space<vmem>>, vector<16xf32>,
      %add3A_409 = arith.addf %get3A_403, %get3A_408 : vector<16xf32>
      %mul3A_410 = vector.broadcast %reduce_sum3A_398 : f32 to vector<16xf32>
      %mul3A_411 = arith.mulf %add3A_409, %mul3A_410 : vector<16xf32>
      %swap3A_412 = arith.index_cast %add3A_388 : i32 to index
      %swap3A_413 = arith.constant 0 : index
      %swap3A_414 = tpu.vector_load %arg15[%swap3A_412, %swap3A_413] {strides = array<i32>} : memref<640x16xf32, #tpu.memory_space<vmem>>, vector<16xf32>,
      tpu.vector_store %arg15[%swap3A_412, %swap3A_413], %mul3A_411 {strides = array<i32>} : memref<640x16xf32, #tpu.memory_space<vmem>>, vector<16xf32>,
      %mul3A_415 = arith.constant 16 : i32
      %mul3A_416 = arith.muli %scan3A_70, %mul3A_415 : i32
      %add3A_417 = arith.constant 11 : i32
      %add3A_418 = arith.addi %mul3A_416, %add3A_417 : i32
      %eq3A_419 = arith.constant 11 : i32
      %eq3A_420 = vector.broadcast %eq3A_419 : i32 to vector<16xi32>
      %eq3A_421 = arith.cmpi eq, %iota3A, %eq3A_420 : vector<16xi32>
      %jit3A_422 = arith.constant 0.000000e+00 : f32
      %broadcast_in_dim3A_423 = vector.broadcast %jit3A_422 : f32 to vector<16xf32>
      %select_n3A_424 = arith.select %eq3A_421, %div3A_88, %broadcast_in_dim3A_423 : vector<16xi1>, vector<16xf32>
      %reduce_sum3A_425 = arith.constant true
      %reduce_sum3A_426 = vector.broadcast %reduce_sum3A_425 : i1 to vector<16xi1>
      %reduce_sum3A_427 = tpu.scan <sum>, %select_n3A_424 masked %reduce_sum3A_426 : vector<16xf32>, vector<16xi1> -> vector<16xf32>
      %reduce_sum3A_428 = vector.extract %reduce_sum3A_427[15] : f32 from vector<16xf32>
      %get3A_429 = arith.constant 0 : i32
      %get3A_430 = arith.index_cast %get3A_429 : i32 to index
      %get3A_431 = arith.index_cast %add3A_418 : i32 to index
      %get3A_432 = arith.constant 0 : index
      %get3A_433 = tpu.vector_load %arg13[%get3A_430, %get3A_431, %get3A_432] {strides = array<i32>} : memref<2x640x16xf32, #tpu.memory_space<vmem>>, vector<16xf32>,
      %get3A_434 = arith.constant 1 : i32
      %get3A_435 = arith.index_cast %get3A_434 : i32 to index
      %get3A_436 = arith.index_cast %add3A_418 : i32 to index
      %get3A_437 = arith.constant 0 : index
      %get3A_438 = tpu.vector_load %arg13[%get3A_435, %get3A_436, %get3A_437] {strides = array<i32>} : memref<2x640x16xf32, #tpu.memory_space<vmem>>, vector<16xf32>,
      %add3A_439 = arith.addf %get3A_433, %get3A_438 : vector<16xf32>
      %mul3A_440 = vector.broadcast %reduce_sum3A_428 : f32 to vector<16xf32>
      %mul3A_441 = arith.mulf %add3A_439, %mul3A_440 : vector<16xf32>
      %swap3A_442 = arith.index_cast %add3A_418 : i32 to index
      %swap3A_443 = arith.constant 0 : index
      %swap3A_444 = tpu.vector_load %arg15[%swap3A_442, %swap3A_443] {strides = array<i32>} : memref<640x16xf32, #tpu.memory_space<vmem>>, vector<16xf32>,
      tpu.vector_store %arg15[%swap3A_442, %swap3A_443], %mul3A_441 {strides = array<i32>} : memref<640x16xf32, #tpu.memory_space<vmem>>, vector<16xf32>,
      %mul3A_445 = arith.constant 16 : i32
      %mul3A_446 = arith.muli %scan3A_70, %mul3A_445 : i32
      %add3A_447 = arith.constant 12 : i32
      %add3A_448 = arith.addi %mul3A_446, %add3A_447 : i32
      %eq3A_449 = arith.constant 12 : i32
      %eq3A_450 = vector.broadcast %eq3A_449 : i32 to vector<16xi32>
      %eq3A_451 = arith.cmpi eq, %iota3A, %eq3A_450 : vector<16xi32>
      %jit3A_452 = arith.constant 0.000000e+00 : f32
      %broadcast_in_dim3A_453 = vector.broadcast %jit3A_452 : f32 to vector<16xf32>
      %select_n3A_454 = arith.select %eq3A_451, %div3A_88, %broadcast_in_dim3A_453 : vector<16xi1>, vector<16xf32>
      %reduce_sum3A_455 = arith.constant true
      %reduce_sum3A_456 = vector.broadcast %reduce_sum3A_455 : i1 to vector<16xi1>
      %reduce_sum3A_457 = tpu.scan <sum>, %select_n3A_454 masked %reduce_sum3A_456 : vector<16xf32>, vector<16xi1> -> vector<16xf32>
      %reduce_sum3A_458 = vector.extract %reduce_sum3A_457[15] : f32 from vector<16xf32>
      %get3A_459 = arith.constant 0 : i32
      %get3A_460 = arith.index_cast %get3A_459 : i32 to index
      %get3A_461 = arith.index_cast %add3A_448 : i32 to index
      %get3A_462 = arith.constant 0 : index
      %get3A_463 = tpu.vector_load %arg13[%get3A_460, %get3A_461, %get3A_462] {strides = array<i32>} : memref<2x640x16xf32, #tpu.memory_space<vmem>>, vector<16xf32>,
      %get3A_464 = arith.constant 1 : i32
      %get3A_465 = arith.index_cast %get3A_464 : i32 to index
      %get3A_466 = arith.index_cast %add3A_448 : i32 to index
      %get3A_467 = arith.constant 0 : index
      %get3A_468 = tpu.vector_load %arg13[%get3A_465, %get3A_466, %get3A_467] {strides = array<i32>} : memref<2x640x16xf32, #tpu.memory_space<vmem>>, vector<16xf32>,
      %add3A_469 = arith.addf %get3A_463, %get3A_468 : vector<16xf32>
      %mul3A_470 = vector.broadcast %reduce_sum3A_458 : f32 to vector<16xf32>
      %mul3A_471 = arith.mulf %add3A_469, %mul3A_470 : vector<16xf32>
      %swap3A_472 = arith.index_cast %add3A_448 : i32 to index
      %swap3A_473 = arith.constant 0 : index
      %swap3A_474 = tpu.vector_load %arg15[%swap3A_472, %swap3A_473] {strides = array<i32>} : memref<640x16xf32, #tpu.memory_space<vmem>>, vector<16xf32>,
      tpu.vector_store %arg15[%swap3A_472, %swap3A_473], %mul3A_471 {strides = array<i32>} : memref<640x16xf32, #tpu.memory_space<vmem>>, vector<16xf32>,
      %mul3A_475 = arith.constant 16 : i32
      %mul3A_476 = arith.muli %scan3A_70, %mul3A_475 : i32
      %add3A_477 = arith.constant 13 : i32
      %add3A_478 = arith.addi %mul3A_476, %add3A_477 : i32
      %eq3A_479 = arith.constant 13 : i32
      %eq3A_480 = vector.broadcast %eq3A_479 : i32 to vector<16xi32>
      %eq3A_481 = arith.cmpi eq, %iota3A, %eq3A_480 : vector<16xi32>
      %jit3A_482 = arith.constant 0.000000e+00 : f32
      %broadcast_in_dim3A_483 = vector.broadcast %jit3A_482 : f32 to vector<16xf32>
      %select_n3A_484 = arith.select %eq3A_481, %div3A_88, %broadcast_in_dim3A_483 : vector<16xi1>, vector<16xf32>
      %reduce_sum3A_485 = arith.constant true
      %reduce_sum3A_486 = vector.broadcast %reduce_sum3A_485 : i1 to vector<16xi1>
      %reduce_sum3A_487 = tpu.scan <sum>, %select_n3A_484 masked %reduce_sum3A_486 : vector<16xf32>, vector<16xi1> -> vector<16xf32>
      %reduce_sum3A_488 = vector.extract %reduce_sum3A_487[15] : f32 from vector<16xf32>
      %get3A_489 = arith.constant 0 : i32
      %get3A_490 = arith.index_cast %get3A_489 : i32 to index
      %get3A_491 = arith.index_cast %add3A_478 : i32 to index
      %get3A_492 = arith.constant 0 : index
      %get3A_493 = tpu.vector_load %arg13[%get3A_490, %get3A_491, %get3A_492] {strides = array<i32>} : memref<2x640x16xf32, #tpu.memory_space<vmem>>, vector<16xf32>,
      %get3A_494 = arith.constant 1 : i32
      %get3A_495 = arith.index_cast %get3A_494 : i32 to index
      %get3A_496 = arith.index_cast %add3A_478 : i32 to index
      %get3A_497 = arith.constant 0 : index
      %get3A_498 = tpu.vector_load %arg13[%get3A_495, %get3A_496, %get3A_497] {strides = array<i32>} : memref<2x640x16xf32, #tpu.memory_space<vmem>>, vector<16xf32>,
      %add3A_499 = arith.addf %get3A_493, %get3A_498 : vector<16xf32>
      %mul3A_500 = vector.broadcast %reduce_sum3A_488 : f32 to vector<16xf32>
      %mul3A_501 = arith.mulf %add3A_499, %mul3A_500 : vector<16xf32>
      %swap3A_502 = arith.index_cast %add3A_478 : i32 to index
      %swap3A_503 = arith.constant 0 : index
      %swap3A_504 = tpu.vector_load %arg15[%swap3A_502, %swap3A_503] {strides = array<i32>} : memref<640x16xf32, #tpu.memory_space<vmem>>, vector<16xf32>,
      tpu.vector_store %arg15[%swap3A_502, %swap3A_503], %mul3A_501 {strides = array<i32>} : memref<640x16xf32, #tpu.memory_space<vmem>>, vector<16xf32>,
      %mul3A_505 = arith.constant 16 : i32
      %mul3A_506 = arith.muli %scan3A_70, %mul3A_505 : i32
      %add3A_507 = arith.constant 14 : i32
      %add3A_508 = arith.addi %mul3A_506, %add3A_507 : i32
      %eq3A_509 = arith.constant 14 : i32
      %eq3A_510 = vector.broadcast %eq3A_509 : i32 to vector<16xi32>
      %eq3A_511 = arith.cmpi eq, %iota3A, %eq3A_510 : vector<16xi32>
      %jit3A_512 = arith.constant 0.000000e+00 : f32
      %broadcast_in_dim3A_513 = vector.broadcast %jit3A_512 : f32 to vector<16xf32>
      %select_n3A_514 = arith.select %eq3A_511, %div3A_88, %broadcast_in_dim3A_513 : vector<16xi1>, vector<16xf32>
      %reduce_sum3A_515 = arith.constant true
      %reduce_sum3A_516 = vector.broadcast %reduce_sum3A_515 : i1 to vector<16xi1>
      %reduce_sum3A_517 = tpu.scan <sum>, %select_n3A_514 masked %reduce_sum3A_516 : vector<16xf32>, vector<16xi1> -> vector<16xf32>
      %reduce_sum3A_518 = vector.extract %reduce_sum3A_517[15] : f32 from vector<16xf32>
      %get3A_519 = arith.constant 0 : i32
      %get3A_520 = arith.index_cast %get3A_519 : i32 to index
      %get3A_521 = arith.index_cast %add3A_508 : i32 to index
      %get3A_522 = arith.constant 0 : index
      %get3A_523 = tpu.vector_load %arg13[%get3A_520, %get3A_521, %get3A_522] {strides = array<i32>} : memref<2x640x16xf32, #tpu.memory_space<vmem>>, vector<16xf32>,
      %get3A_524 = arith.constant 1 : i32
      %get3A_525 = arith.index_cast %get3A_524 : i32 to index
      %get3A_526 = arith.index_cast %add3A_508 : i32 to index
      %get3A_527 = arith.constant 0 : index
      %get3A_528 = tpu.vector_load %arg13[%get3A_525, %get3A_526, %get3A_527] {strides = array<i32>} : memref<2x640x16xf32, #tpu.memory_space<vmem>>, vector<16xf32>,
      %add3A_529 = arith.addf %get3A_523, %get3A_528 : vector<16xf32>
      %mul3A_530 = vector.broadcast %reduce_sum3A_518 : f32 to vector<16xf32>
      %mul3A_531 = arith.mulf %add3A_529, %mul3A_530 : vector<16xf32>
      %swap3A_532 = arith.index_cast %add3A_508 : i32 to index
      %swap3A_533 = arith.constant 0 : index
      %swap3A_534 = tpu.vector_load %arg15[%swap3A_532, %swap3A_533] {strides = array<i32>} : memref<640x16xf32, #tpu.memory_space<vmem>>, vector<16xf32>,
      tpu.vector_store %arg15[%swap3A_532, %swap3A_533], %mul3A_531 {strides = array<i32>} : memref<640x16xf32, #tpu.memory_space<vmem>>, vector<16xf32>,
      %mul3A_535 = arith.constant 16 : i32
      %mul3A_536 = arith.muli %scan3A_70, %mul3A_535 : i32
      %add3A_537 = arith.constant 15 : i32
      %add3A_538 = arith.addi %mul3A_536, %add3A_537 : i32
      %eq3A_539 = arith.constant 15 : i32
      %eq3A_540 = vector.broadcast %eq3A_539 : i32 to vector<16xi32>
      %eq3A_541 = arith.cmpi eq, %iota3A, %eq3A_540 : vector<16xi32>
      %jit3A_542 = arith.constant 0.000000e+00 : f32
      %broadcast_in_dim3A_543 = vector.broadcast %jit3A_542 : f32 to vector<16xf32>
      %select_n3A_544 = arith.select %eq3A_541, %div3A_88, %broadcast_in_dim3A_543 : vector<16xi1>, vector<16xf32>
      %reduce_sum3A_545 = arith.constant true
      %reduce_sum3A_546 = vector.broadcast %reduce_sum3A_545 : i1 to vector<16xi1>
      %reduce_sum3A_547 = tpu.scan <sum>, %select_n3A_544 masked %reduce_sum3A_546 : vector<16xf32>, vector<16xi1> -> vector<16xf32>
      %reduce_sum3A_548 = vector.extract %reduce_sum3A_547[15] : f32 from vector<16xf32>
      %get3A_549 = arith.constant 0 : i32
      %get3A_550 = arith.index_cast %get3A_549 : i32 to index
      %get3A_551 = arith.index_cast %add3A_538 : i32 to index
      %get3A_552 = arith.constant 0 : index
      %get3A_553 = tpu.vector_load %arg13[%get3A_550, %get3A_551, %get3A_552] {strides = array<i32>} : memref<2x640x16xf32, #tpu.memory_space<vmem>>, vector<16xf32>,
      %get3A_554 = arith.constant 1 : i32
      %get3A_555 = arith.index_cast %get3A_554 : i32 to index
      %get3A_556 = arith.index_cast %add3A_538 : i32 to index
      %get3A_557 = arith.constant 0 : index
      %get3A_558 = tpu.vector_load %arg13[%get3A_555, %get3A_556, %get3A_557] {strides = array<i32>} : memref<2x640x16xf32, #tpu.memory_space<vmem>>, vector<16xf32>,
      %add3A_559 = arith.addf %get3A_553, %get3A_558 : vector<16xf32>
      %mul3A_560 = vector.broadcast %reduce_sum3A_548 : f32 to vector<16xf32>
      %mul3A_561 = arith.mulf %add3A_559, %mul3A_560 : vector<16xf32>
      %swap3A_562 = arith.index_cast %add3A_538 : i32 to index
      %swap3A_563 = arith.constant 0 : index
      %swap3A_564 = tpu.vector_load %arg15[%swap3A_562, %swap3A_563] {strides = array<i32>} : memref<640x16xf32, #tpu.memory_space<vmem>>, vector<16xf32>,
      tpu.vector_store %arg15[%swap3A_562, %swap3A_563], %mul3A_561 {strides = array<i32>} : memref<640x16xf32, #tpu.memory_space<vmem>>, vector<16xf32>,
      %scan3A_565 = arith.constant 0 : i32
      scf.yield %scan3A_565 : i32
    }
    %scan3A_22 = arith.constant 40 : i32
    "tpu.region"() ({
      %run_scoped3A_70 = tpu.sem_alloc : memref<!tpu.dma_semaphore, #tpu.memory_space<semaphore_mem>>
      %dma_start3A_71 = arith.constant 0 : i32
      %dma_start3A_72 = tpu.memref_slice %arg6[%mul3A_2, %dma_start3A_71] : memref<10240x16xf32, #tpu.memory_space<vmem_shared>> -> memref<640x16xf32, #tpu.memory_space<vmem_shared>>
      %dma_start3A_73 = arith.constant 0 : i32
      %dma_start3A_74 = tpu.memref_slice %arg6[%mul3A_2, %dma_start3A_73] : memref<10240x16xf32, #tpu.memory_space<vmem_shared>> -> memref<640x16xf32, #tpu.memory_space<vmem_shared>>
      tpu.enqueue_dma source(%arg15 : memref<640x16xf32, #tpu.memory_space<vmem>>) target(%dma_start3A_74 : memref<640x16xf32, #tpu.memory_space<vmem_shared>>) target_semaphore(%run_scoped3A_70 : memref<!tpu.dma_semaphore, #tpu.memory_space<semaphore_mem>>)
      %dma_wait3A = arith.constant 0 : i32
      %dma_wait3A_75 = tpu.memref_slice %arg6[%mul3A_2, %dma_wait3A] : memref<10240x16xf32, #tpu.memory_space<vmem_shared>> -> memref<640x16xf32, #tpu.memory_space<vmem_shared>>
      %dma_wait3A_76 = arith.constant 0 : i32
      %dma_wait3A_77 = tpu.memref_slice %arg6[%mul3A_2, %dma_wait3A_76] : memref<10240x16xf32, #tpu.memory_space<vmem_shared>> -> memref<640x16xf32, #tpu.memory_space<vmem_shared>>
      tpu.wait_dma2 semaphore(%run_scoped3A_70 : memref<!tpu.dma_semaphore, #tpu.memory_space<semaphore_mem>>) src(%arg15 : memref<640x16xf32, #tpu.memory_space<vmem>>) dst(%dma_wait3A_77 : memref<640x16xf32, #tpu.memory_space<vmem_shared>>)
      tpu.yield
    }) : () -> ()
    %mul3A_23 = arith.constant 40 : i32
    %mul3A_24 = arith.muli %add3A, %mul3A_23 : i32
    %lt3A = arith.constant 31 : i32
    %lt3A_25 = arith.cmpi slt, %add3A, %lt3A : i32
    %convert_element_type3A = arith.extui %lt3A_25 : i1 to i32
    %cond3A = arith.constant 0 : i32
    %cond3A_26 = arith.cmpi ne, %convert_element_type3A, %cond3A : i32
    scf.if %cond3A_26 {
      %add3A_70 = arith.constant 1250 : i32
      %add3A_71 = arith.addi %add3A_70, %mul3A_24 : i32
      "tpu.region"() ({
        %run_scoped3A_74 = tpu.sem_alloc : memref<!tpu.dma_semaphore, #tpu.memory_space<semaphore_mem>>
        %dma_start3A_75 = arith.constant 0 : i32
        %dma_start3A_76 = tpu.memref_slice %arg4[%add3A_71, %dma_start3A_75] : memref<2500x256xi32, #tpu.memory_space<hbm>> -> memref<40x256xi32, #tpu.memory_space<hbm>>
        %dma_start3A_77 = arith.constant 0 : i32
        %dma_start3A_78 = tpu.memref_slice %arg4[%add3A_71, %dma_start3A_77] : memref<2500x256xi32, #tpu.memory_space<hbm>> -> memref<40x256xi32, #tpu.memory_space<hbm>>
        tpu.enqueue_dma source(%dma_start3A_78 : memref<40x256xi32, #tpu.memory_space<hbm>>) target(%arg8 : memref<40x256xi32, #tpu.memory_space<vmem>>) target_semaphore(%run_scoped3A_74 : memref<!tpu.dma_semaphore, #tpu.memory_space<semaphore_mem>>)
        %dma_wait3A = arith.constant 0 : i32
        %dma_wait3A_79 = tpu.memref_slice %arg4[%add3A_71, %dma_wait3A] : memref<2500x256xi32, #tpu.memory_space<hbm>> -> memref<40x256xi32, #tpu.memory_space<hbm>>
        %dma_wait3A_80 = arith.constant 0 : i32
        %dma_wait3A_81 = tpu.memref_slice %arg4[%add3A_71, %dma_wait3A_80] : memref<2500x256xi32, #tpu.memory_space<hbm>> -> memref<40x256xi32, #tpu.memory_space<hbm>>
        tpu.wait_dma2 semaphore(%run_scoped3A_74 : memref<!tpu.dma_semaphore, #tpu.memory_space<semaphore_mem>>) src(%dma_wait3A_81 : memref<40x256xi32, #tpu.memory_space<hbm>>) dst(%arg8 : memref<40x256xi32, #tpu.memory_space<vmem>>)
        tpu.yield
      }) : () -> ()
      %add3A_72 = arith.constant 0 : i32
      %add3A_73 = arith.addi %add3A_72, %mul3A_24 : i32
      "tpu.region"() ({
        %run_scoped3A_74 = tpu.sem_alloc : memref<!tpu.dma_semaphore, #tpu.memory_space<semaphore_mem>>
        %dma_start3A_75 = arith.constant 0 : i32
        %dma_start3A_76 = tpu.memref_slice %arg4[%add3A_73, %dma_start3A_75] : memref<2500x256xi32, #tpu.memory_space<hbm>> -> memref<40x256xi32, #tpu.memory_space<hbm>>
        %dma_start3A_77 = arith.constant 0 : i32
        %dma_start3A_78 = tpu.memref_slice %arg4[%add3A_73, %dma_start3A_77] : memref<2500x256xi32, #tpu.memory_space<hbm>> -> memref<40x256xi32, #tpu.memory_space<hbm>>
        tpu.enqueue_dma source(%dma_start3A_78 : memref<40x256xi32, #tpu.memory_space<hbm>>) target(%arg9 : memref<40x256xi32, #tpu.memory_space<vmem>>) target_semaphore(%run_scoped3A_74 : memref<!tpu.dma_semaphore, #tpu.memory_space<semaphore_mem>>)
        %dma_wait3A = arith.constant 0 : i32
        %dma_wait3A_79 = tpu.memref_slice %arg4[%add3A_73, %dma_wait3A] : memref<2500x256xi32, #tpu.memory_space<hbm>> -> memref<40x256xi32, #tpu.memory_space<hbm>>
        %dma_wait3A_80 = arith.constant 0 : i32
        %dma_wait3A_81 = tpu.memref_slice %arg4[%add3A_73, %dma_wait3A_80] : memref<2500x256xi32, #tpu.memory_space<hbm>> -> memref<40x256xi32, #tpu.memory_space<hbm>>
        tpu.wait_dma2 semaphore(%run_scoped3A_74 : memref<!tpu.dma_semaphore, #tpu.memory_space<semaphore_mem>>) src(%dma_wait3A_81 : memref<40x256xi32, #tpu.memory_space<hbm>>) dst(%arg9 : memref<40x256xi32, #tpu.memory_space<vmem>>)
        tpu.yield
      }) : () -> ()
    } else {
    }
    %ge3A = arith.constant 31 : i32
    %ge3A_27 = arith.cmpi sge, %add3A, %ge3A : i32
    %convert_element_type3A_28 = arith.extui %ge3A_27 : i1 to i32
    %cond3A_29 = arith.constant 0 : i32
    %cond3A_30 = arith.cmpi ne, %convert_element_type3A_28, %cond3A_29 : i32
    scf.if %cond3A_30 {
      "tpu.region"() ({
        %run_scoped3A_70 = tpu.sem_alloc : memref<!tpu.dma_semaphore, #tpu.memory_space<semaphore_mem>>
        %dma_start3A_71 = arith.constant 0 : i32
        %dma_start3A_72 = arith.constant 0 : i32
        %dma_start3A_73 = tpu.memref_slice %arg8[%dma_start3A_71, %dma_start3A_72] : memref<40x256xi32, #tpu.memory_space<vmem>> -> memref<10x256xi32, #tpu.memory_space<vmem>>
        %dma_start3A_74 = arith.constant 2490 : i32
        %dma_start3A_75 = arith.constant 0 : i32
        %dma_start3A_76 = tpu.memref_slice %arg4[%dma_start3A_74, %dma_start3A_75] : memref<2500x256xi32, #tpu.memory_space<hbm>> -> memref<10x256xi32, #tpu.memory_space<hbm>>
        %dma_start3A_77 = arith.constant 0 : i32
        %dma_start3A_78 = arith.constant 0 : i32
        %dma_start3A_79 = tpu.memref_slice %arg8[%dma_start3A_77, %dma_start3A_78] : memref<40x256xi32, #tpu.memory_space<vmem>> -> memref<10x256xi32, #tpu.memory_space<vmem>>
        %dma_start3A_80 = arith.constant 2490 : i32
        %dma_start3A_81 = arith.constant 0 : i32
        %dma_start3A_82 = tpu.memref_slice %arg4[%dma_start3A_80, %dma_start3A_81] : memref<2500x256xi32, #tpu.memory_space<hbm>> -> memref<10x256xi32, #tpu.memory_space<hbm>>
        tpu.enqueue_dma source(%dma_start3A_82 : memref<10x256xi32, #tpu.memory_space<hbm>>) target(%dma_start3A_79 : memref<10x256xi32, #tpu.memory_space<vmem>>) target_semaphore(%run_scoped3A_70 : memref<!tpu.dma_semaphore, #tpu.memory_space<semaphore_mem>>)
        %dma_wait3A = arith.constant 0 : i32
        %dma_wait3A_83 = arith.constant 0 : i32
        %dma_wait3A_84 = tpu.memref_slice %arg8[%dma_wait3A, %dma_wait3A_83] : memref<40x256xi32, #tpu.memory_space<vmem>> -> memref<10x256xi32, #tpu.memory_space<vmem>>
        %dma_wait3A_85 = arith.constant 2490 : i32
        %dma_wait3A_86 = arith.constant 0 : i32
        %dma_wait3A_87 = tpu.memref_slice %arg4[%dma_wait3A_85, %dma_wait3A_86] : memref<2500x256xi32, #tpu.memory_space<hbm>> -> memref<10x256xi32, #tpu.memory_space<hbm>>
        %dma_wait3A_88 = arith.constant 0 : i32
        %dma_wait3A_89 = arith.constant 0 : i32
        %dma_wait3A_90 = tpu.memref_slice %arg8[%dma_wait3A_88, %dma_wait3A_89] : memref<40x256xi32, #tpu.memory_space<vmem>> -> memref<10x256xi32, #tpu.memory_space<vmem>>
        %dma_wait3A_91 = arith.constant 2490 : i32
        %dma_wait3A_92 = arith.constant 0 : i32
        %dma_wait3A_93 = tpu.memref_slice %arg4[%dma_wait3A_91, %dma_wait3A_92] : memref<2500x256xi32, #tpu.memory_space<hbm>> -> memref<10x256xi32, #tpu.memory_space<hbm>>
        tpu.wait_dma2 semaphore(%run_scoped3A_70 : memref<!tpu.dma_semaphore, #tpu.memory_space<semaphore_mem>>) src(%dma_wait3A_93 : memref<10x256xi32, #tpu.memory_space<hbm>>) dst(%dma_wait3A_90 : memref<10x256xi32, #tpu.memory_space<vmem>>)
        tpu.yield
      }) : () -> ()
      "tpu.region"() ({
        %run_scoped3A_70 = tpu.sem_alloc : memref<!tpu.dma_semaphore, #tpu.memory_space<semaphore_mem>>
        %dma_start3A_71 = arith.constant 0 : i32
        %dma_start3A_72 = arith.constant 0 : i32
        %dma_start3A_73 = tpu.memref_slice %arg9[%dma_start3A_71, %dma_start3A_72] : memref<40x256xi32, #tpu.memory_space<vmem>> -> memref<10x256xi32, #tpu.memory_space<vmem>>
        %dma_start3A_74 = arith.constant 1240 : i32
        %dma_start3A_75 = arith.constant 0 : i32
        %dma_start3A_76 = tpu.memref_slice %arg4[%dma_start3A_74, %dma_start3A_75] : memref<2500x256xi32, #tpu.memory_space<hbm>> -> memref<10x256xi32, #tpu.memory_space<hbm>>
        %dma_start3A_77 = arith.constant 0 : i32
        %dma_start3A_78 = arith.constant 0 : i32
        %dma_start3A_79 = tpu.memref_slice %arg9[%dma_start3A_77, %dma_start3A_78] : memref<40x256xi32, #tpu.memory_space<vmem>> -> memref<10x256xi32, #tpu.memory_space<vmem>>
        %dma_start3A_80 = arith.constant 1240 : i32
        %dma_start3A_81 = arith.constant 0 : i32
        %dma_start3A_82 = tpu.memref_slice %arg4[%dma_start3A_80, %dma_start3A_81] : memref<2500x256xi32, #tpu.memory_space<hbm>> -> memref<10x256xi32, #tpu.memory_space<hbm>>
        tpu.enqueue_dma source(%dma_start3A_82 : memref<10x256xi32, #tpu.memory_space<hbm>>) target(%dma_start3A_79 : memref<10x256xi32, #tpu.memory_space<vmem>>) target_semaphore(%run_scoped3A_70 : memref<!tpu.dma_semaphore, #tpu.memory_space<semaphore_mem>>)
        %dma_wait3A = arith.constant 0 : i32
        %dma_wait3A_83 = arith.constant 0 : i32
        %dma_wait3A_84 = tpu.memref_slice %arg9[%dma_wait3A, %dma_wait3A_83] : memref<40x256xi32, #tpu.memory_space<vmem>> -> memref<10x256xi32, #tpu.memory_space<vmem>>
        %dma_wait3A_85 = arith.constant 1240 : i32
        %dma_wait3A_86 = arith.constant 0 : i32
        %dma_wait3A_87 = tpu.memref_slice %arg4[%dma_wait3A_85, %dma_wait3A_86] : memref<2500x256xi32, #tpu.memory_space<hbm>> -> memref<10x256xi32, #tpu.memory_space<hbm>>
        %dma_wait3A_88 = arith.constant 0 : i32
        %dma_wait3A_89 = arith.constant 0 : i32
        %dma_wait3A_90 = tpu.memref_slice %arg9[%dma_wait3A_88, %dma_wait3A_89] : memref<40x256xi32, #tpu.memory_space<vmem>> -> memref<10x256xi32, #tpu.memory_space<vmem>>
        %dma_wait3A_91 = arith.constant 1240 : i32
        %dma_wait3A_92 = arith.constant 0 : i32
        %dma_wait3A_93 = tpu.memref_slice %arg4[%dma_wait3A_91, %dma_wait3A_92] : memref<2500x256xi32, #tpu.memory_space<hbm>> -> memref<10x256xi32, #tpu.memory_space<hbm>>
        tpu.wait_dma2 semaphore(%run_scoped3A_70 : memref<!tpu.dma_semaphore, #tpu.memory_space<semaphore_mem>>) src(%dma_wait3A_93 : memref<10x256xi32, #tpu.memory_space<hbm>>) dst(%dma_wait3A_90 : memref<10x256xi32, #tpu.memory_space<vmem>>)
        tpu.yield
      }) : () -> ()
    } else {
    }
    %lt3A_31 = arith.constant 31 : i32
    %lt3A_32 = arith.cmpi slt, %add3A, %lt3A_31 : i32
    %jit3A = arith.constant 40 : i32
    %jit3A_33 = arith.constant 10 : i32
    %select_n3A = arith.select %lt3A_32, %jit3A, %jit3A_33 : i32
    %barrier3A = arith.constant 0 : index
    tpu.barrier barrier_id(%barrier3A)
    %dma_start3A = arith.constant 0 : i32
    %dma_start3A_34 = arith.constant 0 : i32
    %dma_start3A_35 = tpu.memref_slice %arg8[%dma_start3A, %dma_start3A_34] : memref<40x256xi32, #tpu.memory_space<vmem>> -> memref<1x256xi32, #tpu.memory_space<vmem>>
    %dma_start3A_36 = tpu.memref_squeeze %dma_start3A_35 : memref<1x256xi32, #tpu.memory_space<vmem>> -> memref<256xi32, #tpu.memory_space<vmem>>
    %dma_start3A_37 = arith.constant 0 : i32
    %dma_start3A_38 = arith.constant 0 : i32
    %dma_start3A_39 = tpu.memref_slice %arg6[%dma_start3A_37, %dma_start3A_38] : memref<10240x16xf32, #tpu.memory_space<vmem_shared>> -> memref<10240x16xf32, #tpu.memory_space<vmem_shared>>
    tpu.enqueue_indirect_dma source(%dma_start3A_39 : memref<10240x16xf32, #tpu.memory_space<vmem_shared>>) target(%arg10 : memref<256x16xf32, #tpu.memory_space<vmem>>) offsets(%dma_start3A_36 : memref<256xi32, #tpu.memory_space<vmem>>) semaphore(%arg16 : memref<!tpu.dma_semaphore, #tpu.memory_space<semaphore_mem>>)
    %jit3A_40 = arith.constant 2 : i32
    %div3A = arith.divsi %select_n3A, %jit3A_40 : i32
    %sign3A = arith.constant 0 : i32
    %sign3A_41 = arith.cmpi sgt, %select_n3A, %sign3A : i32
    %sign3A_42 = arith.extui %sign3A_41 : i1 to i32
    %sign3A_43 = arith.constant 0 : i32
    %sign3A_44 = arith.cmpi slt, %select_n3A, %sign3A_43 : i32
    %sign3A_45 = arith.extui %sign3A_44 : i1 to i32
    %sign3A_46 = arith.subi %sign3A_42, %sign3A_45 : i32
    %sign3A_47 = arith.constant 0 : i32
    %sign3A_48 = arith.cmpi sgt, %jit3A_40, %sign3A_47 : i32
    %sign3A_49 = arith.extui %sign3A_48 : i1 to i32
    %sign3A_50 = arith.constant 0 : i32
    %sign3A_51 = arith.cmpi slt, %jit3A_40, %sign3A_50 : i32
    %sign3A_52 = arith.extui %sign3A_51 : i1 to i32
    %sign3A_53 = arith.subi %sign3A_49, %sign3A_52 : i32
    %ne3A = arith.cmpi ne, %sign3A_46, %sign3A_53 : i32
    %rem3A = arith.remsi %select_n3A, %jit3A_40 : i32
    %ne3A_54 = arith.constant 0 : i32
    %ne3A_55 = arith.cmpi ne, %rem3A, %ne3A_54 : i32
    %and3A = arith.andi %ne3A, %ne3A_55 : i1
    %sub3A = arith.constant 1 : i32
    %sub3A_56 = arith.subi %div3A, %sub3A : i32
    %select_n3A_57 = arith.select %and3A, %sub3A_56, %div3A : i32
    %while3A = arith.constant 0 : i32
    %while3A_58 = arith.constant 0 : i32
    %while3A_59 = arith.subi %select_n3A_57, %while3A : i32
    %while3A_60 = arith.addi %while3A, %while3A_59 : i32
    %while3A_61 = arith.constant 1 : i32
    %while3A_62 = arith.divsi %while3A_59, %while3A_61 : i32
    %while3A_63 = arith.muli %while3A_62, %while3A_61 : i32
    %while3A_64 = arith.addi %while3A, %while3A_63 : i32
    %while3A_65 = arith.constant 1 : i32
    %while3A_66 = scf.for %while3A_70 = %while3A to %while3A_64 step %while3A_65 iter_args(%while3A_71 = %while3A_58) -> (i32)  : i32 {
      %mul3A_72 = arith.constant 2 : i32
      %mul3A_73 = arith.muli %mul3A_72, %while3A_70 : i32
      %add3A_74 = arith.constant 1 : i32
      %add3A_75 = arith.addi %mul3A_73, %add3A_74 : i32
      %dma_start3A_76 = arith.constant 0 : i32
      %dma_start3A_77 = tpu.memref_slice %arg8[%add3A_75, %dma_start3A_76] : memref<40x256xi32, #tpu.memory_space<vmem>> -> memref<1x256xi32, #tpu.memory_space<vmem>>
      %dma_start3A_78 = tpu.memref_squeeze %dma_start3A_77 : memref<1x256xi32, #tpu.memory_space<vmem>> -> memref<256xi32, #tpu.memory_space<vmem>>
      %dma_start3A_79 = arith.constant 0 : i32
      %dma_start3A_80 = arith.constant 0 : i32
      %dma_start3A_81 = tpu.memref_slice %arg6[%dma_start3A_79, %dma_start3A_80] : memref<10240x16xf32, #tpu.memory_space<vmem_shared>> -> memref<10240x16xf32, #tpu.memory_space<vmem_shared>>
      tpu.enqueue_indirect_dma source(%dma_start3A_81 : memref<10240x16xf32, #tpu.memory_space<vmem_shared>>) target(%arg11 : memref<256x16xf32, #tpu.memory_space<vmem>>) offsets(%dma_start3A_78 : memref<256xi32, #tpu.memory_space<vmem>>) semaphore(%arg17 : memref<!tpu.dma_semaphore, #tpu.memory_space<semaphore_mem>>)
      %dma_wait3A = arith.constant 0 : i32
      %dma_wait3A_82 = tpu.memref_slice %arg8[%mul3A_73, %dma_wait3A] : memref<40x256xi32, #tpu.memory_space<vmem>> -> memref<1x256xi32, #tpu.memory_space<vmem>>
      %dma_wait3A_83 = tpu.memref_squeeze %dma_wait3A_82 : memref<1x256xi32, #tpu.memory_space<vmem>> -> memref<256xi32, #tpu.memory_space<vmem>>
      %dma_wait3A_84 = arith.constant 0 : i32
      %dma_wait3A_85 = arith.constant 0 : i32
      %dma_wait3A_86 = tpu.memref_slice %arg6[%dma_wait3A_84, %dma_wait3A_85] : memref<10240x16xf32, #tpu.memory_space<vmem_shared>> -> memref<10240x16xf32, #tpu.memory_space<vmem_shared>>
      tpu.wait_indirect_dma semaphore(%arg16 : memref<!tpu.dma_semaphore, #tpu.memory_space<semaphore_mem>>) src(%dma_wait3A_86 : memref<10240x16xf32, #tpu.memory_space<vmem_shared>>) dst(%arg10 : memref<256x16xf32, #tpu.memory_space<vmem>>)
      "tpu.region"() ({
        %run_scoped3A_100 = tpu.sem_alloc : memref<!tpu.dma_semaphore, #tpu.memory_space<semaphore_mem>>
        %dma_start3A_101 = arith.constant 0 : i32
        %dma_start3A_102 = tpu.memref_slice %arg9[%mul3A_73, %dma_start3A_101] : memref<40x256xi32, #tpu.memory_space<vmem>> -> memref<1x256xi32, #tpu.memory_space<vmem>>
        %dma_start3A_103 = tpu.memref_squeeze %dma_start3A_102 : memref<1x256xi32, #tpu.memory_space<vmem>> -> memref<256xi32, #tpu.memory_space<vmem>>
        %dma_start3A_104 = arith.constant 0 : i32
        %dma_start3A_105 = arith.constant 0 : i32
        %dma_start3A_106 = tpu.memref_slice %arg7[%dma_start3A_104, %dma_start3A_105] : memref<10240x16xf32, #tpu.memory_space<vmem_shared>> -> memref<10240x16xf32, #tpu.memory_space<vmem_shared>>
        tpu.enqueue_indirect_dma source(%arg10 : memref<256x16xf32, #tpu.memory_space<vmem>>) target(%dma_start3A_106 : memref<10240x16xf32, #tpu.memory_space<vmem_shared>>) offsets(%dma_start3A_103 : memref<256xi32, #tpu.memory_space<vmem>>) semaphore(%run_scoped3A_100 : memref<!tpu.dma_semaphore, #tpu.memory_space<semaphore_mem>>) {add = true}
        %dma_wait3A_107 = arith.constant 0 : i32
        %dma_wait3A_108 = tpu.memref_slice %arg9[%mul3A_73, %dma_wait3A_107] : memref<40x256xi32, #tpu.memory_space<vmem>> -> memref<1x256xi32, #tpu.memory_space<vmem>>
        %dma_wait3A_109 = tpu.memref_squeeze %dma_wait3A_108 : memref<1x256xi32, #tpu.memory_space<vmem>> -> memref<256xi32, #tpu.memory_space<vmem>>
        %dma_wait3A_110 = arith.constant 0 : i32
        %dma_wait3A_111 = arith.constant 0 : i32
        %dma_wait3A_112 = tpu.memref_slice %arg7[%dma_wait3A_110, %dma_wait3A_111] : memref<10240x16xf32, #tpu.memory_space<vmem_shared>> -> memref<10240x16xf32, #tpu.memory_space<vmem_shared>>
        tpu.wait_indirect_dma semaphore(%run_scoped3A_100 : memref<!tpu.dma_semaphore, #tpu.memory_space<semaphore_mem>>) src(%arg10 : memref<256x16xf32, #tpu.memory_space<vmem>>) dst(%dma_wait3A_112 : memref<10240x16xf32, #tpu.memory_space<vmem_shared>>)
        tpu.yield
      }) : () -> ()
      %add3A_87 = arith.constant 2 : i32
      %add3A_88 = arith.addi %mul3A_73, %add3A_87 : i32
      %lt3A_89 = arith.cmpi slt, %add3A_88, %select_n3A : i32
      %convert_element_type3A_90 = arith.extui %lt3A_89 : i1 to i32
      %cond3A_91 = arith.constant 0 : i32
      %cond3A_92 = arith.cmpi ne, %convert_element_type3A_90, %cond3A_91 : i32
      scf.if %cond3A_92 {
        %add3A_100 = arith.constant 2 : i32
        %add3A_101 = arith.addi %mul3A_73, %add3A_100 : i32
        %dma_start3A_102 = arith.constant 0 : i32
        %dma_start3A_103 = tpu.memref_slice %arg8[%add3A_101, %dma_start3A_102] : memref<40x256xi32, #tpu.memory_space<vmem>> -> memref<1x256xi32, #tpu.memory_space<vmem>>
        %dma_start3A_104 = tpu.memref_squeeze %dma_start3A_103 : memref<1x256xi32, #tpu.memory_space<vmem>> -> memref<256xi32, #tpu.memory_space<vmem>>
        %dma_start3A_105 = arith.constant 0 : i32
        %dma_start3A_106 = arith.constant 0 : i32
        %dma_start3A_107 = tpu.memref_slice %arg6[%dma_start3A_105, %dma_start3A_106] : memref<10240x16xf32, #tpu.memory_space<vmem_shared>> -> memref<10240x16xf32, #tpu.memory_space<vmem_shared>>
        tpu.enqueue_indirect_dma source(%dma_start3A_107 : memref<10240x16xf32, #tpu.memory_space<vmem_shared>>) target(%arg10 : memref<256x16xf32, #tpu.memory_space<vmem>>) offsets(%dma_start3A_104 : memref<256xi32, #tpu.memory_space<vmem>>) semaphore(%arg16 : memref<!tpu.dma_semaphore, #tpu.memory_space<semaphore_mem>>)
      } else {
      }
      %dma_wait3A_93 = arith.constant 0 : i32
      %dma_wait3A_94 = tpu.memref_slice %arg8[%add3A_75, %dma_wait3A_93] : memref<40x256xi32, #tpu.memory_space<vmem>> -> memref<1x256xi32, #tpu.memory_space<vmem>>
      %dma_wait3A_95 = tpu.memref_squeeze %dma_wait3A_94 : memref<1x256xi32, #tpu.memory_space<vmem>> -> memref<256xi32, #tpu.memory_space<vmem>>
      %dma_wait3A_96 = arith.constant 0 : i32
      %dma_wait3A_97 = arith.constant 0 : i32
      %dma_wait3A_98 = tpu.memref_slice %arg6[%dma_wait3A_96, %dma_wait3A_97] : memref<10240x16xf32, #tpu.memory_space<vmem_shared>> -> memref<10240x16xf32, #tpu.memory_space<vmem_shared>>
      tpu.wait_indirect_dma semaphore(%arg17 : memref<!tpu.dma_semaphore, #tpu.memory_space<semaphore_mem>>) src(%dma_wait3A_98 : memref<10240x16xf32, #tpu.memory_space<vmem_shared>>) dst(%arg11 : memref<256x16xf32, #tpu.memory_space<vmem>>)
      "tpu.region"() ({
        %run_scoped3A_100 = tpu.sem_alloc : memref<!tpu.dma_semaphore, #tpu.memory_space<semaphore_mem>>
        %dma_start3A_101 = arith.constant 0 : i32
        %dma_start3A_102 = tpu.memref_slice %arg9[%add3A_75, %dma_start3A_101] : memref<40x256xi32, #tpu.memory_space<vmem>> -> memref<1x256xi32, #tpu.memory_space<vmem>>
        %dma_start3A_103 = tpu.memref_squeeze %dma_start3A_102 : memref<1x256xi32, #tpu.memory_space<vmem>> -> memref<256xi32, #tpu.memory_space<vmem>>
        %dma_start3A_104 = arith.constant 0 : i32
        %dma_start3A_105 = arith.constant 0 : i32
        %dma_start3A_106 = tpu.memref_slice %arg7[%dma_start3A_104, %dma_start3A_105] : memref<10240x16xf32, #tpu.memory_space<vmem_shared>> -> memref<10240x16xf32, #tpu.memory_space<vmem_shared>>
        tpu.enqueue_indirect_dma source(%arg11 : memref<256x16xf32, #tpu.memory_space<vmem>>) target(%dma_start3A_106 : memref<10240x16xf32, #tpu.memory_space<vmem_shared>>) offsets(%dma_start3A_103 : memref<256xi32, #tpu.memory_space<vmem>>) semaphore(%run_scoped3A_100 : memref<!tpu.dma_semaphore, #tpu.memory_space<semaphore_mem>>) {add = true}
        %dma_wait3A_107 = arith.constant 0 : i32
        %dma_wait3A_108 = tpu.memref_slice %arg9[%add3A_75, %dma_wait3A_107] : memref<40x256xi32, #tpu.memory_space<vmem>> -> memref<1x256xi32, #tpu.memory_space<vmem>>
        %dma_wait3A_109 = tpu.memref_squeeze %dma_wait3A_108 : memref<1x256xi32, #tpu.memory_space<vmem>> -> memref<256xi32, #tpu.memory_space<vmem>>
        %dma_wait3A_110 = arith.constant 0 : i32
        %dma_wait3A_111 = arith.constant 0 : i32
        %dma_wait3A_112 = tpu.memref_slice %arg7[%dma_wait3A_110, %dma_wait3A_111] : memref<10240x16xf32, #tpu.memory_space<vmem_shared>> -> memref<10240x16xf32, #tpu.memory_space<vmem_shared>>
        tpu.wait_indirect_dma semaphore(%run_scoped3A_100 : memref<!tpu.dma_semaphore, #tpu.memory_space<semaphore_mem>>) src(%arg11 : memref<256x16xf32, #tpu.memory_space<vmem>>) dst(%dma_wait3A_112 : memref<10240x16xf32, #tpu.memory_space<vmem_shared>>)
        tpu.yield
      }) : () -> ()
      %while3A_99 = arith.constant 0 : i32
      scf.yield %while3A_99 : i32
    }
    %while3A_67 = arith.constant 1 : i32
    %while3A_68 = scf.for %while3A_70 = %while3A_64 to %while3A_60 step %while3A_67 iter_args(%while3A_71 = %while3A_66) -> (i32)  : i32 {
      %mul3A_72 = arith.constant 2 : i32
      %mul3A_73 = arith.muli %mul3A_72, %while3A_70 : i32
      %add3A_74 = arith.constant 1 : i32
      %add3A_75 = arith.addi %mul3A_73, %add3A_74 : i32
      %dma_start3A_76 = arith.constant 0 : i32
      %dma_start3A_77 = tpu.memref_slice %arg8[%add3A_75, %dma_start3A_76] : memref<40x256xi32, #tpu.memory_space<vmem>> -> memref<1x256xi32, #tpu.memory_space<vmem>>
      %dma_start3A_78 = tpu.memref_squeeze %dma_start3A_77 : memref<1x256xi32, #tpu.memory_space<vmem>> -> memref<256xi32, #tpu.memory_space<vmem>>
      %dma_start3A_79 = arith.constant 0 : i32
      %dma_start3A_80 = arith.constant 0 : i32
      %dma_start3A_81 = tpu.memref_slice %arg6[%dma_start3A_79, %dma_start3A_80] : memref<10240x16xf32, #tpu.memory_space<vmem_shared>> -> memref<10240x16xf32, #tpu.memory_space<vmem_shared>>
      tpu.enqueue_indirect_dma source(%dma_start3A_81 : memref<10240x16xf32, #tpu.memory_space<vmem_shared>>) target(%arg11 : memref<256x16xf32, #tpu.memory_space<vmem>>) offsets(%dma_start3A_78 : memref<256xi32, #tpu.memory_space<vmem>>) semaphore(%arg17 : memref<!tpu.dma_semaphore, #tpu.memory_space<semaphore_mem>>)
      %dma_wait3A = arith.constant 0 : i32
      %dma_wait3A_82 = tpu.memref_slice %arg8[%mul3A_73, %dma_wait3A] : memref<40x256xi32, #tpu.memory_space<vmem>> -> memref<1x256xi32, #tpu.memory_space<vmem>>
      %dma_wait3A_83 = tpu.memref_squeeze %dma_wait3A_82 : memref<1x256xi32, #tpu.memory_space<vmem>> -> memref<256xi32, #tpu.memory_space<vmem>>
      %dma_wait3A_84 = arith.constant 0 : i32
      %dma_wait3A_85 = arith.constant 0 : i32
      %dma_wait3A_86 = tpu.memref_slice %arg6[%dma_wait3A_84, %dma_wait3A_85] : memref<10240x16xf32, #tpu.memory_space<vmem_shared>> -> memref<10240x16xf32, #tpu.memory_space<vmem_shared>>
      tpu.wait_indirect_dma semaphore(%arg16 : memref<!tpu.dma_semaphore, #tpu.memory_space<semaphore_mem>>) src(%dma_wait3A_86 : memref<10240x16xf32, #tpu.memory_space<vmem_shared>>) dst(%arg10 : memref<256x16xf32, #tpu.memory_space<vmem>>)
      "tpu.region"() ({
        %run_scoped3A_100 = tpu.sem_alloc : memref<!tpu.dma_semaphore, #tpu.memory_space<semaphore_mem>>
        %dma_start3A_101 = arith.constant 0 : i32
        %dma_start3A_102 = tpu.memref_slice %arg9[%mul3A_73, %dma_start3A_101] : memref<40x256xi32, #tpu.memory_space<vmem>> -> memref<1x256xi32, #tpu.memory_space<vmem>>
        %dma_start3A_103 = tpu.memref_squeeze %dma_start3A_102 : memref<1x256xi32, #tpu.memory_space<vmem>> -> memref<256xi32, #tpu.memory_space<vmem>>
        %dma_start3A_104 = arith.constant 0 : i32
        %dma_start3A_105 = arith.constant 0 : i32
        %dma_start3A_106 = tpu.memref_slice %arg7[%dma_start3A_104, %dma_start3A_105] : memref<10240x16xf32, #tpu.memory_space<vmem_shared>> -> memref<10240x16xf32, #tpu.memory_space<vmem_shared>>
        tpu.enqueue_indirect_dma source(%arg10 : memref<256x16xf32, #tpu.memory_space<vmem>>) target(%dma_start3A_106 : memref<10240x16xf32, #tpu.memory_space<vmem_shared>>) offsets(%dma_start3A_103 : memref<256xi32, #tpu.memory_space<vmem>>) semaphore(%run_scoped3A_100 : memref<!tpu.dma_semaphore, #tpu.memory_space<semaphore_mem>>) {add = true}
        %dma_wait3A_107 = arith.constant 0 : i32
        %dma_wait3A_108 = tpu.memref_slice %arg9[%mul3A_73, %dma_wait3A_107] : memref<40x256xi32, #tpu.memory_space<vmem>> -> memref<1x256xi32, #tpu.memory_space<vmem>>
        %dma_wait3A_109 = tpu.memref_squeeze %dma_wait3A_108 : memref<1x256xi32, #tpu.memory_space<vmem>> -> memref<256xi32, #tpu.memory_space<vmem>>
        %dma_wait3A_110 = arith.constant 0 : i32
        %dma_wait3A_111 = arith.constant 0 : i32
        %dma_wait3A_112 = tpu.memref_slice %arg7[%dma_wait3A_110, %dma_wait3A_111] : memref<10240x16xf32, #tpu.memory_space<vmem_shared>> -> memref<10240x16xf32, #tpu.memory_space<vmem_shared>>
        tpu.wait_indirect_dma semaphore(%run_scoped3A_100 : memref<!tpu.dma_semaphore, #tpu.memory_space<semaphore_mem>>) src(%arg10 : memref<256x16xf32, #tpu.memory_space<vmem>>) dst(%dma_wait3A_112 : memref<10240x16xf32, #tpu.memory_space<vmem_shared>>)
        tpu.yield
      }) : () -> ()
      %add3A_87 = arith.constant 2 : i32
      %add3A_88 = arith.addi %mul3A_73, %add3A_87 : i32
      %lt3A_89 = arith.cmpi slt, %add3A_88, %select_n3A : i32
      %convert_element_type3A_90 = arith.extui %lt3A_89 : i1 to i32
      %cond3A_91 = arith.constant 0 : i32
      %cond3A_92 = arith.cmpi ne, %convert_element_type3A_90, %cond3A_91 : i32
      scf.if %cond3A_92 {
        %add3A_100 = arith.constant 2 : i32
        %add3A_101 = arith.addi %mul3A_73, %add3A_100 : i32
        %dma_start3A_102 = arith.constant 0 : i32
        %dma_start3A_103 = tpu.memref_slice %arg8[%add3A_101, %dma_start3A_102] : memref<40x256xi32, #tpu.memory_space<vmem>> -> memref<1x256xi32, #tpu.memory_space<vmem>>
        %dma_start3A_104 = tpu.memref_squeeze %dma_start3A_103 : memref<1x256xi32, #tpu.memory_space<vmem>> -> memref<256xi32, #tpu.memory_space<vmem>>
        %dma_start3A_105 = arith.constant 0 : i32
        %dma_start3A_106 = arith.constant 0 : i32
        %dma_start3A_107 = tpu.memref_slice %arg6[%dma_start3A_105, %dma_start3A_106] : memref<10240x16xf32, #tpu.memory_space<vmem_shared>> -> memref<10240x16xf32, #tpu.memory_space<vmem_shared>>
        tpu.enqueue_indirect_dma source(%dma_start3A_107 : memref<10240x16xf32, #tpu.memory_space<vmem_shared>>) target(%arg10 : memref<256x16xf32, #tpu.memory_space<vmem>>) offsets(%dma_start3A_104 : memref<256xi32, #tpu.memory_space<vmem>>) semaphore(%arg16 : memref<!tpu.dma_semaphore, #tpu.memory_space<semaphore_mem>>)
      } else {
      }
      %dma_wait3A_93 = arith.constant 0 : i32
      %dma_wait3A_94 = tpu.memref_slice %arg8[%add3A_75, %dma_wait3A_93] : memref<40x256xi32, #tpu.memory_space<vmem>> -> memref<1x256xi32, #tpu.memory_space<vmem>>
      %dma_wait3A_95 = tpu.memref_squeeze %dma_wait3A_94 : memref<1x256xi32, #tpu.memory_space<vmem>> -> memref<256xi32, #tpu.memory_space<vmem>>
      %dma_wait3A_96 = arith.constant 0 : i32
      %dma_wait3A_97 = arith.constant 0 : i32
      %dma_wait3A_98 = tpu.memref_slice %arg6[%dma_wait3A_96, %dma_wait3A_97] : memref<10240x16xf32, #tpu.memory_space<vmem_shared>> -> memref<10240x16xf32, #tpu.memory_space<vmem_shared>>
      tpu.wait_indirect_dma semaphore(%arg17 : memref<!tpu.dma_semaphore, #tpu.memory_space<semaphore_mem>>) src(%dma_wait3A_98 : memref<10240x16xf32, #tpu.memory_space<vmem_shared>>) dst(%arg11 : memref<256x16xf32, #tpu.memory_space<vmem>>)
      "tpu.region"() ({
        %run_scoped3A_100 = tpu.sem_alloc : memref<!tpu.dma_semaphore, #tpu.memory_space<semaphore_mem>>
        %dma_start3A_101 = arith.constant 0 : i32
        %dma_start3A_102 = tpu.memref_slice %arg9[%add3A_75, %dma_start3A_101] : memref<40x256xi32, #tpu.memory_space<vmem>> -> memref<1x256xi32, #tpu.memory_space<vmem>>
        %dma_start3A_103 = tpu.memref_squeeze %dma_start3A_102 : memref<1x256xi32, #tpu.memory_space<vmem>> -> memref<256xi32, #tpu.memory_space<vmem>>
        %dma_start3A_104 = arith.constant 0 : i32
        %dma_start3A_105 = arith.constant 0 : i32
        %dma_start3A_106 = tpu.memref_slice %arg7[%dma_start3A_104, %dma_start3A_105] : memref<10240x16xf32, #tpu.memory_space<vmem_shared>> -> memref<10240x16xf32, #tpu.memory_space<vmem_shared>>
        tpu.enqueue_indirect_dma source(%arg11 : memref<256x16xf32, #tpu.memory_space<vmem>>) target(%dma_start3A_106 : memref<10240x16xf32, #tpu.memory_space<vmem_shared>>) offsets(%dma_start3A_103 : memref<256xi32, #tpu.memory_space<vmem>>) semaphore(%run_scoped3A_100 : memref<!tpu.dma_semaphore, #tpu.memory_space<semaphore_mem>>) {add = true}
        %dma_wait3A_107 = arith.constant 0 : i32
        %dma_wait3A_108 = tpu.memref_slice %arg9[%add3A_75, %dma_wait3A_107] : memref<40x256xi32, #tpu.memory_space<vmem>> -> memref<1x256xi32, #tpu.memory_space<vmem>>
        %dma_wait3A_109 = tpu.memref_squeeze %dma_wait3A_108 : memref<1x256xi32, #tpu.memory_space<vmem>> -> memref<256xi32, #tpu.memory_space<vmem>>
        %dma_wait3A_110 = arith.constant 0 : i32
        %dma_wait3A_111 = arith.constant 0 : i32
        %dma_wait3A_112 = tpu.memref_slice %arg7[%dma_wait3A_110, %dma_wait3A_111] : memref<10240x16xf32, #tpu.memory_space<vmem_shared>> -> memref<10240x16xf32, #tpu.memory_space<vmem_shared>>
        tpu.wait_indirect_dma semaphore(%run_scoped3A_100 : memref<!tpu.dma_semaphore, #tpu.memory_space<semaphore_mem>>) src(%arg11 : memref<256x16xf32, #tpu.memory_space<vmem>>) dst(%dma_wait3A_112 : memref<10240x16xf32, #tpu.memory_space<vmem_shared>>)
        tpu.yield
      }) : () -> ()
      %while3A_99 = arith.constant 0 : i32
      scf.yield %while3A_99 : i32
    }
    %barrier3A_69 = arith.constant 0 : index
    tpu.barrier barrier_id(%barrier3A_69)
    "tpu.region"() ({
      %run_scoped3A_70 = tpu.sem_alloc : memref<!tpu.dma_semaphore, #tpu.memory_space<semaphore_mem>>
      %dma_start3A_71 = arith.constant 0 : i32
      %dma_start3A_72 = tpu.memref_slice %arg7[%mul3A_2, %dma_start3A_71] : memref<10240x16xf32, #tpu.memory_space<vmem_shared>> -> memref<640x16xf32, #tpu.memory_space<vmem_shared>>
      %dma_start3A_73 = arith.constant 0 : i32
      %dma_start3A_74 = tpu.memref_slice %arg7[%mul3A_2, %dma_start3A_73] : memref<10240x16xf32, #tpu.memory_space<vmem_shared>> -> memref<640x16xf32, #tpu.memory_space<vmem_shared>>
      tpu.enqueue_dma source(%dma_start3A_74 : memref<640x16xf32, #tpu.memory_space<vmem_shared>>) target(%arg12 : memref<640x16xf32, #tpu.memory_space<vmem>>) target_semaphore(%run_scoped3A_70 : memref<!tpu.dma_semaphore, #tpu.memory_space<semaphore_mem>>)
      %dma_wait3A = arith.constant 0 : i32
      %dma_wait3A_75 = tpu.memref_slice %arg7[%mul3A_2, %dma_wait3A] : memref<10240x16xf32, #tpu.memory_space<vmem_shared>> -> memref<640x16xf32, #tpu.memory_space<vmem_shared>>
      %dma_wait3A_76 = arith.constant 0 : i32
      %dma_wait3A_77 = tpu.memref_slice %arg7[%mul3A_2, %dma_wait3A_76] : memref<10240x16xf32, #tpu.memory_space<vmem_shared>> -> memref<640x16xf32, #tpu.memory_space<vmem_shared>>
      tpu.wait_dma2 semaphore(%run_scoped3A_70 : memref<!tpu.dma_semaphore, #tpu.memory_space<semaphore_mem>>) src(%dma_wait3A_77 : memref<640x16xf32, #tpu.memory_space<vmem_shared>>) dst(%arg12 : memref<640x16xf32, #tpu.memory_space<vmem>>)
      tpu.yield
    }) : () -> ()
    "tpu.region"() ({
      %run_scoped3A_70 = tpu.sem_alloc : memref<!tpu.dma_semaphore, #tpu.memory_space<semaphore_mem>>
      %dma_start3A_71 = arith.constant 0 : i32
      %dma_start3A_72 = tpu.memref_slice %arg5[%arg0, %mul3A_2, %dma_start3A_71] : memref<2x10240x16xf32, #tpu.memory_space<hbm>> -> memref<1x640x16xf32, #tpu.memory_space<hbm>>
      %dma_start3A_73 = tpu.memref_squeeze %dma_start3A_72 : memref<1x640x16xf32, #tpu.memory_space<hbm>> -> memref<640x16xf32, #tpu.memory_space<hbm>>
      %dma_start3A_74 = arith.constant 0 : i32
      %dma_start3A_75 = tpu.memref_slice %arg5[%arg0, %mul3A_2, %dma_start3A_74] : memref<2x10240x16xf32, #tpu.memory_space<hbm>> -> memref<1x640x16xf32, #tpu.memory_space<hbm>>
      %dma_start3A_76 = tpu.memref_squeeze %dma_start3A_75 : memref<1x640x16xf32, #tpu.memory_space<hbm>> -> memref<640x16xf32, #tpu.memory_space<hbm>>
      tpu.enqueue_dma source(%arg12 : memref<640x16xf32, #tpu.memory_space<vmem>>) target(%dma_start3A_76 : memref<640x16xf32, #tpu.memory_space<hbm>>) target_semaphore(%run_scoped3A_70 : memref<!tpu.dma_semaphore, #tpu.memory_space<semaphore_mem>>)
      %dma_wait3A = arith.constant 0 : i32
      %dma_wait3A_77 = tpu.memref_slice %arg5[%arg0, %mul3A_2, %dma_wait3A] : memref<2x10240x16xf32, #tpu.memory_space<hbm>> -> memref<1x640x16xf32, #tpu.memory_space<hbm>>
      %dma_wait3A_78 = tpu.memref_squeeze %dma_wait3A_77 : memref<1x640x16xf32, #tpu.memory_space<hbm>> -> memref<640x16xf32, #tpu.memory_space<hbm>>
      %dma_wait3A_79 = arith.constant 0 : i32
      %dma_wait3A_80 = tpu.memref_slice %arg5[%arg0, %mul3A_2, %dma_wait3A_79] : memref<2x10240x16xf32, #tpu.memory_space<hbm>> -> memref<1x640x16xf32, #tpu.memory_space<hbm>>
      %dma_wait3A_81 = tpu.memref_squeeze %dma_wait3A_80 : memref<1x640x16xf32, #tpu.memory_space<hbm>> -> memref<640x16xf32, #tpu.memory_space<hbm>>
      tpu.wait_dma2 semaphore(%run_scoped3A_70 : memref<!tpu.dma_semaphore, #tpu.memory_space<semaphore_mem>>) src(%arg12 : memref<640x16xf32, #tpu.memory_space<vmem>>) dst(%dma_wait3A_81 : memref<640x16xf32, #tpu.memory_space<hbm>>)
      tpu.yield
    }) : () -> ()
    return
  }
}

module attributes {stable_mosaic.version = 14 : i64} {
  func.func @_proj_body(%arg0: memref<10000x128xf32, #tpu.memory_space<vmem>>, %arg1: memref<128x16xf32, #tpu.memory_space<vmem>>, %arg2: memref<1x16xf32, #tpu.memory_space<vmem>>, %arg3: memref<10240x16xf32, #tpu.memory_space<vmem>>) attributes {dimension_semantics = [], scalar_prefetch = 0 : i64, scratch_operands = 0 : i64, tpu.core_type = #tpu.core_type<tc>} {
    %get3A = arith.constant 0 : index
    %get3A_0 = arith.constant 0 : index
    %get3A_1 = vector.load %arg0[%get3A, %get3A_0] : memref<10000x128xf32, #tpu.memory_space<vmem>>, vector<10000x128xf32>
    %get3A_2 = arith.constant 0 : index
    %get3A_3 = arith.constant 0 : index
    %get3A_4 = vector.load %arg1[%get3A_2, %get3A_3] : memref<128x16xf32, #tpu.memory_space<vmem>>, vector<128x16xf32>
    %dot_general3A = arith.constant dense<0.000000e+00> : vector<10000x16xf32>
    %dot_general3A_5 = tpu.matmul %get3A_1, %get3A_4, %dot_general3A {dimension_numbers = #tpu.dot_dimension_numbers<[1], [0], [0], [1], [0, 0, 1, 1], [], []>, transpose_lhs_hint = false} : vector<10000x128xf32>, vector<128x16xf32>, vector<10000x16xf32> -> vector<10000x16xf32>
    %get3A_6 = arith.constant 0 : index
    %get3A_7 = arith.constant 0 : index
    %get3A_8 = vector.load %arg2[%get3A_6, %get3A_7] : memref<1x16xf32, #tpu.memory_space<vmem>>, vector<1x16xf32>
    %add3A = vector.broadcast %get3A_8 : vector<1x16xf32> to vector<10000x16xf32>
    %add3A_9 = arith.addf %dot_general3A_5, %add3A : vector<10000x16xf32>
    %swap3A = arith.constant 0 : index
    %swap3A_10 = arith.constant 0 : index
    %swap3A_11 = vector.load %arg3[%swap3A, %swap3A_10] : memref<10240x16xf32, #tpu.memory_space<vmem>>, vector<10000x16xf32>
    tpu.vector_store %arg3[%swap3A, %swap3A_10], %add3A_9 {strides = array<i32>} : memref<10240x16xf32, #tpu.memory_space<vmem>>, vector<10000x16xf32>,
    %broadcast_in_dim3A = arith.constant 0.000000e+00 : f32
    %broadcast_in_dim3A_12 = vector.broadcast %broadcast_in_dim3A : f32 to vector<240x16xf32>
    %swap3A_13 = arith.constant 10000 : index
    %swap3A_14 = arith.constant 0 : index
    %swap3A_15 = vector.load %arg3[%swap3A_13, %swap3A_14] : memref<10240x16xf32, #tpu.memory_space<vmem>>, vector<240x16xf32>
    tpu.vector_store %arg3[%swap3A_13, %swap3A_14], %broadcast_in_dim3A_12 {strides = array<i32>} : memref<10240x16xf32, #tpu.memory_space<vmem>>, vector<240x16xf32>,
    return
  }
}

module attributes {stable_mosaic.version = 14 : i64} {
  func.func @_final_body(%arg0: memref<2x1280x128xf32, #tpu.memory_space<vmem>>, %arg1: memref<2x1280x128xf32, #tpu.memory_space<vmem>>, %arg2: memref<256x320xf32, #tpu.memory_space<vmem>>, %arg3: memref<320x320xf32, #tpu.memory_space<vmem>>, %arg4: memref<1280x320xf32, #tpu.memory_space<vmem>>) attributes {dimension_semantics = [], scalar_prefetch = 0 : i64, scratch_operands = 0 : i64, tpu.core_type = #tpu.core_type<tc>} {
    %get3A = arith.constant 0 : index
    %get3A_0 = arith.constant 0 : index
    %get3A_1 = arith.constant 0 : index
    %get3A_2 = vector.load %arg1[%get3A, %get3A_0, %get3A_1] : memref<2x1280x128xf32, #tpu.memory_space<vmem>>, vector<1x1280x128xf32>
    %get3A_3 = vector.shape_cast %get3A_2 : vector<1x1280x128xf32> to vector<1280x128xf32>
    %get3A_4 = arith.constant 1 : index
    %get3A_5 = arith.constant 0 : index
    %get3A_6 = arith.constant 0 : index
    %get3A_7 = vector.load %arg1[%get3A_4, %get3A_5, %get3A_6] : memref<2x1280x128xf32, #tpu.memory_space<vmem>>, vector<1x1280x128xf32>
    %get3A_8 = vector.shape_cast %get3A_7 : vector<1x1280x128xf32> to vector<1280x128xf32>
    %add3A = arith.addf %get3A_3, %get3A_8 : vector<1280x128xf32>
    %get3A_9 = arith.constant 0 : index
    %get3A_10 = arith.constant 0 : index
    %get3A_11 = arith.constant 0 : index
    %get3A_12 = vector.load %arg0[%get3A_9, %get3A_10, %get3A_11] : memref<2x1280x128xf32, #tpu.memory_space<vmem>>, vector<1x1280x128xf32>
    %get3A_13 = vector.shape_cast %get3A_12 : vector<1x1280x128xf32> to vector<1280x128xf32>
    %get3A_14 = arith.constant 1 : index
    %get3A_15 = arith.constant 0 : index
    %get3A_16 = arith.constant 0 : index
    %get3A_17 = vector.load %arg0[%get3A_14, %get3A_15, %get3A_16] : memref<2x1280x128xf32, #tpu.memory_space<vmem>>, vector<1x1280x128xf32>
    %get3A_18 = vector.shape_cast %get3A_17 : vector<1x1280x128xf32> to vector<1280x128xf32>
    %add3A_19 = arith.addf %get3A_13, %get3A_18 : vector<1280x128xf32>
    %max3A = arith.constant 1.000000e+00 : f32
    %max3A_20 = vector.broadcast %max3A : f32 to vector<1280x128xf32>
    %max3A_21 = arith.maximumf %add3A, %max3A_20 : vector<1280x128xf32>
    %div3A = arith.constant 1.000000e+00 : f32
    %div3A_22 = vector.broadcast %div3A : f32 to vector<1280x128xf32>
    %div3A_23 = arith.divf %div3A_22, %max3A_21 : vector<1280x128xf32>
    %mul3A = arith.mulf %add3A_19, %div3A_23 : vector<1280x128xf32>
    %gt3A = arith.constant 0.000000e+00 : f32
    %gt3A_24 = vector.broadcast %gt3A : f32 to vector<1280x128xf32>
    %gt3A_25 = arith.cmpf ogt, %add3A, %gt3A_24 : vector<1280x128xf32>
    %convert_element_type3A = arith.extui %gt3A_25 : vector<1280x128xi1> to vector<1280x128xi32>
    %convert_element_type3A_26 = arith.sitofp %convert_element_type3A : vector<1280x128xi32> to vector<1280x128xf32>
    %concatenate3A = tpu.concatenate %mul3A, %convert_element_type3A_26 in 1 : vector<1280x128xf32>, vector<1280x128xf32> -> vector<1280x256xf32>
    %get3A_27 = arith.constant 0 : index
    %get3A_28 = arith.constant 0 : index
    %get3A_29 = vector.load %arg2[%get3A_27, %get3A_28] : memref<256x320xf32, #tpu.memory_space<vmem>>, vector<256x320xf32>
    %dot_general3A = arith.constant dense<0.000000e+00> : vector<1280x320xf32>
    %dot_general3A_30 = tpu.matmul %concatenate3A, %get3A_29, %dot_general3A {dimension_numbers = #tpu.dot_dimension_numbers<[1], [0], [0], [1], [0, 0, 1, 1], [], []>, transpose_lhs_hint = false} : vector<1280x256xf32>, vector<256x320xf32>, vector<1280x320xf32> -> vector<1280x320xf32>
    %reduce_max3A = arith.constant dense<0xFF800000> : vector<1280xf32>
    %reduce_max3A_31 = vector.multi_reduction <maximumf>, %dot_general3A_30, %reduce_max3A [1] : vector<1280x320xf32> to vector<1280xf32>
    %broadcast_in_dim3A = vector.shape_cast %reduce_max3A_31 : vector<1280xf32> to vector<1280x1xf32>
    %sub3A = vector.broadcast %broadcast_in_dim3A : vector<1280x1xf32> to vector<1280x320xf32>
    %sub3A_32 = arith.subf %dot_general3A_30, %sub3A : vector<1280x320xf32>
    %exp3A = math.exp %sub3A_32 : vector<1280x320xf32>
    %get3A_33 = arith.constant 0 : index
    %get3A_34 = arith.constant 0 : index
    %get3A_35 = vector.load %arg3[%get3A_33, %get3A_34] : memref<320x320xf32, #tpu.memory_space<vmem>>, vector<320x320xf32>
    %dot_general3A_36 = arith.constant dense<0.000000e+00> : vector<1280x320xf32>
    %dot_general3A_37 = tpu.matmul %exp3A, %get3A_35, %dot_general3A_36 {dimension_numbers = #tpu.dot_dimension_numbers<[1], [0], [0], [1], [0, 0, 1, 1], [], []>, transpose_lhs_hint = false} : vector<1280x320xf32>, vector<320x320xf32>, vector<1280x320xf32> -> vector<1280x320xf32>
    %log3A = math.log %dot_general3A_37 : vector<1280x320xf32>
    %sub3A_38 = arith.subf %sub3A_32, %log3A : vector<1280x320xf32>
    %swap3A = arith.constant 0 : index
    %swap3A_39 = arith.constant 0 : index
    %swap3A_40 = vector.load %arg4[%swap3A, %swap3A_39] : memref<1280x320xf32, #tpu.memory_space<vmem>>, vector<1280x320xf32>
    tpu.vector_store %arg4[%swap3A, %swap3A_39], %sub3A_38 {strides = array<i32>} : memref<1280x320xf32, #tpu.memory_space<vmem>>, vector<1280x320xf32>,
    return
  }
}

</mosaic_0001>

<sc_bundles>
// kernel: kernel.11.cloned.1.call-start
scs
__scs_entry_jumppad:
0x0: {  	(pc) =	sbr.rel $0x88, $3  }
0x1: {  	(tag) =	ssettag $0x0;
	lr =	simm.s32 $0x1  }
0x2: {  	[smem:$0x3F9B] =	sst lr;
	_ =	strace $0xD0000000  }
0x3: {  	_ = 	snop  }
0x4: {  	_ = 	snop  }
0x5: {  	_ = 	snop  }
0x6: {  	_ = 	snop  }
0x7: {  	_ = 	snop  }
__scs_overlays_trampoline_lowered:
0x8: {  	[smem:$0x3FAA] =	sst s0  }
0x9: {  	[smem:$0x3FAB] =	sst s1  }
0xa: {  	[smem:$0x3FAC] =	sst s2  }
0xb: {  	[smem:$0x3FAD] =	sst s3  }
0xc: {  	[smem:$0x3FAE] =	sst s4  }
0xd: {  	[smem:$0x3FAF] =	sst s5  }
0xe: {  	[smem:$0x3FB0] =	sst s6  }
0xf: {  	[smem:$0x3FB1] =	sst s7  }
0x10: {  	[smem:$0x3FB2] =	sst s8  }
0x11: {  	[smem:$0x3FB3] =	sst s9;
	s0 =	simm.s32 @!p0 $0x0  }
0x12: {  	s1 =	sld [smem:$0x3F99];
	s0 =	simm.s32 @p0 $0x1  }
0x13: {  	[smem:$0x3FB4] =	sst s0;
	s0 =	simm.s32 @!p1 $0x0  }
0x14: {  	s2 =	sld [smem:$0x3F98];
	s0 =	simm.s32 @p1 $0x1  }
0x15: {  	[smem:$0x3FB5] =	sst s0;
	s0 =	simm.s32 @!p2 $0x0  }
0x16: {  	s3 =	sld [smem:$0x3FDB];
	s0 =	simm.s32 @p2 $0x1  }
0x17: {  	s4 =	simm.s32 $0x1BF5;
	[smem:$0x3FB7] =	sst s0  }
0x18: {  	s0 =	sld [smem:$0x3F9A];
	_ =	swait.ge [sflag:s4], $0x0  }
0x19: {  	s7 =	sld [smem:$0x3F9B]  }
0x1a: {  	s8 =	sadd.s32 $0xFFFFE003, lr  }
0x1b: {  	s9 =	sadd.s32 $0xFFFFFEF7, lr;
	s5 =	simm.s32 $0xFFFFFFFF;
	p2 =	slt.u32 s8, $0xFFFFF086  }
0x1c: {  	p1 =	slt.u32 s9, $0xF7A;
	s5 =	simm.s32 @!p2 $0x0  }
0x1d: {  	s5 =	simm.s32 @p1 $0x1;
	p0 =	seq.s32 s7, s2  }
0x1e: {  	s7 =	smul.u32 @!p0 $0xF7A, s2;
	p2 =	seq.s32 @!p0 s5, $0x0  }
0x1f: {  	s9 =	smul.u32 $0xF7A, s1;
	s8 =	simm.s32 @!p0 $0x1BF5;
	p2 =	por !p2, p0  }
0x20: {  	[sflag:s8] =	ssyncset.s32 @!p0 $0xFFFFF086;
	s6 =	sadd.s32 @!p0 s3, s7;
	s7 =	simm.s32 @!p0 $0x108  }
0x21: {  	s3 =	sadd.s32 s3, s9;
	s6 =	sadd.s32 @!p0 $0x88, s6;
	s7 =	simm.s32 @p2 $0x1082  }
0x22: {  	[simem:s7], [sflag:s8] =	dma.local @!p0 [hbm:s6], $0xF7A  }
0x23: {  	s9 =	sor.u32 $0xD0000000, s2;
	s6 =	simm.s32 $0x108;
	_ =	swait.ge @!p0 [sflag:s8], $0x0  }
0x24: {  	s3 =	sadd.s32 $0x88, s3;
	s6 =	simm.s32 @!p1 $0x1082;
	[sflag:s4] =	ssyncset.s32 $0xFFFFF086  }
0x25: {  	[simem:s6], [sflag:s4] =	dma.local [hbm:s3], $0xF7A  }
0x26: {  	[smem:$0x3F9B] =	sst s1;
	(tag) =	ssettag s2;
	_ =	strace s9  }
0x27: {  	s1 =	sld [smem:$0x3FAB]  }
0x28: {  	s2 =	sld [smem:$0x3FAC]  }
0x29: {  	s4 =	sld [smem:$0x3FAE]  }
0x2a: {  	p0 =	seq.s32 s5, $0x0;
	s5 =	sld [smem:$0x3FAF]  }
0x2b: {  	s6 =	sld [smem:$0x3FB0]  }
0x2c: {  	s7 =	sld [smem:$0x3FB1]  }
0x2d: {  	s3 =	simm.s32 $0x108;
	s8 =	sld [smem:$0x3FB2]  }
0x2e: {  	s3 =	simm.s32 @!p0 $0x1082;
	s9 =	sld [smem:$0x3FB3]  }
0x2f: {  	lr =	sadd.s32 s0, s3;
	s0 =	sld [smem:$0x3FAA]  }
0x30: {  	s3 =	sld [smem:$0x3FAD]  }
0x31: {  	[smem:$0x3FB6] =	sst s10  }
0x32: {  	s10 =	sld [smem:$0x3FB4];
	_ =	sdelay $0x3  }
0x33: {  	p0 =	seq.s32 s10, $0x1;
	s10 =	sld [smem:$0x3FB6];
	_ =	sdelay $0x3  }
0x34: {  	[smem:$0x3FB6] =	sst s10  }
0x35: {  	s10 =	sld [smem:$0x3FB5];
	_ =	sdelay $0x3  }
0x36: {  	p1 =	seq.s32 s10, $0x1;
	s10 =	sld [smem:$0x3FB6];
	_ =	sdelay $0x3  }
0x37: {  	[smem:$0x3FB6] =	sst s10  }
0x38: {  	s10 =	sld [smem:$0x3FB7]  }
0x39: {  	_ = 	snop;
	(pc) =	sbr.ind lr, $3  }
0x3a: {  	_ = 	snop  }
0x3b: {  	_ = 	snop  }
0x3c: {  	p2 =	seq.s32 s10, $0x1;
	s10 =	sld [smem:$0x3FB6]  }
0x3d: {  	_ =	shalt  }
0x3e: {  	_ =	shalt  }
0x3f: {  	_ =	shalt  }
0x40: {  	_ =	shalt  }
0x41: {  	_ =	shalt  }
0x42: {  	_ =	shalt  }
0x43: {  	_ =	shalt  }
0x44: {  	_ =	shalt  }
0x45: {  	_ =	shalt  }
0x46: {  	_ =	shalt  }
0x47: {  	_ =	shalt  }
0x48: {  	_ =	shalt  }
0x49: {  	_ =	shalt  }
0x4a: {  	_ =	shalt  }
0x4b: {  	_ =	shalt  }
0x4c: {  	_ =	shalt  }
0x4d: {  	_ =	shalt  }
0x4e: {  	_ =	shalt  }
0x4f: {  	_ =	shalt  }
0x50: {  	_ =	shalt  }
0x51: {  	_ =	shalt  }
0x52: {  	_ =	shalt  }
0x53: {  	_ =	shalt  }
0x54: {  	_ =	shalt  }
0x55: {  	_ =	shalt  }
0x56: {  	_ =	shalt  }
0x57: {  	_ =	shalt  }
0x58: {  	_ =	shalt  }
0x59: {  	_ =	shalt  }
0x5a: {  	_ =	shalt  }
0x5b: {  	_ =	shalt  }
0x5c: {  	_ =	shalt  }
0x5d: {  	_ =	shalt  }
0x5e: {  	_ =	shalt  }
0x5f: {  	_ =	shalt  }
0x60: {  	_ =	shalt  }
0x61: {  	_ =	shalt  }
0x62: {  	_ =	shalt  }
0x63: {  	_ =	shalt  }
0x64: {  	_ =	shalt  }
0x65: {  	_ =	shalt  }
0x66: {  	_ =	shalt  }
0x67: {  	_ =	shalt  }
0x68: {  	_ =	shalt  }
0x69: {  	_ =	shalt  }
0x6a: {  	_ =	shalt  }
0x6b: {  	_ =	shalt  }
0x6c: {  	_ =	shalt  }
0x6d: {  	_ =	shalt  }
0x6e: {  	_ =	shalt  }
0x6f: {  	_ =	shalt  }
0x70: {  	_ =	shalt  }
0x71: {  	_ =	shalt  }
0x72: {  	_ =	shalt  }
0x73: {  	_ =	shalt  }
0x74: {  	_ =	shalt  }
0x75: {  	_ =	shalt  }
0x76: {  	_ =	shalt  }
0x77: {  	_ =	shalt  }
0x78: {  	_ =	shalt  }
0x79: {  	_ =	shalt  }
0x7a: {  	_ =	shalt  }
0x7b: {  	_ =	shalt  }
0x7c: {  	_ =	shalt  }
0x7d: {  	_ =	shalt  }
0x7e: {  	_ =	shalt  }
0x7f: {  	_ =	shalt  }
0x80: {  	_ =	shalt  }
0x81: {  	_ =	shalt  }
0x82: {  	_ =	shalt  }
0x83: {  	_ =	shalt  }
0x84: {  	_ =	shalt  }
0x85: {  	_ =	shalt  }
0x86: {  	_ =	shalt  }
0x87: {  	_ =	shalt  }
.Lfunc_end0:
.L_simem_size_0:
called_computation.1_lowered:
.L_overlay_start_0:
0x88: {  	s2 =	sld [smem:$0x3FD9]  }
0x89: {  	s3 =	sld [smem:$0x3FFE];
	_ =	sdelay $0x1  }
0x8a: {  	s1 =	srdreg.scid  }
0x8b: {  	s0 =	sand.u32 $0x1, s1  }
0x8c: {  	s17 =	sshll.u32 s0, $0xA;
	s2 =	sadd.s32 s3, s2  }
0x8d: {  	s2 =	sadd.s32 s2, s17  }
0x8e: {  	[smem:$0x3FC2] =	sst s2  }
0x8f: {  	_ = 	snop  }
0x90: {  	s2 =	sld [smem:$0x3FD0];
	(tm) =	ssettm $0x1  }
0x91: {  	s18 =	sld [smem:$0x3FFB];
	_ =	sdelay $0x3  }
0x92: {  	_ =	strace s18  }
0x93: {  	s3 =	sld [smem:$0x3FFC];
	_ =	sdelay $0x3  }
0x94: {  	_ =	strace s3  }
0x95: {  	s3 =	sld [smem:$0x3FFD];
	_ =	sdelay $0x3  }
0x96: {  	_ =	strace s3  }
0x97: {  	_ =	strace $0x8FFFFFFF  }
0x98: {  	s19 =	sld [smem:$0x3FDB];
	_ =	sdelay $0x1  }
0x99: {  	s4 =	simm.s32 $_scs_section_size  }
0x9a: {  	s5 =	simm.s32 $_size__tile_overlayer_lowered;
	s6 =	simm.s32 $_tile_overlayer_lowered  }
0x9b: {  	s22 =	simm.s32 $0x1BFF;
	s21 =	sshll.u32 s6, $0x1;
	s3 =	sadd.s32 s4, s19  }
0x9c: {  	s7 =	simm.s32 $0x0;
	s20 =	sshll.u32 s5, $0x1;
	s5 =	sadd.s32 s21, s3  }
0x9d: {  	[timem:s7], [sflag:s22] =	dma.local [hbm:s5], s20  }
0x9e: {  	_ =	swait.ge [sflag:s22], s20  }
0x9f: {  	s4 =	ssub.s32 $0x0, s20;
	[sflag:s22] =	ssyncset.done $0x0  }
0xa0: {  	[sflag:s22] =	ssyncadd.s32 s4;
	_ =	sdelay $0x1  }
0xa1: {  	s23 =	simm.s32 $0x1B8B  }
0xa2: {  	_ =	swait.ge [sflag:s23], $0x1  }
0xa3: {  	[sflag:s23] =	ssyncset.done $0x0  }
0xa4: {  	s25 =	simm.s32 $0x1B8E;
	s24 =	sld [smem:$0x3FFE];
	[sflag:s23] =	ssyncadd.s32 $0xFFFFFFFF  }
0xa5: {  	s26 =	simm.s32 $execute0_lowered;
	[smem:$0x3FD2] =	sst s25  }
0xa6: {  	s5 =	sshll.u32 s26, $0x1;
	_ =	strace $0x80000049;
	[dreg:$0x1] =	wrdreg $0xFFFFFFFF  }
0xa7: {  	s28 =	simm.s32 $_size_execute0_lowered;
	s3 =	sadd.s32 s3, s5;
	[dreg:$0x0] =	wrdreg $0x0  }
0xa8: {  	s5 =	sshll.u32 s28, $0x1;
	[dreg:$0x2] =	wrdreg s3  }
0xa9: {  	[dreg:$0x3] =	wrdreg s5  }
0xaa: {  	[dreg:$0x4] =	wrdreg $0xC0  }
0xab: {  	_ =	task [dreg:s7], $0x5FFFF  }
0xac: {  	[dreg:$0x1] =	wrdreg $0xFFFFFFFF  }
0xad: {  	[dreg:$0x0] =	wrdreg $0x60  }
0xae: {  	[dreg:$0x2] =	wrdreg s24  }
0xaf: {  	[dreg:$0x3] =	wrdreg s2  }
0xb0: {  	[dreg:$0x4] =	wrdreg $0x28000  }
0xb1: {  	[dreg:$0x5] =	wrdreg $0x0  }
0xb2: {  	[dreg:$0x6] =	wrdreg $0x9  }
0xb3: {  	_ =	task.clear_ibuf [dreg:s7], $0x7FFFF;
	_ =	strace $0x90000049  }
0xb4: {  	s29 =	simm.s32 $0x9;
	_ =	strace $0x8000004B  }
0xb5: {  	_ =	swait.ge [sflag:s29], $0x1  }
0xb6: {  	[sflag:s29] =	ssyncadd.s32 $0xFFFFFFFF  }
0xb7: {  	_ =	strace $0x9000004B  }
0xb8: {  	_ =	sfence  }
0xb9: {  	s30 =	sld [smem:$0x0];
	_ =	sdelay $0x2  }
0xba: {  	s31 =	sshll.u32 s1, $0xD;
	s1 =	sshrl.u32 s1, $0x2  }
0xbb: {  	s3 =	sand.u32 $0x4000, s31;
	s1 =	sadd.s32 s1, s30  }
0xbc: {  	s0 =	sor.u32 s3, s0;
	s1 =	sshll.u32 s1, $0x11  }
0xbd: {  	s0 =	sor.u32 s1, s0  }
0xbe: {  	s0 =	sadd.s32 $0x8F2B, s0  }
0xbf: {  	[sflag:s0] =	ssyncadd.remote.s32 $0x1  }
0xc0: {  	_ =	sfence.sel $0xFFFF  }
0xc1: {  	[dreg:$0x0] =	wrdreg $0xFFFFFFFF;
	(pc) =	sbr.abs _section_cstart, $3  }
0xc2: {  	[dreg:$0x1] =	wrdreg $0xFFFFFFFF  }
0xc3: {  	_ =	task.clear_ibuf [dreg:s7], $0x2FFFF;
	_ =	strace $0x9FFFFFFF  }
0xc4: {  	(tm) =	ssettm $0x7FFFFFFF  }
0xc5: {  	_ =	shalt  }
tec
execute0_lowered:
.L_overlay_start_1:
0x0: {  	(tag) =	ssettag $0x1  }
0x1: {  	s0 =	rddreg [dreg:$0x0]  }
0x2: {  	s1 =	rddreg [dreg:$0x1]  }
0x3: {  	s2 =	rddreg [dreg:$0x2]  }
0x4: {  	s3 =	rddreg [dreg:$0x3];
	s4 =	simm.s32 $0x0;
	s11 =	stileid.u32  }
0x5: {  	s6 =	srdreg.scid;
	s19 =	simm.s32 $0xC000;
	s20 =	simm.s32 $0x3  }
0x6: {  	s28 =	simm.s32 $0xA000;
	s29 =	simm.s32 $0xB000;
	s30 =	simm.s32 $0x1  }
0x7: {  	s31 =	simm.s32 $0x2;
	[smem:$0x7FF] =	sst s4;
	s25 =	smul.u32 $0x2800, s11  }
0x8: {  	s5 =	smul.u32 $0x280, s11;
	s9 =	sand.u32 $0x1, s6;
	s12 =	sadd.s32 $0x2200, s0  }
0x9: {  	_ =	strace $0x8000004A;
	s6 =	ssub.s32 $0x2, s9;
	s8 =	sshll.u32 s9, $0x4  }
0xa: {  	s14 =	smul.u32 $0x28000, s9;
	s7 =	sshrl.u32 s25, $0x3;
	s5 =	sshrl.u32 s5, $0x3  }
0xb: {  	s26 =	sshrl.u32 s6, $0x1;
	s21 =	sor.u32 s11, s8;
	s7 =	sadd.s32 s7, s0  }
0xc: {  	s10 =	sadd.s32 s5, s0;
	s18 =	ssub.s32 s6, s26;
	s11 =	smul.u32 $0x2800, s21  }
0xd: {  	s5 =	sadd.s32 s25, s2;
	s15 =	smul.u32 $0x500, s21;
	s4 =	sadd.s32 s25, s14  }
0xe: {  	v0 =	vimm.f32 $0.0e+00;
	vm0 =	vmmov $0x1;
	s14 =	sadd.s32 $0x15940, s0;
	p0 =	seq.s32 s21, $0x1F;
	s26 =	simm.s32 $0x5000  }
0xf: {  	vm1 =	vcmask $0x308;
	vm2 =	vcmask $0x70C;
	vm3 =	vcmask $0xB10;
	s6 =	sadd.s32 $0x15C00, s7;
	s7 =	sadd.s32 $0x1AC00, s7;
	s8 =	sadd.s32 $0x20600, s10  }
0x10: {  	vm4 =	vcmask $0xF14;
	vm5 =	vcmask $0x1318;
	vm6 =	vcmask $0x171C;
	s9 =	sadd.s32 $0x20B00, s10;
	s10 =	sadd.s32 s25, s3;
	s4 =	sshrl.u32 s4, $0x3  }
0x11: {  	vm7 =	vcmask $0x1B20;
	vm8 =	vcmask $0x1F24;
	vm9 =	vcmask $0x2328;
	s18 =	smax.u32 s18, $0x1;
	s25 =	simm.s32 $0x100;
	s11 =	sshrl.u32 s11, $0x3  }
0x12: {  	vm10 =	vcmask $0x272C;
	vm11 =	vcmask $0x2B30;
	vm12 =	vcmask $0x2F34;
	s16 =	sadd.s32 s1, s4;
	s11 =	sadd.s32 s12, s11;
	s12 =	sadd.s32 s12, s15  }
0x13: {  	vm13 =	vcmask $0x3338;
	vm14 =	vcmask $0x373C;
	vm15 =	vmmov $0x7fff;
	s15 =	sadd.s32 $0xBD00, s0;
	s0 =	simm.s32 $0x0;
	s11 =	sadd.s32 $0x9C40, s11  }
.LBB2_1:
0x14: {  	s1 =	simm.s32 $0x40;
	s4 =	simm.s32 $0x0  }
.LBB2_2:
0x15: {  	p1 =	sne.s32 s1, $0x9FC0;
	[tilespmem:s4+$0xC000] =	vst v0;
	s4 =	smov.u32 s1;
	s1 =	sadd.s32 $0x40, s1  }
.Ltmp0:
0x16: {  	(pc) =	sbr.rel @p1 .LBB2_2-.Ltmp0, $2  }
0x17: {  	_ =	sdelay $0x2  }
0x18: {  	s4 =	sshra.s32 s4, $0x2  }
0x19: {  	[tilespmem:s4+$0xC000] =	vst v0  }
0x1a: {  	[spmem:s5] =	stream.linear.scatter [tilespmem:s19], [sflag:$0x3], $0x2800, $0x38;
	[tilespmem:$0x16500] =	vst v63  }
0x1b: {  	_ =	swait.ge [sflag:s20], $0x2800  }
0x1c: {  	[sflag:s20] =	ssyncset.done $0x0  }
0x1d: {  	s1 =	simm.s32 $0x0;
	s23 =	simm.s32 $0xE800;
	[sflag:s20] =	ssyncadd.s32 $0xFFFFD800  }
0x1e: {  	[tilespmem:s23], [sflag:$0x3] =	stream.linear.gather [hbm4b:s6+s1], $0x2800, $0x38;
	[tilespmem:$0x16500] =	vst v63  }
0x1f: {  	_ =	swait.ge [sflag:s20], $0x2800  }
0x20: {  	[sflag:s20] =	ssyncset.done $0x0  }
0x21: {  	s24 =	simm.s32 $0x11000;
	[sflag:s20] =	ssyncadd.s32 $0xFFFFD800  }
0x22: {  	[tilespmem:s24], [sflag:$0x3] =	stream.linear.gather [hbm4b:s7+s1], $0x2800, $0x38;
	[tilespmem:$0x16500] =	vst v63  }
0x23: {  	_ =	swait.ge [sflag:s20], $0x2800  }
0x24: {  	[sflag:s20] =	ssyncset.done $0x0  }
0x25: {  	s4 =	simm.s32 $0x13800;
	[sflag:s20] =	ssyncadd.s32 $0xFFFFD800  }
0x26: {  	[tilespmem:s4], [sflag:$0x3] =	stream.linear.gather [hbm4b:s8+s1], $0x280, $0x38;
	[tilespmem:$0x16500] =	vst v63  }
0x27: {  	_ =	swait.ge [sflag:s20], $0x280  }
0x28: {  	[sflag:s20] =	ssyncset.done $0x0  }
0x29: {  	s21 =	simm.s32 $0x13A80;
	[sflag:s20] =	ssyncadd.s32 $0xFFFFFD80  }
0x2a: {  	[tilespmem:s21], [sflag:$0x3] =	stream.linear.gather [hbm4b:s9+s1], $0x280, $0x38;
	[tilespmem:$0x16500] =	vst v63  }
0x2b: {  	_ =	swait.ge [sflag:s20], $0x280  }
0x2c: {  	[sflag:s20] =	ssyncset.done $0x0  }
0x2d: {  	[sflag:s20] =	ssyncadd.s32 $0xFFFFFD80  }
.LBB2_4:
0x2e: {  	v1 =	vld [tilespmem:s4+$0x0]  }
0x2f: {  	v2 =	vld [tilespmem:s4+$0x280];
	_ =	sdelay $0x4  }
0x30: {  	v1 =	vadd.f32 v2, v1;
	_ =	sdelay $0x1  }
0x31: {  	v1 =	vmax.f32 v1, $1.000000000e+00  }
0x32: {  	(erf) = vrcp.f32 v1;
	_ =	sdelay $0x7  }
0x33: {  	s21 =	sshra.s32 s1, $0x2  }
0x34: {  	v3 =	vld [tilespmem:s21+$0xE810];
	v5 =	vpop (erf)  }
0x35: {  	v4 =	vld [tilespmem:s21+$0x11010];
	v7 =	vnsel vm0, $0x0, v5  }
0x36: {  	v6 =	vld [tilespmem:s21+$0xE820];
	(xrf2) =	vadd.scan.msk.f32 $0xffff, v7  }
0x37: {  	v8 =	vld [tilespmem:s21+$0x11020]  }
0x38: {  	v48 =	vld [tilespmem:s21+$0xE830]  }
0x39: {  	v9 =	vld [tilespmem:s21+$0x11030]  }
0x3a: {  	v11 =	vld [tilespmem:s21+$0xE840];
	v10 =	vsel vm1, $0x0, v5  }
0x3b: {  	v2 =	vld [tilespmem:s21+$0x11000];
	(xrf2) =	vadd.scan.msk.f32 $0xffff, v10  }
0x3c: {  	v1 =	vld [tilespmem:s21+$0xE800]  }
0x3d: {  	v49 =	vld [tilespmem:s21+$0x11040]  }
0x3e: {  	v12 =	vld [tilespmem:s21+$0xE850]  }
0x3f: {  	v14 =	vld [tilespmem:s21+$0x11050];
	v13 =	vsel vm2, $0x0, v5  }
0x40: {  	v15 =	vld [tilespmem:s21+$0xE860];
	v50 =	vsel vm3, $0x0, v5;
	(xrf2) =	vadd.scan.msk.f32 $0xffff, v13;
	v19, _, _ =	vpop (xrf2)  }
0x41: {  	v16 =	vld [tilespmem:s21+$0x11060];
	v1 =	vadd.f32 v2, v1;
	v51 =	vsel vm4, $0x0, v5;
	(xrf2) =	vadd.scan.msk.f32 $0xffff, v50;
	v2 =	vbroadcast v19, $0xF  }
0x42: {  	v17 =	vld [tilespmem:s21+$0xE870];
	v52 =	vsel vm5, $0x0, v5;
	(xrf2) =	vadd.scan.msk.f32 $0xffff, v51  }
0x43: {  	v18 =	vld [tilespmem:s21+$0x11070];
	v53 =	vsel vm6, $0x0, v5;
	(xrf2) =	vadd.scan.msk.f32 $0xffff, v52  }
0x44: {  	v20 =	vld [tilespmem:s21+$0xE880];
	v54 =	vsel vm7, $0x0, v5;
	(xrf2) =	vadd.scan.msk.f32 $0xffff, v53  }
0x45: {  	v56 =	vld [tilespmem:s21+$0x11080];
	v55 =	vsel vm8, $0x0, v5;
	(xrf2) =	vadd.scan.msk.f32 $0xffff, v54;
	v1 =	vmul.f32 v2, v1;
	v2, _, _ =	vpop (xrf2)  }
0x46: {  	v21 =	vld [tilespmem:s21+$0xE890];
	v57 =	vsel vm9, $0x0, v5;
	(xrf2) =	vadd.scan.msk.f32 $0xffff, v55;
	v2 =	vbroadcast v2, $0xF  }
0x47: {  	v58 =	vld [tilespmem:s21+$0x11090];
	v22 =	vsel vm10, $0x0, v5;
	(xrf2) =	vadd.scan.msk.f32 $0xffff, v57  }
0x48: {  	v59 =	vld [tilespmem:s21+$0xE8A0];
	v3 =	vadd.f32 v4, v3;
	v60 =	vsel vm11, $0x0, v5;
	(xrf2) =	vadd.scan.msk.f32 $0xffff, v22  }
0x49: {  	v23 =	vld [tilespmem:s21+$0x110A0];
	v61 =	vsel vm12, $0x0, v5;
	(xrf2) =	vadd.scan.msk.f32 $0xffff, v60  }
0x4a: {  	v24 =	vld [tilespmem:s21+$0x110B0];
	v62 =	vsel vm13, $0x0, v5;
	[tilespmem:s21+$0x13D00] =	vst v1;
	(xrf2) =	vadd.scan.msk.f32 $0xffff, v61;
	v1 =	vmul.f32 v2, v3;
	v2, _, _ =	vpop (xrf2)  }
0x4b: {  	v27 =	vld [tilespmem:s21+$0xE8C0];
	v6 =	vadd.f32 v8, v6;
	v25 =	vsel vm14, $0x0, v5;
	v2 =	vbroadcast v2, $0xF;
	v63, _, _ =	vpop (xrf2);
	(xrf2) =	vadd.scan.msk.f32 $0xffff, v62  }
0x4c: {  	v30 =	vld [tilespmem:s21+$0x110C0];
	v5 =	vsel vm15, $0x0, v5;
	v7 =	vadd.f32 v9, v48;
	v8 =	vbroadcast v63, $0xF;
	v26, _, _ =	vpop (xrf2);
	(xrf2) =	vadd.scan.msk.f32 $0xffff, v25  }
0x4d: {  	v34 =	vld [tilespmem:s21+$0xE8D0];
	v28 =	vadd.f32 v49, v11;
	v2 =	vmul.f32 v6, v2;
	v9 =	vbroadcast v26, $0xF;
	v29, _, _ =	vpop (xrf2);
	(xrf2) =	vadd.scan.msk.f32 $0xffff, v5  }
0x4e: {  	v37 =	vld [tilespmem:s21+$0x110D0];
	v32 =	vadd.f32 v14, v12;
	[tilespmem:s21+$0x13D10] =	vst v1;
	v31, _, _ =	vpop (xrf2);
	v1 =	vmul.f32 v7, v8;
	v33 =	vbroadcast v29, $0xF  }
0x4f: {  	v36 =	vadd.f32 v16, v15;
	v3 =	vld [tilespmem:s21+$0xE8B0];
	v35, _, _ =	vpop (xrf2);
	[tilespmem:s21+$0x13D20] =	vst v2;
	v2 =	vmul.f32 v28, v9;
	v5 =	vbroadcast v31, $0xF  }
0x50: {  	v41 =	vld [tilespmem:s21+$0xE8E0];
	v39 =	vadd.f32 v18, v17;
	v38, _, _ =	vpop (xrf2);
	[tilespmem:s21+$0x13D30] =	vst v1;
	v1 =	vmul.f32 v32, v33;
	v40 =	vbroadcast v35, $0xF  }
0x51: {  	v45 =	vld [tilespmem:s21+$0x110E0];
	v43 =	vadd.f32 v56, v20;
	v42, _, _ =	vpop (xrf2);
	[tilespmem:s21+$0x13D40] =	vst v2;
	v2 =	vmul.f32 v36, v5;
	v44 =	vbroadcast v38, $0xF  }
0x52: {  	v47 =	vadd.f32 v58, v21;
	v49 =	vld [tilespmem:s21+$0xE8F0];
	v46, _, _ =	vpop (xrf2);
	[tilespmem:s21+$0x13D50] =	vst v1;
	v1 =	vmul.f32 v39, v40;
	v48 =	vbroadcast v42, $0xF  }
0x53: {  	v4 =	vadd.f32 v23, v59;
	v52 =	vld [tilespmem:s21+$0x110F0];
	v50, _, _ =	vpop (xrf2);
	[tilespmem:s21+$0x13D60] =	vst v2;
	v2 =	vmul.f32 v43, v44;
	v51 =	vbroadcast v46, $0xF  }
0x54: {  	v3 =	vadd.f32 v24, v3;
	v53, _, _ =	vpop (xrf2);
	[tilespmem:s21+$0x13D70] =	vst v1;
	v1 =	vmul.f32 v47, v48;
	v54 =	vbroadcast v50, $0xF  }
0x55: {  	v56 =	vadd.f32 v30, v27;
	v55, _, _ =	vpop (xrf2);
	[tilespmem:s21+$0x13D80] =	vst v2;
	v2 =	vmul.f32 v4, v51;
	v57 =	vbroadcast v53, $0xF  }
0x56: {  	v58, _, _ =	vpop (xrf2);
	[tilespmem:s21+$0x13D90] =	vst v1;
	v1 =	vmul.f32 v3, v54;
	v3 =	vadd.f32 v37, v34;
	v59 =	vbroadcast v55, $0xF  }
0x57: {  	p1 =	sne.s32 s1, $0x9C00;
	v60 =	vadd.f32 v45, v41;
	[tilespmem:s21+$0x13DA0] =	vst v2;
	v2 =	vmul.f32 v56, v57;
	v61 =	vbroadcast v58, $0xF;
	v62, _, _ =	vpop (xrf2)  }
.Ltmp1:
0x58: {  	[tilespmem:s21+$0x13DB0] =	vst v1;
	v1 =	vmul.f32 v3, v59;
	v3 =	vadd.f32 v52, v49;
	v63 =	vbroadcast v62, $0xF;
	(pc) =	sbr.rel @p1 .LBB2_4-.Ltmp1, $4  }
0x59: {  	[tilespmem:s21+$0x13DC0] =	vst v2;
	v2 =	vmul.f32 v60, v61  }
0x5a: {  	[tilespmem:s21+$0x13DD0] =	vst v1;
	v1 =	vmul.f32 v3, v63  }
0x5b: {  	[tilespmem:s21+$0x13DE0] =	vst v2  }
0x5c: {  	s4 =	sadd.s32 $0x10, s4;
	s1 =	sadd.s32 $0x400, s1;
	[tilespmem:s21+$0x13DF0] =	vst v1  }
0x5d: {  	s1 =	simm.s32 $0x13D00  }
0x5e: {  	[spmem:s10] =	stream.linear.scatter [tilespmem:s1], [sflag:$0x3], $0x2800, $0x38;
	[tilespmem:$0x16500] =	vst v63  }
0x5f: {  	_ =	swait.ge [sflag:s20], $0x2800  }
0x60: {  	[sflag:s20] =	ssyncset.done $0x0  }
0x61: {  	s4 =	simm.s32 @p0 $0x5000;
	s1 =	simm.s32 @p0 $0x0;
	[sflag:s20] =	ssyncadd.s32 $0xFFFFD800  }
0x62: {  	[tilespmem:s4], [sflag:$0x3] =	stream.linear.gather @p0 [hbm4b:s14+s1], $0xA00, $0x38;
	[tilespmem:$0x16500] =	vst v63  }
0x63: {  	s4 =	simm.s32 @p0 $0x3  }
0x64: {  	_ =	swait.ge @p0 [sflag:s4], $0xA00  }
0x65: {  	[sflag:s4] =	ssyncset.done @p0 $0x0  }
0x66: {  	s21 =	simm.s32 @p0 $0x7800;
	[sflag:s4] =	ssyncadd.s32 @p0 $0xFFFFF600  }
0x67: {  	[tilespmem:s21], [sflag:$0x3] =	stream.linear.gather @p0 [hbm4b:s15+s1], $0xA00, $0x38;
	[tilespmem:$0x16500] =	vst v63  }
0x68: {  	_ =	swait.ge @p0 [sflag:s4], $0xA00  }
0x69: {  	[sflag:s4] =	ssyncset.done @p0 $0x0  }
0x6a: {  	s1 =	simm.s32 @!p0 $0x0;
	[sflag:s4] =	ssyncadd.s32 @p0 $0xFFFFF600;
	s4 =	simm.s32 @!p0 $0x5000  }
0x6b: {  	[tilespmem:s4], [sflag:$0x3] =	stream.linear.gather @!p0 [hbm4b:s11+s1], $0x2800, $0x38;
	[tilespmem:$0x16500] =	vst v63  }
0x6c: {  	s4 =	simm.s32 @!p0 $0x3  }
0x6d: {  	_ =	swait.ge @!p0 [sflag:s4], $0x2800  }
0x6e: {  	[sflag:s4] =	ssyncset.done @!p0 $0x0  }
0x6f: {  	s21 =	simm.s32 @!p0 $0x7800;
	[sflag:s4] =	ssyncadd.s32 @!p0 $0xFFFFD800  }
0x70: {  	[tilespmem:s21], [sflag:$0x3] =	stream.linear.gather @!p0 [hbm4b:s12+s1], $0x2800, $0x38;
	[tilespmem:$0x16500] =	vst v63  }
0x71: {  	s1 =	simm.s32 @!p0 $0x28  }
0x72: {  	_ =	swait.ge @!p0 [sflag:s4], $0x2800;
	s1 =	simm.s32 @p0 $0xA  }
0x73: {  	[sflag:s4] =	ssyncset.done @!p0 $0x0;
	s24 =	sshrl.u32 s1, $0x1  }
0x74: {  	[sflag:s4] =	ssyncadd.s32 @!p0 $0xFFFFD800;
	s4 =	sadd.s32 $0xFFFFFFFF, s24  }
0x75: {  	s23 =	sadd.s32 $0xFFFFFFFF, s4  }
0x76: {  	p2 =	sne.s32 s23, $0x0  }
.Ltmp2:
0x77: {  	_ = 	snop;
	(pc) =	sbr.rel @!p2 .LBB2_9-.Ltmp2, $4  }
0x78: {  	_ = 	snop  }
0x79: {  	s22 =	simm.s32 $0x2;
	p1 =	por $0x0, $0x0  }
0x7a: {  	s21 =	simm.s32 $0x5200;
	[bflag:$0x0] =	sbarrier.arrive $0xFFFF;
	s4 =	simm.s32 $0x7900  }
0x7b: {  	[tilespmem:s28], [sflag:$0x1] =	stream.indirect.gather [spmem:s3], $0x10, s26, s25, $0xb8;
	[tilespmem:$0x16500] =	vst v63  }
0x7c: {  	s22 =	simm.s32 $0x5100  }
0x7d: {  	[tilespmem:s29], [sflag:$0x2] =	stream.indirect.gather [spmem:s3], $0x10, s22, s25, $0xb8;
	[tilespmem:$0x16500] =	vst v63  }
0x7e: {  	_ =	swait.ge [sflag:s30], $0x1000  }
0x7f: {  	[sflag:s30] =	ssyncset.done $0x0  }
0x80: {  	s24 =	simm.s32 $0x7800;
	[sflag:s30] =	ssyncadd.s32 $0xFFFFF000  }
0x81: {  	[spmem:s2] =	stream.indirect.scatter.add.f32 [tilespmem:s28], [sflag:$0x3], $0x10, s24, s25, $0xb8;
	[tilespmem:$0x16500] =	vst v63  }
0x82: {  	_ =	swait.ge [sflag:s20], $0x1000  }
0x83: {  	p1 =	sle.u32 s1, $0x2;
	s23 =	sadd.s32 $0xFFFFFFFF, s23;
	[sflag:s20] =	ssyncset.done $0x0  }
0x84: {  	s22 =	simm.s32 @!p1 $0x100;
	s24 =	simm.s32 @!p1 $0xA000;
	[sflag:s20] =	ssyncadd.s32 $0xFFFFF000  }
0x85: {  	[tilespmem:s24], [sflag:$0x1] =	stream.indirect.gather @!p1 [spmem:s3], $0x10, s21, s22, $0xb8;
	[tilespmem:$0x16500] =	vst v63  }
0x86: {  	p2 =	sne.s32 s23, $0x0;
	_ =	swait.ge [sflag:s31], $0x1000  }
.Ltmp3:
0x87: {  	[sflag:s31] =	ssyncset.done $0x0;
	(pc) =	sbr.rel @!p2 .LBB2_9-.Ltmp3, $4  }
0x88: {  	[sflag:s31] =	ssyncadd.s32 $0xFFFFF000  }
0x89: {  	[spmem:s2] =	stream.indirect.scatter.add.f32 [tilespmem:s29], [sflag:$0x3], $0x10, s4, s25, $0xb8;
	[tilespmem:$0x16500] =	vst v63  }
0x8a: {  	s21 =	simm.s32 $0x5400;
	s22 =	simm.s32 $0x4;
	_ =	swait.ge [sflag:s20], $0x1000  }
0x8b: {  	p1 =	por $0x1, $0x1;
	s4 =	simm.s32 $0x7B00;
	[sflag:s20] =	ssyncset.done $0x0  }
.LBB2_7:
0x8c: {  	s23 =	sadd.s32 $0xFFFFFFFF, s23;
	s13 =	sadd.s32 $0xFFFFFF00, s21;
	[sflag:s20] =	ssyncadd.s32 $0xFFFFF000  }
0x8d: {  	[tilespmem:s29], [sflag:$0x2] =	stream.indirect.gather [spmem:s3], $0x10, s13, s25, $0xb8;
	[tilespmem:$0x16500] =	vst v63  }
0x8e: {  	p2 =	sne.s32 s23, $0x0;
	_ =	swait.ge [sflag:s30], $0x1000  }
0x8f: {  	[sflag:s30] =	ssyncset.done $0x0  }
0x90: {  	s13 =	sadd.s32 $0xFFFFFF00, s4;
	[sflag:s30] =	ssyncadd.s32 $0xFFFFF000  }
0x91: {  	[spmem:s2] =	stream.indirect.scatter.add.f32 [tilespmem:s28], [sflag:$0x3], $0x10, s13, s25, $0xb8;
	[tilespmem:$0x16500] =	vst v63  }
0x92: {  	_ =	swait.ge [sflag:s20], $0x1000  }
0x93: {  	p3 =	sge.u32 s22, s1;
	[sflag:s20] =	ssyncset.done $0x0  }
0x94: {  	s17 =	simm.s32 @!p3 $0xA000;
	s13 =	simm.s32 @!p3 $0x100;
	[sflag:s20] =	ssyncadd.s32 $0xFFFFF000  }
0x95: {  	[tilespmem:s17], [sflag:$0x1] =	stream.indirect.gather @!p3 [spmem:s3], $0x10, s21, s13, $0xb8;
	[tilespmem:$0x16500] =	vst v63  }
0x96: {  	_ =	swait.ge [sflag:s31], $0x1000  }
.Ltmp4:
0x97: {  	[sflag:s31] =	ssyncset.done $0x0;
	(pc) =	sbr.rel @p2 .LBB2_7-.Ltmp4, $4  }
0x98: {  	s22 =	sadd.s32 $0x2, s22;
	[sflag:s31] =	ssyncadd.s32 $0xFFFFF000  }
0x99: {  	[spmem:s2] =	stream.indirect.scatter.add.f32 [tilespmem:s29], [sflag:$0x3], $0x10, s4, s25, $0xb8;
	[tilespmem:$0x16500] =	vst v63  }
0x9a: {  	s13 =	sadd.s32 $0x200, s4;
	s17 =	sadd.s32 $0x200, s21;
	_ =	swait.ge [sflag:s20], $0x1000  }
0x9b: {  	s21 =	smov.u32 s17;
	s4 =	smov.u32 s13;
	[sflag:s20] =	ssyncset.done $0x0  }
0x9c: {  	s21 =	smov.u32 s17;
	s4 =	smov.u32 s13  }
.LBB2_9:
0x9d: {  	s23 =	sadd.s32 $0xFFFFFF00, s21;
	[sflag:s20] =	ssyncadd.s32 @p1 $0xFFFFF000  }
0x9e: {  	[tilespmem:s29], [sflag:$0x2] =	stream.indirect.gather [spmem:s3], $0x10, s23, s25, $0xb8;
	[tilespmem:$0x16500] =	vst v63  }
0x9f: {  	_ =	swait.ge [sflag:s30], $0x1000  }
0xa0: {  	[sflag:s30] =	ssyncset.done $0x0  }
0xa1: {  	s24 =	sadd.s32 $0xFFFFFF00, s4;
	[sflag:s30] =	ssyncadd.s32 $0xFFFFF000  }
0xa2: {  	[spmem:s2] =	stream.indirect.scatter.add.f32 [tilespmem:s28], [sflag:$0x3], $0x10, s24, s25, $0xb8;
	[tilespmem:$0x16500] =	vst v63  }
0xa3: {  	_ =	swait.ge [sflag:s20], $0x1000  }
0xa4: {  	p1 =	sge.u32 s22, s1;
	[sflag:s20] =	ssyncset.done $0x0  }
0xa5: {  	s23 =	simm.s32 @!p1 $0x100;
	s24 =	simm.s32 @!p1 $0xA000;
	[sflag:s20] =	ssyncadd.s32 $0xFFFFF000  }
0xa6: {  	[tilespmem:s24], [sflag:$0x1] =	stream.indirect.gather @!p1 [spmem:s3], $0x10, s21, s23, $0xb8;
	[tilespmem:$0x16500] =	vst v63  }
0xa7: {  	_ =	swait.ge [sflag:s31], $0x1000  }
0xa8: {  	[sflag:s31] =	ssyncset.done $0x0  }
0xa9: {  	[sflag:s31] =	ssyncadd.s32 $0xFFFFF000  }
0xaa: {  	[spmem:s2] =	stream.indirect.scatter.add.f32 [tilespmem:s29], [sflag:$0x3], $0x10, s4, s25, $0xb8;
	[tilespmem:$0x16500] =	vst v63  }
0xab: {  	_ =	swait.ge [sflag:s20], $0x1000  }
0xac: {  	[sflag:s20] =	ssyncset.done $0x0  }
0xad: {  	s24 =	sadd.s32 $0x100, s17;
	[sflag:s20] =	ssyncadd.s32 $0xFFFFF000  }
0xae: {  	[tilespmem:s29], [sflag:$0x2] =	stream.indirect.gather [spmem:s3], $0x10, s24, s25, $0xb8;
	[tilespmem:$0x16500] =	vst v63  }
0xaf: {  	_ =	swait.ge [sflag:s30], $0x1000  }
0xb0: {  	[sflag:s30] =	ssyncset.done $0x0  }
0xb1: {  	s24 =	sadd.s32 $0x100, s13;
	[sflag:s30] =	ssyncadd.s32 $0xFFFFF000  }
0xb2: {  	[spmem:s2] =	stream.indirect.scatter.add.f32 [tilespmem:s28], [sflag:$0x3], $0x10, s24, s25, $0xb8;
	[tilespmem:$0x16500] =	vst v63  }
0xb3: {  	s24 =	sadd.s32 $0x2, s22;
	_ =	swait.ge [sflag:s20], $0x1000  }
0xb4: {  	s21 =	sadd.s32 $0x200, s21;
	p1 =	sge.u32 s24, s1;
	[sflag:s20] =	ssyncset.done $0x0  }
0xb5: {  	s1 =	simm.s32 @!p1 $0x100;
	s22 =	simm.s32 @!p1 $0xA000;
	[sflag:s20] =	ssyncadd.s32 $0xFFFFF000  }
0xb6: {  	[tilespmem:s22], [sflag:$0x1] =	stream.indirect.gather @!p1 [spmem:s3], $0x10, s21, s1, $0xb8;
	[tilespmem:$0x16500] =	vst v63  }
0xb7: {  	_ =	swait.ge [sflag:s31], $0x1000  }
0xb8: {  	[sflag:s31] =	ssyncset.done $0x0  }
0xb9: {  	s23 =	sadd.s32 $0x200, s4;
	[sflag:s31] =	ssyncadd.s32 $0xFFFFF000  }
0xba: {  	[spmem:s2] =	stream.indirect.scatter.add.f32 [tilespmem:s29], [sflag:$0x3], $0x10, s23, s25, $0xb8;
	[tilespmem:$0x16500] =	vst v63  }
0xbb: {  	_ =	swait.ge [sflag:s20], $0x1000  }
0xbc: {  	[sflag:s20] =	ssyncset.done $0x0  }
0xbd: {  	[sflag:s20] =	ssyncadd.s32 $0xFFFFF000  }
0xbe: {  	[bflag:$0x0] =	sbarrier.arrive $0xFFFF  }
0xbf: {  	[tilespmem:s19], [sflag:$0x3] =	stream.linear.gather [spmem:s5], $0x2800, $0x38;
	[tilespmem:$0x16500] =	vst v63  }
0xc0: {  	s0 =	sadd.s32 $0x1, s0;
	_ =	swait.ge [sflag:s20], $0x2800  }
0xc1: {  	p1 =	sne.s32 s0, s18;
	[sflag:s20] =	ssyncset.done $0x0  }
.Ltmp5:
0xc2: {  	s24 =	simm.s32 $0x0;
	[sflag:s20] =	ssyncadd.s32 $0xFFFFD800;
	(pc) =	sbr.rel @p1 .LBB2_1-.Ltmp5, $4  }
0xc3: {  	[hbm4b:s16+s24] =	stream.linear.scatter [tilespmem:s19], [sflag:$0x3], $0x2800, $0x38;
	[tilespmem:$0x16500] =	vst v63  }
0xc4: {  	_ =	swait.ge [sflag:s20], $0x2800  }
0xc5: {  	[sflag:s20] =	ssyncset.done $0x0  }
0xc6: {  	[sflag:s20] =	ssyncadd.s32 $0xFFFFD800  }
0xc7: {  	_ =	sfence.sel $0x180000  }
0xc8: {  	[bflag:$0x0] =	sbarrier.arrive $0xFFFF  }
0xc9: {  	_ =	strace $0x9000004A  }
0xca: {  	s0 =	stileid.u32;
	[bflag:$0x2] =	sbarrier.arrive $0xFFFF  }
0xcb: {  	p0 =	sne.s32 s0, $0x0;
	s0 =	rddreg [dreg:$0x4]  }
0xcc: {  	s0 =	sadd.s32 @!p0 $0x100000, s0  }
0xcd: {  	[sflag:s0] =	ssyncadd.tile.s32 @!p0 $0x1;
	_ =	shalt  }
.Lfunc_end2:
_tile_overlayer_lowered:
.L_overlay_start_2:
0xce: {  	(tag) =	ssettag $0x2  }
0xcf: {  	s0 =	rddreg [dreg:$0x0];
	s2 =	stileid.u32  }
0xd0: {  	s1 =	rddreg [dreg:$0x1];
	p0 =	sne.s32 s2, $0x0  }
0xd1: {  	s3 =	rddreg [dreg:$0x2];
	[bflag:$0x3] =	sbarrier.arrive $0xFFFF;
	s2 =	simm.s32 @!p0 $0x1C03  }
0xd2: {  	[timem:s3], [sflag:s2] =	dma.local @!p0 [hbm:s0], s1  }
0xd3: {  	s0 =	simm.s32 @!p0 $0x3  }
0xd4: {  	_ =	swait.ge @!p0 [sflag:s0], s1  }
0xd5: {  	s1 =	ssub.s32 @!p0 $0x0, s1;
	[sflag:s0] =	ssyncset.done @!p0 $0x0  }
0xd6: {  	[sflag:s0] =	ssyncadd.s32 @!p0 s1  }
0xd7: {  	[bflag:$0x3] =	sbarrier.arrive $0xFFFF  }
0xd8: {  	_ =	shalt  }

// kernel: kernel.14.cloned.1.call-start
scs
__scs_entry_jumppad:
0x0: {  	(pc) =	sbr.rel $0x88, $3  }
0x1: {  	(tag) =	ssettag $0x0;
	lr =	simm.s32 $0x1  }
0x2: {  	[smem:$0x3F9B] =	sst lr;
	_ =	strace $0xD0000000  }
0x3: {  	_ = 	snop  }
0x4: {  	_ = 	snop  }
0x5: {  	_ = 	snop  }
0x6: {  	_ = 	snop  }
0x7: {  	_ = 	snop  }
__scs_overlays_trampoline_lowered:
0x8: {  	[smem:$0x3FAA] =	sst s0  }
0x9: {  	[smem:$0x3FAB] =	sst s1  }
0xa: {  	[smem:$0x3FAC] =	sst s2  }
0xb: {  	[smem:$0x3FAD] =	sst s3  }
0xc: {  	[smem:$0x3FAE] =	sst s4  }
0xd: {  	[smem:$0x3FAF] =	sst s5  }
0xe: {  	[smem:$0x3FB0] =	sst s6  }
0xf: {  	[smem:$0x3FB1] =	sst s7  }
0x10: {  	[smem:$0x3FB2] =	sst s8  }
0x11: {  	[smem:$0x3FB3] =	sst s9;
	s0 =	simm.s32 @!p0 $0x0  }
0x12: {  	s1 =	sld [smem:$0x3F99];
	s0 =	simm.s32 @p0 $0x1  }
0x13: {  	[smem:$0x3FB4] =	sst s0;
	s0 =	simm.s32 @!p1 $0x0  }
0x14: {  	s2 =	sld [smem:$0x3F98];
	s0 =	simm.s32 @p1 $0x1  }
0x15: {  	[smem:$0x3FB5] =	sst s0;
	s0 =	simm.s32 @!p2 $0x0  }
0x16: {  	s3 =	sld [smem:$0x3FDB];
	s0 =	simm.s32 @p2 $0x1  }
0x17: {  	s4 =	simm.s32 $0x1BF5;
	[smem:$0x3FB7] =	sst s0  }
0x18: {  	s0 =	sld [smem:$0x3F9A];
	_ =	swait.ge [sflag:s4], $0x0  }
0x19: {  	s7 =	sld [smem:$0x3F9B]  }
0x1a: {  	s8 =	sadd.s32 $0xFFFFE003, lr  }
0x1b: {  	s9 =	sadd.s32 $0xFFFFFEF7, lr;
	s5 =	simm.s32 $0xFFFFFFFF;
	p2 =	slt.u32 s8, $0xFFFFF086  }
0x1c: {  	p1 =	slt.u32 s9, $0xF7A;
	s5 =	simm.s32 @!p2 $0x0  }
0x1d: {  	s5 =	simm.s32 @p1 $0x1;
	p0 =	seq.s32 s7, s2  }
0x1e: {  	s7 =	smul.u32 @!p0 $0xF7A, s2;
	p2 =	seq.s32 @!p0 s5, $0x0  }
0x1f: {  	s9 =	smul.u32 $0xF7A, s1;
	s8 =	simm.s32 @!p0 $0x1BF5;
	p2 =	por !p2, p0  }
0x20: {  	[sflag:s8] =	ssyncset.s32 @!p0 $0xFFFFF086;
	s6 =	sadd.s32 @!p0 s3, s7;
	s7 =	simm.s32 @!p0 $0x108  }
0x21: {  	s3 =	sadd.s32 s3, s9;
	s6 =	sadd.s32 @!p0 $0x88, s6;
	s7 =	simm.s32 @p2 $0x1082  }
0x22: {  	[simem:s7], [sflag:s8] =	dma.local @!p0 [hbm:s6], $0xF7A  }
0x23: {  	s9 =	sor.u32 $0xD0000000, s2;
	s6 =	simm.s32 $0x108;
	_ =	swait.ge @!p0 [sflag:s8], $0x0  }
0x24: {  	s3 =	sadd.s32 $0x88, s3;
	s6 =	simm.s32 @!p1 $0x1082;
	[sflag:s4] =	ssyncset.s32 $0xFFFFF086  }
0x25: {  	[simem:s6], [sflag:s4] =	dma.local [hbm:s3], $0xF7A  }
0x26: {  	[smem:$0x3F9B] =	sst s1;
	(tag) =	ssettag s2;
	_ =	strace s9  }
0x27: {  	s1 =	sld [smem:$0x3FAB]  }
0x28: {  	s2 =	sld [smem:$0x3FAC]  }
0x29: {  	s4 =	sld [smem:$0x3FAE]  }
0x2a: {  	p0 =	seq.s32 s5, $0x0;
	s5 =	sld [smem:$0x3FAF]  }
0x2b: {  	s6 =	sld [smem:$0x3FB0]  }
0x2c: {  	s7 =	sld [smem:$0x3FB1]  }
0x2d: {  	s3 =	simm.s32 $0x108;
	s8 =	sld [smem:$0x3FB2]  }
0x2e: {  	s3 =	simm.s32 @!p0 $0x1082;
	s9 =	sld [smem:$0x3FB3]  }
0x2f: {  	lr =	sadd.s32 s0, s3;
	s0 =	sld [smem:$0x3FAA]  }
0x30: {  	s3 =	sld [smem:$0x3FAD]  }
0x31: {  	[smem:$0x3FB6] =	sst s10  }
0x32: {  	s10 =	sld [smem:$0x3FB4];
	_ =	sdelay $0x3  }
0x33: {  	p0 =	seq.s32 s10, $0x1;
	s10 =	sld [smem:$0x3FB6];
	_ =	sdelay $0x3  }
0x34: {  	[smem:$0x3FB6] =	sst s10  }
0x35: {  	s10 =	sld [smem:$0x3FB5];
	_ =	sdelay $0x3  }
0x36: {  	p1 =	seq.s32 s10, $0x1;
	s10 =	sld [smem:$0x3FB6];
	_ =	sdelay $0x3  }
0x37: {  	[smem:$0x3FB6] =	sst s10  }
0x38: {  	s10 =	sld [smem:$0x3FB7]  }
0x39: {  	_ = 	snop;
	(pc) =	sbr.ind lr, $3  }
0x3a: {  	_ = 	snop  }
0x3b: {  	_ = 	snop  }
0x3c: {  	p2 =	seq.s32 s10, $0x1;
	s10 =	sld [smem:$0x3FB6]  }
0x3d: {  	_ =	shalt  }
0x3e: {  	_ =	shalt  }
0x3f: {  	_ =	shalt  }
0x40: {  	_ =	shalt  }
0x41: {  	_ =	shalt  }
0x42: {  	_ =	shalt  }
0x43: {  	_ =	shalt  }
0x44: {  	_ =	shalt  }
0x45: {  	_ =	shalt  }
0x46: {  	_ =	shalt  }
0x47: {  	_ =	shalt  }
0x48: {  	_ =	shalt  }
0x49: {  	_ =	shalt  }
0x4a: {  	_ =	shalt  }
0x4b: {  	_ =	shalt  }
0x4c: {  	_ =	shalt  }
0x4d: {  	_ =	shalt  }
0x4e: {  	_ =	shalt  }
0x4f: {  	_ =	shalt  }
0x50: {  	_ =	shalt  }
0x51: {  	_ =	shalt  }
0x52: {  	_ =	shalt  }
0x53: {  	_ =	shalt  }
0x54: {  	_ =	shalt  }
0x55: {  	_ =	shalt  }
0x56: {  	_ =	shalt  }
0x57: {  	_ =	shalt  }
0x58: {  	_ =	shalt  }
0x59: {  	_ =	shalt  }
0x5a: {  	_ =	shalt  }
0x5b: {  	_ =	shalt  }
0x5c: {  	_ =	shalt  }
0x5d: {  	_ =	shalt  }
0x5e: {  	_ =	shalt  }
0x5f: {  	_ =	shalt  }
0x60: {  	_ =	shalt  }
0x61: {  	_ =	shalt  }
0x62: {  	_ =	shalt  }
0x63: {  	_ =	shalt  }
0x64: {  	_ =	shalt  }
0x65: {  	_ =	shalt  }
0x66: {  	_ =	shalt  }
0x67: {  	_ =	shalt  }
0x68: {  	_ =	shalt  }
0x69: {  	_ =	shalt  }
0x6a: {  	_ =	shalt  }
0x6b: {  	_ =	shalt  }
0x6c: {  	_ =	shalt  }
0x6d: {  	_ =	shalt  }
0x6e: {  	_ =	shalt  }
0x6f: {  	_ =	shalt  }
0x70: {  	_ =	shalt  }
0x71: {  	_ =	shalt  }
0x72: {  	_ =	shalt  }
0x73: {  	_ =	shalt  }
0x74: {  	_ =	shalt  }
0x75: {  	_ =	shalt  }
0x76: {  	_ =	shalt  }
0x77: {  	_ =	shalt  }
0x78: {  	_ =	shalt  }
0x79: {  	_ =	shalt  }
0x7a: {  	_ =	shalt  }
0x7b: {  	_ =	shalt  }
0x7c: {  	_ =	shalt  }
0x7d: {  	_ =	shalt  }
0x7e: {  	_ =	shalt  }
0x7f: {  	_ =	shalt  }
0x80: {  	_ =	shalt  }
0x81: {  	_ =	shalt  }
0x82: {  	_ =	shalt  }
0x83: {  	_ =	shalt  }
0x84: {  	_ =	shalt  }
0x85: {  	_ =	shalt  }
0x86: {  	_ =	shalt  }
0x87: {  	_ =	shalt  }
.Lfunc_end0:
.L_simem_size_0:
called_computation.2_lowered:
.L_overlay_start_0:
0x88: {  	s2 =	sld [smem:$0x3FD9]  }
0x89: {  	s3 =	sld [smem:$0x3FFE];
	_ =	sdelay $0x1  }
0x8a: {  	s1 =	srdreg.scid  }
0x8b: {  	s0 =	sand.u32 $0x1, s1  }
0x8c: {  	s17 =	sshll.u32 s0, $0xA;
	s2 =	sadd.s32 s3, s2  }
0x8d: {  	s2 =	sadd.s32 s2, s17  }
0x8e: {  	[smem:$0x3FC2] =	sst s2  }
0x8f: {  	_ = 	snop  }
0x90: {  	s2 =	sld [smem:$0x3FD0];
	(tm) =	ssettm $0x1  }
0x91: {  	s18 =	sld [smem:$0x3FFB];
	_ =	sdelay $0x3  }
0x92: {  	_ =	strace s18  }
0x93: {  	s3 =	sld [smem:$0x3FFC];
	_ =	sdelay $0x3  }
0x94: {  	_ =	strace s3  }
0x95: {  	s3 =	sld [smem:$0x3FFD];
	_ =	sdelay $0x3  }
0x96: {  	_ =	strace s3  }
0x97: {  	_ =	strace $0x8FFFFFFF  }
0x98: {  	s19 =	sld [smem:$0x3FDB];
	_ =	sdelay $0x1  }
0x99: {  	s4 =	simm.s32 $_scs_section_size  }
0x9a: {  	s5 =	simm.s32 $_size__tile_overlayer_lowered;
	s6 =	simm.s32 $_tile_overlayer_lowered  }
0x9b: {  	s22 =	simm.s32 $0x1BFF;
	s21 =	sshll.u32 s6, $0x1;
	s3 =	sadd.s32 s4, s19  }
0x9c: {  	s7 =	simm.s32 $0x0;
	s20 =	sshll.u32 s5, $0x1;
	s5 =	sadd.s32 s21, s3  }
0x9d: {  	[timem:s7], [sflag:s22] =	dma.local [hbm:s5], s20  }
0x9e: {  	_ =	swait.ge [sflag:s22], s20  }
0x9f: {  	s4 =	ssub.s32 $0x0, s20;
	[sflag:s22] =	ssyncset.done $0x0  }
0xa0: {  	[sflag:s22] =	ssyncadd.s32 s4;
	_ =	sdelay $0x1  }
0xa1: {  	s23 =	simm.s32 $0x1B8B  }
0xa2: {  	_ =	swait.ge [sflag:s23], $0x1  }
0xa3: {  	[sflag:s23] =	ssyncset.done $0x0  }
0xa4: {  	s25 =	simm.s32 $0x1B8E;
	s24 =	sld [smem:$0x3FFE];
	[sflag:s23] =	ssyncadd.s32 $0xFFFFFFFF  }
0xa5: {  	s26 =	simm.s32 $execute0_lowered;
	[smem:$0x3FD2] =	sst s25  }
0xa6: {  	s5 =	sshll.u32 s26, $0x1;
	_ =	strace $0x8000004C;
	[dreg:$0x1] =	wrdreg $0xFFFFFFFF  }
0xa7: {  	s28 =	simm.s32 $_size_execute0_lowered;
	s3 =	sadd.s32 s3, s5;
	[dreg:$0x0] =	wrdreg $0x0  }
0xa8: {  	s5 =	sshll.u32 s28, $0x1;
	[dreg:$0x2] =	wrdreg s3  }
0xa9: {  	[dreg:$0x3] =	wrdreg s5  }
0xaa: {  	[dreg:$0x4] =	wrdreg $0xC0  }
0xab: {  	_ =	task [dreg:s7], $0x5FFFF  }
0xac: {  	[dreg:$0x1] =	wrdreg $0xFFFFFFFF  }
0xad: {  	[dreg:$0x0] =	wrdreg $0x60  }
0xae: {  	[dreg:$0x2] =	wrdreg s2  }
0xaf: {  	[dreg:$0x3] =	wrdreg s24  }
0xb0: {  	[dreg:$0x4] =	wrdreg $0x28000  }
0xb1: {  	[dreg:$0x5] =	wrdreg $0x0  }
0xb2: {  	[dreg:$0x6] =	wrdreg $0x9  }
0xb3: {  	_ =	task.clear_ibuf [dreg:s7], $0x7FFFF;
	_ =	strace $0x9000004C  }
0xb4: {  	s29 =	simm.s32 $0x9;
	_ =	strace $0x8000004E  }
0xb5: {  	_ =	swait.ge [sflag:s29], $0x1  }
0xb6: {  	[sflag:s29] =	ssyncadd.s32 $0xFFFFFFFF  }
0xb7: {  	_ =	strace $0x9000004E  }
0xb8: {  	_ =	sfence  }
0xb9: {  	s30 =	sld [smem:$0x0];
	_ =	sdelay $0x2  }
0xba: {  	s31 =	sshll.u32 s1, $0xD;
	s1 =	sshrl.u32 s1, $0x2  }
0xbb: {  	s3 =	sand.u32 $0x4000, s31;
	s1 =	sadd.s32 s1, s30  }
0xbc: {  	s0 =	sor.u32 s3, s0;
	s1 =	sshll.u32 s1, $0x11  }
0xbd: {  	s0 =	sor.u32 s1, s0  }
0xbe: {  	s0 =	sadd.s32 $0x8F2B, s0  }
0xbf: {  	[sflag:s0] =	ssyncadd.remote.s32 $0x1  }
0xc0: {  	_ =	sfence.sel $0xFFFF  }
0xc1: {  	[dreg:$0x0] =	wrdreg $0xFFFFFFFF;
	(pc) =	sbr.abs _section_cstart, $3  }
0xc2: {  	[dreg:$0x1] =	wrdreg $0xFFFFFFFF  }
0xc3: {  	_ =	task.clear_ibuf [dreg:s7], $0x2FFFF;
	_ =	strace $0x9FFFFFFF  }
0xc4: {  	(tm) =	ssettm $0x7FFFFFFF  }
0xc5: {  	_ =	shalt  }
tec
execute0_lowered:
.L_overlay_start_1:
0x0: {  	(tag) =	ssettag $0x1  }
0x1: {  	s0 =	rddreg [dreg:$0x0]  }
0x2: {  	s2 =	rddreg [dreg:$0x1]  }
0x3: {  	s1 =	rddreg [dreg:$0x2];
	s8 =	stileid.u32  }
0x4: {  	s5 =	srdreg.scid;
	s3 =	rddreg [dreg:$0x3]  }
0x5: {  	s7 =	simm.s32 $0x0;
	s19 =	simm.s32 $0xC000;
	s20 =	simm.s32 $0x3  }
0x6: {  	s28 =	simm.s32 $0xA000;
	s29 =	simm.s32 $0xB000;
	s30 =	simm.s32 $0x1  }
0x7: {  	s31 =	simm.s32 $0x2;
	s4 =	smul.u32 $0x280, s8;
	s5 =	sand.u32 $0x1, s5  }
0x8: {  	s10 =	smul.u32 $0x2800, s8;
	[smem:$0x7FF] =	sst s7;
	s11 =	sadd.s32 $0x2200, s2  }
0x9: {  	s14 =	sadd.s32 $0xBD00, s2;
	s15 =	sadd.s32 $0x15940, s2;
	s6 =	smul.u32 $0x28000, s5  }
0xa: {  	_ =	strace $0x8000004D;
	s22 =	sshll.u32 s5, $0x4;
	s5 =	ssub.s32 $0x2, s5  }
0xb: {  	s4 =	sshrl.u32 s4, $0x3;
	s21 =	sor.u32 s8, s22;
	s23 =	sshrl.u32 s5, $0x1  }
0xc: {  	s24 =	sshrl.u32 s10, $0x3;
	s4 =	sadd.s32 s4, s2;
	s6 =	sadd.s32 s10, s6  }
0xd: {  	s8 =	smul.u32 $0x2800, s21;
	s18 =	ssub.s32 s5, s23;
	s5 =	sadd.s32 s10, s1  }
0xe: {  	v0 =	vimm.f32 $0.0e+00;
	vm0 =	vmmov $0x1;
	s25 =	smul.u32 $0x500, s21;
	s10 =	sadd.s32 s10, s3;
	p0 =	seq.s32 s21, $0x1F  }
0xf: {  	vm1 =	vcmask $0x308;
	vm2 =	vcmask $0x70C;
	vm3 =	vcmask $0xB10;
	s6 =	sshrl.u32 s6, $0x3;
	s9 =	sadd.s32 $0x20100, s4;
	s18 =	smax.u32 s18, $0x1  }
0x10: {  	vm4 =	vcmask $0xF14;
	vm5 =	vcmask $0x1318;
	vm6 =	vcmask $0x171C;
	s16 =	sadd.s32 s6, s2;
	s6 =	sadd.s32 s0, s24;
	s12 =	sshrl.u32 s8, $0x3  }
0x11: {  	vm7 =	vcmask $0x1B20;
	vm8 =	vcmask $0x1F24;
	vm9 =	vcmask $0x2328;
	s8 =	sadd.s32 $0x1FC00, s4;
	s2 =	simm.s32 $0x0;
	s7 =	sadd.s32 $0x5000, s6  }
0x12: {  	vm10 =	vcmask $0x272C;
	vm11 =	vcmask $0x2B30;
	vm12 =	vcmask $0x2F34;
	s26 =	sadd.s32 s11, s12;
	s11 =	sadd.s32 s11, s25;
	s16 =	sadd.s32 $0x15C00, s16  }
0x13: {  	vm13 =	vcmask $0x3338;
	vm14 =	vcmask $0x373C;
	vm15 =	vmmov $0x7fff;
	s25 =	simm.s32 $0x100;
	s12 =	sadd.s32 $0x9C40, s26;
	s26 =	simm.s32 $0x5000  }
.LBB2_1:
0x14: {  	s0 =	simm.s32 $0x40;
	s4 =	simm.s32 $0x0  }
.LBB2_2:
0x15: {  	p1 =	sne.s32 s0, $0x9FC0;
	[tilespmem:s4+$0xC000] =	vst v0;
	s4 =	smov.u32 s0;
	s0 =	sadd.s32 $0x40, s0  }
.Ltmp0:
0x16: {  	(pc) =	sbr.rel @p1 .LBB2_2-.Ltmp0, $2  }
0x17: {  	_ =	sdelay $0x2  }
0x18: {  	s4 =	sshra.s32 s4, $0x2  }
0x19: {  	[tilespmem:s4+$0xC000] =	vst v0  }
0x1a: {  	[spmem:s5] =	stream.linear.scatter [tilespmem:s19], [sflag:$0x3], $0x2800, $0x38;
	[tilespmem:$0x16500] =	vst v63  }
0x1b: {  	_ =	swait.ge [sflag:s20], $0x2800  }
0x1c: {  	[sflag:s20] =	ssyncset.done $0x0  }
0x1d: {  	s0 =	simm.s32 $0x0;
	s23 =	simm.s32 $0xE800;
	[sflag:s20] =	ssyncadd.s32 $0xFFFFD800  }
0x1e: {  	[tilespmem:s23], [sflag:$0x3] =	stream.linear.gather [hbm4b:s6+s0], $0x2800, $0x38;
	[tilespmem:$0x16500] =	vst v63  }
0x1f: {  	_ =	swait.ge [sflag:s20], $0x2800  }
0x20: {  	[sflag:s20] =	ssyncset.done $0x0  }
0x21: {  	s24 =	simm.s32 $0x11000;
	[sflag:s20] =	ssyncadd.s32 $0xFFFFD800  }
0x22: {  	[tilespmem:s24], [sflag:$0x3] =	stream.linear.gather [hbm4b:s7+s0], $0x2800, $0x38;
	[tilespmem:$0x16500] =	vst v63  }
0x23: {  	_ =	swait.ge [sflag:s20], $0x2800  }
0x24: {  	[sflag:s20] =	ssyncset.done $0x0  }
0x25: {  	s4 =	simm.s32 $0x13800;
	[sflag:s20] =	ssyncadd.s32 $0xFFFFD800  }
0x26: {  	[tilespmem:s4], [sflag:$0x3] =	stream.linear.gather [hbm4b:s8+s0], $0x280, $0x38;
	[tilespmem:$0x16500] =	vst v63  }
0x27: {  	_ =	swait.ge [sflag:s20], $0x280  }
0x28: {  	[sflag:s20] =	ssyncset.done $0x0  }
0x29: {  	s21 =	simm.s32 $0x13A80;
	[sflag:s20] =	ssyncadd.s32 $0xFFFFFD80  }
0x2a: {  	[tilespmem:s21], [sflag:$0x3] =	stream.linear.gather [hbm4b:s9+s0], $0x280, $0x38;
	[tilespmem:$0x16500] =	vst v63  }
0x2b: {  	_ =	swait.ge [sflag:s20], $0x280  }
0x2c: {  	[sflag:s20] =	ssyncset.done $0x0  }
0x2d: {  	[sflag:s20] =	ssyncadd.s32 $0xFFFFFD80  }
.LBB2_4:
0x2e: {  	v1 =	vld [tilespmem:s4+$0x0]  }
0x2f: {  	v2 =	vld [tilespmem:s4+$0x280];
	_ =	sdelay $0x4  }
0x30: {  	v1 =	vadd.f32 v2, v1;
	_ =	sdelay $0x1  }
0x31: {  	v1 =	vmax.f32 v1, $1.000000000e+00  }
0x32: {  	(erf) = vrcp.f32 v1;
	_ =	sdelay $0x7  }
0x33: {  	s21 =	sshra.s32 s0, $0x2  }
0x34: {  	v3 =	vld [tilespmem:s21+$0xE800];
	v1 =	vpop (erf)  }
0x35: {  	v4 =	vld [tilespmem:s21+$0xE810];
	v2 =	vnsel vm0, $0x0, v1  }
0x36: {  	v6 =	vld [tilespmem:s21+$0x11010];
	(xrf2) =	vadd.scan.msk.f32 $0xffff, v2  }
0x37: {  	v38 =	vld [tilespmem:s21+$0xE820]  }
0x38: {  	v8 =	vld [tilespmem:s21+$0x11020]  }
0x39: {  	v9 =	vld [tilespmem:s21+$0xE830]  }
0x3a: {  	v10 =	vld [tilespmem:s21+$0x11030];
	v2 =	vsel vm1, $0x0, v1  }
0x3b: {  	v41 =	vld [tilespmem:s21+$0xE840];
	(xrf2) =	vadd.scan.msk.f32 $0xffff, v2  }
0x3c: {  	v5 =	vsel vm2, $0x0, v1;
	v2 =	vld [tilespmem:s21+$0x11000]  }
0x3d: {  	v42 =	vld [tilespmem:s21+$0xE850];
	v7 =	vsel vm3, $0x0, v1;
	(xrf2) =	vadd.scan.msk.f32 $0xffff, v5  }
0x3e: {  	v43 =	vld [tilespmem:s21+$0x11050];
	(xrf2) =	vadd.scan.msk.f32 $0xffff, v7  }
0x3f: {  	v14 =	vld [tilespmem:s21+$0xE860]  }
0x40: {  	v15 =	vld [tilespmem:s21+$0x11060];
	v39 =	vsel vm4, $0x0, v1;
	v40, _, _ =	vpop (xrf2)  }
0x41: {  	v30 =	vld [tilespmem:s21+$0xE8B0];
	(xrf2) =	vadd.scan.msk.f32 $0xffff, v39;
	v2 =	vadd.f32 v2, v3;
	v3 =	vbroadcast v40, $0xF  }
0x42: {  	v31 =	vld [tilespmem:s21+$0x110B0];
	v11 =	vsel vm5, $0x0, v1  }
0x43: {  	v12 =	vld [tilespmem:s21+$0x11040];
	(xrf2) =	vadd.scan.msk.f32 $0xffff, v11  }
0x44: {  	v47 =	vld [tilespmem:s21+$0xE870];
	v13 =	vsel vm6, $0x0, v1  }
0x45: {  	v18 =	vld [tilespmem:s21+$0x11070];
	v4 =	vadd.f32 v6, v4;
	v44 =	vsel vm7, $0x0, v1;
	v2 =	vmul.f32 v3, v2;
	v3, _, _ =	vpop (xrf2);
	(xrf2) =	vadd.scan.msk.f32 $0xffff, v13  }
0x46: {  	v53 =	vld [tilespmem:s21+$0xE880];
	v50 =	vadd.f32 v10, v9;
	v6 =	vadd.f32 v43, v42;
	v16 =	vsel vm8, $0x0, v1;
	(xrf2) =	vadd.scan.msk.f32 $0xffff, v44  }
0x47: {  	v54 =	vld [tilespmem:s21+$0x11080];
	v28 =	vadd.f32 v15, v14;
	v15 =	vadd.f32 v31, v30;
	v48 =	vsel vm9, $0x0, v1;
	v46, _, _ =	vpop (xrf2);
	(xrf2) =	vadd.scan.msk.f32 $0xffff, v16  }
0x48: {  	v61 =	vld [tilespmem:s21+$0xE8A0];
	v55 =	vsel vm10, $0x0, v1;
	v57 =	vsel vm11, $0x0, v1;
	v60 =	vsel vm12, $0x0, v1;
	v17, _, _ =	vpop (xrf2);
	(xrf2) =	vadd.scan.msk.f32 $0xffff, v48  }
0x49: {  	v22 =	vld [tilespmem:s21+$0x110A0];
	v62 =	vsel vm13, $0x0, v1;
	v32 =	vsel vm14, $0x0, v1;
	v3 =	vbroadcast v3, $0xF  }
0x4a: {  	v19 =	vld [tilespmem:s21+$0xE890];
	v1 =	vsel vm15, $0x0, v1;
	v5 =	vadd.f32 v8, v38;
	v45 =	vmul.f32 $9.999999770e-03, v2  }
0x4b: {  	v59 =	vld [tilespmem:s21+$0x11090];
	v8 =	vadd.f32 v18, v47;
	v3 =	vmul.f32 v3, v4;
	v4 =	vbroadcast v46, $0xF;
	v52, _, _ =	vpop (xrf2);
	(xrf2) =	vadd.scan.msk.f32 $0xffff, v55  }
0x4c: {  	v7 =	vadd.f32 v12, v41;
	v51 =	vbroadcast v17, $0xF;
	v10 =	vbroadcast v52, $0xF;
	(xrf2) =	vadd.scan.msk.f32 $0xffff, v57  }
0x4d: {  	v24 =	vld [tilespmem:s21+$0xE8C0];
	v12 =	vadd.f32 v54, v53;
	v58, _, _ =	vpop (xrf2);
	v49 =	vmul.f32 $9.999999770e-03, v3;
	v4 =	vmul.f32 v5, v4;
	(xrf2) =	vadd.scan.msk.f32 $0xffff, v60  }
0x4e: {  	v41 =	vld [tilespmem:s21+$0xE8E0];
	v11 =	vadd.f32 v22, v61;
	v5 =	vmul.f32 v50, v51;
	v9 =	vbroadcast v58, $0xF  }
0x4f: {  	v44 =	vld [tilespmem:s21+$0x110E0];
	v2 =	vmax.f32 v2, v45;
	v7 =	vmul.f32 v7, v10;
	v56 =	vmul.f32 $9.999999770e-03, v4;
	v21, _, _ =	vpop (xrf2)  }
0x50: {  	v47 =	vld [tilespmem:s21+$0xE8F0];
	v10 =	vadd.f32 v59, v19;
	v63 =	vmul.f32 $9.999999770e-03, v5;
	v6 =	vmul.f32 v6, v9;
	(xrf2) =	vadd.scan.msk.f32 $0xffff, v62;
	v27, _, _ =	vpop (xrf2)  }
0x51: {  	v50 =	vld [tilespmem:s21+$0x110F0];
	v3 =	vmax.f32 v3, v49;
	v20 =	vmul.f32 $9.999999770e-03, v7;
	v29 =	vbroadcast v21, $0xF;
	v33, _, _ =	vpop (xrf2);
	(xrf2) =	vadd.scan.msk.f32 $0xffff, v32  }
0x52: {  	v35 =	vld [tilespmem:s21+$0x110C0];
	v4 =	vmax.f32 v4, v56;
	v23 =	vmul.f32 $9.999999770e-03, v6;
	v17 =	vbroadcast v27, $0xF;
	v34, _, _ =	vpop (xrf2);
	(xrf2) =	vadd.scan.msk.f32 $0xffff, v1  }
0x53: {  	v36 =	vld [tilespmem:s21+$0xE8D0];
	v5 =	vmax.f32 v5, v63;
	v9 =	vmul.f32 v28, v29;
	v14 =	vbroadcast v33, $0xF  }
0x54: {  	v38 =	vld [tilespmem:s21+$0x110D0];
	v56 =	vadd.f32 v44, v41;
	v8 =	vmul.f32 v8, v17;
	v16 =	vbroadcast v34, $0xF  }
0x55: {  	[tilespmem:s21+$0x13D00] =	vst v2;
	v2 =	vmax.f32 v7, v20;
	v39, _, _ =	vpop (xrf2);
	v1 =	vmul.f32 $9.999999770e-03, v9;
	v12 =	vmul.f32 v12, v14  }
0x56: {  	[tilespmem:s21+$0x13D10] =	vst v3;
	v59 =	vadd.f32 v50, v47;
	v42, _, _ =	vpop (xrf2);
	v49 =	vbroadcast v39, $0xF;
	v37 =	vmul.f32 $9.999999770e-03, v8  }
0x57: {  	[tilespmem:s21+$0x13D20] =	vst v4;
	v6 =	vmax.f32 v6, v23;
	v40 =	vmul.f32 v10, v16;
	v45, _, _ =	vpop (xrf2);
	v16 =	vbroadcast v42, $0xF  }
0x58: {  	[tilespmem:s21+$0x13D30] =	vst v5;
	v17 =	vadd.f32 v35, v24;
	v43 =	vmul.f32 $9.999999770e-03, v12;
	v13 =	vbroadcast v45, $0xF  }
0x59: {  	[tilespmem:s21+$0x13D40] =	vst v2;
	v2 =	vadd.f32 v38, v36;
	v5 =	vmul.f32 v11, v49;
	v46 =	vmul.f32 $9.999999770e-03, v40  }
0x5a: {  	[tilespmem:s21+$0x13D50] =	vst v6;
	v3 =	vmax.f32 v8, v37;
	v53 =	vmul.f32 v15, v16;
	v55 =	vmul.f32 v17, v13;
	v48, _, _ =	vpop (xrf2)  }
0x5b: {  	v1 =	vmax.f32 v9, v1;
	[tilespmem:s21+$0x13D70] =	vst v3;
	v3 =	vmul.f32 $9.999999770e-03, v5;
	v51 =	vbroadcast v48, $0xF;
	v54, _, _ =	vpop (xrf2)  }
0x5c: {  	[tilespmem:s21+$0x13D60] =	vst v1;
	v52 =	vmax.f32 v12, v43;
	v60 =	vmul.f32 $9.999999770e-03, v53;
	v57 =	vbroadcast v54, $0xF;
	v58, _, _ =	vpop (xrf2)  }
0x5d: {  	v1 =	vmax.f32 v40, v46;
	[tilespmem:s21+$0x13D80] =	vst v52;
	v2 =	vmul.f32 v2, v51;
	v10 =	vbroadcast v58, $0xF  }
0x5e: {  	[tilespmem:s21+$0x13D90] =	vst v1;
	v1 =	vmax.f32 v5, v3;
	v61 =	vmul.f32 $9.999999770e-03, v55;
	v3 =	vmul.f32 v56, v57  }
0x5f: {  	p1 =	sne.s32 s0, $0x9C00;
	[tilespmem:s21+$0x13DA0] =	vst v1;
	v1 =	vmax.f32 v53, v60;
	v62 =	vmul.f32 $9.999999770e-03, v2;
	v6 =	vmul.f32 v59, v10  }
.Ltmp1:
0x60: {  	[tilespmem:s21+$0x13DB0] =	vst v1;
	v1 =	vmax.f32 v55, v61;
	v63 =	vmul.f32 $9.999999770e-03, v3;
	(pc) =	sbr.rel @p1 .LBB2_4-.Ltmp1, $4  }
0x61: {  	[tilespmem:s21+$0x13DC0] =	vst v1;
	v1 =	vmax.f32 v2, v62;
	v2 =	vmul.f32 $9.999999770e-03, v6  }
0x62: {  	[tilespmem:s21+$0x13DD0] =	vst v1;
	v1 =	vmax.f32 v3, v63  }
0x63: {  	[tilespmem:s21+$0x13DE0] =	vst v1;
	v1 =	vmax.f32 v6, v2  }
0x64: {  	s4 =	sadd.s32 $0x10, s4;
	s0 =	sadd.s32 $0x400, s0;
	[tilespmem:s21+$0x13DF0] =	vst v1  }
0x65: {  	s0 =	simm.s32 $0x13D00  }
0x66: {  	[spmem:s10] =	stream.linear.scatter [tilespmem:s0], [sflag:$0x3], $0x2800, $0x38;
	[tilespmem:$0x16500] =	vst v63  }
0x67: {  	_ =	swait.ge [sflag:s20], $0x2800  }
0x68: {  	[sflag:s20] =	ssyncset.done $0x0  }
0x69: {  	s4 =	simm.s32 @p0 $0x5000;
	s0 =	simm.s32 @p0 $0x0;
	[sflag:s20] =	ssyncadd.s32 $0xFFFFD800  }
0x6a: {  	[tilespmem:s4], [sflag:$0x3] =	stream.linear.gather @p0 [hbm4b:s14+s0], $0xA00, $0x38;
	[tilespmem:$0x16500] =	vst v63  }
0x6b: {  	s4 =	simm.s32 @p0 $0x3  }
0x6c: {  	_ =	swait.ge @p0 [sflag:s4], $0xA00  }
0x6d: {  	[sflag:s4] =	ssyncset.done @p0 $0x0  }
0x6e: {  	s21 =	simm.s32 @p0 $0x7800;
	[sflag:s4] =	ssyncadd.s32 @p0 $0xFFFFF600  }
0x6f: {  	[tilespmem:s21], [sflag:$0x3] =	stream.linear.gather @p0 [hbm4b:s15+s0], $0xA00, $0x38;
	[tilespmem:$0x16500] =	vst v63  }
0x70: {  	_ =	swait.ge @p0 [sflag:s4], $0xA00  }
0x71: {  	[sflag:s4] =	ssyncset.done @p0 $0x0  }
0x72: {  	s0 =	simm.s32 @!p0 $0x0;
	[sflag:s4] =	ssyncadd.s32 @p0 $0xFFFFF600;
	s4 =	simm.s32 @!p0 $0x5000  }
0x73: {  	[tilespmem:s4], [sflag:$0x3] =	stream.linear.gather @!p0 [hbm4b:s11+s0], $0x2800, $0x38;
	[tilespmem:$0x16500] =	vst v63  }
0x74: {  	s4 =	simm.s32 @!p0 $0x3  }
0x75: {  	_ =	swait.ge @!p0 [sflag:s4], $0x2800  }
0x76: {  	[sflag:s4] =	ssyncset.done @!p0 $0x0  }
0x77: {  	s21 =	simm.s32 @!p0 $0x7800;
	[sflag:s4] =	ssyncadd.s32 @!p0 $0xFFFFD800  }
0x78: {  	[tilespmem:s21], [sflag:$0x3] =	stream.linear.gather @!p0 [hbm4b:s12+s0], $0x2800, $0x38;
	[tilespmem:$0x16500] =	vst v63  }
0x79: {  	s0 =	simm.s32 @!p0 $0x28  }
0x7a: {  	_ =	swait.ge @!p0 [sflag:s4], $0x2800;
	s0 =	simm.s32 @p0 $0xA  }
0x7b: {  	[sflag:s4] =	ssyncset.done @!p0 $0x0;
	s24 =	sshrl.u32 s0, $0x1  }
0x7c: {  	[sflag:s4] =	ssyncadd.s32 @!p0 $0xFFFFD800;
	s4 =	sadd.s32 $0xFFFFFFFF, s24  }
0x7d: {  	s23 =	sadd.s32 $0xFFFFFFFF, s4  }
0x7e: {  	p2 =	sne.s32 s23, $0x0  }
.Ltmp2:
0x7f: {  	_ = 	snop;
	(pc) =	sbr.rel @!p2 .LBB2_9-.Ltmp2, $4  }
0x80: {  	_ = 	snop  }
0x81: {  	s22 =	simm.s32 $0x2;
	p1 =	por $0x0, $0x0  }
0x82: {  	s21 =	simm.s32 $0x5200;
	[bflag:$0x0] =	sbarrier.arrive $0xFFFF;
	s4 =	simm.s32 $0x7900  }
0x83: {  	[tilespmem:s28], [sflag:$0x1] =	stream.indirect.gather [spmem:s3], $0x10, s26, s25, $0xb8;
	[tilespmem:$0x16500] =	vst v63  }
0x84: {  	s22 =	simm.s32 $0x5100  }
0x85: {  	[tilespmem:s29], [sflag:$0x2] =	stream.indirect.gather [spmem:s3], $0x10, s22, s25, $0xb8;
	[tilespmem:$0x16500] =	vst v63  }
0x86: {  	_ =	swait.ge [sflag:s30], $0x1000  }
0x87: {  	[sflag:s30] =	ssyncset.done $0x0  }
0x88: {  	s24 =	simm.s32 $0x7800;
	[sflag:s30] =	ssyncadd.s32 $0xFFFFF000  }
0x89: {  	[spmem:s1] =	stream.indirect.scatter.add.f32 [tilespmem:s28], [sflag:$0x3], $0x10, s24, s25, $0xb8;
	[tilespmem:$0x16500] =	vst v63  }
0x8a: {  	_ =	swait.ge [sflag:s20], $0x1000  }
0x8b: {  	p1 =	sle.u32 s0, $0x2;
	s23 =	sadd.s32 $0xFFFFFFFF, s23;
	[sflag:s20] =	ssyncset.done $0x0  }
0x8c: {  	s22 =	simm.s32 @!p1 $0x100;
	s24 =	simm.s32 @!p1 $0xA000;
	[sflag:s20] =	ssyncadd.s32 $0xFFFFF000  }
0x8d: {  	[tilespmem:s24], [sflag:$0x1] =	stream.indirect.gather @!p1 [spmem:s3], $0x10, s21, s22, $0xb8;
	[tilespmem:$0x16500] =	vst v63  }
0x8e: {  	p2 =	sne.s32 s23, $0x0;
	_ =	swait.ge [sflag:s31], $0x1000  }
.Ltmp3:
0x8f: {  	[sflag:s31] =	ssyncset.done $0x0;
	(pc) =	sbr.rel @!p2 .LBB2_9-.Ltmp3, $4  }
0x90: {  	[sflag:s31] =	ssyncadd.s32 $0xFFFFF000  }
0x91: {  	[spmem:s1] =	stream.indirect.scatter.add.f32 [tilespmem:s29], [sflag:$0x3], $0x10, s4, s25, $0xb8;
	[tilespmem:$0x16500] =	vst v63  }
0x92: {  	s21 =	simm.s32 $0x5400;
	s22 =	simm.s32 $0x4;
	_ =	swait.ge [sflag:s20], $0x1000  }
0x93: {  	p1 =	por $0x1, $0x1;
	s4 =	simm.s32 $0x7B00;
	[sflag:s20] =	ssyncset.done $0x0  }
.LBB2_7:
0x94: {  	s23 =	sadd.s32 $0xFFFFFFFF, s23;
	s13 =	sadd.s32 $0xFFFFFF00, s21;
	[sflag:s20] =	ssyncadd.s32 $0xFFFFF000  }
0x95: {  	[tilespmem:s29], [sflag:$0x2] =	stream.indirect.gather [spmem:s3], $0x10, s13, s25, $0xb8;
	[tilespmem:$0x16500] =	vst v63  }
0x96: {  	p2 =	sne.s32 s23, $0x0;
	_ =	swait.ge [sflag:s30], $0x1000  }
0x97: {  	[sflag:s30] =	ssyncset.done $0x0  }
0x98: {  	s13 =	sadd.s32 $0xFFFFFF00, s4;
	[sflag:s30] =	ssyncadd.s32 $0xFFFFF000  }
0x99: {  	[spmem:s1] =	stream.indirect.scatter.add.f32 [tilespmem:s28], [sflag:$0x3], $0x10, s13, s25, $0xb8;
	[tilespmem:$0x16500] =	vst v63  }
0x9a: {  	_ =	swait.ge [sflag:s20], $0x1000  }
0x9b: {  	p3 =	sge.u32 s22, s0;
	[sflag:s20] =	ssyncset.done $0x0  }
0x9c: {  	s17 =	simm.s32 @!p3 $0xA000;
	s13 =	simm.s32 @!p3 $0x100;
	[sflag:s20] =	ssyncadd.s32 $0xFFFFF000  }
0x9d: {  	[tilespmem:s17], [sflag:$0x1] =	stream.indirect.gather @!p3 [spmem:s3], $0x10, s21, s13, $0xb8;
	[tilespmem:$0x16500] =	vst v63  }
0x9e: {  	_ =	swait.ge [sflag:s31], $0x1000  }
.Ltmp4:
0x9f: {  	[sflag:s31] =	ssyncset.done $0x0;
	(pc) =	sbr.rel @p2 .LBB2_7-.Ltmp4, $4  }
0xa0: {  	s22 =	sadd.s32 $0x2, s22;
	[sflag:s31] =	ssyncadd.s32 $0xFFFFF000  }
0xa1: {  	[spmem:s1] =	stream.indirect.scatter.add.f32 [tilespmem:s29], [sflag:$0x3], $0x10, s4, s25, $0xb8;
	[tilespmem:$0x16500] =	vst v63  }
0xa2: {  	s13 =	sadd.s32 $0x200, s4;
	s17 =	sadd.s32 $0x200, s21;
	_ =	swait.ge [sflag:s20], $0x1000  }
0xa3: {  	s21 =	smov.u32 s17;
	s4 =	smov.u32 s13;
	[sflag:s20] =	ssyncset.done $0x0  }
0xa4: {  	s21 =	smov.u32 s17;
	s4 =	smov.u32 s13  }
.LBB2_9:
0xa5: {  	s23 =	sadd.s32 $0xFFFFFF00, s21;
	[sflag:s20] =	ssyncadd.s32 @p1 $0xFFFFF000  }
0xa6: {  	[tilespmem:s29], [sflag:$0x2] =	stream.indirect.gather [spmem:s3], $0x10, s23, s25, $0xb8;
	[tilespmem:$0x16500] =	vst v63  }
0xa7: {  	_ =	swait.ge [sflag:s30], $0x1000  }
0xa8: {  	[sflag:s30] =	ssyncset.done $0x0  }
0xa9: {  	s24 =	sadd.s32 $0xFFFFFF00, s4;
	[sflag:s30] =	ssyncadd.s32 $0xFFFFF000  }
0xaa: {  	[spmem:s1] =	stream.indirect.scatter.add.f32 [tilespmem:s28], [sflag:$0x3], $0x10, s24, s25, $0xb8;
	[tilespmem:$0x16500] =	vst v63  }
0xab: {  	_ =	swait.ge [sflag:s20], $0x1000  }
0xac: {  	p1 =	sge.u32 s22, s0;
	[sflag:s20] =	ssyncset.done $0x0  }
0xad: {  	s23 =	simm.s32 @!p1 $0x100;
	s24 =	simm.s32 @!p1 $0xA000;
	[sflag:s20] =	ssyncadd.s32 $0xFFFFF000  }
0xae: {  	[tilespmem:s24], [sflag:$0x1] =	stream.indirect.gather @!p1 [spmem:s3], $0x10, s21, s23, $0xb8;
	[tilespmem:$0x16500] =	vst v63  }
0xaf: {  	_ =	swait.ge [sflag:s31], $0x1000  }
0xb0: {  	[sflag:s31] =	ssyncset.done $0x0  }
0xb1: {  	[sflag:s31] =	ssyncadd.s32 $0xFFFFF000  }
0xb2: {  	[spmem:s1] =	stream.indirect.scatter.add.f32 [tilespmem:s29], [sflag:$0x3], $0x10, s4, s25, $0xb8;
	[tilespmem:$0x16500] =	vst v63  }
0xb3: {  	_ =	swait.ge [sflag:s20], $0x1000  }
0xb4: {  	[sflag:s20] =	ssyncset.done $0x0  }
0xb5: {  	s24 =	sadd.s32 $0x100, s17;
	[sflag:s20] =	ssyncadd.s32 $0xFFFFF000  }
0xb6: {  	[tilespmem:s29], [sflag:$0x2] =	stream.indirect.gather [spmem:s3], $0x10, s24, s25, $0xb8;
	[tilespmem:$0x16500] =	vst v63  }
0xb7: {  	_ =	swait.ge [sflag:s30], $0x1000  }
0xb8: {  	[sflag:s30] =	ssyncset.done $0x0  }
0xb9: {  	s24 =	sadd.s32 $0x100, s13;
	[sflag:s30] =	ssyncadd.s32 $0xFFFFF000  }
0xba: {  	[spmem:s1] =	stream.indirect.scatter.add.f32 [tilespmem:s28], [sflag:$0x3], $0x10, s24, s25, $0xb8;
	[tilespmem:$0x16500] =	vst v63  }
0xbb: {  	s24 =	sadd.s32 $0x2, s22;
	_ =	swait.ge [sflag:s20], $0x1000  }
0xbc: {  	s21 =	sadd.s32 $0x200, s21;
	p1 =	sge.u32 s24, s0;
	[sflag:s20] =	ssyncset.done $0x0  }
0xbd: {  	s0 =	simm.s32 @!p1 $0x100;
	s22 =	simm.s32 @!p1 $0xA000;
	[sflag:s20] =	ssyncadd.s32 $0xFFFFF000  }
0xbe: {  	[tilespmem:s22], [sflag:$0x1] =	stream.indirect.gather @!p1 [spmem:s3], $0x10, s21, s0, $0xb8;
	[tilespmem:$0x16500] =	vst v63  }
0xbf: {  	_ =	swait.ge [sflag:s31], $0x1000  }
0xc0: {  	[sflag:s31] =	ssyncset.done $0x0  }
0xc1: {  	s23 =	sadd.s32 $0x200, s4;
	[sflag:s31] =	ssyncadd.s32 $0xFFFFF000  }
0xc2: {  	[spmem:s1] =	stream.indirect.scatter.add.f32 [tilespmem:s29], [sflag:$0x3], $0x10, s23, s25, $0xb8;
	[tilespmem:$0x16500] =	vst v63  }
0xc3: {  	_ =	swait.ge [sflag:s20], $0x1000  }
0xc4: {  	[sflag:s20] =	ssyncset.done $0x0  }
0xc5: {  	[sflag:s20] =	ssyncadd.s32 $0xFFFFF000  }
0xc6: {  	[bflag:$0x0] =	sbarrier.arrive $0xFFFF  }
0xc7: {  	[tilespmem:s19], [sflag:$0x3] =	stream.linear.gather [spmem:s5], $0x2800, $0x38;
	[tilespmem:$0x16500] =	vst v63  }
0xc8: {  	s2 =	sadd.s32 $0x1, s2;
	_ =	swait.ge [sflag:s20], $0x2800  }
0xc9: {  	p1 =	sne.s32 s2, s18;
	[sflag:s20] =	ssyncset.done $0x0  }
.Ltmp5:
0xca: {  	s24 =	simm.s32 $0x0;
	[sflag:s20] =	ssyncadd.s32 $0xFFFFD800;
	(pc) =	sbr.rel @p1 .LBB2_1-.Ltmp5, $4  }
0xcb: {  	[hbm4b:s16+s24] =	stream.linear.scatter [tilespmem:s19], [sflag:$0x3], $0x2800, $0x38;
	[tilespmem:$0x16500] =	vst v63  }
0xcc: {  	_ =	swait.ge [sflag:s20], $0x2800  }
0xcd: {  	[sflag:s20] =	ssyncset.done $0x0  }
0xce: {  	[sflag:s20] =	ssyncadd.s32 $0xFFFFD800  }
0xcf: {  	_ =	sfence.sel $0x180000  }
0xd0: {  	[bflag:$0x0] =	sbarrier.arrive $0xFFFF  }
0xd1: {  	_ =	strace $0x9000004D  }
0xd2: {  	s0 =	stileid.u32;
	[bflag:$0x2] =	sbarrier.arrive $0xFFFF  }
0xd3: {  	p0 =	sne.s32 s0, $0x0;
	s0 =	rddreg [dreg:$0x4]  }
0xd4: {  	s0 =	sadd.s32 @!p0 $0x100000, s0  }
0xd5: {  	[sflag:s0] =	ssyncadd.tile.s32 @!p0 $0x1;
	_ =	shalt  }
.Lfunc_end2:
_tile_overlayer_lowered:
.L_overlay_start_2:
0xd6: {  	(tag) =	ssettag $0x2  }
0xd7: {  	s0 =	rddreg [dreg:$0x0];
	s2 =	stileid.u32  }
0xd8: {  	s1 =	rddreg [dreg:$0x1];
	p0 =	sne.s32 s2, $0x0  }
0xd9: {  	s3 =	rddreg [dreg:$0x2];
	[bflag:$0x3] =	sbarrier.arrive $0xFFFF;
	s2 =	simm.s32 @!p0 $0x1C03  }
0xda: {  	[timem:s3], [sflag:s2] =	dma.local @!p0 [hbm:s0], s1  }
0xdb: {  	s0 =	simm.s32 @!p0 $0x3  }
0xdc: {  	_ =	swait.ge @!p0 [sflag:s0], s1  }
0xdd: {  	s1 =	ssub.s32 @!p0 $0x0, s1;
	[sflag:s0] =	ssyncset.done @!p0 $0x0  }
0xde: {  	[sflag:s0] =	ssyncadd.s32 @!p0 s1  }
0xdf: {  	[bflag:$0x3] =	sbarrier.arrive $0xFFFF  }
0xe0: {  	_ =	shalt  }

// kernel: kernel.17.cloned.1.call-start
scs
__scs_entry_jumppad:
0x0: {  	(pc) =	sbr.rel $0x88, $3  }
0x1: {  	(tag) =	ssettag $0x0;
	lr =	simm.s32 $0x1  }
0x2: {  	[smem:$0x3F9B] =	sst lr;
	_ =	strace $0xD0000000  }
0x3: {  	_ = 	snop  }
0x4: {  	_ = 	snop  }
0x5: {  	_ = 	snop  }
0x6: {  	_ = 	snop  }
0x7: {  	_ = 	snop  }
__scs_overlays_trampoline_lowered:
0x8: {  	[smem:$0x3FAA] =	sst s0  }
0x9: {  	[smem:$0x3FAB] =	sst s1  }
0xa: {  	[smem:$0x3FAC] =	sst s2  }
0xb: {  	[smem:$0x3FAD] =	sst s3  }
0xc: {  	[smem:$0x3FAE] =	sst s4  }
0xd: {  	[smem:$0x3FAF] =	sst s5  }
0xe: {  	[smem:$0x3FB0] =	sst s6  }
0xf: {  	[smem:$0x3FB1] =	sst s7  }
0x10: {  	[smem:$0x3FB2] =	sst s8  }
0x11: {  	[smem:$0x3FB3] =	sst s9;
	s0 =	simm.s32 @!p0 $0x0  }
0x12: {  	s1 =	sld [smem:$0x3F99];
	s0 =	simm.s32 @p0 $0x1  }
0x13: {  	[smem:$0x3FB4] =	sst s0;
	s0 =	simm.s32 @!p1 $0x0  }
0x14: {  	s2 =	sld [smem:$0x3F98];
	s0 =	simm.s32 @p1 $0x1  }
0x15: {  	[smem:$0x3FB5] =	sst s0;
	s0 =	simm.s32 @!p2 $0x0  }
0x16: {  	s3 =	sld [smem:$0x3FDB];
	s0 =	simm.s32 @p2 $0x1  }
0x17: {  	s4 =	simm.s32 $0x1BF5;
	[smem:$0x3FB7] =	sst s0  }
0x18: {  	s0 =	sld [smem:$0x3F9A];
	_ =	swait.ge [sflag:s4], $0x0  }
0x19: {  	s7 =	sld [smem:$0x3F9B]  }
0x1a: {  	s8 =	sadd.s32 $0xFFFFE003, lr  }
0x1b: {  	s9 =	sadd.s32 $0xFFFFFEF7, lr;
	s5 =	simm.s32 $0xFFFFFFFF;
	p2 =	slt.u32 s8, $0xFFFFF086  }
0x1c: {  	p1 =	slt.u32 s9, $0xF7A;
	s5 =	simm.s32 @!p2 $0x0  }
0x1d: {  	s5 =	simm.s32 @p1 $0x1;
	p0 =	seq.s32 s7, s2  }
0x1e: {  	s7 =	smul.u32 @!p0 $0xF7A, s2;
	p2 =	seq.s32 @!p0 s5, $0x0  }
0x1f: {  	s9 =	smul.u32 $0xF7A, s1;
	s8 =	simm.s32 @!p0 $0x1BF5;
	p2 =	por !p2, p0  }
0x20: {  	[sflag:s8] =	ssyncset.s32 @!p0 $0xFFFFF086;
	s6 =	sadd.s32 @!p0 s3, s7;
	s7 =	simm.s32 @!p0 $0x108  }
0x21: {  	s3 =	sadd.s32 s3, s9;
	s6 =	sadd.s32 @!p0 $0x88, s6;
	s7 =	simm.s32 @p2 $0x1082  }
0x22: {  	[simem:s7], [sflag:s8] =	dma.local @!p0 [hbm:s6], $0xF7A  }
0x23: {  	s9 =	sor.u32 $0xD0000000, s2;
	s6 =	simm.s32 $0x108;
	_ =	swait.ge @!p0 [sflag:s8], $0x0  }
0x24: {  	s3 =	sadd.s32 $0x88, s3;
	s6 =	simm.s32 @!p1 $0x1082;
	[sflag:s4] =	ssyncset.s32 $0xFFFFF086  }
0x25: {  	[simem:s6], [sflag:s4] =	dma.local [hbm:s3], $0xF7A  }
0x26: {  	[smem:$0x3F9B] =	sst s1;
	(tag) =	ssettag s2;
	_ =	strace s9  }
0x27: {  	s1 =	sld [smem:$0x3FAB]  }
0x28: {  	s2 =	sld [smem:$0x3FAC]  }
0x29: {  	s4 =	sld [smem:$0x3FAE]  }
0x2a: {  	p0 =	seq.s32 s5, $0x0;
	s5 =	sld [smem:$0x3FAF]  }
0x2b: {  	s6 =	sld [smem:$0x3FB0]  }
0x2c: {  	s7 =	sld [smem:$0x3FB1]  }
0x2d: {  	s3 =	simm.s32 $0x108;
	s8 =	sld [smem:$0x3FB2]  }
0x2e: {  	s3 =	simm.s32 @!p0 $0x1082;
	s9 =	sld [smem:$0x3FB3]  }
0x2f: {  	lr =	sadd.s32 s0, s3;
	s0 =	sld [smem:$0x3FAA]  }
0x30: {  	s3 =	sld [smem:$0x3FAD]  }
0x31: {  	[smem:$0x3FB6] =	sst s10  }
0x32: {  	s10 =	sld [smem:$0x3FB4];
	_ =	sdelay $0x3  }
0x33: {  	p0 =	seq.s32 s10, $0x1;
	s10 =	sld [smem:$0x3FB6];
	_ =	sdelay $0x3  }
0x34: {  	[smem:$0x3FB6] =	sst s10  }
0x35: {  	s10 =	sld [smem:$0x3FB5];
	_ =	sdelay $0x3  }
0x36: {  	p1 =	seq.s32 s10, $0x1;
	s10 =	sld [smem:$0x3FB6];
	_ =	sdelay $0x3  }
0x37: {  	[smem:$0x3FB6] =	sst s10  }
0x38: {  	s10 =	sld [smem:$0x3FB7]  }
0x39: {  	_ = 	snop;
	(pc) =	sbr.ind lr, $3  }
0x3a: {  	_ = 	snop  }
0x3b: {  	_ = 	snop  }
0x3c: {  	p2 =	seq.s32 s10, $0x1;
	s10 =	sld [smem:$0x3FB6]  }
0x3d: {  	_ =	shalt  }
0x3e: {  	_ =	shalt  }
0x3f: {  	_ =	shalt  }
0x40: {  	_ =	shalt  }
0x41: {  	_ =	shalt  }
0x42: {  	_ =	shalt  }
0x43: {  	_ =	shalt  }
0x44: {  	_ =	shalt  }
0x45: {  	_ =	shalt  }
0x46: {  	_ =	shalt  }
0x47: {  	_ =	shalt  }
0x48: {  	_ =	shalt  }
0x49: {  	_ =	shalt  }
0x4a: {  	_ =	shalt  }
0x4b: {  	_ =	shalt  }
0x4c: {  	_ =	shalt  }
0x4d: {  	_ =	shalt  }
0x4e: {  	_ =	shalt  }
0x4f: {  	_ =	shalt  }
0x50: {  	_ =	shalt  }
0x51: {  	_ =	shalt  }
0x52: {  	_ =	shalt  }
0x53: {  	_ =	shalt  }
0x54: {  	_ =	shalt  }
0x55: {  	_ =	shalt  }
0x56: {  	_ =	shalt  }
0x57: {  	_ =	shalt  }
0x58: {  	_ =	shalt  }
0x59: {  	_ =	shalt  }
0x5a: {  	_ =	shalt  }
0x5b: {  	_ =	shalt  }
0x5c: {  	_ =	shalt  }
0x5d: {  	_ =	shalt  }
0x5e: {  	_ =	shalt  }
0x5f: {  	_ =	shalt  }
0x60: {  	_ =	shalt  }
0x61: {  	_ =	shalt  }
0x62: {  	_ =	shalt  }
0x63: {  	_ =	shalt  }
0x64: {  	_ =	shalt  }
0x65: {  	_ =	shalt  }
0x66: {  	_ =	shalt  }
0x67: {  	_ =	shalt  }
0x68: {  	_ =	shalt  }
0x69: {  	_ =	shalt  }
0x6a: {  	_ =	shalt  }
0x6b: {  	_ =	shalt  }
0x6c: {  	_ =	shalt  }
0x6d: {  	_ =	shalt  }
0x6e: {  	_ =	shalt  }
0x6f: {  	_ =	shalt  }
0x70: {  	_ =	shalt  }
0x71: {  	_ =	shalt  }
0x72: {  	_ =	shalt  }
0x73: {  	_ =	shalt  }
0x74: {  	_ =	shalt  }
0x75: {  	_ =	shalt  }
0x76: {  	_ =	shalt  }
0x77: {  	_ =	shalt  }
0x78: {  	_ =	shalt  }
0x79: {  	_ =	shalt  }
0x7a: {  	_ =	shalt  }
0x7b: {  	_ =	shalt  }
0x7c: {  	_ =	shalt  }
0x7d: {  	_ =	shalt  }
0x7e: {  	_ =	shalt  }
0x7f: {  	_ =	shalt  }
0x80: {  	_ =	shalt  }
0x81: {  	_ =	shalt  }
0x82: {  	_ =	shalt  }
0x83: {  	_ =	shalt  }
0x84: {  	_ =	shalt  }
0x85: {  	_ =	shalt  }
0x86: {  	_ =	shalt  }
0x87: {  	_ =	shalt  }
.Lfunc_end0:
.L_simem_size_0:
called_computation.3_lowered:
.L_overlay_start_0:
0x88: {  	s2 =	sld [smem:$0x3FD9]  }
0x89: {  	s3 =	sld [smem:$0x3FFE];
	_ =	sdelay $0x1  }
0x8a: {  	s1 =	srdreg.scid  }
0x8b: {  	s0 =	sand.u32 $0x1, s1  }
0x8c: {  	s17 =	sshll.u32 s0, $0xA;
	s2 =	sadd.s32 s3, s2  }
0x8d: {  	s2 =	sadd.s32 s2, s17  }
0x8e: {  	[smem:$0x3FC2] =	sst s2  }
0x8f: {  	_ = 	snop  }
0x90: {  	s2 =	sld [smem:$0x3FD0];
	(tm) =	ssettm $0x1  }
0x91: {  	s18 =	sld [smem:$0x3FFB];
	_ =	sdelay $0x3  }
0x92: {  	_ =	strace s18  }
0x93: {  	s3 =	sld [smem:$0x3FFC];
	_ =	sdelay $0x3  }
0x94: {  	_ =	strace s3  }
0x95: {  	s3 =	sld [smem:$0x3FFD];
	_ =	sdelay $0x3  }
0x96: {  	_ =	strace s3  }
0x97: {  	_ =	strace $0x8FFFFFFF  }
0x98: {  	s19 =	sld [smem:$0x3FDB];
	_ =	sdelay $0x1  }
0x99: {  	s4 =	simm.s32 $_scs_section_size  }
0x9a: {  	s5 =	simm.s32 $_size__tile_overlayer_lowered;
	s6 =	simm.s32 $_tile_overlayer_lowered  }
0x9b: {  	s22 =	simm.s32 $0x1BFF;
	s21 =	sshll.u32 s6, $0x1;
	s3 =	sadd.s32 s4, s19  }
0x9c: {  	s7 =	simm.s32 $0x0;
	s20 =	sshll.u32 s5, $0x1;
	s5 =	sadd.s32 s21, s3  }
0x9d: {  	[timem:s7], [sflag:s22] =	dma.local [hbm:s5], s20  }
0x9e: {  	_ =	swait.ge [sflag:s22], s20  }
0x9f: {  	s4 =	ssub.s32 $0x0, s20;
	[sflag:s22] =	ssyncset.done $0x0  }
0xa0: {  	[sflag:s22] =	ssyncadd.s32 s4;
	_ =	sdelay $0x1  }
0xa1: {  	s23 =	simm.s32 $0x1B8B  }
0xa2: {  	_ =	swait.ge [sflag:s23], $0x1  }
0xa3: {  	[sflag:s23] =	ssyncset.done $0x0  }
0xa4: {  	s25 =	simm.s32 $0x1B8E;
	s24 =	sld [smem:$0x3FFE];
	[sflag:s23] =	ssyncadd.s32 $0xFFFFFFFF  }
0xa5: {  	s26 =	simm.s32 $execute0_lowered;
	[smem:$0x3FD2] =	sst s25  }
0xa6: {  	s5 =	sshll.u32 s26, $0x1;
	_ =	strace $0x8000004F;
	[dreg:$0x1] =	wrdreg $0xFFFFFFFF  }
0xa7: {  	s28 =	simm.s32 $_size_execute0_lowered;
	s3 =	sadd.s32 s3, s5;
	[dreg:$0x0] =	wrdreg $0x0  }
0xa8: {  	s5 =	sshll.u32 s28, $0x1;
	[dreg:$0x2] =	wrdreg s3  }
0xa9: {  	[dreg:$0x3] =	wrdreg s5  }
0xaa: {  	[dreg:$0x4] =	wrdreg $0xC0  }
0xab: {  	_ =	task [dreg:s7], $0x5FFFF  }
0xac: {  	[dreg:$0x1] =	wrdreg $0xFFFFFFFF  }
0xad: {  	[dreg:$0x0] =	wrdreg $0x60  }
0xae: {  	[dreg:$0x2] =	wrdreg s24  }
0xaf: {  	[dreg:$0x3] =	wrdreg s2  }
0xb0: {  	[dreg:$0x4] =	wrdreg $0x28000  }
0xb1: {  	[dreg:$0x5] =	wrdreg $0x0  }
0xb2: {  	[dreg:$0x6] =	wrdreg $0x9  }
0xb3: {  	_ =	task.clear_ibuf [dreg:s7], $0x7FFFF;
	_ =	strace $0x9000004F  }
0xb4: {  	s29 =	simm.s32 $0x9;
	_ =	strace $0x80000051  }
0xb5: {  	_ =	swait.ge [sflag:s29], $0x1  }
0xb6: {  	[sflag:s29] =	ssyncadd.s32 $0xFFFFFFFF  }
0xb7: {  	_ =	strace $0x90000051  }
0xb8: {  	_ =	sfence  }
0xb9: {  	s30 =	sld [smem:$0x0];
	_ =	sdelay $0x2  }
0xba: {  	s31 =	sshll.u32 s1, $0xD;
	s1 =	sshrl.u32 s1, $0x2  }
0xbb: {  	s3 =	sand.u32 $0x4000, s31;
	s1 =	sadd.s32 s1, s30  }
0xbc: {  	s0 =	sor.u32 s3, s0;
	s1 =	sshll.u32 s1, $0x11  }
0xbd: {  	s0 =	sor.u32 s1, s0  }
0xbe: {  	s0 =	sadd.s32 $0x8F2B, s0  }
0xbf: {  	[sflag:s0] =	ssyncadd.remote.s32 $0x1  }
0xc0: {  	_ =	sfence.sel $0xFFFF  }
0xc1: {  	[dreg:$0x0] =	wrdreg $0xFFFFFFFF;
	(pc) =	sbr.abs _section_cstart, $3  }
0xc2: {  	[dreg:$0x1] =	wrdreg $0xFFFFFFFF  }
0xc3: {  	_ =	task.clear_ibuf [dreg:s7], $0x2FFFF;
	_ =	strace $0x9FFFFFFF  }
0xc4: {  	(tm) =	ssettm $0x7FFFFFFF  }
0xc5: {  	_ =	shalt  }
tec
execute0_lowered:
.L_overlay_start_1:
0x0: {  	(tag) =	ssettag $0x1  }
0x1: {  	s0 =	rddreg [dreg:$0x0]  }
0x2: {  	s1 =	rddreg [dreg:$0x1]  }
0x3: {  	s2 =	rddreg [dreg:$0x2]  }
0x4: {  	s3 =	rddreg [dreg:$0x3];
	s4 =	simm.s32 $0x0;
	s11 =	stileid.u32  }
0x5: {  	s6 =	srdreg.scid;
	s19 =	simm.s32 $0xC000;
	s20 =	simm.s32 $0x3  }
0x6: {  	s28 =	simm.s32 $0xA000;
	s29 =	simm.s32 $0xB000;
	s30 =	simm.s32 $0x1  }
0x7: {  	s31 =	simm.s32 $0x2;
	[smem:$0x7FF] =	sst s4;
	s25 =	smul.u32 $0x2800, s11  }
0x8: {  	s5 =	smul.u32 $0x280, s11;
	s9 =	sand.u32 $0x1, s6;
	s12 =	sadd.s32 $0x2200, s0  }
0x9: {  	_ =	strace $0x80000050;
	s6 =	ssub.s32 $0x2, s9;
	s8 =	sshll.u32 s9, $0x4  }
0xa: {  	s14 =	smul.u32 $0x28000, s9;
	s7 =	sshrl.u32 s25, $0x3;
	s5 =	sshrl.u32 s5, $0x3  }
0xb: {  	s26 =	sshrl.u32 s6, $0x1;
	s21 =	sor.u32 s11, s8;
	s7 =	sadd.s32 s7, s0  }
0xc: {  	s10 =	sadd.s32 s5, s0;
	s18 =	ssub.s32 s6, s26;
	s11 =	smul.u32 $0x2800, s21  }
0xd: {  	s5 =	sadd.s32 s25, s2;
	s15 =	smul.u32 $0x500, s21;
	s4 =	sadd.s32 s25, s14  }
0xe: {  	v0 =	vimm.f32 $0.0e+00;
	vm0 =	vmmov $0x1;
	s14 =	sadd.s32 $0x15940, s0;
	p0 =	seq.s32 s21, $0x1F;
	s26 =	simm.s32 $0x5000  }
0xf: {  	vm1 =	vcmask $0x308;
	vm2 =	vcmask $0x70C;
	vm3 =	vcmask $0xB10;
	s6 =	sadd.s32 $0x15C00, s7;
	s7 =	sadd.s32 $0x1AC00, s7;
	s8 =	sadd.s32 $0x20600, s10  }
0x10: {  	vm4 =	vcmask $0xF14;
	vm5 =	vcmask $0x1318;
	vm6 =	vcmask $0x171C;
	s9 =	sadd.s32 $0x20B00, s10;
	s10 =	sadd.s32 s25, s3;
	s4 =	sshrl.u32 s4, $0x3  }
0x11: {  	vm7 =	vcmask $0x1B20;
	vm8 =	vcmask $0x1F24;
	vm9 =	vcmask $0x2328;
	s18 =	smax.u32 s18, $0x1;
	s25 =	simm.s32 $0x100;
	s11 =	sshrl.u32 s11, $0x3  }
0x12: {  	vm10 =	vcmask $0x272C;
	vm11 =	vcmask $0x2B30;
	vm12 =	vcmask $0x2F34;
	s16 =	sadd.s32 s1, s4;
	s11 =	sadd.s32 s12, s11;
	s12 =	sadd.s32 s12, s15  }
0x13: {  	vm13 =	vcmask $0x3338;
	vm14 =	vcmask $0x373C;
	vm15 =	vmmov $0x7fff;
	s15 =	sadd.s32 $0xBD00, s0;
	s0 =	simm.s32 $0x0;
	s11 =	sadd.s32 $0x9C40, s11  }
.LBB2_1:
0x14: {  	s1 =	simm.s32 $0x40;
	s4 =	simm.s32 $0x0  }
.LBB2_2:
0x15: {  	p1 =	sne.s32 s1, $0x9FC0;
	[tilespmem:s4+$0xC000] =	vst v0;
	s4 =	smov.u32 s1;
	s1 =	sadd.s32 $0x40, s1  }
.Ltmp0:
0x16: {  	(pc) =	sbr.rel @p1 .LBB2_2-.Ltmp0, $2  }
0x17: {  	_ =	sdelay $0x2  }
0x18: {  	s4 =	sshra.s32 s4, $0x2  }
0x19: {  	[tilespmem:s4+$0xC000] =	vst v0  }
0x1a: {  	[spmem:s5] =	stream.linear.scatter [tilespmem:s19], [sflag:$0x3], $0x2800, $0x38;
	[tilespmem:$0x16500] =	vst v63  }
0x1b: {  	_ =	swait.ge [sflag:s20], $0x2800  }
0x1c: {  	[sflag:s20] =	ssyncset.done $0x0  }
0x1d: {  	s1 =	simm.s32 $0x0;
	s23 =	simm.s32 $0xE800;
	[sflag:s20] =	ssyncadd.s32 $0xFFFFD800  }
0x1e: {  	[tilespmem:s23], [sflag:$0x3] =	stream.linear.gather [hbm4b:s6+s1], $0x2800, $0x38;
	[tilespmem:$0x16500] =	vst v63  }
0x1f: {  	_ =	swait.ge [sflag:s20], $0x2800  }
0x20: {  	[sflag:s20] =	ssyncset.done $0x0  }
0x21: {  	s24 =	simm.s32 $0x11000;
	[sflag:s20] =	ssyncadd.s32 $0xFFFFD800  }
0x22: {  	[tilespmem:s24], [sflag:$0x3] =	stream.linear.gather [hbm4b:s7+s1], $0x2800, $0x38;
	[tilespmem:$0x16500] =	vst v63  }
0x23: {  	_ =	swait.ge [sflag:s20], $0x2800  }
0x24: {  	[sflag:s20] =	ssyncset.done $0x0  }
0x25: {  	s4 =	simm.s32 $0x13800;
	[sflag:s20] =	ssyncadd.s32 $0xFFFFD800  }
0x26: {  	[tilespmem:s4], [sflag:$0x3] =	stream.linear.gather [hbm4b:s8+s1], $0x280, $0x38;
	[tilespmem:$0x16500] =	vst v63  }
0x27: {  	_ =	swait.ge [sflag:s20], $0x280  }
0x28: {  	[sflag:s20] =	ssyncset.done $0x0  }
0x29: {  	s21 =	simm.s32 $0x13A80;
	[sflag:s20] =	ssyncadd.s32 $0xFFFFFD80  }
0x2a: {  	[tilespmem:s21], [sflag:$0x3] =	stream.linear.gather [hbm4b:s9+s1], $0x280, $0x38;
	[tilespmem:$0x16500] =	vst v63  }
0x2b: {  	_ =	swait.ge [sflag:s20], $0x280  }
0x2c: {  	[sflag:s20] =	ssyncset.done $0x0  }
0x2d: {  	[sflag:s20] =	ssyncadd.s32 $0xFFFFFD80  }
.LBB2_4:
0x2e: {  	v1 =	vld [tilespmem:s4+$0x0]  }
0x2f: {  	v2 =	vld [tilespmem:s4+$0x280];
	_ =	sdelay $0x4  }
0x30: {  	v1 =	vadd.f32 v2, v1;
	_ =	sdelay $0x1  }
0x31: {  	v1 =	vmax.f32 v1, $1.000000000e+00  }
0x32: {  	(erf) = vrcp.f32 v1;
	_ =	sdelay $0x7  }
0x33: {  	s21 =	sshra.s32 s1, $0x2  }
0x34: {  	v3 =	vld [tilespmem:s21+$0xE810];
	v5 =	vpop (erf)  }
0x35: {  	v4 =	vld [tilespmem:s21+$0x11010];
	v7 =	vnsel vm0, $0x0, v5  }
0x36: {  	v6 =	vld [tilespmem:s21+$0xE820];
	(xrf2) =	vadd.scan.msk.f32 $0xffff, v7  }
0x37: {  	v8 =	vld [tilespmem:s21+$0x11020]  }
0x38: {  	v48 =	vld [tilespmem:s21+$0xE830]  }
0x39: {  	v9 =	vld [tilespmem:s21+$0x11030]  }
0x3a: {  	v11 =	vld [tilespmem:s21+$0xE840];
	v10 =	vsel vm1, $0x0, v5  }
0x3b: {  	v2 =	vld [tilespmem:s21+$0x11000];
	(xrf2) =	vadd.scan.msk.f32 $0xffff, v10  }
0x3c: {  	v1 =	vld [tilespmem:s21+$0xE800]  }
0x3d: {  	v49 =	vld [tilespmem:s21+$0x11040]  }
0x3e: {  	v12 =	vld [tilespmem:s21+$0xE850]  }
0x3f: {  	v14 =	vld [tilespmem:s21+$0x11050];
	v13 =	vsel vm2, $0x0, v5  }
0x40: {  	v15 =	vld [tilespmem:s21+$0xE860];
	v50 =	vsel vm3, $0x0, v5;
	(xrf2) =	vadd.scan.msk.f32 $0xffff, v13;
	v19, _, _ =	vpop (xrf2)  }
0x41: {  	v16 =	vld [tilespmem:s21+$0x11060];
	v1 =	vadd.f32 v2, v1;
	v51 =	vsel vm4, $0x0, v5;
	(xrf2) =	vadd.scan.msk.f32 $0xffff, v50;
	v2 =	vbroadcast v19, $0xF  }
0x42: {  	v17 =	vld [tilespmem:s21+$0xE870];
	v52 =	vsel vm5, $0x0, v5;
	(xrf2) =	vadd.scan.msk.f32 $0xffff, v51  }
0x43: {  	v18 =	vld [tilespmem:s21+$0x11070];
	v53 =	vsel vm6, $0x0, v5;
	(xrf2) =	vadd.scan.msk.f32 $0xffff, v52  }
0x44: {  	v20 =	vld [tilespmem:s21+$0xE880];
	v54 =	vsel vm7, $0x0, v5;
	(xrf2) =	vadd.scan.msk.f32 $0xffff, v53  }
0x45: {  	v56 =	vld [tilespmem:s21+$0x11080];
	v55 =	vsel vm8, $0x0, v5;
	(xrf2) =	vadd.scan.msk.f32 $0xffff, v54;
	v1 =	vmul.f32 v2, v1;
	v2, _, _ =	vpop (xrf2)  }
0x46: {  	v21 =	vld [tilespmem:s21+$0xE890];
	v57 =	vsel vm9, $0x0, v5;
	(xrf2) =	vadd.scan.msk.f32 $0xffff, v55;
	v2 =	vbroadcast v2, $0xF  }
0x47: {  	v58 =	vld [tilespmem:s21+$0x11090];
	v22 =	vsel vm10, $0x0, v5;
	(xrf2) =	vadd.scan.msk.f32 $0xffff, v57  }
0x48: {  	v59 =	vld [tilespmem:s21+$0xE8A0];
	v3 =	vadd.f32 v4, v3;
	v60 =	vsel vm11, $0x0, v5;
	(xrf2) =	vadd.scan.msk.f32 $0xffff, v22  }
0x49: {  	v23 =	vld [tilespmem:s21+$0x110A0];
	v61 =	vsel vm12, $0x0, v5;
	(xrf2) =	vadd.scan.msk.f32 $0xffff, v60  }
0x4a: {  	v24 =	vld [tilespmem:s21+$0x110B0];
	v62 =	vsel vm13, $0x0, v5;
	[tilespmem:s21+$0x13D00] =	vst v1;
	(xrf2) =	vadd.scan.msk.f32 $0xffff, v61;
	v1 =	vmul.f32 v2, v3;
	v2, _, _ =	vpop (xrf2)  }
0x4b: {  	v27 =	vld [tilespmem:s21+$0xE8C0];
	v6 =	vadd.f32 v8, v6;
	v25 =	vsel vm14, $0x0, v5;
	v2 =	vbroadcast v2, $0xF;
	v63, _, _ =	vpop (xrf2);
	(xrf2) =	vadd.scan.msk.f32 $0xffff, v62  }
0x4c: {  	v30 =	vld [tilespmem:s21+$0x110C0];
	v5 =	vsel vm15, $0x0, v5;
	v7 =	vadd.f32 v9, v48;
	v8 =	vbroadcast v63, $0xF;
	v26, _, _ =	vpop (xrf2);
	(xrf2) =	vadd.scan.msk.f32 $0xffff, v25  }
0x4d: {  	v34 =	vld [tilespmem:s21+$0xE8D0];
	v28 =	vadd.f32 v49, v11;
	v2 =	vmul.f32 v6, v2;
	v9 =	vbroadcast v26, $0xF;
	v29, _, _ =	vpop (xrf2);
	(xrf2) =	vadd.scan.msk.f32 $0xffff, v5  }
0x4e: {  	v37 =	vld [tilespmem:s21+$0x110D0];
	v32 =	vadd.f32 v14, v12;
	[tilespmem:s21+$0x13D10] =	vst v1;
	v31, _, _ =	vpop (xrf2);
	v1 =	vmul.f32 v7, v8;
	v33 =	vbroadcast v29, $0xF  }
0x4f: {  	v36 =	vadd.f32 v16, v15;
	v3 =	vld [tilespmem:s21+$0xE8B0];
	v35, _, _ =	vpop (xrf2);
	[tilespmem:s21+$0x13D20] =	vst v2;
	v2 =	vmul.f32 v28, v9;
	v5 =	vbroadcast v31, $0xF  }
0x50: {  	v41 =	vld [tilespmem:s21+$0xE8E0];
	v39 =	vadd.f32 v18, v17;
	v38, _, _ =	vpop (xrf2);
	[tilespmem:s21+$0x13D30] =	vst v1;
	v1 =	vmul.f32 v32, v33;
	v40 =	vbroadcast v35, $0xF  }
0x51: {  	v45 =	vld [tilespmem:s21+$0x110E0];
	v43 =	vadd.f32 v56, v20;
	v42, _, _ =	vpop (xrf2);
	[tilespmem:s21+$0x13D40] =	vst v2;
	v2 =	vmul.f32 v36, v5;
	v44 =	vbroadcast v38, $0xF  }
0x52: {  	v47 =	vadd.f32 v58, v21;
	v49 =	vld [tilespmem:s21+$0xE8F0];
	v46, _, _ =	vpop (xrf2);
	[tilespmem:s21+$0x13D50] =	vst v1;
	v1 =	vmul.f32 v39, v40;
	v48 =	vbroadcast v42, $0xF  }
0x53: {  	v4 =	vadd.f32 v23, v59;
	v52 =	vld [tilespmem:s21+$0x110F0];
	v50, _, _ =	vpop (xrf2);
	[tilespmem:s21+$0x13D60] =	vst v2;
	v2 =	vmul.f32 v43, v44;
	v51 =	vbroadcast v46, $0xF  }
0x54: {  	v3 =	vadd.f32 v24, v3;
	v53, _, _ =	vpop (xrf2);
	[tilespmem:s21+$0x13D70] =	vst v1;
	v1 =	vmul.f32 v47, v48;
	v54 =	vbroadcast v50, $0xF  }
0x55: {  	v56 =	vadd.f32 v30, v27;
	v55, _, _ =	vpop (xrf2);
	[tilespmem:s21+$0x13D80] =	vst v2;
	v2 =	vmul.f32 v4, v51;
	v57 =	vbroadcast v53, $0xF  }
0x56: {  	v58, _, _ =	vpop (xrf2);
	[tilespmem:s21+$0x13D90] =	vst v1;
	v1 =	vmul.f32 v3, v54;
	v3 =	vadd.f32 v37, v34;
	v59 =	vbroadcast v55, $0xF  }
0x57: {  	p1 =	sne.s32 s1, $0x9C00;
	v60 =	vadd.f32 v45, v41;
	[tilespmem:s21+$0x13DA0] =	vst v2;
	v2 =	vmul.f32 v56, v57;
	v61 =	vbroadcast v58, $0xF;
	v62, _, _ =	vpop (xrf2)  }
.Ltmp1:
0x58: {  	[tilespmem:s21+$0x13DB0] =	vst v1;
	v1 =	vmul.f32 v3, v59;
	v3 =	vadd.f32 v52, v49;
	v63 =	vbroadcast v62, $0xF;
	(pc) =	sbr.rel @p1 .LBB2_4-.Ltmp1, $4  }
0x59: {  	[tilespmem:s21+$0x13DC0] =	vst v2;
	v2 =	vmul.f32 v60, v61  }
0x5a: {  	[tilespmem:s21+$0x13DD0] =	vst v1;
	v1 =	vmul.f32 v3, v63  }
0x5b: {  	[tilespmem:s21+$0x13DE0] =	vst v2  }
0x5c: {  	s4 =	sadd.s32 $0x10, s4;
	s1 =	sadd.s32 $0x400, s1;
	[tilespmem:s21+$0x13DF0] =	vst v1  }
0x5d: {  	s1 =	simm.s32 $0x13D00  }
0x5e: {  	[spmem:s10] =	stream.linear.scatter [tilespmem:s1], [sflag:$0x3], $0x2800, $0x38;
	[tilespmem:$0x16500] =	vst v63  }
0x5f: {  	_ =	swait.ge [sflag:s20], $0x2800  }
0x60: {  	[sflag:s20] =	ssyncset.done $0x0  }
0x61: {  	s4 =	simm.s32 @p0 $0x5000;
	s1 =	simm.s32 @p0 $0x0;
	[sflag:s20] =	ssyncadd.s32 $0xFFFFD800  }
0x62: {  	[tilespmem:s4], [sflag:$0x3] =	stream.linear.gather @p0 [hbm4b:s14+s1], $0xA00, $0x38;
	[tilespmem:$0x16500] =	vst v63  }
0x63: {  	s4 =	simm.s32 @p0 $0x3  }
0x64: {  	_ =	swait.ge @p0 [sflag:s4], $0xA00  }
0x65: {  	[sflag:s4] =	ssyncset.done @p0 $0x0  }
0x66: {  	s21 =	simm.s32 @p0 $0x7800;
	[sflag:s4] =	ssyncadd.s32 @p0 $0xFFFFF600  }
0x67: {  	[tilespmem:s21], [sflag:$0x3] =	stream.linear.gather @p0 [hbm4b:s15+s1], $0xA00, $0x38;
	[tilespmem:$0x16500] =	vst v63  }
0x68: {  	_ =	swait.ge @p0 [sflag:s4], $0xA00  }
0x69: {  	[sflag:s4] =	ssyncset.done @p0 $0x0  }
0x6a: {  	s1 =	simm.s32 @!p0 $0x0;
	[sflag:s4] =	ssyncadd.s32 @p0 $0xFFFFF600;
	s4 =	simm.s32 @!p0 $0x5000  }
0x6b: {  	[tilespmem:s4], [sflag:$0x3] =	stream.linear.gather @!p0 [hbm4b:s11+s1], $0x2800, $0x38;
	[tilespmem:$0x16500] =	vst v63  }
0x6c: {  	s4 =	simm.s32 @!p0 $0x3  }
0x6d: {  	_ =	swait.ge @!p0 [sflag:s4], $0x2800  }
0x6e: {  	[sflag:s4] =	ssyncset.done @!p0 $0x0  }
0x6f: {  	s21 =	simm.s32 @!p0 $0x7800;
	[sflag:s4] =	ssyncadd.s32 @!p0 $0xFFFFD800  }
0x70: {  	[tilespmem:s21], [sflag:$0x3] =	stream.linear.gather @!p0 [hbm4b:s12+s1], $0x2800, $0x38;
	[tilespmem:$0x16500] =	vst v63  }
0x71: {  	s1 =	simm.s32 @!p0 $0x28  }
0x72: {  	_ =	swait.ge @!p0 [sflag:s4], $0x2800;
	s1 =	simm.s32 @p0 $0xA  }
0x73: {  	[sflag:s4] =	ssyncset.done @!p0 $0x0;
	s24 =	sshrl.u32 s1, $0x1  }
0x74: {  	[sflag:s4] =	ssyncadd.s32 @!p0 $0xFFFFD800;
	s4 =	sadd.s32 $0xFFFFFFFF, s24  }
0x75: {  	s23 =	sadd.s32 $0xFFFFFFFF, s4  }
0x76: {  	p2 =	sne.s32 s23, $0x0  }
.Ltmp2:
0x77: {  	_ = 	snop;
	(pc) =	sbr.rel @!p2 .LBB2_9-.Ltmp2, $4  }
0x78: {  	_ = 	snop  }
0x79: {  	s22 =	simm.s32 $0x2;
	p1 =	por $0x0, $0x0  }
0x7a: {  	s21 =	simm.s32 $0x5200;
	[bflag:$0x0] =	sbarrier.arrive $0xFFFF;
	s4 =	simm.s32 $0x7900  }
0x7b: {  	[tilespmem:s28], [sflag:$0x1] =	stream.indirect.gather [spmem:s3], $0x10, s26, s25, $0xb8;
	[tilespmem:$0x16500] =	vst v63  }
0x7c: {  	s22 =	simm.s32 $0x5100  }
0x7d: {  	[tilespmem:s29], [sflag:$0x2] =	stream.indirect.gather [spmem:s3], $0x10, s22, s25, $0xb8;
	[tilespmem:$0x16500] =	vst v63  }
0x7e: {  	_ =	swait.ge [sflag:s30], $0x1000  }
0x7f: {  	[sflag:s30] =	ssyncset.done $0x0  }
0x80: {  	s24 =	simm.s32 $0x7800;
	[sflag:s30] =	ssyncadd.s32 $0xFFFFF000  }
0x81: {  	[spmem:s2] =	stream.indirect.scatter.add.f32 [tilespmem:s28], [sflag:$0x3], $0x10, s24, s25, $0xb8;
	[tilespmem:$0x16500] =	vst v63  }
0x82: {  	_ =	swait.ge [sflag:s20], $0x1000  }
0x83: {  	p1 =	sle.u32 s1, $0x2;
	s23 =	sadd.s32 $0xFFFFFFFF, s23;
	[sflag:s20] =	ssyncset.done $0x0  }
0x84: {  	s22 =	simm.s32 @!p1 $0x100;
	s24 =	simm.s32 @!p1 $0xA000;
	[sflag:s20] =	ssyncadd.s32 $0xFFFFF000  }
0x85: {  	[tilespmem:s24], [sflag:$0x1] =	stream.indirect.gather @!p1 [spmem:s3], $0x10, s21, s22, $0xb8;
	[tilespmem:$0x16500] =	vst v63  }
0x86: {  	p2 =	sne.s32 s23, $0x0;
	_ =	swait.ge [sflag:s31], $0x1000  }
.Ltmp3:
0x87: {  	[sflag:s31] =	ssyncset.done $0x0;
	(pc) =	sbr.rel @!p2 .LBB2_9-.Ltmp3, $4  }
0x88: {  	[sflag:s31] =	ssyncadd.s32 $0xFFFFF000  }
0x89: {  	[spmem:s2] =	stream.indirect.scatter.add.f32 [tilespmem:s29], [sflag:$0x3], $0x10, s4, s25, $0xb8;
	[tilespmem:$0x16500] =	vst v63  }
0x8a: {  	s21 =	simm.s32 $0x5400;
	s22 =	simm.s32 $0x4;
	_ =	swait.ge [sflag:s20], $0x1000  }
0x8b: {  	p1 =	por $0x1, $0x1;
	s4 =	simm.s32 $0x7B00;
	[sflag:s20] =	ssyncset.done $0x0  }
.LBB2_7:
0x8c: {  	s23 =	sadd.s32 $0xFFFFFFFF, s23;
	s13 =	sadd.s32 $0xFFFFFF00, s21;
	[sflag:s20] =	ssyncadd.s32 $0xFFFFF000  }
0x8d: {  	[tilespmem:s29], [sflag:$0x2] =	stream.indirect.gather [spmem:s3], $0x10, s13, s25, $0xb8;
	[tilespmem:$0x16500] =	vst v63  }
0x8e: {  	p2 =	sne.s32 s23, $0x0;
	_ =	swait.ge [sflag:s30], $0x1000  }
0x8f: {  	[sflag:s30] =	ssyncset.done $0x0  }
0x90: {  	s13 =	sadd.s32 $0xFFFFFF00, s4;
	[sflag:s30] =	ssyncadd.s32 $0xFFFFF000  }
0x91: {  	[spmem:s2] =	stream.indirect.scatter.add.f32 [tilespmem:s28], [sflag:$0x3], $0x10, s13, s25, $0xb8;
	[tilespmem:$0x16500] =	vst v63  }
0x92: {  	_ =	swait.ge [sflag:s20], $0x1000  }
0x93: {  	p3 =	sge.u32 s22, s1;
	[sflag:s20] =	ssyncset.done $0x0  }
0x94: {  	s17 =	simm.s32 @!p3 $0xA000;
	s13 =	simm.s32 @!p3 $0x100;
	[sflag:s20] =	ssyncadd.s32 $0xFFFFF000  }
0x95: {  	[tilespmem:s17], [sflag:$0x1] =	stream.indirect.gather @!p3 [spmem:s3], $0x10, s21, s13, $0xb8;
	[tilespmem:$0x16500] =	vst v63  }
0x96: {  	_ =	swait.ge [sflag:s31], $0x1000  }
.Ltmp4:
0x97: {  	[sflag:s31] =	ssyncset.done $0x0;
	(pc) =	sbr.rel @p2 .LBB2_7-.Ltmp4, $4  }
0x98: {  	s22 =	sadd.s32 $0x2, s22;
	[sflag:s31] =	ssyncadd.s32 $0xFFFFF000  }
0x99: {  	[spmem:s2] =	stream.indirect.scatter.add.f32 [tilespmem:s29], [sflag:$0x3], $0x10, s4, s25, $0xb8;
	[tilespmem:$0x16500] =	vst v63  }
0x9a: {  	s13 =	sadd.s32 $0x200, s4;
	s17 =	sadd.s32 $0x200, s21;
	_ =	swait.ge [sflag:s20], $0x1000  }
0x9b: {  	s21 =	smov.u32 s17;
	s4 =	smov.u32 s13;
	[sflag:s20] =	ssyncset.done $0x0  }
0x9c: {  	s21 =	smov.u32 s17;
	s4 =	smov.u32 s13  }
.LBB2_9:
0x9d: {  	s23 =	sadd.s32 $0xFFFFFF00, s21;
	[sflag:s20] =	ssyncadd.s32 @p1 $0xFFFFF000  }
0x9e: {  	[tilespmem:s29], [sflag:$0x2] =	stream.indirect.gather [spmem:s3], $0x10, s23, s25, $0xb8;
	[tilespmem:$0x16500] =	vst v63  }
0x9f: {  	_ =	swait.ge [sflag:s30], $0x1000  }
0xa0: {  	[sflag:s30] =	ssyncset.done $0x0  }
0xa1: {  	s24 =	sadd.s32 $0xFFFFFF00, s4;
	[sflag:s30] =	ssyncadd.s32 $0xFFFFF000  }
0xa2: {  	[spmem:s2] =	stream.indirect.scatter.add.f32 [tilespmem:s28], [sflag:$0x3], $0x10, s24, s25, $0xb8;
	[tilespmem:$0x16500] =	vst v63  }
0xa3: {  	_ =	swait.ge [sflag:s20], $0x1000  }
0xa4: {  	p1 =	sge.u32 s22, s1;
	[sflag:s20] =	ssyncset.done $0x0  }
0xa5: {  	s23 =	simm.s32 @!p1 $0x100;
	s24 =	simm.s32 @!p1 $0xA000;
	[sflag:s20] =	ssyncadd.s32 $0xFFFFF000  }
0xa6: {  	[tilespmem:s24], [sflag:$0x1] =	stream.indirect.gather @!p1 [spmem:s3], $0x10, s21, s23, $0xb8;
	[tilespmem:$0x16500] =	vst v63  }
0xa7: {  	_ =	swait.ge [sflag:s31], $0x1000  }
0xa8: {  	[sflag:s31] =	ssyncset.done $0x0  }
0xa9: {  	[sflag:s31] =	ssyncadd.s32 $0xFFFFF000  }
0xaa: {  	[spmem:s2] =	stream.indirect.scatter.add.f32 [tilespmem:s29], [sflag:$0x3], $0x10, s4, s25, $0xb8;
	[tilespmem:$0x16500] =	vst v63  }
0xab: {  	_ =	swait.ge [sflag:s20], $0x1000  }
0xac: {  	[sflag:s20] =	ssyncset.done $0x0  }
0xad: {  	s24 =	sadd.s32 $0x100, s17;
	[sflag:s20] =	ssyncadd.s32 $0xFFFFF000  }
0xae: {  	[tilespmem:s29], [sflag:$0x2] =	stream.indirect.gather [spmem:s3], $0x10, s24, s25, $0xb8;
	[tilespmem:$0x16500] =	vst v63  }
0xaf: {  	_ =	swait.ge [sflag:s30], $0x1000  }
0xb0: {  	[sflag:s30] =	ssyncset.done $0x0  }
0xb1: {  	s24 =	sadd.s32 $0x100, s13;
	[sflag:s30] =	ssyncadd.s32 $0xFFFFF000  }
0xb2: {  	[spmem:s2] =	stream.indirect.scatter.add.f32 [tilespmem:s28], [sflag:$0x3], $0x10, s24, s25, $0xb8;
	[tilespmem:$0x16500] =	vst v63  }
0xb3: {  	s24 =	sadd.s32 $0x2, s22;
	_ =	swait.ge [sflag:s20], $0x1000  }
0xb4: {  	s21 =	sadd.s32 $0x200, s21;
	p1 =	sge.u32 s24, s1;
	[sflag:s20] =	ssyncset.done $0x0  }
0xb5: {  	s1 =	simm.s32 @!p1 $0x100;
	s22 =	simm.s32 @!p1 $0xA000;
	[sflag:s20] =	ssyncadd.s32 $0xFFFFF000  }
0xb6: {  	[tilespmem:s22], [sflag:$0x1] =	stream.indirect.gather @!p1 [spmem:s3], $0x10, s21, s1, $0xb8;
	[tilespmem:$0x16500] =	vst v63  }
0xb7: {  	_ =	swait.ge [sflag:s31], $0x1000  }
0xb8: {  	[sflag:s31] =	ssyncset.done $0x0  }
0xb9: {  	s23 =	sadd.s32 $0x200, s4;
	[sflag:s31] =	ssyncadd.s32 $0xFFFFF000  }
0xba: {  	[spmem:s2] =	stream.indirect.scatter.add.f32 [tilespmem:s29], [sflag:$0x3], $0x10, s23, s25, $0xb8;
	[tilespmem:$0x16500] =	vst v63  }
0xbb: {  	_ =	swait.ge [sflag:s20], $0x1000  }
0xbc: {  	[sflag:s20] =	ssyncset.done $0x0  }
0xbd: {  	[sflag:s20] =	ssyncadd.s32 $0xFFFFF000  }
0xbe: {  	[bflag:$0x0] =	sbarrier.arrive $0xFFFF  }
0xbf: {  	[tilespmem:s19], [sflag:$0x3] =	stream.linear.gather [spmem:s5], $0x2800, $0x38;
	[tilespmem:$0x16500] =	vst v63  }
0xc0: {  	s0 =	sadd.s32 $0x1, s0;
	_ =	swait.ge [sflag:s20], $0x2800  }
0xc1: {  	p1 =	sne.s32 s0, s18;
	[sflag:s20] =	ssyncset.done $0x0  }
.Ltmp5:
0xc2: {  	s24 =	simm.s32 $0x0;
	[sflag:s20] =	ssyncadd.s32 $0xFFFFD800;
	(pc) =	sbr.rel @p1 .LBB2_1-.Ltmp5, $4  }
0xc3: {  	[hbm4b:s16+s24] =	stream.linear.scatter [tilespmem:s19], [sflag:$0x3], $0x2800, $0x38;
	[tilespmem:$0x16500] =	vst v63  }
0xc4: {  	_ =	swait.ge [sflag:s20], $0x2800  }
0xc5: {  	[sflag:s20] =	ssyncset.done $0x0  }
0xc6: {  	[sflag:s20] =	ssyncadd.s32 $0xFFFFD800  }
0xc7: {  	_ =	sfence.sel $0x180000  }
0xc8: {  	[bflag:$0x0] =	sbarrier.arrive $0xFFFF  }
0xc9: {  	_ =	strace $0x90000050  }
0xca: {  	s0 =	stileid.u32;
	[bflag:$0x2] =	sbarrier.arrive $0xFFFF  }
0xcb: {  	p0 =	sne.s32 s0, $0x0;
	s0 =	rddreg [dreg:$0x4]  }
0xcc: {  	s0 =	sadd.s32 @!p0 $0x100000, s0  }
0xcd: {  	[sflag:s0] =	ssyncadd.tile.s32 @!p0 $0x1;
	_ =	shalt  }
.Lfunc_end2:
_tile_overlayer_lowered:
.L_overlay_start_2:
0xce: {  	(tag) =	ssettag $0x2  }
0xcf: {  	s0 =	rddreg [dreg:$0x0];
	s2 =	stileid.u32  }
0xd0: {  	s1 =	rddreg [dreg:$0x1];
	p0 =	sne.s32 s2, $0x0  }
0xd1: {  	s3 =	rddreg [dreg:$0x2];
	[bflag:$0x3] =	sbarrier.arrive $0xFFFF;
	s2 =	simm.s32 @!p0 $0x1C03  }
0xd2: {  	[timem:s3], [sflag:s2] =	dma.local @!p0 [hbm:s0], s1  }
0xd3: {  	s0 =	simm.s32 @!p0 $0x3  }
0xd4: {  	_ =	swait.ge @!p0 [sflag:s0], s1  }
0xd5: {  	s1 =	ssub.s32 @!p0 $0x0, s1;
	[sflag:s0] =	ssyncset.done @!p0 $0x0  }
0xd6: {  	[sflag:s0] =	ssyncadd.s32 @!p0 s1  }
0xd7: {  	[bflag:$0x3] =	sbarrier.arrive $0xFFFF  }
0xd8: {  	_ =	shalt  }

// kernel: kernel.8.cloned.1.call-start
scs
__scs_entry_jumppad:
0x0: {  	(pc) =	sbr.rel $0x88, $3  }
0x1: {  	(tag) =	ssettag $0x0;
	lr =	simm.s32 $0x1  }
0x2: {  	[smem:$0x3F9B] =	sst lr;
	_ =	strace $0xD0000000  }
0x3: {  	_ = 	snop  }
0x4: {  	_ = 	snop  }
0x5: {  	_ = 	snop  }
0x6: {  	_ = 	snop  }
0x7: {  	_ = 	snop  }
__scs_overlays_trampoline_lowered:
0x8: {  	[smem:$0x3FAA] =	sst s0  }
0x9: {  	[smem:$0x3FAB] =	sst s1  }
0xa: {  	[smem:$0x3FAC] =	sst s2  }
0xb: {  	[smem:$0x3FAD] =	sst s3  }
0xc: {  	[smem:$0x3FAE] =	sst s4  }
0xd: {  	[smem:$0x3FAF] =	sst s5  }
0xe: {  	[smem:$0x3FB0] =	sst s6  }
0xf: {  	[smem:$0x3FB1] =	sst s7  }
0x10: {  	[smem:$0x3FB2] =	sst s8  }
0x11: {  	[smem:$0x3FB3] =	sst s9;
	s0 =	simm.s32 @!p0 $0x0  }
0x12: {  	s1 =	sld [smem:$0x3F99];
	s0 =	simm.s32 @p0 $0x1  }
0x13: {  	[smem:$0x3FB4] =	sst s0;
	s0 =	simm.s32 @!p1 $0x0  }
0x14: {  	s2 =	sld [smem:$0x3F98];
	s0 =	simm.s32 @p1 $0x1  }
0x15: {  	[smem:$0x3FB5] =	sst s0;
	s0 =	simm.s32 @!p2 $0x0  }
0x16: {  	s3 =	sld [smem:$0x3FDB];
	s0 =	simm.s32 @p2 $0x1  }
0x17: {  	s4 =	simm.s32 $0x1BF5;
	[smem:$0x3FB7] =	sst s0  }
0x18: {  	s0 =	sld [smem:$0x3F9A];
	_ =	swait.ge [sflag:s4], $0x0  }
0x19: {  	s7 =	sld [smem:$0x3F9B]  }
0x1a: {  	s8 =	sadd.s32 $0xFFFFE003, lr  }
0x1b: {  	s9 =	sadd.s32 $0xFFFFFEF7, lr;
	s5 =	simm.s32 $0xFFFFFFFF;
	p2 =	slt.u32 s8, $0xFFFFF086  }
0x1c: {  	p1 =	slt.u32 s9, $0xF7A;
	s5 =	simm.s32 @!p2 $0x0  }
0x1d: {  	s5 =	simm.s32 @p1 $0x1;
	p0 =	seq.s32 s7, s2  }
0x1e: {  	s7 =	smul.u32 @!p0 $0xF7A, s2;
	p2 =	seq.s32 @!p0 s5, $0x0  }
0x1f: {  	s9 =	smul.u32 $0xF7A, s1;
	s8 =	simm.s32 @!p0 $0x1BF5;
	p2 =	por !p2, p0  }
0x20: {  	[sflag:s8] =	ssyncset.s32 @!p0 $0xFFFFF086;
	s6 =	sadd.s32 @!p0 s3, s7;
	s7 =	simm.s32 @!p0 $0x108  }
0x21: {  	s3 =	sadd.s32 s3, s9;
	s6 =	sadd.s32 @!p0 $0x88, s6;
	s7 =	simm.s32 @p2 $0x1082  }
0x22: {  	[simem:s7], [sflag:s8] =	dma.local @!p0 [hbm:s6], $0xF7A  }
0x23: {  	s9 =	sor.u32 $0xD0000000, s2;
	s6 =	simm.s32 $0x108;
	_ =	swait.ge @!p0 [sflag:s8], $0x0  }
0x24: {  	s3 =	sadd.s32 $0x88, s3;
	s6 =	simm.s32 @!p1 $0x1082;
	[sflag:s4] =	ssyncset.s32 $0xFFFFF086  }
0x25: {  	[simem:s6], [sflag:s4] =	dma.local [hbm:s3], $0xF7A  }
0x26: {  	[smem:$0x3F9B] =	sst s1;
	(tag) =	ssettag s2;
	_ =	strace s9  }
0x27: {  	s1 =	sld [smem:$0x3FAB]  }
0x28: {  	s2 =	sld [smem:$0x3FAC]  }
0x29: {  	s4 =	sld [smem:$0x3FAE]  }
0x2a: {  	p0 =	seq.s32 s5, $0x0;
	s5 =	sld [smem:$0x3FAF]  }
0x2b: {  	s6 =	sld [smem:$0x3FB0]  }
0x2c: {  	s7 =	sld [smem:$0x3FB1]  }
0x2d: {  	s3 =	simm.s32 $0x108;
	s8 =	sld [smem:$0x3FB2]  }
0x2e: {  	s3 =	simm.s32 @!p0 $0x1082;
	s9 =	sld [smem:$0x3FB3]  }
0x2f: {  	lr =	sadd.s32 s0, s3;
	s0 =	sld [smem:$0x3FAA]  }
0x30: {  	s3 =	sld [smem:$0x3FAD]  }
0x31: {  	[smem:$0x3FB6] =	sst s10  }
0x32: {  	s10 =	sld [smem:$0x3FB4];
	_ =	sdelay $0x3  }
0x33: {  	p0 =	seq.s32 s10, $0x1;
	s10 =	sld [smem:$0x3FB6];
	_ =	sdelay $0x3  }
0x34: {  	[smem:$0x3FB6] =	sst s10  }
0x35: {  	s10 =	sld [smem:$0x3FB5];
	_ =	sdelay $0x3  }
0x36: {  	p1 =	seq.s32 s10, $0x1;
	s10 =	sld [smem:$0x3FB6];
	_ =	sdelay $0x3  }
0x37: {  	[smem:$0x3FB6] =	sst s10  }
0x38: {  	s10 =	sld [smem:$0x3FB7]  }
0x39: {  	_ = 	snop;
	(pc) =	sbr.ind lr, $3  }
0x3a: {  	_ = 	snop  }
0x3b: {  	_ = 	snop  }
0x3c: {  	p2 =	seq.s32 s10, $0x1;
	s10 =	sld [smem:$0x3FB6]  }
0x3d: {  	_ =	shalt  }
0x3e: {  	_ =	shalt  }
0x3f: {  	_ =	shalt  }
0x40: {  	_ =	shalt  }
0x41: {  	_ =	shalt  }
0x42: {  	_ =	shalt  }
0x43: {  	_ =	shalt  }
0x44: {  	_ =	shalt  }
0x45: {  	_ =	shalt  }
0x46: {  	_ =	shalt  }
0x47: {  	_ =	shalt  }
0x48: {  	_ =	shalt  }
0x49: {  	_ =	shalt  }
0x4a: {  	_ =	shalt  }
0x4b: {  	_ =	shalt  }
0x4c: {  	_ =	shalt  }
0x4d: {  	_ =	shalt  }
0x4e: {  	_ =	shalt  }
0x4f: {  	_ =	shalt  }
0x50: {  	_ =	shalt  }
0x51: {  	_ =	shalt  }
0x52: {  	_ =	shalt  }
0x53: {  	_ =	shalt  }
0x54: {  	_ =	shalt  }
0x55: {  	_ =	shalt  }
0x56: {  	_ =	shalt  }
0x57: {  	_ =	shalt  }
0x58: {  	_ =	shalt  }
0x59: {  	_ =	shalt  }
0x5a: {  	_ =	shalt  }
0x5b: {  	_ =	shalt  }
0x5c: {  	_ =	shalt  }
0x5d: {  	_ =	shalt  }
0x5e: {  	_ =	shalt  }
0x5f: {  	_ =	shalt  }
0x60: {  	_ =	shalt  }
0x61: {  	_ =	shalt  }
0x62: {  	_ =	shalt  }
0x63: {  	_ =	shalt  }
0x64: {  	_ =	shalt  }
0x65: {  	_ =	shalt  }
0x66: {  	_ =	shalt  }
0x67: {  	_ =	shalt  }
0x68: {  	_ =	shalt  }
0x69: {  	_ =	shalt  }
0x6a: {  	_ =	shalt  }
0x6b: {  	_ =	shalt  }
0x6c: {  	_ =	shalt  }
0x6d: {  	_ =	shalt  }
0x6e: {  	_ =	shalt  }
0x6f: {  	_ =	shalt  }
0x70: {  	_ =	shalt  }
0x71: {  	_ =	shalt  }
0x72: {  	_ =	shalt  }
0x73: {  	_ =	shalt  }
0x74: {  	_ =	shalt  }
0x75: {  	_ =	shalt  }
0x76: {  	_ =	shalt  }
0x77: {  	_ =	shalt  }
0x78: {  	_ =	shalt  }
0x79: {  	_ =	shalt  }
0x7a: {  	_ =	shalt  }
0x7b: {  	_ =	shalt  }
0x7c: {  	_ =	shalt  }
0x7d: {  	_ =	shalt  }
0x7e: {  	_ =	shalt  }
0x7f: {  	_ =	shalt  }
0x80: {  	_ =	shalt  }
0x81: {  	_ =	shalt  }
0x82: {  	_ =	shalt  }
0x83: {  	_ =	shalt  }
0x84: {  	_ =	shalt  }
0x85: {  	_ =	shalt  }
0x86: {  	_ =	shalt  }
0x87: {  	_ =	shalt  }
.Lfunc_end0:
.L_simem_size_0:
called_computation_lowered:
.L_overlay_start_0:
0x88: {  	s2 =	sld [smem:$0x3FD9]  }
0x89: {  	s3 =	sld [smem:$0x3FFE];
	_ =	sdelay $0x1  }
0x8a: {  	s1 =	srdreg.scid  }
0x8b: {  	s0 =	sand.u32 $0x1, s1  }
0x8c: {  	s17 =	sshll.u32 s0, $0xA;
	s2 =	sadd.s32 s3, s2  }
0x8d: {  	s2 =	sadd.s32 s2, s17  }
0x8e: {  	[smem:$0x3FC2] =	sst s2  }
0x8f: {  	_ = 	snop  }
0x90: {  	s2 =	sld [smem:$0x3FD0];
	(tm) =	ssettm $0x1  }
0x91: {  	s18 =	sld [smem:$0x3FFB];
	_ =	sdelay $0x3  }
0x92: {  	_ =	strace s18  }
0x93: {  	s3 =	sld [smem:$0x3FFC];
	_ =	sdelay $0x3  }
0x94: {  	_ =	strace s3  }
0x95: {  	s3 =	sld [smem:$0x3FFD];
	_ =	sdelay $0x3  }
0x96: {  	_ =	strace s3  }
0x97: {  	_ =	strace $0x8FFFFFFF  }
0x98: {  	s19 =	sld [smem:$0x3FDB];
	_ =	sdelay $0x1  }
0x99: {  	s4 =	simm.s32 $_scs_section_size  }
0x9a: {  	s5 =	simm.s32 $_size__tile_overlayer_lowered;
	s6 =	simm.s32 $_tile_overlayer_lowered  }
0x9b: {  	s22 =	simm.s32 $0x1BFF;
	s21 =	sshll.u32 s6, $0x1;
	s3 =	sadd.s32 s4, s19  }
0x9c: {  	s7 =	simm.s32 $0x0;
	s20 =	sshll.u32 s5, $0x1;
	s5 =	sadd.s32 s21, s3  }
0x9d: {  	[timem:s7], [sflag:s22] =	dma.local [hbm:s5], s20  }
0x9e: {  	_ =	swait.ge [sflag:s22], s20  }
0x9f: {  	s4 =	ssub.s32 $0x0, s20;
	[sflag:s22] =	ssyncset.done $0x0  }
0xa0: {  	[sflag:s22] =	ssyncadd.s32 s4;
	_ =	sdelay $0x1  }
0xa1: {  	s23 =	simm.s32 $0x1B8B  }
0xa2: {  	_ =	swait.ge [sflag:s23], $0x1  }
0xa3: {  	[sflag:s23] =	ssyncset.done $0x0  }
0xa4: {  	s25 =	simm.s32 $0x1B8E;
	s24 =	sld [smem:$0x3FFE];
	[sflag:s23] =	ssyncadd.s32 $0xFFFFFFFF  }
0xa5: {  	s26 =	simm.s32 $execute0_lowered;
	[smem:$0x3FD2] =	sst s25  }
0xa6: {  	s5 =	sshll.u32 s26, $0x1;
	_ =	strace $0x80000046;
	[dreg:$0x1] =	wrdreg $0xFFFFFFFF  }
0xa7: {  	s28 =	simm.s32 $_size_execute0_lowered;
	s3 =	sadd.s32 s3, s5;
	[dreg:$0x0] =	wrdreg $0x0  }
0xa8: {  	s5 =	sshll.u32 s28, $0x1;
	[dreg:$0x2] =	wrdreg s3  }
0xa9: {  	[dreg:$0x3] =	wrdreg s5  }
0xaa: {  	[dreg:$0x4] =	wrdreg $0xC0  }
0xab: {  	_ =	task [dreg:s7], $0x5FFFF  }
0xac: {  	[dreg:$0x1] =	wrdreg $0xFFFFFFFF  }
0xad: {  	[dreg:$0x0] =	wrdreg $0x60  }
0xae: {  	[dreg:$0x2] =	wrdreg s2  }
0xaf: {  	[dreg:$0x3] =	wrdreg s24  }
0xb0: {  	[dreg:$0x4] =	wrdreg $0x28000  }
0xb1: {  	[dreg:$0x5] =	wrdreg $0x50000  }
0xb2: {  	[dreg:$0x6] =	wrdreg $0x52800  }
0xb3: {  	[dreg:$0x7] =	wrdreg $0x0  }
0xb4: {  	[dreg:$0x8] =	wrdreg $0x9  }
0xb5: {  	_ =	task.clear_ibuf [dreg:s7], $0x9FFFF;
	_ =	strace $0x90000046  }
0xb6: {  	s29 =	simm.s32 $0x9;
	_ =	strace $0x80000048  }
0xb7: {  	_ =	swait.ge [sflag:s29], $0x1  }
0xb8: {  	[sflag:s29] =	ssyncadd.s32 $0xFFFFFFFF  }
0xb9: {  	_ =	strace $0x90000048  }
0xba: {  	_ =	sfence  }
0xbb: {  	s30 =	sld [smem:$0x0];
	_ =	sdelay $0x2  }
0xbc: {  	s31 =	sshll.u32 s1, $0xD;
	s1 =	sshrl.u32 s1, $0x2  }
0xbd: {  	s3 =	sand.u32 $0x4000, s31;
	s1 =	sadd.s32 s1, s30  }
0xbe: {  	s0 =	sor.u32 s3, s0;
	s1 =	sshll.u32 s1, $0x11  }
0xbf: {  	s0 =	sor.u32 s1, s0  }
0xc0: {  	s0 =	sadd.s32 $0x8F2B, s0  }
0xc1: {  	[sflag:s0] =	ssyncadd.remote.s32 $0x1  }
0xc2: {  	_ =	sfence.sel $0xFFFF  }
0xc3: {  	[dreg:$0x0] =	wrdreg $0xFFFFFFFF;
	(pc) =	sbr.abs _section_cstart, $3  }
0xc4: {  	[dreg:$0x1] =	wrdreg $0xFFFFFFFF  }
0xc5: {  	_ =	task.clear_ibuf [dreg:s7], $0x2FFFF;
	_ =	strace $0x9FFFFFFF  }
0xc6: {  	(tm) =	ssettm $0x7FFFFFFF  }
0xc7: {  	_ =	shalt  }
tec
execute0_lowered:
.L_overlay_start_1:
0x0: {  	(tag) =	ssettag $0x1  }
0x1: {  	s0 =	rddreg [dreg:$0x0]  }
0x2: {  	s3 =	rddreg [dreg:$0x1]  }
0x3: {  	s1 =	rddreg [dreg:$0x2]  }
0x4: {  	s2 =	rddreg [dreg:$0x3]  }
0x5: {  	s5 =	srdreg.scid;
	s15 =	stileid.u32  }
0x6: {  	s4 =	rddreg [dreg:$0x4];
	s6 =	simm.s32 $0x0;
	s28 =	simm.s32 $0x1  }
0x7: {  	s29 =	simm.s32 $0xED00;
	s30 =	simm.s32 $0x2;
	s31 =	simm.s32 $0x0  }
0x8: {  	s7 =	sand.u32 $0x1, s5;
	s11 =	smul.u32 $0x2800, s15;
	s5 =	rddreg [dreg:$0x5]  }
0x9: {  	s9 =	smul.u32 $0x280, s15;
	[smem:$0x7FF] =	sst s6;
	s14 =	sadd.s32 $0x2200, s3  }
0xa: {  	s25 =	sadd.s32 $0xBD00, s3;
	s26 =	sadd.s32 $0x15940, s3;
	s8 =	smul.u32 $0x28000, s7  }
0xb: {  	s13 =	smul.u32 $0x2800, s7;
	_ =	strace $0x80000047;
	[dreg:$0xb] =	wrdreg s25  }
0xc: {  	s21 =	sshll.u32 s7, $0x4;
	s7 =	ssub.s32 $0x2, s7;
	[dreg:$0xc] =	wrdreg s26  }
0xd: {  	s25 =	simm.s32 $0xA500;
	s26 =	simm.s32 $0xB500;
	s22 =	sshrl.u32 s7, $0x1  }
0xe: {  	s17 =	sshrl.u32 s11, $0x3;
	s8 =	sadd.s32 s11, s8;
	s20 =	sadd.s32 s9, s13  }
0xf: {  	s13 =	sor.u32 s15, s21;
	s19 =	ssub.s32 s7, s22;
	s7 =	sadd.s32 s11, s1  }
0x10: {  	s0 =	sadd.s32 s0, s17;
	s11 =	sadd.s32 s11, s5;
	s21 =	simm.s32 $0x3  }
0x11: {  	s22 =	simm.s32 $0xEE00;
	s8 =	sshrl.u32 s8, $0x3;
	[dreg:$0x7] =	wrdreg s0  }
0x12: {  	s15 =	smul.u32 $0x2800, s13;
	[dreg:$0x8] =	wrdreg s11;
	s19 =	smax.u32 s19, $0x1  }
0x13: {  	p0 =	seq.s32 s13, $0x1F;
	s16 =	sadd.s32 s8, s3;
	s8 =	sshrl.u32 s20, $0x3  }
0x14: {  	s20 =	smul.u32 $0x500, s13;
	s18 =	sadd.s32 s8, s3;
	s8 =	sadd.s32 s9, s2  }
0x15: {  	s15 =	sshrl.u32 s15, $0x3;
	s9 =	sadd.s32 s9, s4;
	s16 =	sadd.s32 $0x15C00, s16  }
0x16: {  	s23 =	sadd.s32 s14, s15;
	s24 =	sadd.s32 s14, s20;
	s17 =	sadd.s32 $0x20600, s18  }
0x17: {  	s18 =	sadd.s32 $0x1FC00, s18;
	[dreg:$0x9] =	wrdreg s24;
	s0 =	sadd.s32 $0x9C40, s23  }
0x18: {  	v0 =	vimm.f32 $0.0e+00;
	v1 =	vimm.f32 $1.000000000e+00;
	s20 =	simm.s32 $0xC500;
	s23 =	simm.s32 $0x100;
	[dreg:$0xa] =	wrdreg s0  }
.LBB2_1:
0x19: {  	s0 =	simm.s32 $0x40;
	s3 =	simm.s32 $0x0  }
.LBB2_2:
0x1a: {  	p1 =	sne.s32 s0, $0x9FC0;
	[tilespmem:s3+$0xC500] =	vst v0;
	s3 =	smov.u32 s0;
	s0 =	sadd.s32 $0x40, s0  }
.Ltmp0:
0x1b: {  	(pc) =	sbr.rel @p1 .LBB2_2-.Ltmp0, $2  }
0x1c: {  	_ =	sdelay $0x2  }
0x1d: {  	s3 =	sshra.s32 s3, $0x2  }
0x1e: {  	[tilespmem:s3+$0xC500] =	vst v0  }
0x1f: {  	[spmem:s7] =	stream.linear.scatter [tilespmem:s20], [sflag:$0x3], $0x2800, $0x38;
	[tilespmem:$0xF080] =	vst v63  }
0x20: {  	_ =	swait.ge [sflag:s21], $0x2800  }
0x21: {  	[sflag:s21] =	ssyncset.done $0x0  }
0x22: {  	[sflag:s21] =	ssyncadd.s32 $0xFFFFD800  }
0x23: {  	[tilespmem:$0xEE00] =	vst v0  }
0x24: {  	[tilespmem:$0xEE10] =	vst v0  }
0x25: {  	[tilespmem:$0xEE20] =	vst v0  }
0x26: {  	[tilespmem:$0xEE30] =	vst v0  }
0x27: {  	[tilespmem:$0xEE40] =	vst v0  }
0x28: {  	[tilespmem:$0xEE50] =	vst v0  }
0x29: {  	[tilespmem:$0xEE60] =	vst v0  }
0x2a: {  	[tilespmem:$0xEE70] =	vst v0  }
0x2b: {  	[tilespmem:$0xEE80] =	vst v0  }
0x2c: {  	[tilespmem:$0xEE90] =	vst v0  }
0x2d: {  	[tilespmem:$0xEEA0] =	vst v0  }
0x2e: {  	[tilespmem:$0xEEB0] =	vst v0  }
0x2f: {  	[tilespmem:$0xEEC0] =	vst v0  }
0x30: {  	[tilespmem:$0xEED0] =	vst v0  }
0x31: {  	[tilespmem:$0xEEE0] =	vst v0  }
0x32: {  	[tilespmem:$0xEEF0] =	vst v0  }
0x33: {  	[tilespmem:$0xEF00] =	vst v0  }
0x34: {  	[tilespmem:$0xEF10] =	vst v0  }
0x35: {  	[tilespmem:$0xEF20] =	vst v0  }
0x36: {  	[tilespmem:$0xEF30] =	vst v0  }
0x37: {  	[tilespmem:$0xEF40] =	vst v0  }
0x38: {  	[tilespmem:$0xEF50] =	vst v0  }
0x39: {  	[tilespmem:$0xEF60] =	vst v0  }
0x3a: {  	[tilespmem:$0xEF70] =	vst v0  }
0x3b: {  	[tilespmem:$0xEF80] =	vst v0  }
0x3c: {  	[tilespmem:$0xEF90] =	vst v0  }
0x3d: {  	[tilespmem:$0xEFA0] =	vst v0  }
0x3e: {  	[tilespmem:$0xEFB0] =	vst v0  }
0x3f: {  	[tilespmem:$0xEFC0] =	vst v0  }
0x40: {  	[tilespmem:$0xEFD0] =	vst v0  }
0x41: {  	[tilespmem:$0xEFE0] =	vst v0  }
0x42: {  	[tilespmem:$0xEFF0] =	vst v0  }
0x43: {  	[tilespmem:$0xF000] =	vst v0  }
0x44: {  	[tilespmem:$0xF010] =	vst v0  }
0x45: {  	[tilespmem:$0xF020] =	vst v0  }
0x46: {  	[tilespmem:$0xF030] =	vst v0  }
0x47: {  	[tilespmem:$0xF040] =	vst v0  }
0x48: {  	[tilespmem:$0xF050] =	vst v0  }
0x49: {  	[tilespmem:$0xF060] =	vst v0  }
0x4a: {  	[tilespmem:$0xF070] =	vst v0  }
0x4b: {  	[spmem:s8] =	stream.linear.scatter [tilespmem:s22], [sflag:$0x3], $0x280, $0x38;
	[tilespmem:$0xF080] =	vst v63  }
0x4c: {  	_ =	swait.ge [sflag:s21], $0x280  }
0x4d: {  	[sflag:s21] =	ssyncset.done $0x0  }
0x4e: {  	[sflag:s21] =	ssyncadd.s32 $0xFFFFFD80  }
0x4f: {  	[spmem:s9] =	stream.linear.scatter [tilespmem:s22], [sflag:$0x3], $0x280, $0x38;
	[tilespmem:$0xF080] =	vst v63  }
0x50: {  	_ =	swait.ge [sflag:s21], $0x280  }
0x51: {  	[sflag:s21] =	ssyncset.done $0x0  }
0x52: {  	[sflag:s21] =	ssyncadd.s32 $0xFFFFFD80  }
0x53: {  	[tilespmem:$0xED00] =	vst v1  }
0x54: {  	[tilespmem:$0xED10] =	vst v1  }
0x55: {  	[tilespmem:$0xED20] =	vst v1  }
0x56: {  	[tilespmem:$0xED30] =	vst v1  }
0x57: {  	[tilespmem:$0xED40] =	vst v1  }
0x58: {  	[tilespmem:$0xED50] =	vst v1  }
0x59: {  	[tilespmem:$0xED60] =	vst v1  }
0x5a: {  	[tilespmem:$0xED70] =	vst v1  }
0x5b: {  	[tilespmem:$0xED80] =	vst v1  }
0x5c: {  	[tilespmem:$0xED90] =	vst v1  }
0x5d: {  	[tilespmem:$0xEDA0] =	vst v1  }
0x5e: {  	[tilespmem:$0xEDB0] =	vst v1  }
0x5f: {  	[tilespmem:$0xEDC0] =	vst v1  }
0x60: {  	[tilespmem:$0xEDD0] =	vst v1  }
0x61: {  	[tilespmem:$0xEDE0] =	vst v1  }
0x62: {  	s0 =	rddreg [dreg:$0x7];
	[tilespmem:$0xEDF0] =	vst v1  }
0x63: {  	[tilespmem:s20], [sflag:$0x3] =	stream.linear.gather [hbm4b:s0+s6], $0x2800, $0x38;
	[tilespmem:$0xF080] =	vst v63  }
0x64: {  	_ =	swait.ge [sflag:s21], $0x2800  }
0x65: {  	[sflag:s21] =	ssyncset.done $0x0  }
0x66: {  	s13 =	rddreg [dreg:$0x8];
	[sflag:s21] =	ssyncadd.s32 $0xFFFFD800  }
0x67: {  	[spmem:s13] =	stream.linear.scatter [tilespmem:s20], [sflag:$0x3], $0x2800, $0x38;
	[tilespmem:$0xF080] =	vst v63  }
0x68: {  	_ =	swait.ge [sflag:s21], $0x2800  }
0x69: {  	s3 =	simm.s32 @p0 $0x5500;
	[sflag:s21] =	ssyncset.done $0x0  }
0x6a: {  	s0 =	simm.s32 @p0 $0x0;
	s11 =	rddreg [dreg:$0xb];
	[sflag:s21] =	ssyncadd.s32 $0xFFFFD800  }
0x6b: {  	[tilespmem:s3], [sflag:$0x3] =	stream.linear.gather @p0 [hbm4b:s11+s0], $0xA00, $0x38;
	[tilespmem:$0xF080] =	vst v63  }
0x6c: {  	s3 =	simm.s32 @p0 $0x3  }
0x6d: {  	_ =	swait.ge @p0 [sflag:s3], $0xA00  }
0x6e: {  	[sflag:s3] =	ssyncset.done @p0 $0x0  }
0x6f: {  	s11 =	simm.s32 @p0 $0x7D00;
	s13 =	rddreg [dreg:$0xc];
	[sflag:s3] =	ssyncadd.s32 @p0 $0xFFFFF600  }
0x70: {  	[tilespmem:s11], [sflag:$0x3] =	stream.linear.gather @p0 [hbm4b:s13+s0], $0xA00, $0x38;
	[tilespmem:$0xF080] =	vst v63  }
0x71: {  	_ =	swait.ge @p0 [sflag:s3], $0xA00  }
0x72: {  	s0 =	simm.s32 @!p0 $0x0;
	[sflag:s3] =	ssyncset.done @p0 $0x0  }
0x73: {  	s11 =	rddreg [dreg:$0x9];
	[sflag:s3] =	ssyncadd.s32 @p0 $0xFFFFF600;
	s3 =	simm.s32 @!p0 $0x5500  }
0x74: {  	[tilespmem:s3], [sflag:$0x3] =	stream.linear.gather @!p0 [hbm4b:s11+s0], $0x2800, $0x38;
	[tilespmem:$0xF080] =	vst v63  }
0x75: {  	s24 =	simm.s32 @!p0 $0x28;
	s3 =	simm.s32 @!p0 $0x3  }
0x76: {  	s24 =	simm.s32 @p0 $0xA;
	_ =	swait.ge @!p0 [sflag:s3], $0x2800  }
0x77: {  	s15 =	sshrl.u32 s24, $0x1;
	[sflag:s3] =	ssyncset.done @!p0 $0x0  }
0x78: {  	s11 =	simm.s32 @!p0 $0x7D00;
	s13 =	rddreg [dreg:$0xa];
	[sflag:s3] =	ssyncadd.s32 @!p0 $0xFFFFD800  }
0x79: {  	[tilespmem:s11], [sflag:$0x3] =	stream.linear.gather @!p0 [hbm4b:s13+s0], $0x2800, $0x38;
	[tilespmem:$0xF080] =	vst v63  }
0x7a: {  	s0 =	sadd.s32 $0xFFFFFFFF, s15  }
0x7b: {  	s13 =	sadd.s32 $0xFFFFFFFF, s0  }
0x7c: {  	p2 =	sne.s32 s13, $0x0  }
.Ltmp1:
0x7d: {  	_ =	swait.ge @!p0 [sflag:s3], $0x2800;
	(pc) =	sbr.rel @!p2 .LBB2_7-.Ltmp1, $4  }
0x7e: {  	s14 =	simm.s32 $0x5500;
	[sflag:s3] =	ssyncset.done @!p0 $0x0  }
0x7f: {  	p1 =	por $0x0, $0x0;
	s11 =	simm.s32 $0x2;
	[sflag:s3] =	ssyncadd.s32 @!p0 $0xFFFFD800  }
0x80: {  	s0 =	simm.s32 $0x5700;
	s3 =	simm.s32 $0x7D00;
	[bflag:$0x0] =	sbarrier.arrive $0xFFFF  }
0x81: {  	[tilespmem:s25], [sflag:$0x1] =	stream.indirect.gather [spmem:s5], $0x10, s14, s23, $0xb8;
	[tilespmem:$0xF080] =	vst v63  }
0x82: {  	s11 =	simm.s32 $0x5600  }
0x83: {  	[tilespmem:s26], [sflag:$0x2] =	stream.indirect.gather [spmem:s5], $0x10, s11, s23, $0xb8;
	[tilespmem:$0xF080] =	vst v63  }
0x84: {  	_ =	swait.ge [sflag:s28], $0x1000  }
0x85: {  	[sflag:s28] =	ssyncset.done $0x0  }
0x86: {  	[sflag:s28] =	ssyncadd.s32 $0xFFFFF000  }
0x87: {  	[spmem:s1] =	stream.indirect.scatter.add.f32 [tilespmem:s25], [sflag:$0x3], $0x10, s3, s23, $0xb8;
	[tilespmem:$0xF080] =	vst v63  }
0x88: {  	_ =	swait.ge [sflag:s21], $0x1000  }
0x89: {  	[sflag:s21] =	ssyncset.done $0x0  }
0x8a: {  	[sflag:s21] =	ssyncadd.s32 $0xFFFFF000  }
0x8b: {  	[spmem:s2] =	stream.indirect.scatter.add.f32 [tilespmem:s29], [sflag:$0x3], $0x1, s3, s23, $0xb8;
	[tilespmem:$0xF080] =	vst v63  }
0x8c: {  	_ =	swait.ge [sflag:s21], $0x100  }
0x8d: {  	[sflag:s21] =	ssyncset.done $0x0  }
0x8e: {  	s14 =	simm.s32 $0x5500;
	[sflag:s21] =	ssyncadd.s32 $0xFFFFFF00  }
0x8f: {  	[spmem:s4] =	stream.indirect.scatter.add.f32 [tilespmem:s29], [sflag:$0x3], $0x1, s14, s23, $0xb8;
	[tilespmem:$0xF080] =	vst v63  }
0x90: {  	_ =	swait.ge [sflag:s21], $0x100  }
0x91: {  	p1 =	sle.u32 s24, $0x2;
	[sflag:s21] =	ssyncset.done $0x0  }
0x92: {  	s3 =	simm.s32 @!p1 $0x100;
	s14 =	simm.s32 @!p1 $0xA500;
	[sflag:s21] =	ssyncadd.s32 $0xFFFFFF00  }
0x93: {  	[tilespmem:s14], [sflag:$0x1] =	stream.indirect.gather @!p1 [spmem:s5], $0x10, s0, s3, $0xb8;
	[tilespmem:$0xF080] =	vst v63  }
0x94: {  	_ =	swait.ge [sflag:s30], $0x1000  }
0x95: {  	[sflag:s30] =	ssyncset.done $0x0  }
0x96: {  	s15 =	simm.s32 $0x7E00;
	[sflag:s30] =	ssyncadd.s32 $0xFFFFF000  }
0x97: {  	[spmem:s1] =	stream.indirect.scatter.add.f32 [tilespmem:s26], [sflag:$0x3], $0x10, s15, s23, $0xb8;
	[tilespmem:$0xF080] =	vst v63  }
0x98: {  	_ =	swait.ge [sflag:s21], $0x1000  }
0x99: {  	[sflag:s21] =	ssyncset.done $0x0  }
0x9a: {  	s13 =	sadd.s32 $0xFFFFFFFF, s13;
	[sflag:s21] =	ssyncadd.s32 $0xFFFFF000  }
0x9b: {  	[spmem:s2] =	stream.indirect.scatter.add.f32 [tilespmem:s29], [sflag:$0x3], $0x1, s15, s23, $0xb8;
	[tilespmem:$0xF080] =	vst v63  }
0x9c: {  	p2 =	sne.s32 s13, $0x0;
	_ =	swait.ge [sflag:s21], $0x100  }
.Ltmp2:
0x9d: {  	[sflag:s21] =	ssyncset.done $0x0;
	(pc) =	sbr.rel @!p2 .LBB2_7-.Ltmp2, $4  }
0x9e: {  	[sflag:s21] =	ssyncadd.s32 $0xFFFFFF00  }
0x9f: {  	[spmem:s4] =	stream.indirect.scatter.add.f32 [tilespmem:s29], [sflag:$0x3], $0x1, s11, s23, $0xb8;
	[tilespmem:$0xF080] =	vst v63  }
0xa0: {  	s3 =	simm.s32 $0x7F00;
	s0 =	simm.s32 $0x5900;
	_ =	swait.ge [sflag:s21], $0x100  }
0xa1: {  	p1 =	por $0x1, $0x1;
	s11 =	simm.s32 $0x4;
	[sflag:s21] =	ssyncset.done $0x0  }
.LBB2_5:
0xa2: {  	s13 =	sadd.s32 $0xFFFFFFFF, s13;
	s10 =	sadd.s32 $0xFFFFFF00, s0;
	[sflag:s21] =	ssyncadd.s32 $0xFFFFFF00  }
0xa3: {  	[tilespmem:s26], [sflag:$0x2] =	stream.indirect.gather [spmem:s5], $0x10, s10, s23, $0xb8;
	[tilespmem:$0xF080] =	vst v63  }
0xa4: {  	p2 =	sne.s32 s13, $0x0;
	_ =	swait.ge [sflag:s28], $0x1000  }
0xa5: {  	[sflag:s28] =	ssyncset.done $0x0  }
0xa6: {  	[sflag:s28] =	ssyncadd.s32 $0xFFFFF000  }
0xa7: {  	[spmem:s1] =	stream.indirect.scatter.add.f32 [tilespmem:s25], [sflag:$0x3], $0x10, s3, s23, $0xb8;
	[tilespmem:$0xF080] =	vst v63  }
0xa8: {  	_ =	swait.ge [sflag:s21], $0x1000  }
0xa9: {  	[sflag:s21] =	ssyncset.done $0x0  }
0xaa: {  	[sflag:s21] =	ssyncadd.s32 $0xFFFFF000  }
0xab: {  	[spmem:s2] =	stream.indirect.scatter.add.f32 [tilespmem:s29], [sflag:$0x3], $0x1, s3, s23, $0xb8;
	[tilespmem:$0xF080] =	vst v63  }
0xac: {  	_ =	swait.ge [sflag:s21], $0x100  }
0xad: {  	[sflag:s21] =	ssyncset.done $0x0  }
0xae: {  	s12 =	sadd.s32 $0xFFFFFE00, s0;
	[sflag:s21] =	ssyncadd.s32 $0xFFFFFF00  }
0xaf: {  	[spmem:s4] =	stream.indirect.scatter.add.f32 [tilespmem:s29], [sflag:$0x3], $0x1, s12, s23, $0xb8;
	[tilespmem:$0xF080] =	vst v63  }
0xb0: {  	_ =	swait.ge [sflag:s21], $0x100  }
0xb1: {  	p3 =	sge.u32 s11, s24;
	[sflag:s21] =	ssyncset.done $0x0  }
0xb2: {  	s14 =	simm.s32 @!p3 $0xA500;
	s12 =	simm.s32 @!p3 $0x100;
	[sflag:s21] =	ssyncadd.s32 $0xFFFFFF00  }
0xb3: {  	[tilespmem:s14], [sflag:$0x1] =	stream.indirect.gather @!p3 [spmem:s5], $0x10, s0, s12, $0xb8;
	[tilespmem:$0xF080] =	vst v63  }
0xb4: {  	_ =	swait.ge [sflag:s30], $0x1000  }
0xb5: {  	[sflag:s30] =	ssyncset.done $0x0  }
0xb6: {  	s12 =	sadd.s32 $0x100, s3;
	[sflag:s30] =	ssyncadd.s32 $0xFFFFF000  }
0xb7: {  	[spmem:s1] =	stream.indirect.scatter.add.f32 [tilespmem:s26], [sflag:$0x3], $0x10, s12, s23, $0xb8;
	[tilespmem:$0xF080] =	vst v63  }
0xb8: {  	_ =	swait.ge [sflag:s21], $0x1000  }
0xb9: {  	[sflag:s21] =	ssyncset.done $0x0  }
0xba: {  	[sflag:s21] =	ssyncadd.s32 $0xFFFFF000  }
0xbb: {  	[spmem:s2] =	stream.indirect.scatter.add.f32 [tilespmem:s29], [sflag:$0x3], $0x1, s12, s23, $0xb8;
	[tilespmem:$0xF080] =	vst v63  }
0xbc: {  	_ =	swait.ge [sflag:s21], $0x100  }
.Ltmp3:
0xbd: {  	[sflag:s21] =	ssyncset.done $0x0;
	(pc) =	sbr.rel @p2 .LBB2_5-.Ltmp3, $4  }
0xbe: {  	s11 =	sadd.s32 $0x2, s11;
	[sflag:s21] =	ssyncadd.s32 $0xFFFFFF00  }
0xbf: {  	[spmem:s4] =	stream.indirect.scatter.add.f32 [tilespmem:s29], [sflag:$0x3], $0x1, s10, s23, $0xb8;
	[tilespmem:$0xF080] =	vst v63  }
0xc0: {  	s12 =	sadd.s32 $0x200, s3;
	s10 =	sadd.s32 $0x200, s0;
	_ =	swait.ge [sflag:s21], $0x100  }
0xc1: {  	s3 =	smov.u32 s12;
	s0 =	smov.u32 s10;
	[sflag:s21] =	ssyncset.done $0x0  }
0xc2: {  	s0 =	smov.u32 s10;
	s3 =	smov.u32 s12  }
.LBB2_7:
0xc3: {  	s13 =	sadd.s32 $0xFFFFFF00, s0;
	[sflag:s21] =	ssyncadd.s32 @p1 $0xFFFFFF00  }
0xc4: {  	[tilespmem:s26], [sflag:$0x2] =	stream.indirect.gather [spmem:s5], $0x10, s13, s23, $0xb8;
	[tilespmem:$0xF080] =	vst v63  }
0xc5: {  	_ =	swait.ge [sflag:s28], $0x1000  }
0xc6: {  	[sflag:s28] =	ssyncset.done $0x0  }
0xc7: {  	[sflag:s28] =	ssyncadd.s32 $0xFFFFF000  }
0xc8: {  	[spmem:s1] =	stream.indirect.scatter.add.f32 [tilespmem:s25], [sflag:$0x3], $0x10, s3, s23, $0xb8;
	[tilespmem:$0xF080] =	vst v63  }
0xc9: {  	_ =	swait.ge [sflag:s21], $0x1000  }
0xca: {  	[sflag:s21] =	ssyncset.done $0x0  }
0xcb: {  	[sflag:s21] =	ssyncadd.s32 $0xFFFFF000  }
0xcc: {  	[spmem:s2] =	stream.indirect.scatter.add.f32 [tilespmem:s29], [sflag:$0x3], $0x1, s3, s23, $0xb8;
	[tilespmem:$0xF080] =	vst v63  }
0xcd: {  	_ =	swait.ge [sflag:s21], $0x100  }
0xce: {  	[sflag:s21] =	ssyncset.done $0x0  }
0xcf: {  	s14 =	sadd.s32 $0xFFFFFE00, s0;
	[sflag:s21] =	ssyncadd.s32 $0xFFFFFF00  }
0xd0: {  	[spmem:s4] =	stream.indirect.scatter.add.f32 [tilespmem:s29], [sflag:$0x3], $0x1, s14, s23, $0xb8;
	[tilespmem:$0xF080] =	vst v63  }
0xd1: {  	_ =	swait.ge [sflag:s21], $0x100  }
0xd2: {  	p1 =	sge.u32 s11, s24;
	[sflag:s21] =	ssyncset.done $0x0  }
0xd3: {  	s15 =	simm.s32 @!p1 $0xA500;
	s14 =	simm.s32 @!p1 $0x100;
	[sflag:s21] =	ssyncadd.s32 $0xFFFFFF00  }
0xd4: {  	[tilespmem:s15], [sflag:$0x1] =	stream.indirect.gather @!p1 [spmem:s5], $0x10, s0, s14, $0xb8;
	[tilespmem:$0xF080] =	vst v63  }
0xd5: {  	_ =	swait.ge [sflag:s30], $0x1000  }
0xd6: {  	[sflag:s30] =	ssyncset.done $0x0  }
0xd7: {  	s15 =	sadd.s32 $0x100, s3;
	[sflag:s30] =	ssyncadd.s32 $0xFFFFF000  }
0xd8: {  	[spmem:s1] =	stream.indirect.scatter.add.f32 [tilespmem:s26], [sflag:$0x3], $0x10, s15, s23, $0xb8;
	[tilespmem:$0xF080] =	vst v63  }
0xd9: {  	_ =	swait.ge [sflag:s21], $0x1000  }
0xda: {  	[sflag:s21] =	ssyncset.done $0x0  }
0xdb: {  	[sflag:s21] =	ssyncadd.s32 $0xFFFFF000  }
0xdc: {  	[spmem:s2] =	stream.indirect.scatter.add.f32 [tilespmem:s29], [sflag:$0x3], $0x1, s15, s23, $0xb8;
	[tilespmem:$0xF080] =	vst v63  }
0xdd: {  	_ =	swait.ge [sflag:s21], $0x100  }
0xde: {  	[sflag:s21] =	ssyncset.done $0x0  }
0xdf: {  	[sflag:s21] =	ssyncadd.s32 $0xFFFFFF00  }
0xe0: {  	[spmem:s4] =	stream.indirect.scatter.add.f32 [tilespmem:s29], [sflag:$0x3], $0x1, s13, s23, $0xb8;
	[tilespmem:$0xF080] =	vst v63  }
0xe1: {  	_ =	swait.ge [sflag:s21], $0x100  }
0xe2: {  	[sflag:s21] =	ssyncset.done $0x0  }
0xe3: {  	s13 =	sadd.s32 $0x100, s10;
	[sflag:s21] =	ssyncadd.s32 $0xFFFFFF00  }
0xe4: {  	[tilespmem:s26], [sflag:$0x2] =	stream.indirect.gather [spmem:s5], $0x10, s13, s23, $0xb8;
	[tilespmem:$0xF080] =	vst v63  }
0xe5: {  	_ =	swait.ge [sflag:s28], $0x1000  }
0xe6: {  	[sflag:s28] =	ssyncset.done $0x0  }
0xe7: {  	s14 =	sadd.s32 $0x200, s3;
	[sflag:s28] =	ssyncadd.s32 $0xFFFFF000  }
0xe8: {  	[spmem:s1] =	stream.indirect.scatter.add.f32 [tilespmem:s25], [sflag:$0x3], $0x10, s14, s23, $0xb8;
	[tilespmem:$0xF080] =	vst v63  }
0xe9: {  	_ =	swait.ge [sflag:s21], $0x1000  }
0xea: {  	[sflag:s21] =	ssyncset.done $0x0  }
0xeb: {  	[sflag:s21] =	ssyncadd.s32 $0xFFFFF000  }
0xec: {  	[spmem:s2] =	stream.indirect.scatter.add.f32 [tilespmem:s29], [sflag:$0x3], $0x1, s14, s23, $0xb8;
	[tilespmem:$0xF080] =	vst v63  }
0xed: {  	_ =	swait.ge [sflag:s21], $0x100  }
0xee: {  	[sflag:s21] =	ssyncset.done $0x0  }
0xef: {  	[sflag:s21] =	ssyncadd.s32 $0xFFFFFF00  }
0xf0: {  	[spmem:s4] =	stream.indirect.scatter.add.f32 [tilespmem:s29], [sflag:$0x3], $0x1, s10, s23, $0xb8;
	[tilespmem:$0xF080] =	vst v63  }
0xf1: {  	s15 =	sadd.s32 $0x2, s11;
	_ =	swait.ge [sflag:s21], $0x100  }
0xf2: {  	s0 =	sadd.s32 $0x200, s0;
	p1 =	sge.u32 s15, s24;
	[sflag:s21] =	ssyncset.done $0x0  }
0xf3: {  	s3 =	simm.s32 @!p1 $0x100;
	s11 =	simm.s32 @!p1 $0xA500;
	[sflag:s21] =	ssyncadd.s32 $0xFFFFFF00  }
0xf4: {  	[tilespmem:s11], [sflag:$0x1] =	stream.indirect.gather @!p1 [spmem:s5], $0x10, s0, s3, $0xb8;
	[tilespmem:$0xF080] =	vst v63  }
0xf5: {  	_ =	swait.ge [sflag:s30], $0x1000  }
0xf6: {  	[sflag:s30] =	ssyncset.done $0x0  }
0xf7: {  	s24 =	sadd.s32 $0x300, s12;
	[sflag:s30] =	ssyncadd.s32 $0xFFFFF000  }
0xf8: {  	[spmem:s1] =	stream.indirect.scatter.add.f32 [tilespmem:s26], [sflag:$0x3], $0x10, s24, s23, $0xb8;
	[tilespmem:$0xF080] =	vst v63  }
0xf9: {  	_ =	swait.ge [sflag:s21], $0x1000  }
0xfa: {  	[sflag:s21] =	ssyncset.done $0x0  }
0xfb: {  	[sflag:s21] =	ssyncadd.s32 $0xFFFFF000  }
0xfc: {  	[spmem:s2] =	stream.indirect.scatter.add.f32 [tilespmem:s29], [sflag:$0x3], $0x1, s24, s23, $0xb8;
	[tilespmem:$0xF080] =	vst v63  }
0xfd: {  	_ =	swait.ge [sflag:s21], $0x100  }
0xfe: {  	[sflag:s21] =	ssyncset.done $0x0  }
0xff: {  	[sflag:s21] =	ssyncadd.s32 $0xFFFFFF00  }
0x100: {  	[spmem:s4] =	stream.indirect.scatter.add.f32 [tilespmem:s29], [sflag:$0x3], $0x1, s13, s23, $0xb8;
	[tilespmem:$0xF080] =	vst v63  }
0x101: {  	_ =	swait.ge [sflag:s21], $0x100  }
0x102: {  	[sflag:s21] =	ssyncset.done $0x0  }
0x103: {  	[sflag:s21] =	ssyncadd.s32 $0xFFFFFF00  }
0x104: {  	[bflag:$0x0] =	sbarrier.arrive $0xFFFF  }
0x105: {  	[tilespmem:s20], [sflag:$0x3] =	stream.linear.gather [spmem:s7], $0x2800, $0x38;
	[tilespmem:$0xF080] =	vst v63  }
0x106: {  	_ =	swait.ge [sflag:s21], $0x2800  }
0x107: {  	[sflag:s21] =	ssyncset.done $0x0  }
0x108: {  	[sflag:s21] =	ssyncadd.s32 $0xFFFFD800  }
0x109: {  	[hbm4b:s16+s6] =	stream.linear.scatter [tilespmem:s20], [sflag:$0x3], $0x2800, $0x38;
	[tilespmem:$0xF080] =	vst v63  }
0x10a: {  	_ =	swait.ge [sflag:s21], $0x2800  }
0x10b: {  	[sflag:s21] =	ssyncset.done $0x0  }
0x10c: {  	[sflag:s21] =	ssyncadd.s32 $0xFFFFD800  }
0x10d: {  	[tilespmem:s22], [sflag:$0x3] =	stream.linear.gather [spmem:s8], $0x280, $0x38;
	[tilespmem:$0xF080] =	vst v63  }
0x10e: {  	_ =	swait.ge [sflag:s21], $0x280  }
0x10f: {  	[sflag:s21] =	ssyncset.done $0x0  }
0x110: {  	[sflag:s21] =	ssyncadd.s32 $0xFFFFFD80  }
0x111: {  	[hbm4b:s17+s6] =	stream.linear.scatter [tilespmem:s22], [sflag:$0x3], $0x280, $0x38;
	[tilespmem:$0xF080] =	vst v63  }
0x112: {  	_ =	swait.ge [sflag:s21], $0x280  }
0x113: {  	[sflag:s21] =	ssyncset.done $0x0  }
0x114: {  	[sflag:s21] =	ssyncadd.s32 $0xFFFFFD80  }
0x115: {  	[tilespmem:s22], [sflag:$0x3] =	stream.linear.gather [spmem:s9], $0x280, $0x38;
	[tilespmem:$0xF080] =	vst v63  }
0x116: {  	s31 =	sadd.s32 $0x1, s31;
	_ =	swait.ge [sflag:s21], $0x280  }
0x117: {  	p1 =	sne.s32 s31, s19;
	[sflag:s21] =	ssyncset.done $0x0  }
.Ltmp4:
0x118: {  	[sflag:s21] =	ssyncadd.s32 $0xFFFFFD80;
	(pc) =	sbr.rel @p1 .LBB2_1-.Ltmp4, $4  }
0x119: {  	[hbm4b:s18+s6] =	stream.linear.scatter [tilespmem:s22], [sflag:$0x3], $0x280, $0x38;
	[tilespmem:$0xF080] =	vst v63  }
0x11a: {  	_ =	swait.ge [sflag:s21], $0x280  }
0x11b: {  	[sflag:s21] =	ssyncset.done $0x0  }
0x11c: {  	[sflag:s21] =	ssyncadd.s32 $0xFFFFFD80  }
0x11d: {  	_ =	sfence.sel $0x180000  }
0x11e: {  	[bflag:$0x0] =	sbarrier.arrive $0xFFFF  }
0x11f: {  	_ =	strace $0x90000047  }
0x120: {  	s0 =	stileid.u32;
	[bflag:$0x2] =	sbarrier.arrive $0xFFFF  }
0x121: {  	p0 =	sne.s32 s0, $0x0;
	s0 =	rddreg [dreg:$0x6]  }
0x122: {  	s0 =	sadd.s32 @!p0 $0x100000, s0  }
0x123: {  	[sflag:s0] =	ssyncadd.tile.s32 @!p0 $0x1;
	_ =	shalt  }
.Lfunc_end2:
_tile_overlayer_lowered:
.L_overlay_start_2:
0x124: {  	(tag) =	ssettag $0x2  }
0x125: {  	s0 =	rddreg [dreg:$0x0];
	s2 =	stileid.u32  }
0x126: {  	s1 =	rddreg [dreg:$0x1];
	p0 =	sne.s32 s2, $0x0  }
0x127: {  	s3 =	rddreg [dreg:$0x2];
	[bflag:$0x3] =	sbarrier.arrive $0xFFFF;
	s2 =	simm.s32 @!p0 $0x1C03  }
0x128: {  	[timem:s3], [sflag:s2] =	dma.local @!p0 [hbm:s0], s1  }
0x129: {  	s0 =	simm.s32 @!p0 $0x3  }
0x12a: {  	_ =	swait.ge @!p0 [sflag:s0], s1  }
0x12b: {  	s1 =	ssub.s32 @!p0 $0x0, s1;
	[sflag:s0] =	ssyncset.done @!p0 $0x0  }
0x12c: {  	[sflag:s0] =	ssyncadd.s32 @!p0 s1  }
0x12d: {  	[bflag:$0x3] =	sbarrier.arrive $0xFFFF  }
0x12e: {  	_ =	shalt  }

</sc_bundles>
